<compile_context>
chip_gen: v7x
topology: tpu7x:2x2x1
jax: 0.10.2.dev20260603
libtpu: 0.0.44.dev20260713+nightly
codegen_flags: <defaults>
</compile_context>

<pallas_src>
import jax
import jax.numpy as jnp
from jax import lax
from jax.experimental import pallas as pl
from jax.experimental.pallas import tpu as pltpu
from jax.experimental.pallas import tpu_sc as plsc

_RES = 256
_L = 16
_NC, _NS = 2, 16
_NW = _NC * _NS
_B = 128
_P = 4096
_NBUF = 2


def _compute_chunk(in_v, tabs, out_v):
    @plsc.parallel_loop(0, _P // _B, unroll=2)
    def _(gi):
        ib = gi * (4 * _B)
        for k in range(_B // _L):
            o = k * _L
            w = in_v[pl.ds(ib + 3 * _B + o, _L)]
            idx = jnp.clip(w.astype(jnp.int32), 0, _RES - 1)
            for c in range(3):
                out_v[gi, c, pl.ds(o, _L)] = \
                    in_v[pl.ds(ib + c * _B + o, _L)]
                out_v[gi, 3 + c, pl.ds(o, _L)] = \
                    plsc.load_gather(tabs[c], [idx])


def _body(points_hbm, colors_hbm, out_hbm, tab0, tab1, tab2,
          in_v0, in_v1, out_v0, out_v1, sin0, sin1, sout0, sout1):
    ins, outs = [in_v0, in_v1], [out_v0, out_v1]
    sins, souts = [sin0, sin1], [sout0, sout1]
    tabs = [tab0, tab1, tab2]
    wid = lax.axis_index("s") * _NC + lax.axis_index("c")
    per_tile = points_hbm.shape[0] // (4 * _NW)
    chunks = per_tile // _P
    tile_base = wid * per_tile

    for c in range(3):
        pltpu.sync_copy(colors_hbm.at[pl.ds(c * _RES, _RES)], tabs[c])
    for b in range(_NBUF):
        pltpu.async_copy(
            points_hbm.at[pl.ds((tile_base + b * _P) * 4, _P * 4)],
            ins[b], sins[b])
    for c in range(3):
        for j in range(_RES // _L):
            tabs[c][pl.ds(j * _L, _L)] = \
                jnp.clip(tabs[c][pl.ds(j * _L, _L)], 0.0, 1.0)

    def outer(g, carry):
        for b in range(_NBUF):
            t = g * _NBUF + b
            base = tile_base + t * _P
            pltpu.make_async_copy(
                points_hbm.at[pl.ds(base * 4, _P * 4)], ins[b], sins[b]).wait()

            @pl.when(t >= _NBUF)
            def _():
                prev = tile_base + (t - _NBUF) * _P
                pltpu.make_async_copy(
                    outs[b].at[:, pl.ds(0, 6)],
                    out_hbm.at[pl.ds(prev // _B, _P // _B), pl.ds(0, 6)],
                    souts[b]).wait()

            _compute_chunk(ins[b], tabs, outs[b])
            pltpu.async_copy(
                outs[b].at[:, pl.ds(0, 6)],
                out_hbm.at[pl.ds(base // _B, _P // _B), pl.ds(0, 6)],
                souts[b])

            @pl.when(t + _NBUF < chunks)
            def _():
                nxt = tile_base + (t + _NBUF) * _P
                pltpu.async_copy(
                    points_hbm.at[pl.ds(nxt * 4, _P * 4)], ins[b], sins[b])
        return carry

    lax.fori_loop(0, chunks // _NBUF, outer, 0)
    for b in range(_NBUF):
        base = tile_base + (chunks - _NBUF + b) * _P
        pltpu.make_async_copy(
            outs[b].at[:, pl.ds(0, 6)],
            out_hbm.at[pl.ds(base // _B, _P // _B), pl.ds(0, 6)],
            souts[b]).wait()


def kernel(points, colors):
    n = points.shape[0]
    g = n // _B
    f = pl.kernel(
        _body,
        out_type=jax.ShapeDtypeStruct((g, 8, _B), jnp.float32),
        mesh=plsc.VectorSubcoreMesh(
            core_axis_name="c", subcore_axis_name="s",
            num_cores=_NC, num_subcores=_NS),
        scratch_types=[
            pltpu.VMEM((_RES,), jnp.float32),
            pltpu.VMEM((_RES,), jnp.float32),
            pltpu.VMEM((_RES,), jnp.float32),
            pltpu.VMEM((_P * 4,), jnp.float32),
            pltpu.VMEM((_P * 4,), jnp.float32),
            pltpu.VMEM((_P // _B, 8, _B), jnp.float32),
            pltpu.VMEM((_P // _B, 8, _B), jnp.float32),
            pltpu.SemaphoreType.DMA,
            pltpu.SemaphoreType.DMA,
            pltpu.SemaphoreType.DMA,
            pltpu.SemaphoreType.DMA,
        ],
        compiler_params=pltpu.CompilerParams(
            needs_layout_passes=False, use_tc_tiling_on_sc=False),
    )
    pts_soa = points.reshape(g, _B, 4).transpose(0, 2, 1).reshape(n * 4)
    colors_t = colors.T.reshape(3 * _RES)
    out8 = f(pts_soa, colors_t)
    return out8[:, :6, :].transpose(0, 2, 1).reshape(n, 6)

# --- scband reference (transcript-rebuilt; emitter-appended) ---
"""Pipeline reference for scband-texture-tfmapping-15642270892095 (READ-ONLY COPY).

The authoritative reference and input builder live on the scoring server;
editing this copy changes nothing except your own understanding.
"""

import jax, jax.numpy as jnp
import numpy as np

RESOLUTION = 256
N_POINTS = 4194304

def setup_inputs(seed: int = 0) -> dict:
    key = jax.random.key(seed)
    k1, k2 = jax.random.split(key)
    points = jax.random.normal(k1, (N_POINTS, 4), dtype=jnp.float32)
    colors = jax.random.uniform(k2, (RESOLUTION, 3), dtype=jnp.float32)
    return {"points": points, "colors": colors}

def reference(points, colors):
    coords = points[:, :3]
    densitys = points[:, 3].astype(jnp.int32)
    color_index = jnp.clip((densitys * (RESOLUTION - 1)) // 255, 0, RESOLUTION - 1)
    cols = jnp.take(colors, color_index, axis=0)
    cols = jnp.clip(cols, 0.0, 1.0)
    colored_voxels = jnp.concatenate([coords, cols], axis=1)
    return colored_voxels

if __name__ == "__main__":
    import jax
    _d = setup_inputs()
    print(jax.jit(kernel)(*tuple(_d.values())))

</pallas_src>

<mosaic_0001>
#map = affine_map<(d0, d1) -> (0)>
#map1 = affine_map<(d0, d1) -> (0, 0, 0)>
module attributes {stable_mosaic.version = 14 : i64} {
  func.func @_body(%arg0: i32, %arg1: i32, %arg2: memref<16777216xf32, #tpu.memory_space<hbm>>, %arg3: memref<768xf32, #tpu.memory_space<hbm>>, %arg4: memref<32768x8x128xf32, #tpu.memory_space<hbm>>, %arg5: memref<256xf32, #tpu.memory_space<vmem>>, %arg6: memref<256xf32, #tpu.memory_space<vmem>>, %arg7: memref<256xf32, #tpu.memory_space<vmem>>, %arg8: memref<16384xf32, #tpu.memory_space<vmem>>, %arg9: memref<16384xf32, #tpu.memory_space<vmem>>, %arg10: memref<32x8x128xf32, #tpu.memory_space<vmem>>, %arg11: memref<32x8x128xf32, #tpu.memory_space<vmem>>, %arg12: memref<!tpu.dma_semaphore, #tpu.memory_space<semaphore_mem>>, %arg13: memref<!tpu.dma_semaphore, #tpu.memory_space<semaphore_mem>>, %arg14: memref<!tpu.dma_semaphore, #tpu.memory_space<semaphore_mem>>, %arg15: memref<!tpu.dma_semaphore, #tpu.memory_space<semaphore_mem>>) attributes {dimension_semantics = [#tpu.dimension_semantics<core_parallel>, #tpu.dimension_semantics<subcore_parallel>], iteration_bounds = array<i64: 2, 16>, scalar_prefetch = 0 : i64, scratch_operands = 11 : i64, tpu.core_type = #tpu.core_type<sc_vector_subcore>, window_params = [{transform_indices = #map}, {transform_indices = #map}, {transform_indices = #map1}]} {
    %mul3A = arith.constant 2 : i32
    %mul3A_0 = arith.muli %arg1, %mul3A : i32
    %add3A = arith.addi %mul3A_0, %arg0 : i32
    %mul3A_1 = arith.constant 131072 : i32
    %mul3A_2 = arith.muli %add3A, %mul3A_1 : i32
    "tpu.region"() ({
      %run_scoped3A = tpu.sem_alloc : memref<!tpu.dma_semaphore, #tpu.memory_space<semaphore_mem>>
      %dma_start3A_566 = arith.constant 0 : i32
      %dma_start3A_567 = tpu.memref_slice %arg3[%dma_start3A_566] : memref<768xf32, #tpu.memory_space<hbm>> -> memref<256xf32, #tpu.memory_space<hbm>>
      %dma_start3A_568 = arith.constant 0 : i32
      %dma_start3A_569 = tpu.memref_slice %arg3[%dma_start3A_568] : memref<768xf32, #tpu.memory_space<hbm>> -> memref<256xf32, #tpu.memory_space<hbm>>
      tpu.enqueue_dma source(%dma_start3A_569 : memref<256xf32, #tpu.memory_space<hbm>>) target(%arg5 : memref<256xf32, #tpu.memory_space<vmem>>) target_semaphore(%run_scoped3A : memref<!tpu.dma_semaphore, #tpu.memory_space<semaphore_mem>>)
      %dma_wait3A_570 = arith.constant 0 : i32
      %dma_wait3A_571 = tpu.memref_slice %arg3[%dma_wait3A_570] : memref<768xf32, #tpu.memory_space<hbm>> -> memref<256xf32, #tpu.memory_space<hbm>>
      %dma_wait3A_572 = arith.constant 0 : i32
      %dma_wait3A_573 = tpu.memref_slice %arg3[%dma_wait3A_572] : memref<768xf32, #tpu.memory_space<hbm>> -> memref<256xf32, #tpu.memory_space<hbm>>
      tpu.wait_dma2 semaphore(%run_scoped3A : memref<!tpu.dma_semaphore, #tpu.memory_space<semaphore_mem>>) src(%dma_wait3A_573 : memref<256xf32, #tpu.memory_space<hbm>>) dst(%arg5 : memref<256xf32, #tpu.memory_space<vmem>>)
      tpu.yield
    }) : () -> ()
    "tpu.region"() ({
      %run_scoped3A = tpu.sem_alloc : memref<!tpu.dma_semaphore, #tpu.memory_space<semaphore_mem>>
      %dma_start3A_566 = arith.constant 256 : i32
      %dma_start3A_567 = tpu.memref_slice %arg3[%dma_start3A_566] : memref<768xf32, #tpu.memory_space<hbm>> -> memref<256xf32, #tpu.memory_space<hbm>>
      %dma_start3A_568 = arith.constant 256 : i32
      %dma_start3A_569 = tpu.memref_slice %arg3[%dma_start3A_568] : memref<768xf32, #tpu.memory_space<hbm>> -> memref<256xf32, #tpu.memory_space<hbm>>
      tpu.enqueue_dma source(%dma_start3A_569 : memref<256xf32, #tpu.memory_space<hbm>>) target(%arg6 : memref<256xf32, #tpu.memory_space<vmem>>) target_semaphore(%run_scoped3A : memref<!tpu.dma_semaphore, #tpu.memory_space<semaphore_mem>>)
      %dma_wait3A_570 = arith.constant 256 : i32
      %dma_wait3A_571 = tpu.memref_slice %arg3[%dma_wait3A_570] : memref<768xf32, #tpu.memory_space<hbm>> -> memref<256xf32, #tpu.memory_space<hbm>>
      %dma_wait3A_572 = arith.constant 256 : i32
      %dma_wait3A_573 = tpu.memref_slice %arg3[%dma_wait3A_572] : memref<768xf32, #tpu.memory_space<hbm>> -> memref<256xf32, #tpu.memory_space<hbm>>
      tpu.wait_dma2 semaphore(%run_scoped3A : memref<!tpu.dma_semaphore, #tpu.memory_space<semaphore_mem>>) src(%dma_wait3A_573 : memref<256xf32, #tpu.memory_space<hbm>>) dst(%arg6 : memref<256xf32, #tpu.memory_space<vmem>>)
      tpu.yield
    }) : () -> ()
    "tpu.region"() ({
      %run_scoped3A = tpu.sem_alloc : memref<!tpu.dma_semaphore, #tpu.memory_space<semaphore_mem>>
      %dma_start3A_566 = arith.constant 512 : i32
      %dma_start3A_567 = tpu.memref_slice %arg3[%dma_start3A_566] : memref<768xf32, #tpu.memory_space<hbm>> -> memref<256xf32, #tpu.memory_space<hbm>>
      %dma_start3A_568 = arith.constant 512 : i32
      %dma_start3A_569 = tpu.memref_slice %arg3[%dma_start3A_568] : memref<768xf32, #tpu.memory_space<hbm>> -> memref<256xf32, #tpu.memory_space<hbm>>
      tpu.enqueue_dma source(%dma_start3A_569 : memref<256xf32, #tpu.memory_space<hbm>>) target(%arg7 : memref<256xf32, #tpu.memory_space<vmem>>) target_semaphore(%run_scoped3A : memref<!tpu.dma_semaphore, #tpu.memory_space<semaphore_mem>>)
      %dma_wait3A_570 = arith.constant 512 : i32
      %dma_wait3A_571 = tpu.memref_slice %arg3[%dma_wait3A_570] : memref<768xf32, #tpu.memory_space<hbm>> -> memref<256xf32, #tpu.memory_space<hbm>>
      %dma_wait3A_572 = arith.constant 512 : i32
      %dma_wait3A_573 = tpu.memref_slice %arg3[%dma_wait3A_572] : memref<768xf32, #tpu.memory_space<hbm>> -> memref<256xf32, #tpu.memory_space<hbm>>
      tpu.wait_dma2 semaphore(%run_scoped3A : memref<!tpu.dma_semaphore, #tpu.memory_space<semaphore_mem>>) src(%dma_wait3A_573 : memref<256xf32, #tpu.memory_space<hbm>>) dst(%arg7 : memref<256xf32, #tpu.memory_space<vmem>>)
      tpu.yield
    }) : () -> ()
    %add3A_3 = arith.constant 0 : i32
    %add3A_4 = arith.addi %mul3A_2, %add3A_3 : i32
    %mul3A_5 = arith.constant 4 : i32
    %mul3A_6 = arith.muli %add3A_4, %mul3A_5 : i32
    %dma_start3A = tpu.memref_slice %arg2[%mul3A_6] : memref<16777216xf32, #tpu.memory_space<hbm>> -> memref<16384xf32, #tpu.memory_space<hbm>>
    %dma_start3A_7 = tpu.memref_slice %arg2[%mul3A_6] : memref<16777216xf32, #tpu.memory_space<hbm>> -> memref<16384xf32, #tpu.memory_space<hbm>>
    tpu.enqueue_dma source(%dma_start3A_7 : memref<16384xf32, #tpu.memory_space<hbm>>) target(%arg8 : memref<16384xf32, #tpu.memory_space<vmem>>) target_semaphore(%arg12 : memref<!tpu.dma_semaphore, #tpu.memory_space<semaphore_mem>>)
    %add3A_8 = arith.constant 4096 : i32
    %add3A_9 = arith.addi %mul3A_2, %add3A_8 : i32
    %mul3A_10 = arith.constant 4 : i32
    %mul3A_11 = arith.muli %add3A_9, %mul3A_10 : i32
    %dma_start3A_12 = tpu.memref_slice %arg2[%mul3A_11] : memref<16777216xf32, #tpu.memory_space<hbm>> -> memref<16384xf32, #tpu.memory_space<hbm>>
    %dma_start3A_13 = tpu.memref_slice %arg2[%mul3A_11] : memref<16777216xf32, #tpu.memory_space<hbm>> -> memref<16384xf32, #tpu.memory_space<hbm>>
    tpu.enqueue_dma source(%dma_start3A_13 : memref<16384xf32, #tpu.memory_space<hbm>>) target(%arg9 : memref<16384xf32, #tpu.memory_space<vmem>>) target_semaphore(%arg13 : memref<!tpu.dma_semaphore, #tpu.memory_space<semaphore_mem>>)
    %get3A = arith.constant 0 : index
    %get3A_14 = tpu.vector_load %arg5[%get3A] {strides = array<i32>} : memref<256xf32, #tpu.memory_space<vmem>>, vector<16xf32>,
    %jit3A = arith.constant 0.000000e+00 : f32
    %jit3A_15 = arith.constant 1.000000e+00 : f32
    %max3A = vector.broadcast %jit3A : f32 to vector<16xf32>
    %max3A_16 = arith.maximumf %max3A, %get3A_14 : vector<16xf32>
    %min3A = vector.broadcast %jit3A_15 : f32 to vector<16xf32>
    %min3A_17 = arith.minimumf %min3A, %max3A_16 : vector<16xf32>
    %swap3A = arith.constant 0 : index
    %swap3A_18 = tpu.vector_load %arg5[%swap3A] {strides = array<i32>} : memref<256xf32, #tpu.memory_space<vmem>>, vector<16xf32>,
    tpu.vector_store %arg5[%swap3A], %min3A_17 {strides = array<i32>} : memref<256xf32, #tpu.memory_space<vmem>>, vector<16xf32>,
    %get3A_19 = arith.constant 16 : index
    %get3A_20 = tpu.vector_load %arg5[%get3A_19] {strides = array<i32>} : memref<256xf32, #tpu.memory_space<vmem>>, vector<16xf32>,
    %jit3A_21 = arith.constant 0.000000e+00 : f32
    %jit3A_22 = arith.constant 1.000000e+00 : f32
    %max3A_23 = vector.broadcast %jit3A_21 : f32 to vector<16xf32>
    %max3A_24 = arith.maximumf %max3A_23, %get3A_20 : vector<16xf32>
    %min3A_25 = vector.broadcast %jit3A_22 : f32 to vector<16xf32>
    %min3A_26 = arith.minimumf %min3A_25, %max3A_24 : vector<16xf32>
    %swap3A_27 = arith.constant 16 : index
    %swap3A_28 = tpu.vector_load %arg5[%swap3A_27] {strides = array<i32>} : memref<256xf32, #tpu.memory_space<vmem>>, vector<16xf32>,
    tpu.vector_store %arg5[%swap3A_27], %min3A_26 {strides = array<i32>} : memref<256xf32, #tpu.memory_space<vmem>>, vector<16xf32>,
    %get3A_29 = arith.constant 32 : index
    %get3A_30 = tpu.vector_load %arg5[%get3A_29] {strides = array<i32>} : memref<256xf32, #tpu.memory_space<vmem>>, vector<16xf32>,
    %jit3A_31 = arith.constant 0.000000e+00 : f32
    %jit3A_32 = arith.constant 1.000000e+00 : f32
    %max3A_33 = vector.broadcast %jit3A_31 : f32 to vector<16xf32>
    %max3A_34 = arith.maximumf %max3A_33, %get3A_30 : vector<16xf32>
    %min3A_35 = vector.broadcast %jit3A_32 : f32 to vector<16xf32>
    %min3A_36 = arith.minimumf %min3A_35, %max3A_34 : vector<16xf32>
    %swap3A_37 = arith.constant 32 : index
    %swap3A_38 = tpu.vector_load %arg5[%swap3A_37] {strides = array<i32>} : memref<256xf32, #tpu.memory_space<vmem>>, vector<16xf32>,
    tpu.vector_store %arg5[%swap3A_37], %min3A_36 {strides = array<i32>} : memref<256xf32, #tpu.memory_space<vmem>>, vector<16xf32>,
    %get3A_39 = arith.constant 48 : index
    %get3A_40 = tpu.vector_load %arg5[%get3A_39] {strides = array<i32>} : memref<256xf32, #tpu.memory_space<vmem>>, vector<16xf32>,
    %jit3A_41 = arith.constant 0.000000e+00 : f32
    %jit3A_42 = arith.constant 1.000000e+00 : f32
    %max3A_43 = vector.broadcast %jit3A_41 : f32 to vector<16xf32>
    %max3A_44 = arith.maximumf %max3A_43, %get3A_40 : vector<16xf32>
    %min3A_45 = vector.broadcast %jit3A_42 : f32 to vector<16xf32>
    %min3A_46 = arith.minimumf %min3A_45, %max3A_44 : vector<16xf32>
    %swap3A_47 = arith.constant 48 : index
    %swap3A_48 = tpu.vector_load %arg5[%swap3A_47] {strides = array<i32>} : memref<256xf32, #tpu.memory_space<vmem>>, vector<16xf32>,
    tpu.vector_store %arg5[%swap3A_47], %min3A_46 {strides = array<i32>} : memref<256xf32, #tpu.memory_space<vmem>>, vector<16xf32>,
    %get3A_49 = arith.constant 64 : index
    %get3A_50 = tpu.vector_load %arg5[%get3A_49] {strides = array<i32>} : memref<256xf32, #tpu.memory_space<vmem>>, vector<16xf32>,
    %jit3A_51 = arith.constant 0.000000e+00 : f32
    %jit3A_52 = arith.constant 1.000000e+00 : f32
    %max3A_53 = vector.broadcast %jit3A_51 : f32 to vector<16xf32>
    %max3A_54 = arith.maximumf %max3A_53, %get3A_50 : vector<16xf32>
    %min3A_55 = vector.broadcast %jit3A_52 : f32 to vector<16xf32>
    %min3A_56 = arith.minimumf %min3A_55, %max3A_54 : vector<16xf32>
    %swap3A_57 = arith.constant 64 : index
    %swap3A_58 = tpu.vector_load %arg5[%swap3A_57] {strides = array<i32>} : memref<256xf32, #tpu.memory_space<vmem>>, vector<16xf32>,
    tpu.vector_store %arg5[%swap3A_57], %min3A_56 {strides = array<i32>} : memref<256xf32, #tpu.memory_space<vmem>>, vector<16xf32>,
    %get3A_59 = arith.constant 80 : index
    %get3A_60 = tpu.vector_load %arg5[%get3A_59] {strides = array<i32>} : memref<256xf32, #tpu.memory_space<vmem>>, vector<16xf32>,
    %jit3A_61 = arith.constant 0.000000e+00 : f32
    %jit3A_62 = arith.constant 1.000000e+00 : f32
    %max3A_63 = vector.broadcast %jit3A_61 : f32 to vector<16xf32>
    %max3A_64 = arith.maximumf %max3A_63, %get3A_60 : vector<16xf32>
    %min3A_65 = vector.broadcast %jit3A_62 : f32 to vector<16xf32>
    %min3A_66 = arith.minimumf %min3A_65, %max3A_64 : vector<16xf32>
    %swap3A_67 = arith.constant 80 : index
    %swap3A_68 = tpu.vector_load %arg5[%swap3A_67] {strides = array<i32>} : memref<256xf32, #tpu.memory_space<vmem>>, vector<16xf32>,
    tpu.vector_store %arg5[%swap3A_67], %min3A_66 {strides = array<i32>} : memref<256xf32, #tpu.memory_space<vmem>>, vector<16xf32>,
    %get3A_69 = arith.constant 96 : index
    %get3A_70 = tpu.vector_load %arg5[%get3A_69] {strides = array<i32>} : memref<256xf32, #tpu.memory_space<vmem>>, vector<16xf32>,
    %jit3A_71 = arith.constant 0.000000e+00 : f32
    %jit3A_72 = arith.constant 1.000000e+00 : f32
    %max3A_73 = vector.broadcast %jit3A_71 : f32 to vector<16xf32>
    %max3A_74 = arith.maximumf %max3A_73, %get3A_70 : vector<16xf32>
    %min3A_75 = vector.broadcast %jit3A_72 : f32 to vector<16xf32>
    %min3A_76 = arith.minimumf %min3A_75, %max3A_74 : vector<16xf32>
    %swap3A_77 = arith.constant 96 : index
    %swap3A_78 = tpu.vector_load %arg5[%swap3A_77] {strides = array<i32>} : memref<256xf32, #tpu.memory_space<vmem>>, vector<16xf32>,
    tpu.vector_store %arg5[%swap3A_77], %min3A_76 {strides = array<i32>} : memref<256xf32, #tpu.memory_space<vmem>>, vector<16xf32>,
    %get3A_79 = arith.constant 112 : index
    %get3A_80 = tpu.vector_load %arg5[%get3A_79] {strides = array<i32>} : memref<256xf32, #tpu.memory_space<vmem>>, vector<16xf32>,
    %jit3A_81 = arith.constant 0.000000e+00 : f32
    %jit3A_82 = arith.constant 1.000000e+00 : f32
    %max3A_83 = vector.broadcast %jit3A_81 : f32 to vector<16xf32>
    %max3A_84 = arith.maximumf %max3A_83, %get3A_80 : vector<16xf32>
    %min3A_85 = vector.broadcast %jit3A_82 : f32 to vector<16xf32>
    %min3A_86 = arith.minimumf %min3A_85, %max3A_84 : vector<16xf32>
    %swap3A_87 = arith.constant 112 : index
    %swap3A_88 = tpu.vector_load %arg5[%swap3A_87] {strides = array<i32>} : memref<256xf32, #tpu.memory_space<vmem>>, vector<16xf32>,
    tpu.vector_store %arg5[%swap3A_87], %min3A_86 {strides = array<i32>} : memref<256xf32, #tpu.memory_space<vmem>>, vector<16xf32>,
    %get3A_89 = arith.constant 128 : index
    %get3A_90 = tpu.vector_load %arg5[%get3A_89] {strides = array<i32>} : memref<256xf32, #tpu.memory_space<vmem>>, vector<16xf32>,
    %jit3A_91 = arith.constant 0.000000e+00 : f32
    %jit3A_92 = arith.constant 1.000000e+00 : f32
    %max3A_93 = vector.broadcast %jit3A_91 : f32 to vector<16xf32>
    %max3A_94 = arith.maximumf %max3A_93, %get3A_90 : vector<16xf32>
    %min3A_95 = vector.broadcast %jit3A_92 : f32 to vector<16xf32>
    %min3A_96 = arith.minimumf %min3A_95, %max3A_94 : vector<16xf32>
    %swap3A_97 = arith.constant 128 : index
    %swap3A_98 = tpu.vector_load %arg5[%swap3A_97] {strides = array<i32>} : memref<256xf32, #tpu.memory_space<vmem>>, vector<16xf32>,
    tpu.vector_store %arg5[%swap3A_97], %min3A_96 {strides = array<i32>} : memref<256xf32, #tpu.memory_space<vmem>>, vector<16xf32>,
    %get3A_99 = arith.constant 144 : index
    %get3A_100 = tpu.vector_load %arg5[%get3A_99] {strides = array<i32>} : memref<256xf32, #tpu.memory_space<vmem>>, vector<16xf32>,
    %jit3A_101 = arith.constant 0.000000e+00 : f32
    %jit3A_102 = arith.constant 1.000000e+00 : f32
    %max3A_103 = vector.broadcast %jit3A_101 : f32 to vector<16xf32>
    %max3A_104 = arith.maximumf %max3A_103, %get3A_100 : vector<16xf32>
    %min3A_105 = vector.broadcast %jit3A_102 : f32 to vector<16xf32>
    %min3A_106 = arith.minimumf %min3A_105, %max3A_104 : vector<16xf32>
    %swap3A_107 = arith.constant 144 : index
    %swap3A_108 = tpu.vector_load %arg5[%swap3A_107] {strides = array<i32>} : memref<256xf32, #tpu.memory_space<vmem>>, vector<16xf32>,
    tpu.vector_store %arg5[%swap3A_107], %min3A_106 {strides = array<i32>} : memref<256xf32, #tpu.memory_space<vmem>>, vector<16xf32>,
    %get3A_109 = arith.constant 160 : index
    %get3A_110 = tpu.vector_load %arg5[%get3A_109] {strides = array<i32>} : memref<256xf32, #tpu.memory_space<vmem>>, vector<16xf32>,
    %jit3A_111 = arith.constant 0.000000e+00 : f32
    %jit3A_112 = arith.constant 1.000000e+00 : f32
    %max3A_113 = vector.broadcast %jit3A_111 : f32 to vector<16xf32>
    %max3A_114 = arith.maximumf %max3A_113, %get3A_110 : vector<16xf32>
    %min3A_115 = vector.broadcast %jit3A_112 : f32 to vector<16xf32>
    %min3A_116 = arith.minimumf %min3A_115, %max3A_114 : vector<16xf32>
    %swap3A_117 = arith.constant 160 : index
    %swap3A_118 = tpu.vector_load %arg5[%swap3A_117] {strides = array<i32>} : memref<256xf32, #tpu.memory_space<vmem>>, vector<16xf32>,
    tpu.vector_store %arg5[%swap3A_117], %min3A_116 {strides = array<i32>} : memref<256xf32, #tpu.memory_space<vmem>>, vector<16xf32>,
    %get3A_119 = arith.constant 176 : index
    %get3A_120 = tpu.vector_load %arg5[%get3A_119] {strides = array<i32>} : memref<256xf32, #tpu.memory_space<vmem>>, vector<16xf32>,
    %jit3A_121 = arith.constant 0.000000e+00 : f32
    %jit3A_122 = arith.constant 1.000000e+00 : f32
    %max3A_123 = vector.broadcast %jit3A_121 : f32 to vector<16xf32>
    %max3A_124 = arith.maximumf %max3A_123, %get3A_120 : vector<16xf32>
    %min3A_125 = vector.broadcast %jit3A_122 : f32 to vector<16xf32>
    %min3A_126 = arith.minimumf %min3A_125, %max3A_124 : vector<16xf32>
    %swap3A_127 = arith.constant 176 : index
    %swap3A_128 = tpu.vector_load %arg5[%swap3A_127] {strides = array<i32>} : memref<256xf32, #tpu.memory_space<vmem>>, vector<16xf32>,
    tpu.vector_store %arg5[%swap3A_127], %min3A_126 {strides = array<i32>} : memref<256xf32, #tpu.memory_space<vmem>>, vector<16xf32>,
    %get3A_129 = arith.constant 192 : index
    %get3A_130 = tpu.vector_load %arg5[%get3A_129] {strides = array<i32>} : memref<256xf32, #tpu.memory_space<vmem>>, vector<16xf32>,
    %jit3A_131 = arith.constant 0.000000e+00 : f32
    %jit3A_132 = arith.constant 1.000000e+00 : f32
    %max3A_133 = vector.broadcast %jit3A_131 : f32 to vector<16xf32>
    %max3A_134 = arith.maximumf %max3A_133, %get3A_130 : vector<16xf32>
    %min3A_135 = vector.broadcast %jit3A_132 : f32 to vector<16xf32>
    %min3A_136 = arith.minimumf %min3A_135, %max3A_134 : vector<16xf32>
    %swap3A_137 = arith.constant 192 : index
    %swap3A_138 = tpu.vector_load %arg5[%swap3A_137] {strides = array<i32>} : memref<256xf32, #tpu.memory_space<vmem>>, vector<16xf32>,
    tpu.vector_store %arg5[%swap3A_137], %min3A_136 {strides = array<i32>} : memref<256xf32, #tpu.memory_space<vmem>>, vector<16xf32>,
    %get3A_139 = arith.constant 208 : index
    %get3A_140 = tpu.vector_load %arg5[%get3A_139] {strides = array<i32>} : memref<256xf32, #tpu.memory_space<vmem>>, vector<16xf32>,
    %jit3A_141 = arith.constant 0.000000e+00 : f32
    %jit3A_142 = arith.constant 1.000000e+00 : f32
    %max3A_143 = vector.broadcast %jit3A_141 : f32 to vector<16xf32>
    %max3A_144 = arith.maximumf %max3A_143, %get3A_140 : vector<16xf32>
    %min3A_145 = vector.broadcast %jit3A_142 : f32 to vector<16xf32>
    %min3A_146 = arith.minimumf %min3A_145, %max3A_144 : vector<16xf32>
    %swap3A_147 = arith.constant 208 : index
    %swap3A_148 = tpu.vector_load %arg5[%swap3A_147] {strides = array<i32>} : memref<256xf32, #tpu.memory_space<vmem>>, vector<16xf32>,
    tpu.vector_store %arg5[%swap3A_147], %min3A_146 {strides = array<i32>} : memref<256xf32, #tpu.memory_space<vmem>>, vector<16xf32>,
    %get3A_149 = arith.constant 224 : index
    %get3A_150 = tpu.vector_load %arg5[%get3A_149] {strides = array<i32>} : memref<256xf32, #tpu.memory_space<vmem>>, vector<16xf32>,
    %jit3A_151 = arith.constant 0.000000e+00 : f32
    %jit3A_152 = arith.constant 1.000000e+00 : f32
    %max3A_153 = vector.broadcast %jit3A_151 : f32 to vector<16xf32>
    %max3A_154 = arith.maximumf %max3A_153, %get3A_150 : vector<16xf32>
    %min3A_155 = vector.broadcast %jit3A_152 : f32 to vector<16xf32>
    %min3A_156 = arith.minimumf %min3A_155, %max3A_154 : vector<16xf32>
    %swap3A_157 = arith.constant 224 : index
    %swap3A_158 = tpu.vector_load %arg5[%swap3A_157] {strides = array<i32>} : memref<256xf32, #tpu.memory_space<vmem>>, vector<16xf32>,
    tpu.vector_store %arg5[%swap3A_157], %min3A_156 {strides = array<i32>} : memref<256xf32, #tpu.memory_space<vmem>>, vector<16xf32>,
    %get3A_159 = arith.constant 240 : index
    %get3A_160 = tpu.vector_load %arg5[%get3A_159] {strides = array<i32>} : memref<256xf32, #tpu.memory_space<vmem>>, vector<16xf32>,
    %jit3A_161 = arith.constant 0.000000e+00 : f32
    %jit3A_162 = arith.constant 1.000000e+00 : f32
    %max3A_163 = vector.broadcast %jit3A_161 : f32 to vector<16xf32>
    %max3A_164 = arith.maximumf %max3A_163, %get3A_160 : vector<16xf32>
    %min3A_165 = vector.broadcast %jit3A_162 : f32 to vector<16xf32>
    %min3A_166 = arith.minimumf %min3A_165, %max3A_164 : vector<16xf32>
    %swap3A_167 = arith.constant 240 : index
    %swap3A_168 = tpu.vector_load %arg5[%swap3A_167] {strides = array<i32>} : memref<256xf32, #tpu.memory_space<vmem>>, vector<16xf32>,
    tpu.vector_store %arg5[%swap3A_167], %min3A_166 {strides = array<i32>} : memref<256xf32, #tpu.memory_space<vmem>>, vector<16xf32>,
    %get3A_169 = arith.constant 0 : index
    %get3A_170 = tpu.vector_load %arg6[%get3A_169] {strides = array<i32>} : memref<256xf32, #tpu.memory_space<vmem>>, vector<16xf32>,
    %jit3A_171 = arith.constant 0.000000e+00 : f32
    %jit3A_172 = arith.constant 1.000000e+00 : f32
    %max3A_173 = vector.broadcast %jit3A_171 : f32 to vector<16xf32>
    %max3A_174 = arith.maximumf %max3A_173, %get3A_170 : vector<16xf32>
    %min3A_175 = vector.broadcast %jit3A_172 : f32 to vector<16xf32>
    %min3A_176 = arith.minimumf %min3A_175, %max3A_174 : vector<16xf32>
    %swap3A_177 = arith.constant 0 : index
    %swap3A_178 = tpu.vector_load %arg6[%swap3A_177] {strides = array<i32>} : memref<256xf32, #tpu.memory_space<vmem>>, vector<16xf32>,
    tpu.vector_store %arg6[%swap3A_177], %min3A_176 {strides = array<i32>} : memref<256xf32, #tpu.memory_space<vmem>>, vector<16xf32>,
    %get3A_179 = arith.constant 16 : index
    %get3A_180 = tpu.vector_load %arg6[%get3A_179] {strides = array<i32>} : memref<256xf32, #tpu.memory_space<vmem>>, vector<16xf32>,
    %jit3A_181 = arith.constant 0.000000e+00 : f32
    %jit3A_182 = arith.constant 1.000000e+00 : f32
    %max3A_183 = vector.broadcast %jit3A_181 : f32 to vector<16xf32>
    %max3A_184 = arith.maximumf %max3A_183, %get3A_180 : vector<16xf32>
    %min3A_185 = vector.broadcast %jit3A_182 : f32 to vector<16xf32>
    %min3A_186 = arith.minimumf %min3A_185, %max3A_184 : vector<16xf32>
    %swap3A_187 = arith.constant 16 : index
    %swap3A_188 = tpu.vector_load %arg6[%swap3A_187] {strides = array<i32>} : memref<256xf32, #tpu.memory_space<vmem>>, vector<16xf32>,
    tpu.vector_store %arg6[%swap3A_187], %min3A_186 {strides = array<i32>} : memref<256xf32, #tpu.memory_space<vmem>>, vector<16xf32>,
    %get3A_189 = arith.constant 32 : index
    %get3A_190 = tpu.vector_load %arg6[%get3A_189] {strides = array<i32>} : memref<256xf32, #tpu.memory_space<vmem>>, vector<16xf32>,
    %jit3A_191 = arith.constant 0.000000e+00 : f32
    %jit3A_192 = arith.constant 1.000000e+00 : f32
    %max3A_193 = vector.broadcast %jit3A_191 : f32 to vector<16xf32>
    %max3A_194 = arith.maximumf %max3A_193, %get3A_190 : vector<16xf32>
    %min3A_195 = vector.broadcast %jit3A_192 : f32 to vector<16xf32>
    %min3A_196 = arith.minimumf %min3A_195, %max3A_194 : vector<16xf32>
    %swap3A_197 = arith.constant 32 : index
    %swap3A_198 = tpu.vector_load %arg6[%swap3A_197] {strides = array<i32>} : memref<256xf32, #tpu.memory_space<vmem>>, vector<16xf32>,
    tpu.vector_store %arg6[%swap3A_197], %min3A_196 {strides = array<i32>} : memref<256xf32, #tpu.memory_space<vmem>>, vector<16xf32>,
    %get3A_199 = arith.constant 48 : index
    %get3A_200 = tpu.vector_load %arg6[%get3A_199] {strides = array<i32>} : memref<256xf32, #tpu.memory_space<vmem>>, vector<16xf32>,
    %jit3A_201 = arith.constant 0.000000e+00 : f32
    %jit3A_202 = arith.constant 1.000000e+00 : f32
    %max3A_203 = vector.broadcast %jit3A_201 : f32 to vector<16xf32>
    %max3A_204 = arith.maximumf %max3A_203, %get3A_200 : vector<16xf32>
    %min3A_205 = vector.broadcast %jit3A_202 : f32 to vector<16xf32>
    %min3A_206 = arith.minimumf %min3A_205, %max3A_204 : vector<16xf32>
    %swap3A_207 = arith.constant 48 : index
    %swap3A_208 = tpu.vector_load %arg6[%swap3A_207] {strides = array<i32>} : memref<256xf32, #tpu.memory_space<vmem>>, vector<16xf32>,
    tpu.vector_store %arg6[%swap3A_207], %min3A_206 {strides = array<i32>} : memref<256xf32, #tpu.memory_space<vmem>>, vector<16xf32>,
    %get3A_209 = arith.constant 64 : index
    %get3A_210 = tpu.vector_load %arg6[%get3A_209] {strides = array<i32>} : memref<256xf32, #tpu.memory_space<vmem>>, vector<16xf32>,
    %jit3A_211 = arith.constant 0.000000e+00 : f32
    %jit3A_212 = arith.constant 1.000000e+00 : f32
    %max3A_213 = vector.broadcast %jit3A_211 : f32 to vector<16xf32>
    %max3A_214 = arith.maximumf %max3A_213, %get3A_210 : vector<16xf32>
    %min3A_215 = vector.broadcast %jit3A_212 : f32 to vector<16xf32>
    %min3A_216 = arith.minimumf %min3A_215, %max3A_214 : vector<16xf32>
    %swap3A_217 = arith.constant 64 : index
    %swap3A_218 = tpu.vector_load %arg6[%swap3A_217] {strides = array<i32>} : memref<256xf32, #tpu.memory_space<vmem>>, vector<16xf32>,
    tpu.vector_store %arg6[%swap3A_217], %min3A_216 {strides = array<i32>} : memref<256xf32, #tpu.memory_space<vmem>>, vector<16xf32>,
    %get3A_219 = arith.constant 80 : index
    %get3A_220 = tpu.vector_load %arg6[%get3A_219] {strides = array<i32>} : memref<256xf32, #tpu.memory_space<vmem>>, vector<16xf32>,
    %jit3A_221 = arith.constant 0.000000e+00 : f32
    %jit3A_222 = arith.constant 1.000000e+00 : f32
    %max3A_223 = vector.broadcast %jit3A_221 : f32 to vector<16xf32>
    %max3A_224 = arith.maximumf %max3A_223, %get3A_220 : vector<16xf32>
    %min3A_225 = vector.broadcast %jit3A_222 : f32 to vector<16xf32>
    %min3A_226 = arith.minimumf %min3A_225, %max3A_224 : vector<16xf32>
    %swap3A_227 = arith.constant 80 : index
    %swap3A_228 = tpu.vector_load %arg6[%swap3A_227] {strides = array<i32>} : memref<256xf32, #tpu.memory_space<vmem>>, vector<16xf32>,
    tpu.vector_store %arg6[%swap3A_227], %min3A_226 {strides = array<i32>} : memref<256xf32, #tpu.memory_space<vmem>>, vector<16xf32>,
    %get3A_229 = arith.constant 96 : index
    %get3A_230 = tpu.vector_load %arg6[%get3A_229] {strides = array<i32>} : memref<256xf32, #tpu.memory_space<vmem>>, vector<16xf32>,
    %jit3A_231 = arith.constant 0.000000e+00 : f32
    %jit3A_232 = arith.constant 1.000000e+00 : f32
    %max3A_233 = vector.broadcast %jit3A_231 : f32 to vector<16xf32>
    %max3A_234 = arith.maximumf %max3A_233, %get3A_230 : vector<16xf32>
    %min3A_235 = vector.broadcast %jit3A_232 : f32 to vector<16xf32>
    %min3A_236 = arith.minimumf %min3A_235, %max3A_234 : vector<16xf32>
    %swap3A_237 = arith.constant 96 : index
    %swap3A_238 = tpu.vector_load %arg6[%swap3A_237] {strides = array<i32>} : memref<256xf32, #tpu.memory_space<vmem>>, vector<16xf32>,
    tpu.vector_store %arg6[%swap3A_237], %min3A_236 {strides = array<i32>} : memref<256xf32, #tpu.memory_space<vmem>>, vector<16xf32>,
    %get3A_239 = arith.constant 112 : index
    %get3A_240 = tpu.vector_load %arg6[%get3A_239] {strides = array<i32>} : memref<256xf32, #tpu.memory_space<vmem>>, vector<16xf32>,
    %jit3A_241 = arith.constant 0.000000e+00 : f32
    %jit3A_242 = arith.constant 1.000000e+00 : f32
    %max3A_243 = vector.broadcast %jit3A_241 : f32 to vector<16xf32>
    %max3A_244 = arith.maximumf %max3A_243, %get3A_240 : vector<16xf32>
    %min3A_245 = vector.broadcast %jit3A_242 : f32 to vector<16xf32>
    %min3A_246 = arith.minimumf %min3A_245, %max3A_244 : vector<16xf32>
    %swap3A_247 = arith.constant 112 : index
    %swap3A_248 = tpu.vector_load %arg6[%swap3A_247] {strides = array<i32>} : memref<256xf32, #tpu.memory_space<vmem>>, vector<16xf32>,
    tpu.vector_store %arg6[%swap3A_247], %min3A_246 {strides = array<i32>} : memref<256xf32, #tpu.memory_space<vmem>>, vector<16xf32>,
    %get3A_249 = arith.constant 128 : index
    %get3A_250 = tpu.vector_load %arg6[%get3A_249] {strides = array<i32>} : memref<256xf32, #tpu.memory_space<vmem>>, vector<16xf32>,
    %jit3A_251 = arith.constant 0.000000e+00 : f32
    %jit3A_252 = arith.constant 1.000000e+00 : f32
    %max3A_253 = vector.broadcast %jit3A_251 : f32 to vector<16xf32>
    %max3A_254 = arith.maximumf %max3A_253, %get3A_250 : vector<16xf32>
    %min3A_255 = vector.broadcast %jit3A_252 : f32 to vector<16xf32>
    %min3A_256 = arith.minimumf %min3A_255, %max3A_254 : vector<16xf32>
    %swap3A_257 = arith.constant 128 : index
    %swap3A_258 = tpu.vector_load %arg6[%swap3A_257] {strides = array<i32>} : memref<256xf32, #tpu.memory_space<vmem>>, vector<16xf32>,
    tpu.vector_store %arg6[%swap3A_257], %min3A_256 {strides = array<i32>} : memref<256xf32, #tpu.memory_space<vmem>>, vector<16xf32>,
    %get3A_259 = arith.constant 144 : index
    %get3A_260 = tpu.vector_load %arg6[%get3A_259] {strides = array<i32>} : memref<256xf32, #tpu.memory_space<vmem>>, vector<16xf32>,
    %jit3A_261 = arith.constant 0.000000e+00 : f32
    %jit3A_262 = arith.constant 1.000000e+00 : f32
    %max3A_263 = vector.broadcast %jit3A_261 : f32 to vector<16xf32>
    %max3A_264 = arith.maximumf %max3A_263, %get3A_260 : vector<16xf32>
    %min3A_265 = vector.broadcast %jit3A_262 : f32 to vector<16xf32>
    %min3A_266 = arith.minimumf %min3A_265, %max3A_264 : vector<16xf32>
    %swap3A_267 = arith.constant 144 : index
    %swap3A_268 = tpu.vector_load %arg6[%swap3A_267] {strides = array<i32>} : memref<256xf32, #tpu.memory_space<vmem>>, vector<16xf32>,
    tpu.vector_store %arg6[%swap3A_267], %min3A_266 {strides = array<i32>} : memref<256xf32, #tpu.memory_space<vmem>>, vector<16xf32>,
    %get3A_269 = arith.constant 160 : index
    %get3A_270 = tpu.vector_load %arg6[%get3A_269] {strides = array<i32>} : memref<256xf32, #tpu.memory_space<vmem>>, vector<16xf32>,
    %jit3A_271 = arith.constant 0.000000e+00 : f32
    %jit3A_272 = arith.constant 1.000000e+00 : f32
    %max3A_273 = vector.broadcast %jit3A_271 : f32 to vector<16xf32>
    %max3A_274 = arith.maximumf %max3A_273, %get3A_270 : vector<16xf32>
    %min3A_275 = vector.broadcast %jit3A_272 : f32 to vector<16xf32>
    %min3A_276 = arith.minimumf %min3A_275, %max3A_274 : vector<16xf32>
    %swap3A_277 = arith.constant 160 : index
    %swap3A_278 = tpu.vector_load %arg6[%swap3A_277] {strides = array<i32>} : memref<256xf32, #tpu.memory_space<vmem>>, vector<16xf32>,
    tpu.vector_store %arg6[%swap3A_277], %min3A_276 {strides = array<i32>} : memref<256xf32, #tpu.memory_space<vmem>>, vector<16xf32>,
    %get3A_279 = arith.constant 176 : index
    %get3A_280 = tpu.vector_load %arg6[%get3A_279] {strides = array<i32>} : memref<256xf32, #tpu.memory_space<vmem>>, vector<16xf32>,
    %jit3A_281 = arith.constant 0.000000e+00 : f32
    %jit3A_282 = arith.constant 1.000000e+00 : f32
    %max3A_283 = vector.broadcast %jit3A_281 : f32 to vector<16xf32>
    %max3A_284 = arith.maximumf %max3A_283, %get3A_280 : vector<16xf32>
    %min3A_285 = vector.broadcast %jit3A_282 : f32 to vector<16xf32>
    %min3A_286 = arith.minimumf %min3A_285, %max3A_284 : vector<16xf32>
    %swap3A_287 = arith.constant 176 : index
    %swap3A_288 = tpu.vector_load %arg6[%swap3A_287] {strides = array<i32>} : memref<256xf32, #tpu.memory_space<vmem>>, vector<16xf32>,
    tpu.vector_store %arg6[%swap3A_287], %min3A_286 {strides = array<i32>} : memref<256xf32, #tpu.memory_space<vmem>>, vector<16xf32>,
    %get3A_289 = arith.constant 192 : index
    %get3A_290 = tpu.vector_load %arg6[%get3A_289] {strides = array<i32>} : memref<256xf32, #tpu.memory_space<vmem>>, vector<16xf32>,
    %jit3A_291 = arith.constant 0.000000e+00 : f32
    %jit3A_292 = arith.constant 1.000000e+00 : f32
    %max3A_293 = vector.broadcast %jit3A_291 : f32 to vector<16xf32>
    %max3A_294 = arith.maximumf %max3A_293, %get3A_290 : vector<16xf32>
    %min3A_295 = vector.broadcast %jit3A_292 : f32 to vector<16xf32>
    %min3A_296 = arith.minimumf %min3A_295, %max3A_294 : vector<16xf32>
    %swap3A_297 = arith.constant 192 : index
    %swap3A_298 = tpu.vector_load %arg6[%swap3A_297] {strides = array<i32>} : memref<256xf32, #tpu.memory_space<vmem>>, vector<16xf32>,
    tpu.vector_store %arg6[%swap3A_297], %min3A_296 {strides = array<i32>} : memref<256xf32, #tpu.memory_space<vmem>>, vector<16xf32>,
    %get3A_299 = arith.constant 208 : index
    %get3A_300 = tpu.vector_load %arg6[%get3A_299] {strides = array<i32>} : memref<256xf32, #tpu.memory_space<vmem>>, vector<16xf32>,
    %jit3A_301 = arith.constant 0.000000e+00 : f32
    %jit3A_302 = arith.constant 1.000000e+00 : f32
    %max3A_303 = vector.broadcast %jit3A_301 : f32 to vector<16xf32>
    %max3A_304 = arith.maximumf %max3A_303, %get3A_300 : vector<16xf32>
    %min3A_305 = vector.broadcast %jit3A_302 : f32 to vector<16xf32>
    %min3A_306 = arith.minimumf %min3A_305, %max3A_304 : vector<16xf32>
    %swap3A_307 = arith.constant 208 : index
    %swap3A_308 = tpu.vector_load %arg6[%swap3A_307] {strides = array<i32>} : memref<256xf32, #tpu.memory_space<vmem>>, vector<16xf32>,
    tpu.vector_store %arg6[%swap3A_307], %min3A_306 {strides = array<i32>} : memref<256xf32, #tpu.memory_space<vmem>>, vector<16xf32>,
    %get3A_309 = arith.constant 224 : index
    %get3A_310 = tpu.vector_load %arg6[%get3A_309] {strides = array<i32>} : memref<256xf32, #tpu.memory_space<vmem>>, vector<16xf32>,
    %jit3A_311 = arith.constant 0.000000e+00 : f32
    %jit3A_312 = arith.constant 1.000000e+00 : f32
    %max3A_313 = vector.broadcast %jit3A_311 : f32 to vector<16xf32>
    %max3A_314 = arith.maximumf %max3A_313, %get3A_310 : vector<16xf32>
    %min3A_315 = vector.broadcast %jit3A_312 : f32 to vector<16xf32>
    %min3A_316 = arith.minimumf %min3A_315, %max3A_314 : vector<16xf32>
    %swap3A_317 = arith.constant 224 : index
    %swap3A_318 = tpu.vector_load %arg6[%swap3A_317] {strides = array<i32>} : memref<256xf32, #tpu.memory_space<vmem>>, vector<16xf32>,
    tpu.vector_store %arg6[%swap3A_317], %min3A_316 {strides = array<i32>} : memref<256xf32, #tpu.memory_space<vmem>>, vector<16xf32>,
    %get3A_319 = arith.constant 240 : index
    %get3A_320 = tpu.vector_load %arg6[%get3A_319] {strides = array<i32>} : memref<256xf32, #tpu.memory_space<vmem>>, vector<16xf32>,
    %jit3A_321 = arith.constant 0.000000e+00 : f32
    %jit3A_322 = arith.constant 1.000000e+00 : f32
    %max3A_323 = vector.broadcast %jit3A_321 : f32 to vector<16xf32>
    %max3A_324 = arith.maximumf %max3A_323, %get3A_320 : vector<16xf32>
    %min3A_325 = vector.broadcast %jit3A_322 : f32 to vector<16xf32>
    %min3A_326 = arith.minimumf %min3A_325, %max3A_324 : vector<16xf32>
    %swap3A_327 = arith.constant 240 : index
    %swap3A_328 = tpu.vector_load %arg6[%swap3A_327] {strides = array<i32>} : memref<256xf32, #tpu.memory_space<vmem>>, vector<16xf32>,
    tpu.vector_store %arg6[%swap3A_327], %min3A_326 {strides = array<i32>} : memref<256xf32, #tpu.memory_space<vmem>>, vector<16xf32>,
    %get3A_329 = arith.constant 0 : index
    %get3A_330 = tpu.vector_load %arg7[%get3A_329] {strides = array<i32>} : memref<256xf32, #tpu.memory_space<vmem>>, vector<16xf32>,
    %jit3A_331 = arith.constant 0.000000e+00 : f32
    %jit3A_332 = arith.constant 1.000000e+00 : f32
    %max3A_333 = vector.broadcast %jit3A_331 : f32 to vector<16xf32>
    %max3A_334 = arith.maximumf %max3A_333, %get3A_330 : vector<16xf32>
    %min3A_335 = vector.broadcast %jit3A_332 : f32 to vector<16xf32>
    %min3A_336 = arith.minimumf %min3A_335, %max3A_334 : vector<16xf32>
    %swap3A_337 = arith.constant 0 : index
    %swap3A_338 = tpu.vector_load %arg7[%swap3A_337] {strides = array<i32>} : memref<256xf32, #tpu.memory_space<vmem>>, vector<16xf32>,
    tpu.vector_store %arg7[%swap3A_337], %min3A_336 {strides = array<i32>} : memref<256xf32, #tpu.memory_space<vmem>>, vector<16xf32>,
    %get3A_339 = arith.constant 16 : index
    %get3A_340 = tpu.vector_load %arg7[%get3A_339] {strides = array<i32>} : memref<256xf32, #tpu.memory_space<vmem>>, vector<16xf32>,
    %jit3A_341 = arith.constant 0.000000e+00 : f32
    %jit3A_342 = arith.constant 1.000000e+00 : f32
    %max3A_343 = vector.broadcast %jit3A_341 : f32 to vector<16xf32>
    %max3A_344 = arith.maximumf %max3A_343, %get3A_340 : vector<16xf32>
    %min3A_345 = vector.broadcast %jit3A_342 : f32 to vector<16xf32>
    %min3A_346 = arith.minimumf %min3A_345, %max3A_344 : vector<16xf32>
    %swap3A_347 = arith.constant 16 : index
    %swap3A_348 = tpu.vector_load %arg7[%swap3A_347] {strides = array<i32>} : memref<256xf32, #tpu.memory_space<vmem>>, vector<16xf32>,
    tpu.vector_store %arg7[%swap3A_347], %min3A_346 {strides = array<i32>} : memref<256xf32, #tpu.memory_space<vmem>>, vector<16xf32>,
    %get3A_349 = arith.constant 32 : index
    %get3A_350 = tpu.vector_load %arg7[%get3A_349] {strides = array<i32>} : memref<256xf32, #tpu.memory_space<vmem>>, vector<16xf32>,
    %jit3A_351 = arith.constant 0.000000e+00 : f32
    %jit3A_352 = arith.constant 1.000000e+00 : f32
    %max3A_353 = vector.broadcast %jit3A_351 : f32 to vector<16xf32>
    %max3A_354 = arith.maximumf %max3A_353, %get3A_350 : vector<16xf32>
    %min3A_355 = vector.broadcast %jit3A_352 : f32 to vector<16xf32>
    %min3A_356 = arith.minimumf %min3A_355, %max3A_354 : vector<16xf32>
    %swap3A_357 = arith.constant 32 : index
    %swap3A_358 = tpu.vector_load %arg7[%swap3A_357] {strides = array<i32>} : memref<256xf32, #tpu.memory_space<vmem>>, vector<16xf32>,
    tpu.vector_store %arg7[%swap3A_357], %min3A_356 {strides = array<i32>} : memref<256xf32, #tpu.memory_space<vmem>>, vector<16xf32>,
    %get3A_359 = arith.constant 48 : index
    %get3A_360 = tpu.vector_load %arg7[%get3A_359] {strides = array<i32>} : memref<256xf32, #tpu.memory_space<vmem>>, vector<16xf32>,
    %jit3A_361 = arith.constant 0.000000e+00 : f32
    %jit3A_362 = arith.constant 1.000000e+00 : f32
    %max3A_363 = vector.broadcast %jit3A_361 : f32 to vector<16xf32>
    %max3A_364 = arith.maximumf %max3A_363, %get3A_360 : vector<16xf32>
    %min3A_365 = vector.broadcast %jit3A_362 : f32 to vector<16xf32>
    %min3A_366 = arith.minimumf %min3A_365, %max3A_364 : vector<16xf32>
    %swap3A_367 = arith.constant 48 : index
    %swap3A_368 = tpu.vector_load %arg7[%swap3A_367] {strides = array<i32>} : memref<256xf32, #tpu.memory_space<vmem>>, vector<16xf32>,
    tpu.vector_store %arg7[%swap3A_367], %min3A_366 {strides = array<i32>} : memref<256xf32, #tpu.memory_space<vmem>>, vector<16xf32>,
    %get3A_369 = arith.constant 64 : index
    %get3A_370 = tpu.vector_load %arg7[%get3A_369] {strides = array<i32>} : memref<256xf32, #tpu.memory_space<vmem>>, vector<16xf32>,
    %jit3A_371 = arith.constant 0.000000e+00 : f32
    %jit3A_372 = arith.constant 1.000000e+00 : f32
    %max3A_373 = vector.broadcast %jit3A_371 : f32 to vector<16xf32>
    %max3A_374 = arith.maximumf %max3A_373, %get3A_370 : vector<16xf32>
    %min3A_375 = vector.broadcast %jit3A_372 : f32 to vector<16xf32>
    %min3A_376 = arith.minimumf %min3A_375, %max3A_374 : vector<16xf32>
    %swap3A_377 = arith.constant 64 : index
    %swap3A_378 = tpu.vector_load %arg7[%swap3A_377] {strides = array<i32>} : memref<256xf32, #tpu.memory_space<vmem>>, vector<16xf32>,
    tpu.vector_store %arg7[%swap3A_377], %min3A_376 {strides = array<i32>} : memref<256xf32, #tpu.memory_space<vmem>>, vector<16xf32>,
    %get3A_379 = arith.constant 80 : index
    %get3A_380 = tpu.vector_load %arg7[%get3A_379] {strides = array<i32>} : memref<256xf32, #tpu.memory_space<vmem>>, vector<16xf32>,
    %jit3A_381 = arith.constant 0.000000e+00 : f32
    %jit3A_382 = arith.constant 1.000000e+00 : f32
    %max3A_383 = vector.broadcast %jit3A_381 : f32 to vector<16xf32>
    %max3A_384 = arith.maximumf %max3A_383, %get3A_380 : vector<16xf32>
    %min3A_385 = vector.broadcast %jit3A_382 : f32 to vector<16xf32>
    %min3A_386 = arith.minimumf %min3A_385, %max3A_384 : vector<16xf32>
    %swap3A_387 = arith.constant 80 : index
    %swap3A_388 = tpu.vector_load %arg7[%swap3A_387] {strides = array<i32>} : memref<256xf32, #tpu.memory_space<vmem>>, vector<16xf32>,
    tpu.vector_store %arg7[%swap3A_387], %min3A_386 {strides = array<i32>} : memref<256xf32, #tpu.memory_space<vmem>>, vector<16xf32>,
    %get3A_389 = arith.constant 96 : index
    %get3A_390 = tpu.vector_load %arg7[%get3A_389] {strides = array<i32>} : memref<256xf32, #tpu.memory_space<vmem>>, vector<16xf32>,
    %jit3A_391 = arith.constant 0.000000e+00 : f32
    %jit3A_392 = arith.constant 1.000000e+00 : f32
    %max3A_393 = vector.broadcast %jit3A_391 : f32 to vector<16xf32>
    %max3A_394 = arith.maximumf %max3A_393, %get3A_390 : vector<16xf32>
    %min3A_395 = vector.broadcast %jit3A_392 : f32 to vector<16xf32>
    %min3A_396 = arith.minimumf %min3A_395, %max3A_394 : vector<16xf32>
    %swap3A_397 = arith.constant 96 : index
    %swap3A_398 = tpu.vector_load %arg7[%swap3A_397] {strides = array<i32>} : memref<256xf32, #tpu.memory_space<vmem>>, vector<16xf32>,
    tpu.vector_store %arg7[%swap3A_397], %min3A_396 {strides = array<i32>} : memref<256xf32, #tpu.memory_space<vmem>>, vector<16xf32>,
    %get3A_399 = arith.constant 112 : index
    %get3A_400 = tpu.vector_load %arg7[%get3A_399] {strides = array<i32>} : memref<256xf32, #tpu.memory_space<vmem>>, vector<16xf32>,
    %jit3A_401 = arith.constant 0.000000e+00 : f32
    %jit3A_402 = arith.constant 1.000000e+00 : f32
    %max3A_403 = vector.broadcast %jit3A_401 : f32 to vector<16xf32>
    %max3A_404 = arith.maximumf %max3A_403, %get3A_400 : vector<16xf32>
    %min3A_405 = vector.broadcast %jit3A_402 : f32 to vector<16xf32>
    %min3A_406 = arith.minimumf %min3A_405, %max3A_404 : vector<16xf32>
    %swap3A_407 = arith.constant 112 : index
    %swap3A_408 = tpu.vector_load %arg7[%swap3A_407] {strides = array<i32>} : memref<256xf32, #tpu.memory_space<vmem>>, vector<16xf32>,
    tpu.vector_store %arg7[%swap3A_407], %min3A_406 {strides = array<i32>} : memref<256xf32, #tpu.memory_space<vmem>>, vector<16xf32>,
    %get3A_409 = arith.constant 128 : index
    %get3A_410 = tpu.vector_load %arg7[%get3A_409] {strides = array<i32>} : memref<256xf32, #tpu.memory_space<vmem>>, vector<16xf32>,
    %jit3A_411 = arith.constant 0.000000e+00 : f32
    %jit3A_412 = arith.constant 1.000000e+00 : f32
    %max3A_413 = vector.broadcast %jit3A_411 : f32 to vector<16xf32>
    %max3A_414 = arith.maximumf %max3A_413, %get3A_410 : vector<16xf32>
    %min3A_415 = vector.broadcast %jit3A_412 : f32 to vector<16xf32>
    %min3A_416 = arith.minimumf %min3A_415, %max3A_414 : vector<16xf32>
    %swap3A_417 = arith.constant 128 : index
    %swap3A_418 = tpu.vector_load %arg7[%swap3A_417] {strides = array<i32>} : memref<256xf32, #tpu.memory_space<vmem>>, vector<16xf32>,
    tpu.vector_store %arg7[%swap3A_417], %min3A_416 {strides = array<i32>} : memref<256xf32, #tpu.memory_space<vmem>>, vector<16xf32>,
    %get3A_419 = arith.constant 144 : index
    %get3A_420 = tpu.vector_load %arg7[%get3A_419] {strides = array<i32>} : memref<256xf32, #tpu.memory_space<vmem>>, vector<16xf32>,
    %jit3A_421 = arith.constant 0.000000e+00 : f32
    %jit3A_422 = arith.constant 1.000000e+00 : f32
    %max3A_423 = vector.broadcast %jit3A_421 : f32 to vector<16xf32>
    %max3A_424 = arith.maximumf %max3A_423, %get3A_420 : vector<16xf32>
    %min3A_425 = vector.broadcast %jit3A_422 : f32 to vector<16xf32>
    %min3A_426 = arith.minimumf %min3A_425, %max3A_424 : vector<16xf32>
    %swap3A_427 = arith.constant 144 : index
    %swap3A_428 = tpu.vector_load %arg7[%swap3A_427] {strides = array<i32>} : memref<256xf32, #tpu.memory_space<vmem>>, vector<16xf32>,
    tpu.vector_store %arg7[%swap3A_427], %min3A_426 {strides = array<i32>} : memref<256xf32, #tpu.memory_space<vmem>>, vector<16xf32>,
    %get3A_429 = arith.constant 160 : index
    %get3A_430 = tpu.vector_load %arg7[%get3A_429] {strides = array<i32>} : memref<256xf32, #tpu.memory_space<vmem>>, vector<16xf32>,
    %jit3A_431 = arith.constant 0.000000e+00 : f32
    %jit3A_432 = arith.constant 1.000000e+00 : f32
    %max3A_433 = vector.broadcast %jit3A_431 : f32 to vector<16xf32>
    %max3A_434 = arith.maximumf %max3A_433, %get3A_430 : vector<16xf32>
    %min3A_435 = vector.broadcast %jit3A_432 : f32 to vector<16xf32>
    %min3A_436 = arith.minimumf %min3A_435, %max3A_434 : vector<16xf32>
    %swap3A_437 = arith.constant 160 : index
    %swap3A_438 = tpu.vector_load %arg7[%swap3A_437] {strides = array<i32>} : memref<256xf32, #tpu.memory_space<vmem>>, vector<16xf32>,
    tpu.vector_store %arg7[%swap3A_437], %min3A_436 {strides = array<i32>} : memref<256xf32, #tpu.memory_space<vmem>>, vector<16xf32>,
    %get3A_439 = arith.constant 176 : index
    %get3A_440 = tpu.vector_load %arg7[%get3A_439] {strides = array<i32>} : memref<256xf32, #tpu.memory_space<vmem>>, vector<16xf32>,
    %jit3A_441 = arith.constant 0.000000e+00 : f32
    %jit3A_442 = arith.constant 1.000000e+00 : f32
    %max3A_443 = vector.broadcast %jit3A_441 : f32 to vector<16xf32>
    %max3A_444 = arith.maximumf %max3A_443, %get3A_440 : vector<16xf32>
    %min3A_445 = vector.broadcast %jit3A_442 : f32 to vector<16xf32>
    %min3A_446 = arith.minimumf %min3A_445, %max3A_444 : vector<16xf32>
    %swap3A_447 = arith.constant 176 : index
    %swap3A_448 = tpu.vector_load %arg7[%swap3A_447] {strides = array<i32>} : memref<256xf32, #tpu.memory_space<vmem>>, vector<16xf32>,
    tpu.vector_store %arg7[%swap3A_447], %min3A_446 {strides = array<i32>} : memref<256xf32, #tpu.memory_space<vmem>>, vector<16xf32>,
    %get3A_449 = arith.constant 192 : index
    %get3A_450 = tpu.vector_load %arg7[%get3A_449] {strides = array<i32>} : memref<256xf32, #tpu.memory_space<vmem>>, vector<16xf32>,
    %jit3A_451 = arith.constant 0.000000e+00 : f32
    %jit3A_452 = arith.constant 1.000000e+00 : f32
    %max3A_453 = vector.broadcast %jit3A_451 : f32 to vector<16xf32>
    %max3A_454 = arith.maximumf %max3A_453, %get3A_450 : vector<16xf32>
    %min3A_455 = vector.broadcast %jit3A_452 : f32 to vector<16xf32>
    %min3A_456 = arith.minimumf %min3A_455, %max3A_454 : vector<16xf32>
    %swap3A_457 = arith.constant 192 : index
    %swap3A_458 = tpu.vector_load %arg7[%swap3A_457] {strides = array<i32>} : memref<256xf32, #tpu.memory_space<vmem>>, vector<16xf32>,
    tpu.vector_store %arg7[%swap3A_457], %min3A_456 {strides = array<i32>} : memref<256xf32, #tpu.memory_space<vmem>>, vector<16xf32>,
    %get3A_459 = arith.constant 208 : index
    %get3A_460 = tpu.vector_load %arg7[%get3A_459] {strides = array<i32>} : memref<256xf32, #tpu.memory_space<vmem>>, vector<16xf32>,
    %jit3A_461 = arith.constant 0.000000e+00 : f32
    %jit3A_462 = arith.constant 1.000000e+00 : f32
    %max3A_463 = vector.broadcast %jit3A_461 : f32 to vector<16xf32>
    %max3A_464 = arith.maximumf %max3A_463, %get3A_460 : vector<16xf32>
    %min3A_465 = vector.broadcast %jit3A_462 : f32 to vector<16xf32>
    %min3A_466 = arith.minimumf %min3A_465, %max3A_464 : vector<16xf32>
    %swap3A_467 = arith.constant 208 : index
    %swap3A_468 = tpu.vector_load %arg7[%swap3A_467] {strides = array<i32>} : memref<256xf32, #tpu.memory_space<vmem>>, vector<16xf32>,
    tpu.vector_store %arg7[%swap3A_467], %min3A_466 {strides = array<i32>} : memref<256xf32, #tpu.memory_space<vmem>>, vector<16xf32>,
    %get3A_469 = arith.constant 224 : index
    %get3A_470 = tpu.vector_load %arg7[%get3A_469] {strides = array<i32>} : memref<256xf32, #tpu.memory_space<vmem>>, vector<16xf32>,
    %jit3A_471 = arith.constant 0.000000e+00 : f32
    %jit3A_472 = arith.constant 1.000000e+00 : f32
    %max3A_473 = vector.broadcast %jit3A_471 : f32 to vector<16xf32>
    %max3A_474 = arith.maximumf %max3A_473, %get3A_470 : vector<16xf32>
    %min3A_475 = vector.broadcast %jit3A_472 : f32 to vector<16xf32>
    %min3A_476 = arith.minimumf %min3A_475, %max3A_474 : vector<16xf32>
    %swap3A_477 = arith.constant 224 : index
    %swap3A_478 = tpu.vector_load %arg7[%swap3A_477] {strides = array<i32>} : memref<256xf32, #tpu.memory_space<vmem>>, vector<16xf32>,
    tpu.vector_store %arg7[%swap3A_477], %min3A_476 {strides = array<i32>} : memref<256xf32, #tpu.memory_space<vmem>>, vector<16xf32>,
    %get3A_479 = arith.constant 240 : index
    %get3A_480 = tpu.vector_load %arg7[%get3A_479] {strides = array<i32>} : memref<256xf32, #tpu.memory_space<vmem>>, vector<16xf32>,
    %jit3A_481 = arith.constant 0.000000e+00 : f32
    %jit3A_482 = arith.constant 1.000000e+00 : f32
    %max3A_483 = vector.broadcast %jit3A_481 : f32 to vector<16xf32>
    %max3A_484 = arith.maximumf %max3A_483, %get3A_480 : vector<16xf32>
    %min3A_485 = vector.broadcast %jit3A_482 : f32 to vector<16xf32>
    %min3A_486 = arith.minimumf %min3A_485, %max3A_484 : vector<16xf32>
    %swap3A_487 = arith.constant 240 : index
    %swap3A_488 = tpu.vector_load %arg7[%swap3A_487] {strides = array<i32>} : memref<256xf32, #tpu.memory_space<vmem>>, vector<16xf32>,
    tpu.vector_store %arg7[%swap3A_487], %min3A_486 {strides = array<i32>} : memref<256xf32, #tpu.memory_space<vmem>>, vector<16xf32>,
    %scan3A = arith.constant 0 : i32
    %scan3A_489 = arith.constant 0 : i32
    %scan3A_490 = arith.constant 16 : i32
    %scan3A_491 = arith.addi %scan3A_489, %scan3A_490 : i32
    %scan3A_492 = arith.constant 1 : i32
    scf.for %scan3A_566 = %scan3A_489 to %scan3A_491 step %scan3A_492  : i32 {
      %mul3A_567 = arith.constant 2 : i32
      %mul3A_568 = arith.muli %scan3A_566, %mul3A_567 : i32
      %add3A_569 = arith.constant 0 : i32
      %add3A_570 = arith.addi %mul3A_568, %add3A_569 : i32
      %mul3A_571 = arith.constant 4096 : i32
      %mul3A_572 = arith.muli %add3A_570, %mul3A_571 : i32
      %add3A_573 = arith.addi %mul3A_2, %mul3A_572 : i32
      %mul3A_574 = arith.constant 4 : i32
      %mul3A_575 = arith.muli %add3A_573, %mul3A_574 : i32
      %dma_wait3A_576 = tpu.memref_slice %arg2[%mul3A_575] : memref<16777216xf32, #tpu.memory_space<hbm>> -> memref<16384xf32, #tpu.memory_space<hbm>>
      %dma_wait3A_577 = tpu.memref_slice %arg2[%mul3A_575] : memref<16777216xf32, #tpu.memory_space<hbm>> -> memref<16384xf32, #tpu.memory_space<hbm>>
      tpu.wait_dma2 semaphore(%arg12 : memref<!tpu.dma_semaphore, #tpu.memory_space<semaphore_mem>>) src(%dma_wait3A_577 : memref<16384xf32, #tpu.memory_space<hbm>>) dst(%arg8 : memref<16384xf32, #tpu.memory_space<vmem>>)
      %ge3A = arith.constant 2 : i32
      %ge3A_578 = arith.cmpi sge, %add3A_570, %ge3A : i32
      %convert_element_type3A = arith.extui %ge3A_578 : i1 to i32
      %cond3A = arith.constant 0 : i32
      %cond3A_579 = arith.cmpi ne, %convert_element_type3A, %cond3A : i32
      scf.if %cond3A_579 {
        %sub3A_690 = arith.constant 2 : i32
        %sub3A_691 = arith.subi %add3A_570, %sub3A_690 : i32
        %mul3A_692 = arith.constant 4096 : i32
        %mul3A_693 = arith.muli %sub3A_691, %mul3A_692 : i32
        %add3A_694 = arith.addi %mul3A_2, %mul3A_693 : i32
        %jit3A_695 = arith.constant 128 : i32
        %div3A_696 = arith.divsi %add3A_694, %jit3A_695 : i32
        %sign3A_697 = arith.constant 0 : i32
        %sign3A_698 = arith.cmpi sgt, %add3A_694, %sign3A_697 : i32
        %sign3A_699 = arith.extui %sign3A_698 : i1 to i32
        %sign3A_700 = arith.constant 0 : i32
        %sign3A_701 = arith.cmpi slt, %add3A_694, %sign3A_700 : i32
        %sign3A_702 = arith.extui %sign3A_701 : i1 to i32
        %sign3A_703 = arith.subi %sign3A_699, %sign3A_702 : i32
        %sign3A_704 = arith.constant 0 : i32
        %sign3A_705 = arith.cmpi sgt, %jit3A_695, %sign3A_704 : i32
        %sign3A_706 = arith.extui %sign3A_705 : i1 to i32
        %sign3A_707 = arith.constant 0 : i32
        %sign3A_708 = arith.cmpi slt, %jit3A_695, %sign3A_707 : i32
        %sign3A_709 = arith.extui %sign3A_708 : i1 to i32
        %sign3A_710 = arith.subi %sign3A_706, %sign3A_709 : i32
        %ne3A_711 = arith.cmpi ne, %sign3A_703, %sign3A_710 : i32
        %rem3A_712 = arith.remsi %add3A_694, %jit3A_695 : i32
        %ne3A_713 = arith.constant 0 : i32
        %ne3A_714 = arith.cmpi ne, %rem3A_712, %ne3A_713 : i32
        %and3A_715 = arith.andi %ne3A_711, %ne3A_714 : i1
        %sub3A_716 = arith.constant 1 : i32
        %sub3A_717 = arith.subi %div3A_696, %sub3A_716 : i32
        %select_n3A_718 = arith.select %and3A_715, %sub3A_717, %div3A_696 : i32
        %dma_wait3A_719 = arith.constant 0 : i32
        %dma_wait3A_720 = arith.constant 0 : i32
        %dma_wait3A_721 = arith.constant 0 : i32
        %dma_wait3A_722 = tpu.memref_slice %arg10[%dma_wait3A_719, %dma_wait3A_720, %dma_wait3A_721] : memref<32x8x128xf32, #tpu.memory_space<vmem>> -> memref<32x6x128xf32, #tpu.memory_space<vmem>>
        %dma_wait3A_723 = arith.constant 0 : i32
        %dma_wait3A_724 = arith.constant 0 : i32
        %dma_wait3A_725 = tpu.memref_slice %arg4[%select_n3A_718, %dma_wait3A_723, %dma_wait3A_724] : memref<32768x8x128xf32, #tpu.memory_space<hbm>> -> memref<32x6x128xf32, #tpu.memory_space<hbm>>
        %dma_wait3A_726 = arith.constant 0 : i32
        %dma_wait3A_727 = arith.constant 0 : i32
        %dma_wait3A_728 = tpu.memref_slice %arg4[%select_n3A_718, %dma_wait3A_726, %dma_wait3A_727] : memref<32768x8x128xf32, #tpu.memory_space<hbm>> -> memref<32x6x128xf32, #tpu.memory_space<hbm>>
        %dma_wait3A_729 = arith.constant 0 : i32
        %dma_wait3A_730 = arith.constant 0 : i32
        %dma_wait3A_731 = arith.constant 0 : i32
        %dma_wait3A_732 = tpu.memref_slice %arg10[%dma_wait3A_729, %dma_wait3A_730, %dma_wait3A_731] : memref<32x8x128xf32, #tpu.memory_space<vmem>> -> memref<32x6x128xf32, #tpu.memory_space<vmem>>
        tpu.wait_dma2 semaphore(%arg14 : memref<!tpu.dma_semaphore, #tpu.memory_space<semaphore_mem>>) src(%dma_wait3A_732 : memref<32x6x128xf32, #tpu.memory_space<vmem>>) dst(%dma_wait3A_728 : memref<32x6x128xf32, #tpu.memory_space<hbm>>)
      } else {
      }
      %parallel_loop3A = arith.constant 0 : i32
      %parallel_loop3A_580 = arith.constant 32 : i32
      %parallel_loop3A_581 = arith.constant 1 : i32
      scf.for %parallel_loop3A_690 = %parallel_loop3A to %parallel_loop3A_580 step %parallel_loop3A_581  : i32 {
        %parallel_loop3A_691 = arith.constant 512 : i32
        %parallel_loop3A_692 = arith.muli %parallel_loop3A_690, %parallel_loop3A_691 : i32
        %parallel_loop3A_693 = arith.constant 384 : i32
        %parallel_loop3A_694 = arith.addi %parallel_loop3A_692, %parallel_loop3A_693 : i32
        %parallel_loop3A_695 = arith.constant 0 : i32
        %parallel_loop3A_696 = arith.addi %parallel_loop3A_694, %parallel_loop3A_695 : i32
        %parallel_loop3A_697 = arith.index_cast %parallel_loop3A_696 : i32 to index
        %parallel_loop3A_698 = tpu.vector_load %arg8[%parallel_loop3A_697] {strides = array<i32>} : memref<16384xf32, #tpu.memory_space<vmem>>, vector<16xf32>,
        %parallel_loop3A_699 = arith.fptosi %parallel_loop3A_698 : vector<16xf32> to vector<16xi32>
        %parallel_loop3A_700 = arith.constant 0 : i32
        %parallel_loop3A_701 = arith.constant 255 : i32
        %parallel_loop3A_702 = vector.broadcast %parallel_loop3A_700 : i32 to vector<16xi32>
        %parallel_loop3A_703 = arith.maxsi %parallel_loop3A_702, %parallel_loop3A_699 : vector<16xi32>
        %parallel_loop3A_704 = vector.broadcast %parallel_loop3A_701 : i32 to vector<16xi32>
        %parallel_loop3A_705 = arith.minsi %parallel_loop3A_704, %parallel_loop3A_703 : vector<16xi32>
        %parallel_loop3A_706 = arith.constant 0 : i32
        %parallel_loop3A_707 = arith.addi %parallel_loop3A_692, %parallel_loop3A_706 : i32
        %parallel_loop3A_708 = arith.constant 0 : i32
        %parallel_loop3A_709 = arith.addi %parallel_loop3A_707, %parallel_loop3A_708 : i32
        %parallel_loop3A_710 = arith.index_cast %parallel_loop3A_709 : i32 to index
        %parallel_loop3A_711 = tpu.vector_load %arg8[%parallel_loop3A_710] {strides = array<i32>} : memref<16384xf32, #tpu.memory_space<vmem>>, vector<16xf32>,
        %parallel_loop3A_712 = arith.constant 0 : i32
        %parallel_loop3A_713 = arith.index_cast %parallel_loop3A_690 : i32 to index
        %parallel_loop3A_714 = arith.index_cast %parallel_loop3A_712 : i32 to index
        %parallel_loop3A_715 = arith.constant 0 : index
        %parallel_loop3A_716 = tpu.vector_load %arg10[%parallel_loop3A_713, %parallel_loop3A_714, %parallel_loop3A_715] {strides = array<i32>} : memref<32x8x128xf32, #tpu.memory_space<vmem>>, vector<16xf32>,
        tpu.vector_store %arg10[%parallel_loop3A_713, %parallel_loop3A_714, %parallel_loop3A_715], %parallel_loop3A_711 {strides = array<i32>} : memref<32x8x128xf32, #tpu.memory_space<vmem>>, vector<16xf32>,
        %parallel_loop3A_717 = tpu.vector_load_idx %arg5[%parallel_loop3A_705] : memref<256xf32, #tpu.memory_space<vmem>>[vector<16xi32>], vector<16xf32>,
        %parallel_loop3A_718 = arith.constant 3 : i32
        %parallel_loop3A_719 = arith.index_cast %parallel_loop3A_690 : i32 to index
        %parallel_loop3A_720 = arith.index_cast %parallel_loop3A_718 : i32 to index
        %parallel_loop3A_721 = arith.constant 0 : index
        %parallel_loop3A_722 = tpu.vector_load %arg10[%parallel_loop3A_719, %parallel_loop3A_720, %parallel_loop3A_721] {strides = array<i32>} : memref<32x8x128xf32, #tpu.memory_space<vmem>>, vector<16xf32>,
        tpu.vector_store %arg10[%parallel_loop3A_719, %parallel_loop3A_720, %parallel_loop3A_721], %parallel_loop3A_717 {strides = array<i32>} : memref<32x8x128xf32, #tpu.memory_space<vmem>>, vector<16xf32>,
        %parallel_loop3A_723 = arith.constant 128 : i32
        %parallel_loop3A_724 = arith.addi %parallel_loop3A_692, %parallel_loop3A_723 : i32
        %parallel_loop3A_725 = arith.constant 0 : i32
        %parallel_loop3A_726 = arith.addi %parallel_loop3A_724, %parallel_loop3A_725 : i32
        %parallel_loop3A_727 = arith.index_cast %parallel_loop3A_726 : i32 to index
        %parallel_loop3A_728 = tpu.vector_load %arg8[%parallel_loop3A_727] {strides = array<i32>} : memref<16384xf32, #tpu.memory_space<vmem>>, vector<16xf32>,
        %parallel_loop3A_729 = arith.constant 1 : i32
        %parallel_loop3A_730 = arith.index_cast %parallel_loop3A_690 : i32 to index
        %parallel_loop3A_731 = arith.index_cast %parallel_loop3A_729 : i32 to index
        %parallel_loop3A_732 = arith.constant 0 : index
        %parallel_loop3A_733 = tpu.vector_load %arg10[%parallel_loop3A_730, %parallel_loop3A_731, %parallel_loop3A_732] {strides = array<i32>} : memref<32x8x128xf32, #tpu.memory_space<vmem>>, vector<16xf32>,
        tpu.vector_store %arg10[%parallel_loop3A_730, %parallel_loop3A_731, %parallel_loop3A_732], %parallel_loop3A_728 {strides = array<i32>} : memref<32x8x128xf32, #tpu.memory_space<vmem>>, vector<16xf32>,
        %parallel_loop3A_734 = tpu.vector_load_idx %arg6[%parallel_loop3A_705] : memref<256xf32, #tpu.memory_space<vmem>>[vector<16xi32>], vector<16xf32>,
        %parallel_loop3A_735 = arith.constant 4 : i32
        %parallel_loop3A_736 = arith.index_cast %parallel_loop3A_690 : i32 to index
        %parallel_loop3A_737 = arith.index_cast %parallel_loop3A_735 : i32 to index
        %parallel_loop3A_738 = arith.constant 0 : index
        %parallel_loop3A_739 = tpu.vector_load %arg10[%parallel_loop3A_736, %parallel_loop3A_737, %parallel_loop3A_738] {strides = array<i32>} : memref<32x8x128xf32, #tpu.memory_space<vmem>>, vector<16xf32>,
        tpu.vector_store %arg10[%parallel_loop3A_736, %parallel_loop3A_737, %parallel_loop3A_738], %parallel_loop3A_734 {strides = array<i32>} : memref<32x8x128xf32, #tpu.memory_space<vmem>>, vector<16xf32>,
        %parallel_loop3A_740 = arith.constant 256 : i32
        %parallel_loop3A_741 = arith.addi %parallel_loop3A_692, %parallel_loop3A_740 : i32
        %parallel_loop3A_742 = arith.constant 0 : i32
        %parallel_loop3A_743 = arith.addi %parallel_loop3A_741, %parallel_loop3A_742 : i32
        %parallel_loop3A_744 = arith.index_cast %parallel_loop3A_743 : i32 to index
        %parallel_loop3A_745 = tpu.vector_load %arg8[%parallel_loop3A_744] {strides = array<i32>} : memref<16384xf32, #tpu.memory_space<vmem>>, vector<16xf32>,
        %parallel_loop3A_746 = arith.constant 2 : i32
        %parallel_loop3A_747 = arith.index_cast %parallel_loop3A_690 : i32 to index
        %parallel_loop3A_748 = arith.index_cast %parallel_loop3A_746 : i32 to index
        %parallel_loop3A_749 = arith.constant 0 : index
        %parallel_loop3A_750 = tpu.vector_load %arg10[%parallel_loop3A_747, %parallel_loop3A_748, %parallel_loop3A_749] {strides = array<i32>} : memref<32x8x128xf32, #tpu.memory_space<vmem>>, vector<16xf32>,
        tpu.vector_store %arg10[%parallel_loop3A_747, %parallel_loop3A_748, %parallel_loop3A_749], %parallel_loop3A_745 {strides = array<i32>} : memref<32x8x128xf32, #tpu.memory_space<vmem>>, vector<16xf32>,
        %parallel_loop3A_751 = tpu.vector_load_idx %arg7[%parallel_loop3A_705] : memref<256xf32, #tpu.memory_space<vmem>>[vector<16xi32>], vector<16xf32>,
        %parallel_loop3A_752 = arith.constant 5 : i32
        %parallel_loop3A_753 = arith.index_cast %parallel_loop3A_690 : i32 to index
        %parallel_loop3A_754 = arith.index_cast %parallel_loop3A_752 : i32 to index
        %parallel_loop3A_755 = arith.constant 0 : index
        %parallel_loop3A_756 = tpu.vector_load %arg10[%parallel_loop3A_753, %parallel_loop3A_754, %parallel_loop3A_755] {strides = array<i32>} : memref<32x8x128xf32, #tpu.memory_space<vmem>>, vector<16xf32>,
        tpu.vector_store %arg10[%parallel_loop3A_753, %parallel_loop3A_754, %parallel_loop3A_755], %parallel_loop3A_751 {strides = array<i32>} : memref<32x8x128xf32, #tpu.memory_space<vmem>>, vector<16xf32>,
        %parallel_loop3A_757 = arith.constant 384 : i32
        %parallel_loop3A_758 = arith.addi %parallel_loop3A_692, %parallel_loop3A_757 : i32
        %parallel_loop3A_759 = arith.constant 16 : i32
        %parallel_loop3A_760 = arith.addi %parallel_loop3A_758, %parallel_loop3A_759 : i32
        %parallel_loop3A_761 = arith.index_cast %parallel_loop3A_760 : i32 to index
        %parallel_loop3A_762 = tpu.vector_load %arg8[%parallel_loop3A_761] {strides = array<i32>} : memref<16384xf32, #tpu.memory_space<vmem>>, vector<16xf32>,
        %parallel_loop3A_763 = arith.fptosi %parallel_loop3A_762 : vector<16xf32> to vector<16xi32>
        %parallel_loop3A_764 = arith.constant 0 : i32
        %parallel_loop3A_765 = arith.constant 255 : i32
        %parallel_loop3A_766 = vector.broadcast %parallel_loop3A_764 : i32 to vector<16xi32>
        %parallel_loop3A_767 = arith.maxsi %parallel_loop3A_766, %parallel_loop3A_763 : vector<16xi32>
        %parallel_loop3A_768 = vector.broadcast %parallel_loop3A_765 : i32 to vector<16xi32>
        %parallel_loop3A_769 = arith.minsi %parallel_loop3A_768, %parallel_loop3A_767 : vector<16xi32>
        %parallel_loop3A_770 = arith.constant 0 : i32
        %parallel_loop3A_771 = arith.addi %parallel_loop3A_692, %parallel_loop3A_770 : i32
        %parallel_loop3A_772 = arith.constant 16 : i32
        %parallel_loop3A_773 = arith.addi %parallel_loop3A_771, %parallel_loop3A_772 : i32
        %parallel_loop3A_774 = arith.index_cast %parallel_loop3A_773 : i32 to index
        %parallel_loop3A_775 = tpu.vector_load %arg8[%parallel_loop3A_774] {strides = array<i32>} : memref<16384xf32, #tpu.memory_space<vmem>>, vector<16xf32>,
        %parallel_loop3A_776 = arith.constant 0 : i32
        %parallel_loop3A_777 = arith.index_cast %parallel_loop3A_690 : i32 to index
        %parallel_loop3A_778 = arith.index_cast %parallel_loop3A_776 : i32 to index
        %parallel_loop3A_779 = arith.constant 16 : index
        %parallel_loop3A_780 = tpu.vector_load %arg10[%parallel_loop3A_777, %parallel_loop3A_778, %parallel_loop3A_779] {strides = array<i32>} : memref<32x8x128xf32, #tpu.memory_space<vmem>>, vector<16xf32>,
        tpu.vector_store %arg10[%parallel_loop3A_777, %parallel_loop3A_778, %parallel_loop3A_779], %parallel_loop3A_775 {strides = array<i32>} : memref<32x8x128xf32, #tpu.memory_space<vmem>>, vector<16xf32>,
        %parallel_loop3A_781 = tpu.vector_load_idx %arg5[%parallel_loop3A_769] : memref<256xf32, #tpu.memory_space<vmem>>[vector<16xi32>], vector<16xf32>,
        %parallel_loop3A_782 = arith.constant 3 : i32
        %parallel_loop3A_783 = arith.index_cast %parallel_loop3A_690 : i32 to index
        %parallel_loop3A_784 = arith.index_cast %parallel_loop3A_782 : i32 to index
        %parallel_loop3A_785 = arith.constant 16 : index
        %parallel_loop3A_786 = tpu.vector_load %arg10[%parallel_loop3A_783, %parallel_loop3A_784, %parallel_loop3A_785] {strides = array<i32>} : memref<32x8x128xf32, #tpu.memory_space<vmem>>, vector<16xf32>,
        tpu.vector_store %arg10[%parallel_loop3A_783, %parallel_loop3A_784, %parallel_loop3A_785], %parallel_loop3A_781 {strides = array<i32>} : memref<32x8x128xf32, #tpu.memory_space<vmem>>, vector<16xf32>,
        %parallel_loop3A_787 = arith.constant 128 : i32
        %parallel_loop3A_788 = arith.addi %parallel_loop3A_692, %parallel_loop3A_787 : i32
        %parallel_loop3A_789 = arith.constant 16 : i32
        %parallel_loop3A_790 = arith.addi %parallel_loop3A_788, %parallel_loop3A_789 : i32
        %parallel_loop3A_791 = arith.index_cast %parallel_loop3A_790 : i32 to index
        %parallel_loop3A_792 = tpu.vector_load %arg8[%parallel_loop3A_791] {strides = array<i32>} : memref<16384xf32, #tpu.memory_space<vmem>>, vector<16xf32>,
        %parallel_loop3A_793 = arith.constant 1 : i32
        %parallel_loop3A_794 = arith.index_cast %parallel_loop3A_690 : i32 to index
        %parallel_loop3A_795 = arith.index_cast %parallel_loop3A_793 : i32 to index
        %parallel_loop3A_796 = arith.constant 16 : index
        %parallel_loop3A_797 = tpu.vector_load %arg10[%parallel_loop3A_794, %parallel_loop3A_795, %parallel_loop3A_796] {strides = array<i32>} : memref<32x8x128xf32, #tpu.memory_space<vmem>>, vector<16xf32>,
        tpu.vector_store %arg10[%parallel_loop3A_794, %parallel_loop3A_795, %parallel_loop3A_796], %parallel_loop3A_792 {strides = array<i32>} : memref<32x8x128xf32, #tpu.memory_space<vmem>>, vector<16xf32>,
        %parallel_loop3A_798 = tpu.vector_load_idx %arg6[%parallel_loop3A_769] : memref<256xf32, #tpu.memory_space<vmem>>[vector<16xi32>], vector<16xf32>,
        %parallel_loop3A_799 = arith.constant 4 : i32
        %parallel_loop3A_800 = arith.index_cast %parallel_loop3A_690 : i32 to index
        %parallel_loop3A_801 = arith.index_cast %parallel_loop3A_799 : i32 to index
        %parallel_loop3A_802 = arith.constant 16 : index
        %parallel_loop3A_803 = tpu.vector_load %arg10[%parallel_loop3A_800, %parallel_loop3A_801, %parallel_loop3A_802] {strides = array<i32>} : memref<32x8x128xf32, #tpu.memory_space<vmem>>, vector<16xf32>,
        tpu.vector_store %arg10[%parallel_loop3A_800, %parallel_loop3A_801, %parallel_loop3A_802], %parallel_loop3A_798 {strides = array<i32>} : memref<32x8x128xf32, #tpu.memory_space<vmem>>, vector<16xf32>,
        %parallel_loop3A_804 = arith.constant 256 : i32
        %parallel_loop3A_805 = arith.addi %parallel_loop3A_692, %parallel_loop3A_804 : i32
        %parallel_loop3A_806 = arith.constant 16 : i32
        %parallel_loop3A_807 = arith.addi %parallel_loop3A_805, %parallel_loop3A_806 : i32
        %parallel_loop3A_808 = arith.index_cast %parallel_loop3A_807 : i32 to index
        %parallel_loop3A_809 = tpu.vector_load %arg8[%parallel_loop3A_808] {strides = array<i32>} : memref<16384xf32, #tpu.memory_space<vmem>>, vector<16xf32>,
        %parallel_loop3A_810 = arith.constant 2 : i32
        %parallel_loop3A_811 = arith.index_cast %parallel_loop3A_690 : i32 to index
        %parallel_loop3A_812 = arith.index_cast %parallel_loop3A_810 : i32 to index
        %parallel_loop3A_813 = arith.constant 16 : index
        %parallel_loop3A_814 = tpu.vector_load %arg10[%parallel_loop3A_811, %parallel_loop3A_812, %parallel_loop3A_813] {strides = array<i32>} : memref<32x8x128xf32, #tpu.memory_space<vmem>>, vector<16xf32>,
        tpu.vector_store %arg10[%parallel_loop3A_811, %parallel_loop3A_812, %parallel_loop3A_813], %parallel_loop3A_809 {strides = array<i32>} : memref<32x8x128xf32, #tpu.memory_space<vmem>>, vector<16xf32>,
        %parallel_loop3A_815 = tpu.vector_load_idx %arg7[%parallel_loop3A_769] : memref<256xf32, #tpu.memory_space<vmem>>[vector<16xi32>], vector<16xf32>,
        %parallel_loop3A_816 = arith.constant 5 : i32
        %parallel_loop3A_817 = arith.index_cast %parallel_loop3A_690 : i32 to index
        %parallel_loop3A_818 = arith.index_cast %parallel_loop3A_816 : i32 to index
        %parallel_loop3A_819 = arith.constant 16 : index
        %parallel_loop3A_820 = tpu.vector_load %arg10[%parallel_loop3A_817, %parallel_loop3A_818, %parallel_loop3A_819] {strides = array<i32>} : memref<32x8x128xf32, #tpu.memory_space<vmem>>, vector<16xf32>,
        tpu.vector_store %arg10[%parallel_loop3A_817, %parallel_loop3A_818, %parallel_loop3A_819], %parallel_loop3A_815 {strides = array<i32>} : memref<32x8x128xf32, #tpu.memory_space<vmem>>, vector<16xf32>,
        %parallel_loop3A_821 = arith.constant 384 : i32
        %parallel_loop3A_822 = arith.addi %parallel_loop3A_692, %parallel_loop3A_821 : i32
        %parallel_loop3A_823 = arith.constant 32 : i32
        %parallel_loop3A_824 = arith.addi %parallel_loop3A_822, %parallel_loop3A_823 : i32
        %parallel_loop3A_825 = arith.index_cast %parallel_loop3A_824 : i32 to index
        %parallel_loop3A_826 = tpu.vector_load %arg8[%parallel_loop3A_825] {strides = array<i32>} : memref<16384xf32, #tpu.memory_space<vmem>>, vector<16xf32>,
        %parallel_loop3A_827 = arith.fptosi %parallel_loop3A_826 : vector<16xf32> to vector<16xi32>
        %parallel_loop3A_828 = arith.constant 0 : i32
        %parallel_loop3A_829 = arith.constant 255 : i32
        %parallel_loop3A_830 = vector.broadcast %parallel_loop3A_828 : i32 to vector<16xi32>
        %parallel_loop3A_831 = arith.maxsi %parallel_loop3A_830, %parallel_loop3A_827 : vector<16xi32>
        %parallel_loop3A_832 = vector.broadcast %parallel_loop3A_829 : i32 to vector<16xi32>
        %parallel_loop3A_833 = arith.minsi %parallel_loop3A_832, %parallel_loop3A_831 : vector<16xi32>
        %parallel_loop3A_834 = arith.constant 0 : i32
        %parallel_loop3A_835 = arith.addi %parallel_loop3A_692, %parallel_loop3A_834 : i32
        %parallel_loop3A_836 = arith.constant 32 : i32
        %parallel_loop3A_837 = arith.addi %parallel_loop3A_835, %parallel_loop3A_836 : i32
        %parallel_loop3A_838 = arith.index_cast %parallel_loop3A_837 : i32 to index
        %parallel_loop3A_839 = tpu.vector_load %arg8[%parallel_loop3A_838] {strides = array<i32>} : memref<16384xf32, #tpu.memory_space<vmem>>, vector<16xf32>,
        %parallel_loop3A_840 = arith.constant 0 : i32
        %parallel_loop3A_841 = arith.index_cast %parallel_loop3A_690 : i32 to index
        %parallel_loop3A_842 = arith.index_cast %parallel_loop3A_840 : i32 to index
        %parallel_loop3A_843 = arith.constant 32 : index
        %parallel_loop3A_844 = tpu.vector_load %arg10[%parallel_loop3A_841, %parallel_loop3A_842, %parallel_loop3A_843] {strides = array<i32>} : memref<32x8x128xf32, #tpu.memory_space<vmem>>, vector<16xf32>,
        tpu.vector_store %arg10[%parallel_loop3A_841, %parallel_loop3A_842, %parallel_loop3A_843], %parallel_loop3A_839 {strides = array<i32>} : memref<32x8x128xf32, #tpu.memory_space<vmem>>, vector<16xf32>,
        %parallel_loop3A_845 = tpu.vector_load_idx %arg5[%parallel_loop3A_833] : memref<256xf32, #tpu.memory_space<vmem>>[vector<16xi32>], vector<16xf32>,
        %parallel_loop3A_846 = arith.constant 3 : i32
        %parallel_loop3A_847 = arith.index_cast %parallel_loop3A_690 : i32 to index
        %parallel_loop3A_848 = arith.index_cast %parallel_loop3A_846 : i32 to index
        %parallel_loop3A_849 = arith.constant 32 : index
        %parallel_loop3A_850 = tpu.vector_load %arg10[%parallel_loop3A_847, %parallel_loop3A_848, %parallel_loop3A_849] {strides = array<i32>} : memref<32x8x128xf32, #tpu.memory_space<vmem>>, vector<16xf32>,
        tpu.vector_store %arg10[%parallel_loop3A_847, %parallel_loop3A_848, %parallel_loop3A_849], %parallel_loop3A_845 {strides = array<i32>} : memref<32x8x128xf32, #tpu.memory_space<vmem>>, vector<16xf32>,
        %parallel_loop3A_851 = arith.constant 128 : i32
        %parallel_loop3A_852 = arith.addi %parallel_loop3A_692, %parallel_loop3A_851 : i32
        %parallel_loop3A_853 = arith.constant 32 : i32
        %parallel_loop3A_854 = arith.addi %parallel_loop3A_852, %parallel_loop3A_853 : i32
        %parallel_loop3A_855 = arith.index_cast %parallel_loop3A_854 : i32 to index
        %parallel_loop3A_856 = tpu.vector_load %arg8[%parallel_loop3A_855] {strides = array<i32>} : memref<16384xf32, #tpu.memory_space<vmem>>, vector<16xf32>,
        %parallel_loop3A_857 = arith.constant 1 : i32
        %parallel_loop3A_858 = arith.index_cast %parallel_loop3A_690 : i32 to index
        %parallel_loop3A_859 = arith.index_cast %parallel_loop3A_857 : i32 to index
        %parallel_loop3A_860 = arith.constant 32 : index
        %parallel_loop3A_861 = tpu.vector_load %arg10[%parallel_loop3A_858, %parallel_loop3A_859, %parallel_loop3A_860] {strides = array<i32>} : memref<32x8x128xf32, #tpu.memory_space<vmem>>, vector<16xf32>,
        tpu.vector_store %arg10[%parallel_loop3A_858, %parallel_loop3A_859, %parallel_loop3A_860], %parallel_loop3A_856 {strides = array<i32>} : memref<32x8x128xf32, #tpu.memory_space<vmem>>, vector<16xf32>,
        %parallel_loop3A_862 = tpu.vector_load_idx %arg6[%parallel_loop3A_833] : memref<256xf32, #tpu.memory_space<vmem>>[vector<16xi32>], vector<16xf32>,
        %parallel_loop3A_863 = arith.constant 4 : i32
        %parallel_loop3A_864 = arith.index_cast %parallel_loop3A_690 : i32 to index
        %parallel_loop3A_865 = arith.index_cast %parallel_loop3A_863 : i32 to index
        %parallel_loop3A_866 = arith.constant 32 : index
        %parallel_loop3A_867 = tpu.vector_load %arg10[%parallel_loop3A_864, %parallel_loop3A_865, %parallel_loop3A_866] {strides = array<i32>} : memref<32x8x128xf32, #tpu.memory_space<vmem>>, vector<16xf32>,
        tpu.vector_store %arg10[%parallel_loop3A_864, %parallel_loop3A_865, %parallel_loop3A_866], %parallel_loop3A_862 {strides = array<i32>} : memref<32x8x128xf32, #tpu.memory_space<vmem>>, vector<16xf32>,
        %parallel_loop3A_868 = arith.constant 256 : i32
        %parallel_loop3A_869 = arith.addi %parallel_loop3A_692, %parallel_loop3A_868 : i32
        %parallel_loop3A_870 = arith.constant 32 : i32
        %parallel_loop3A_871 = arith.addi %parallel_loop3A_869, %parallel_loop3A_870 : i32
        %parallel_loop3A_872 = arith.index_cast %parallel_loop3A_871 : i32 to index
        %parallel_loop3A_873 = tpu.vector_load %arg8[%parallel_loop3A_872] {strides = array<i32>} : memref<16384xf32, #tpu.memory_space<vmem>>, vector<16xf32>,
        %parallel_loop3A_874 = arith.constant 2 : i32
        %parallel_loop3A_875 = arith.index_cast %parallel_loop3A_690 : i32 to index
        %parallel_loop3A_876 = arith.index_cast %parallel_loop3A_874 : i32 to index
        %parallel_loop3A_877 = arith.constant 32 : index
        %parallel_loop3A_878 = tpu.vector_load %arg10[%parallel_loop3A_875, %parallel_loop3A_876, %parallel_loop3A_877] {strides = array<i32>} : memref<32x8x128xf32, #tpu.memory_space<vmem>>, vector<16xf32>,
        tpu.vector_store %arg10[%parallel_loop3A_875, %parallel_loop3A_876, %parallel_loop3A_877], %parallel_loop3A_873 {strides = array<i32>} : memref<32x8x128xf32, #tpu.memory_space<vmem>>, vector<16xf32>,
        %parallel_loop3A_879 = tpu.vector_load_idx %arg7[%parallel_loop3A_833] : memref<256xf32, #tpu.memory_space<vmem>>[vector<16xi32>], vector<16xf32>,
        %parallel_loop3A_880 = arith.constant 5 : i32
        %parallel_loop3A_881 = arith.index_cast %parallel_loop3A_690 : i32 to index
        %parallel_loop3A_882 = arith.index_cast %parallel_loop3A_880 : i32 to index
        %parallel_loop3A_883 = arith.constant 32 : index
        %parallel_loop3A_884 = tpu.vector_load %arg10[%parallel_loop3A_881, %parallel_loop3A_882, %parallel_loop3A_883] {strides = array<i32>} : memref<32x8x128xf32, #tpu.memory_space<vmem>>, vector<16xf32>,
        tpu.vector_store %arg10[%parallel_loop3A_881, %parallel_loop3A_882, %parallel_loop3A_883], %parallel_loop3A_879 {strides = array<i32>} : memref<32x8x128xf32, #tpu.memory_space<vmem>>, vector<16xf32>,
        %parallel_loop3A_885 = arith.constant 384 : i32
        %parallel_loop3A_886 = arith.addi %parallel_loop3A_692, %parallel_loop3A_885 : i32
        %parallel_loop3A_887 = arith.constant 48 : i32
        %parallel_loop3A_888 = arith.addi %parallel_loop3A_886, %parallel_loop3A_887 : i32
        %parallel_loop3A_889 = arith.index_cast %parallel_loop3A_888 : i32 to index
        %parallel_loop3A_890 = tpu.vector_load %arg8[%parallel_loop3A_889] {strides = array<i32>} : memref<16384xf32, #tpu.memory_space<vmem>>, vector<16xf32>,
        %parallel_loop3A_891 = arith.fptosi %parallel_loop3A_890 : vector<16xf32> to vector<16xi32>
        %parallel_loop3A_892 = arith.constant 0 : i32
        %parallel_loop3A_893 = arith.constant 255 : i32
        %parallel_loop3A_894 = vector.broadcast %parallel_loop3A_892 : i32 to vector<16xi32>
        %parallel_loop3A_895 = arith.maxsi %parallel_loop3A_894, %parallel_loop3A_891 : vector<16xi32>
        %parallel_loop3A_896 = vector.broadcast %parallel_loop3A_893 : i32 to vector<16xi32>
        %parallel_loop3A_897 = arith.minsi %parallel_loop3A_896, %parallel_loop3A_895 : vector<16xi32>
        %parallel_loop3A_898 = arith.constant 0 : i32
        %parallel_loop3A_899 = arith.addi %parallel_loop3A_692, %parallel_loop3A_898 : i32
        %parallel_loop3A_900 = arith.constant 48 : i32
        %parallel_loop3A_901 = arith.addi %parallel_loop3A_899, %parallel_loop3A_900 : i32
        %parallel_loop3A_902 = arith.index_cast %parallel_loop3A_901 : i32 to index
        %parallel_loop3A_903 = tpu.vector_load %arg8[%parallel_loop3A_902] {strides = array<i32>} : memref<16384xf32, #tpu.memory_space<vmem>>, vector<16xf32>,
        %parallel_loop3A_904 = arith.constant 0 : i32
        %parallel_loop3A_905 = arith.index_cast %parallel_loop3A_690 : i32 to index
        %parallel_loop3A_906 = arith.index_cast %parallel_loop3A_904 : i32 to index
        %parallel_loop3A_907 = arith.constant 48 : index
        %parallel_loop3A_908 = tpu.vector_load %arg10[%parallel_loop3A_905, %parallel_loop3A_906, %parallel_loop3A_907] {strides = array<i32>} : memref<32x8x128xf32, #tpu.memory_space<vmem>>, vector<16xf32>,
        tpu.vector_store %arg10[%parallel_loop3A_905, %parallel_loop3A_906, %parallel_loop3A_907], %parallel_loop3A_903 {strides = array<i32>} : memref<32x8x128xf32, #tpu.memory_space<vmem>>, vector<16xf32>,
        %parallel_loop3A_909 = tpu.vector_load_idx %arg5[%parallel_loop3A_897] : memref<256xf32, #tpu.memory_space<vmem>>[vector<16xi32>], vector<16xf32>,
        %parallel_loop3A_910 = arith.constant 3 : i32
        %parallel_loop3A_911 = arith.index_cast %parallel_loop3A_690 : i32 to index
        %parallel_loop3A_912 = arith.index_cast %parallel_loop3A_910 : i32 to index
        %parallel_loop3A_913 = arith.constant 48 : index
        %parallel_loop3A_914 = tpu.vector_load %arg10[%parallel_loop3A_911, %parallel_loop3A_912, %parallel_loop3A_913] {strides = array<i32>} : memref<32x8x128xf32, #tpu.memory_space<vmem>>, vector<16xf32>,
        tpu.vector_store %arg10[%parallel_loop3A_911, %parallel_loop3A_912, %parallel_loop3A_913], %parallel_loop3A_909 {strides = array<i32>} : memref<32x8x128xf32, #tpu.memory_space<vmem>>, vector<16xf32>,
        %parallel_loop3A_915 = arith.constant 128 : i32
        %parallel_loop3A_916 = arith.addi %parallel_loop3A_692, %parallel_loop3A_915 : i32
        %parallel_loop3A_917 = arith.constant 48 : i32
        %parallel_loop3A_918 = arith.addi %parallel_loop3A_916, %parallel_loop3A_917 : i32
        %parallel_loop3A_919 = arith.index_cast %parallel_loop3A_918 : i32 to index
        %parallel_loop3A_920 = tpu.vector_load %arg8[%parallel_loop3A_919] {strides = array<i32>} : memref<16384xf32, #tpu.memory_space<vmem>>, vector<16xf32>,
        %parallel_loop3A_921 = arith.constant 1 : i32
        %parallel_loop3A_922 = arith.index_cast %parallel_loop3A_690 : i32 to index
        %parallel_loop3A_923 = arith.index_cast %parallel_loop3A_921 : i32 to index
        %parallel_loop3A_924 = arith.constant 48 : index
        %parallel_loop3A_925 = tpu.vector_load %arg10[%parallel_loop3A_922, %parallel_loop3A_923, %parallel_loop3A_924] {strides = array<i32>} : memref<32x8x128xf32, #tpu.memory_space<vmem>>, vector<16xf32>,
        tpu.vector_store %arg10[%parallel_loop3A_922, %parallel_loop3A_923, %parallel_loop3A_924], %parallel_loop3A_920 {strides = array<i32>} : memref<32x8x128xf32, #tpu.memory_space<vmem>>, vector<16xf32>,
        %parallel_loop3A_926 = tpu.vector_load_idx %arg6[%parallel_loop3A_897] : memref<256xf32, #tpu.memory_space<vmem>>[vector<16xi32>], vector<16xf32>,
        %parallel_loop3A_927 = arith.constant 4 : i32
        %parallel_loop3A_928 = arith.index_cast %parallel_loop3A_690 : i32 to index
        %parallel_loop3A_929 = arith.index_cast %parallel_loop3A_927 : i32 to index
        %parallel_loop3A_930 = arith.constant 48 : index
        %parallel_loop3A_931 = tpu.vector_load %arg10[%parallel_loop3A_928, %parallel_loop3A_929, %parallel_loop3A_930] {strides = array<i32>} : memref<32x8x128xf32, #tpu.memory_space<vmem>>, vector<16xf32>,
        tpu.vector_store %arg10[%parallel_loop3A_928, %parallel_loop3A_929, %parallel_loop3A_930], %parallel_loop3A_926 {strides = array<i32>} : memref<32x8x128xf32, #tpu.memory_space<vmem>>, vector<16xf32>,
        %parallel_loop3A_932 = arith.constant 256 : i32
        %parallel_loop3A_933 = arith.addi %parallel_loop3A_692, %parallel_loop3A_932 : i32
        %parallel_loop3A_934 = arith.constant 48 : i32
        %parallel_loop3A_935 = arith.addi %parallel_loop3A_933, %parallel_loop3A_934 : i32
        %parallel_loop3A_936 = arith.index_cast %parallel_loop3A_935 : i32 to index
        %parallel_loop3A_937 = tpu.vector_load %arg8[%parallel_loop3A_936] {strides = array<i32>} : memref<16384xf32, #tpu.memory_space<vmem>>, vector<16xf32>,
        %parallel_loop3A_938 = arith.constant 2 : i32
        %parallel_loop3A_939 = arith.index_cast %parallel_loop3A_690 : i32 to index
        %parallel_loop3A_940 = arith.index_cast %parallel_loop3A_938 : i32 to index
        %parallel_loop3A_941 = arith.constant 48 : index
        %parallel_loop3A_942 = tpu.vector_load %arg10[%parallel_loop3A_939, %parallel_loop3A_940, %parallel_loop3A_941] {strides = array<i32>} : memref<32x8x128xf32, #tpu.memory_space<vmem>>, vector<16xf32>,
        tpu.vector_store %arg10[%parallel_loop3A_939, %parallel_loop3A_940, %parallel_loop3A_941], %parallel_loop3A_937 {strides = array<i32>} : memref<32x8x128xf32, #tpu.memory_space<vmem>>, vector<16xf32>,
        %parallel_loop3A_943 = tpu.vector_load_idx %arg7[%parallel_loop3A_897] : memref<256xf32, #tpu.memory_space<vmem>>[vector<16xi32>], vector<16xf32>,
        %parallel_loop3A_944 = arith.constant 5 : i32
        %parallel_loop3A_945 = arith.index_cast %parallel_loop3A_690 : i32 to index
        %parallel_loop3A_946 = arith.index_cast %parallel_loop3A_944 : i32 to index
        %parallel_loop3A_947 = arith.constant 48 : index
        %parallel_loop3A_948 = tpu.vector_load %arg10[%parallel_loop3A_945, %parallel_loop3A_946, %parallel_loop3A_947] {strides = array<i32>} : memref<32x8x128xf32, #tpu.memory_space<vmem>>, vector<16xf32>,
        tpu.vector_store %arg10[%parallel_loop3A_945, %parallel_loop3A_946, %parallel_loop3A_947], %parallel_loop3A_943 {strides = array<i32>} : memref<32x8x128xf32, #tpu.memory_space<vmem>>, vector<16xf32>,
        %parallel_loop3A_949 = arith.constant 384 : i32
        %parallel_loop3A_950 = arith.addi %parallel_loop3A_692, %parallel_loop3A_949 : i32
        %parallel_loop3A_951 = arith.constant 64 : i32
        %parallel_loop3A_952 = arith.addi %parallel_loop3A_950, %parallel_loop3A_951 : i32
        %parallel_loop3A_953 = arith.index_cast %parallel_loop3A_952 : i32 to index
        %parallel_loop3A_954 = tpu.vector_load %arg8[%parallel_loop3A_953] {strides = array<i32>} : memref<16384xf32, #tpu.memory_space<vmem>>, vector<16xf32>,
        %parallel_loop3A_955 = arith.fptosi %parallel_loop3A_954 : vector<16xf32> to vector<16xi32>
        %parallel_loop3A_956 = arith.constant 0 : i32
        %parallel_loop3A_957 = arith.constant 255 : i32
        %parallel_loop3A_958 = vector.broadcast %parallel_loop3A_956 : i32 to vector<16xi32>
        %parallel_loop3A_959 = arith.maxsi %parallel_loop3A_958, %parallel_loop3A_955 : vector<16xi32>
        %parallel_loop3A_960 = vector.broadcast %parallel_loop3A_957 : i32 to vector<16xi32>
        %parallel_loop3A_961 = arith.minsi %parallel_loop3A_960, %parallel_loop3A_959 : vector<16xi32>
        %parallel_loop3A_962 = arith.constant 0 : i32
        %parallel_loop3A_963 = arith.addi %parallel_loop3A_692, %parallel_loop3A_962 : i32
        %parallel_loop3A_964 = arith.constant 64 : i32
        %parallel_loop3A_965 = arith.addi %parallel_loop3A_963, %parallel_loop3A_964 : i32
        %parallel_loop3A_966 = arith.index_cast %parallel_loop3A_965 : i32 to index
        %parallel_loop3A_967 = tpu.vector_load %arg8[%parallel_loop3A_966] {strides = array<i32>} : memref<16384xf32, #tpu.memory_space<vmem>>, vector<16xf32>,
        %parallel_loop3A_968 = arith.constant 0 : i32
        %parallel_loop3A_969 = arith.index_cast %parallel_loop3A_690 : i32 to index
        %parallel_loop3A_970 = arith.index_cast %parallel_loop3A_968 : i32 to index
        %parallel_loop3A_971 = arith.constant 64 : index
        %parallel_loop3A_972 = tpu.vector_load %arg10[%parallel_loop3A_969, %parallel_loop3A_970, %parallel_loop3A_971] {strides = array<i32>} : memref<32x8x128xf32, #tpu.memory_space<vmem>>, vector<16xf32>,
        tpu.vector_store %arg10[%parallel_loop3A_969, %parallel_loop3A_970, %parallel_loop3A_971], %parallel_loop3A_967 {strides = array<i32>} : memref<32x8x128xf32, #tpu.memory_space<vmem>>, vector<16xf32>,
        %parallel_loop3A_973 = tpu.vector_load_idx %arg5[%parallel_loop3A_961] : memref<256xf32, #tpu.memory_space<vmem>>[vector<16xi32>], vector<16xf32>,
        %parallel_loop3A_974 = arith.constant 3 : i32
        %parallel_loop3A_975 = arith.index_cast %parallel_loop3A_690 : i32 to index
        %parallel_loop3A_976 = arith.index_cast %parallel_loop3A_974 : i32 to index
        %parallel_loop3A_977 = arith.constant 64 : index
        %parallel_loop3A_978 = tpu.vector_load %arg10[%parallel_loop3A_975, %parallel_loop3A_976, %parallel_loop3A_977] {strides = array<i32>} : memref<32x8x128xf32, #tpu.memory_space<vmem>>, vector<16xf32>,
        tpu.vector_store %arg10[%parallel_loop3A_975, %parallel_loop3A_976, %parallel_loop3A_977], %parallel_loop3A_973 {strides = array<i32>} : memref<32x8x128xf32, #tpu.memory_space<vmem>>, vector<16xf32>,
        %parallel_loop3A_979 = arith.constant 128 : i32
        %parallel_loop3A_980 = arith.addi %parallel_loop3A_692, %parallel_loop3A_979 : i32
        %parallel_loop3A_981 = arith.constant 64 : i32
        %parallel_loop3A_982 = arith.addi %parallel_loop3A_980, %parallel_loop3A_981 : i32
        %parallel_loop3A_983 = arith.index_cast %parallel_loop3A_982 : i32 to index
        %parallel_loop3A_984 = tpu.vector_load %arg8[%parallel_loop3A_983] {strides = array<i32>} : memref<16384xf32, #tpu.memory_space<vmem>>, vector<16xf32>,
        %parallel_loop3A_985 = arith.constant 1 : i32
        %parallel_loop3A_986 = arith.index_cast %parallel_loop3A_690 : i32 to index
        %parallel_loop3A_987 = arith.index_cast %parallel_loop3A_985 : i32 to index
        %parallel_loop3A_988 = arith.constant 64 : index
        %parallel_loop3A_989 = tpu.vector_load %arg10[%parallel_loop3A_986, %parallel_loop3A_987, %parallel_loop3A_988] {strides = array<i32>} : memref<32x8x128xf32, #tpu.memory_space<vmem>>, vector<16xf32>,
        tpu.vector_store %arg10[%parallel_loop3A_986, %parallel_loop3A_987, %parallel_loop3A_988], %parallel_loop3A_984 {strides = array<i32>} : memref<32x8x128xf32, #tpu.memory_space<vmem>>, vector<16xf32>,
        %parallel_loop3A_990 = tpu.vector_load_idx %arg6[%parallel_loop3A_961] : memref<256xf32, #tpu.memory_space<vmem>>[vector<16xi32>], vector<16xf32>,
        %parallel_loop3A_991 = arith.constant 4 : i32
        %parallel_loop3A_992 = arith.index_cast %parallel_loop3A_690 : i32 to index
        %parallel_loop3A_993 = arith.index_cast %parallel_loop3A_991 : i32 to index
        %parallel_loop3A_994 = arith.constant 64 : index
        %parallel_loop3A_995 = tpu.vector_load %arg10[%parallel_loop3A_992, %parallel_loop3A_993, %parallel_loop3A_994] {strides = array<i32>} : memref<32x8x128xf32, #tpu.memory_space<vmem>>, vector<16xf32>,
        tpu.vector_store %arg10[%parallel_loop3A_992, %parallel_loop3A_993, %parallel_loop3A_994], %parallel_loop3A_990 {strides = array<i32>} : memref<32x8x128xf32, #tpu.memory_space<vmem>>, vector<16xf32>,
        %parallel_loop3A_996 = arith.constant 256 : i32
        %parallel_loop3A_997 = arith.addi %parallel_loop3A_692, %parallel_loop3A_996 : i32
        %parallel_loop3A_998 = arith.constant 64 : i32
        %parallel_loop3A_999 = arith.addi %parallel_loop3A_997, %parallel_loop3A_998 : i32
        %parallel_loop3A_1000 = arith.index_cast %parallel_loop3A_999 : i32 to index
        %parallel_loop3A_1001 = tpu.vector_load %arg8[%parallel_loop3A_1000] {strides = array<i32>} : memref<16384xf32, #tpu.memory_space<vmem>>, vector<16xf32>,
        %parallel_loop3A_1002 = arith.constant 2 : i32
        %parallel_loop3A_1003 = arith.index_cast %parallel_loop3A_690 : i32 to index
        %parallel_loop3A_1004 = arith.index_cast %parallel_loop3A_1002 : i32 to index
        %parallel_loop3A_1005 = arith.constant 64 : index
        %parallel_loop3A_1006 = tpu.vector_load %arg10[%parallel_loop3A_1003, %parallel_loop3A_1004, %parallel_loop3A_1005] {strides = array<i32>} : memref<32x8x128xf32, #tpu.memory_space<vmem>>, vector<16xf32>,
        tpu.vector_store %arg10[%parallel_loop3A_1003, %parallel_loop3A_1004, %parallel_loop3A_1005], %parallel_loop3A_1001 {strides = array<i32>} : memref<32x8x128xf32, #tpu.memory_space<vmem>>, vector<16xf32>,
        %parallel_loop3A_1007 = tpu.vector_load_idx %arg7[%parallel_loop3A_961] : memref<256xf32, #tpu.memory_space<vmem>>[vector<16xi32>], vector<16xf32>,
        %parallel_loop3A_1008 = arith.constant 5 : i32
        %parallel_loop3A_1009 = arith.index_cast %parallel_loop3A_690 : i32 to index
        %parallel_loop3A_1010 = arith.index_cast %parallel_loop3A_1008 : i32 to index
        %parallel_loop3A_1011 = arith.constant 64 : index
        %parallel_loop3A_1012 = tpu.vector_load %arg10[%parallel_loop3A_1009, %parallel_loop3A_1010, %parallel_loop3A_1011] {strides = array<i32>} : memref<32x8x128xf32, #tpu.memory_space<vmem>>, vector<16xf32>,
        tpu.vector_store %arg10[%parallel_loop3A_1009, %parallel_loop3A_1010, %parallel_loop3A_1011], %parallel_loop3A_1007 {strides = array<i32>} : memref<32x8x128xf32, #tpu.memory_space<vmem>>, vector<16xf32>,
        %parallel_loop3A_1013 = arith.constant 384 : i32
        %parallel_loop3A_1014 = arith.addi %parallel_loop3A_692, %parallel_loop3A_1013 : i32
        %parallel_loop3A_1015 = arith.constant 80 : i32
        %parallel_loop3A_1016 = arith.addi %parallel_loop3A_1014, %parallel_loop3A_1015 : i32
        %parallel_loop3A_1017 = arith.index_cast %parallel_loop3A_1016 : i32 to index
        %parallel_loop3A_1018 = tpu.vector_load %arg8[%parallel_loop3A_1017] {strides = array<i32>} : memref<16384xf32, #tpu.memory_space<vmem>>, vector<16xf32>,
        %parallel_loop3A_1019 = arith.fptosi %parallel_loop3A_1018 : vector<16xf32> to vector<16xi32>
        %parallel_loop3A_1020 = arith.constant 0 : i32
        %parallel_loop3A_1021 = arith.constant 255 : i32
        %parallel_loop3A_1022 = vector.broadcast %parallel_loop3A_1020 : i32 to vector<16xi32>
        %parallel_loop3A_1023 = arith.maxsi %parallel_loop3A_1022, %parallel_loop3A_1019 : vector<16xi32>
        %parallel_loop3A_1024 = vector.broadcast %parallel_loop3A_1021 : i32 to vector<16xi32>
        %parallel_loop3A_1025 = arith.minsi %parallel_loop3A_1024, %parallel_loop3A_1023 : vector<16xi32>
        %parallel_loop3A_1026 = arith.constant 0 : i32
        %parallel_loop3A_1027 = arith.addi %parallel_loop3A_692, %parallel_loop3A_1026 : i32
        %parallel_loop3A_1028 = arith.constant 80 : i32
        %parallel_loop3A_1029 = arith.addi %parallel_loop3A_1027, %parallel_loop3A_1028 : i32
        %parallel_loop3A_1030 = arith.index_cast %parallel_loop3A_1029 : i32 to index
        %parallel_loop3A_1031 = tpu.vector_load %arg8[%parallel_loop3A_1030] {strides = array<i32>} : memref<16384xf32, #tpu.memory_space<vmem>>, vector<16xf32>,
        %parallel_loop3A_1032 = arith.constant 0 : i32
        %parallel_loop3A_1033 = arith.index_cast %parallel_loop3A_690 : i32 to index
        %parallel_loop3A_1034 = arith.index_cast %parallel_loop3A_1032 : i32 to index
        %parallel_loop3A_1035 = arith.constant 80 : index
        %parallel_loop3A_1036 = tpu.vector_load %arg10[%parallel_loop3A_1033, %parallel_loop3A_1034, %parallel_loop3A_1035] {strides = array<i32>} : memref<32x8x128xf32, #tpu.memory_space<vmem>>, vector<16xf32>,
        tpu.vector_store %arg10[%parallel_loop3A_1033, %parallel_loop3A_1034, %parallel_loop3A_1035], %parallel_loop3A_1031 {strides = array<i32>} : memref<32x8x128xf32, #tpu.memory_space<vmem>>, vector<16xf32>,
        %parallel_loop3A_1037 = tpu.vector_load_idx %arg5[%parallel_loop3A_1025] : memref<256xf32, #tpu.memory_space<vmem>>[vector<16xi32>], vector<16xf32>,
        %parallel_loop3A_1038 = arith.constant 3 : i32
        %parallel_loop3A_1039 = arith.index_cast %parallel_loop3A_690 : i32 to index
        %parallel_loop3A_1040 = arith.index_cast %parallel_loop3A_1038 : i32 to index
        %parallel_loop3A_1041 = arith.constant 80 : index
        %parallel_loop3A_1042 = tpu.vector_load %arg10[%parallel_loop3A_1039, %parallel_loop3A_1040, %parallel_loop3A_1041] {strides = array<i32>} : memref<32x8x128xf32, #tpu.memory_space<vmem>>, vector<16xf32>,
        tpu.vector_store %arg10[%parallel_loop3A_1039, %parallel_loop3A_1040, %parallel_loop3A_1041], %parallel_loop3A_1037 {strides = array<i32>} : memref<32x8x128xf32, #tpu.memory_space<vmem>>, vector<16xf32>,
        %parallel_loop3A_1043 = arith.constant 128 : i32
        %parallel_loop3A_1044 = arith.addi %parallel_loop3A_692, %parallel_loop3A_1043 : i32
        %parallel_loop3A_1045 = arith.constant 80 : i32
        %parallel_loop3A_1046 = arith.addi %parallel_loop3A_1044, %parallel_loop3A_1045 : i32
        %parallel_loop3A_1047 = arith.index_cast %parallel_loop3A_1046 : i32 to index
        %parallel_loop3A_1048 = tpu.vector_load %arg8[%parallel_loop3A_1047] {strides = array<i32>} : memref<16384xf32, #tpu.memory_space<vmem>>, vector<16xf32>,
        %parallel_loop3A_1049 = arith.constant 1 : i32
        %parallel_loop3A_1050 = arith.index_cast %parallel_loop3A_690 : i32 to index
        %parallel_loop3A_1051 = arith.index_cast %parallel_loop3A_1049 : i32 to index
        %parallel_loop3A_1052 = arith.constant 80 : index
        %parallel_loop3A_1053 = tpu.vector_load %arg10[%parallel_loop3A_1050, %parallel_loop3A_1051, %parallel_loop3A_1052] {strides = array<i32>} : memref<32x8x128xf32, #tpu.memory_space<vmem>>, vector<16xf32>,
        tpu.vector_store %arg10[%parallel_loop3A_1050, %parallel_loop3A_1051, %parallel_loop3A_1052], %parallel_loop3A_1048 {strides = array<i32>} : memref<32x8x128xf32, #tpu.memory_space<vmem>>, vector<16xf32>,
        %parallel_loop3A_1054 = tpu.vector_load_idx %arg6[%parallel_loop3A_1025] : memref<256xf32, #tpu.memory_space<vmem>>[vector<16xi32>], vector<16xf32>,
        %parallel_loop3A_1055 = arith.constant 4 : i32
        %parallel_loop3A_1056 = arith.index_cast %parallel_loop3A_690 : i32 to index
        %parallel_loop3A_1057 = arith.index_cast %parallel_loop3A_1055 : i32 to index
        %parallel_loop3A_1058 = arith.constant 80 : index
        %parallel_loop3A_1059 = tpu.vector_load %arg10[%parallel_loop3A_1056, %parallel_loop3A_1057, %parallel_loop3A_1058] {strides = array<i32>} : memref<32x8x128xf32, #tpu.memory_space<vmem>>, vector<16xf32>,
        tpu.vector_store %arg10[%parallel_loop3A_1056, %parallel_loop3A_1057, %parallel_loop3A_1058], %parallel_loop3A_1054 {strides = array<i32>} : memref<32x8x128xf32, #tpu.memory_space<vmem>>, vector<16xf32>,
        %parallel_loop3A_1060 = arith.constant 256 : i32
        %parallel_loop3A_1061 = arith.addi %parallel_loop3A_692, %parallel_loop3A_1060 : i32
        %parallel_loop3A_1062 = arith.constant 80 : i32
        %parallel_loop3A_1063 = arith.addi %parallel_loop3A_1061, %parallel_loop3A_1062 : i32
        %parallel_loop3A_1064 = arith.index_cast %parallel_loop3A_1063 : i32 to index
        %parallel_loop3A_1065 = tpu.vector_load %arg8[%parallel_loop3A_1064] {strides = array<i32>} : memref<16384xf32, #tpu.memory_space<vmem>>, vector<16xf32>,
        %parallel_loop3A_1066 = arith.constant 2 : i32
        %parallel_loop3A_1067 = arith.index_cast %parallel_loop3A_690 : i32 to index
        %parallel_loop3A_1068 = arith.index_cast %parallel_loop3A_1066 : i32 to index
        %parallel_loop3A_1069 = arith.constant 80 : index
        %parallel_loop3A_1070 = tpu.vector_load %arg10[%parallel_loop3A_1067, %parallel_loop3A_1068, %parallel_loop3A_1069] {strides = array<i32>} : memref<32x8x128xf32, #tpu.memory_space<vmem>>, vector<16xf32>,
        tpu.vector_store %arg10[%parallel_loop3A_1067, %parallel_loop3A_1068, %parallel_loop3A_1069], %parallel_loop3A_1065 {strides = array<i32>} : memref<32x8x128xf32, #tpu.memory_space<vmem>>, vector<16xf32>,
        %parallel_loop3A_1071 = tpu.vector_load_idx %arg7[%parallel_loop3A_1025] : memref<256xf32, #tpu.memory_space<vmem>>[vector<16xi32>], vector<16xf32>,
        %parallel_loop3A_1072 = arith.constant 5 : i32
        %parallel_loop3A_1073 = arith.index_cast %parallel_loop3A_690 : i32 to index
        %parallel_loop3A_1074 = arith.index_cast %parallel_loop3A_1072 : i32 to index
        %parallel_loop3A_1075 = arith.constant 80 : index
        %parallel_loop3A_1076 = tpu.vector_load %arg10[%parallel_loop3A_1073, %parallel_loop3A_1074, %parallel_loop3A_1075] {strides = array<i32>} : memref<32x8x128xf32, #tpu.memory_space<vmem>>, vector<16xf32>,
        tpu.vector_store %arg10[%parallel_loop3A_1073, %parallel_loop3A_1074, %parallel_loop3A_1075], %parallel_loop3A_1071 {strides = array<i32>} : memref<32x8x128xf32, #tpu.memory_space<vmem>>, vector<16xf32>,
        %parallel_loop3A_1077 = arith.constant 384 : i32
        %parallel_loop3A_1078 = arith.addi %parallel_loop3A_692, %parallel_loop3A_1077 : i32
        %parallel_loop3A_1079 = arith.constant 96 : i32
        %parallel_loop3A_1080 = arith.addi %parallel_loop3A_1078, %parallel_loop3A_1079 : i32
        %parallel_loop3A_1081 = arith.index_cast %parallel_loop3A_1080 : i32 to index
        %parallel_loop3A_1082 = tpu.vector_load %arg8[%parallel_loop3A_1081] {strides = array<i32>} : memref<16384xf32, #tpu.memory_space<vmem>>, vector<16xf32>,
        %parallel_loop3A_1083 = arith.fptosi %parallel_loop3A_1082 : vector<16xf32> to vector<16xi32>
        %parallel_loop3A_1084 = arith.constant 0 : i32
        %parallel_loop3A_1085 = arith.constant 255 : i32
        %parallel_loop3A_1086 = vector.broadcast %parallel_loop3A_1084 : i32 to vector<16xi32>
        %parallel_loop3A_1087 = arith.maxsi %parallel_loop3A_1086, %parallel_loop3A_1083 : vector<16xi32>
        %parallel_loop3A_1088 = vector.broadcast %parallel_loop3A_1085 : i32 to vector<16xi32>
        %parallel_loop3A_1089 = arith.minsi %parallel_loop3A_1088, %parallel_loop3A_1087 : vector<16xi32>
        %parallel_loop3A_1090 = arith.constant 0 : i32
        %parallel_loop3A_1091 = arith.addi %parallel_loop3A_692, %parallel_loop3A_1090 : i32
        %parallel_loop3A_1092 = arith.constant 96 : i32
        %parallel_loop3A_1093 = arith.addi %parallel_loop3A_1091, %parallel_loop3A_1092 : i32
        %parallel_loop3A_1094 = arith.index_cast %parallel_loop3A_1093 : i32 to index
        %parallel_loop3A_1095 = tpu.vector_load %arg8[%parallel_loop3A_1094] {strides = array<i32>} : memref<16384xf32, #tpu.memory_space<vmem>>, vector<16xf32>,
        %parallel_loop3A_1096 = arith.constant 0 : i32
        %parallel_loop3A_1097 = arith.index_cast %parallel_loop3A_690 : i32 to index
        %parallel_loop3A_1098 = arith.index_cast %parallel_loop3A_1096 : i32 to index
        %parallel_loop3A_1099 = arith.constant 96 : index
        %parallel_loop3A_1100 = tpu.vector_load %arg10[%parallel_loop3A_1097, %parallel_loop3A_1098, %parallel_loop3A_1099] {strides = array<i32>} : memref<32x8x128xf32, #tpu.memory_space<vmem>>, vector<16xf32>,
        tpu.vector_store %arg10[%parallel_loop3A_1097, %parallel_loop3A_1098, %parallel_loop3A_1099], %parallel_loop3A_1095 {strides = array<i32>} : memref<32x8x128xf32, #tpu.memory_space<vmem>>, vector<16xf32>,
        %parallel_loop3A_1101 = tpu.vector_load_idx %arg5[%parallel_loop3A_1089] : memref<256xf32, #tpu.memory_space<vmem>>[vector<16xi32>], vector<16xf32>,
        %parallel_loop3A_1102 = arith.constant 3 : i32
        %parallel_loop3A_1103 = arith.index_cast %parallel_loop3A_690 : i32 to index
        %parallel_loop3A_1104 = arith.index_cast %parallel_loop3A_1102 : i32 to index
        %parallel_loop3A_1105 = arith.constant 96 : index
        %parallel_loop3A_1106 = tpu.vector_load %arg10[%parallel_loop3A_1103, %parallel_loop3A_1104, %parallel_loop3A_1105] {strides = array<i32>} : memref<32x8x128xf32, #tpu.memory_space<vmem>>, vector<16xf32>,
        tpu.vector_store %arg10[%parallel_loop3A_1103, %parallel_loop3A_1104, %parallel_loop3A_1105], %parallel_loop3A_1101 {strides = array<i32>} : memref<32x8x128xf32, #tpu.memory_space<vmem>>, vector<16xf32>,
        %parallel_loop3A_1107 = arith.constant 128 : i32
        %parallel_loop3A_1108 = arith.addi %parallel_loop3A_692, %parallel_loop3A_1107 : i32
        %parallel_loop3A_1109 = arith.constant 96 : i32
        %parallel_loop3A_1110 = arith.addi %parallel_loop3A_1108, %parallel_loop3A_1109 : i32
        %parallel_loop3A_1111 = arith.index_cast %parallel_loop3A_1110 : i32 to index
        %parallel_loop3A_1112 = tpu.vector_load %arg8[%parallel_loop3A_1111] {strides = array<i32>} : memref<16384xf32, #tpu.memory_space<vmem>>, vector<16xf32>,
        %parallel_loop3A_1113 = arith.constant 1 : i32
        %parallel_loop3A_1114 = arith.index_cast %parallel_loop3A_690 : i32 to index
        %parallel_loop3A_1115 = arith.index_cast %parallel_loop3A_1113 : i32 to index
        %parallel_loop3A_1116 = arith.constant 96 : index
        %parallel_loop3A_1117 = tpu.vector_load %arg10[%parallel_loop3A_1114, %parallel_loop3A_1115, %parallel_loop3A_1116] {strides = array<i32>} : memref<32x8x128xf32, #tpu.memory_space<vmem>>, vector<16xf32>,
        tpu.vector_store %arg10[%parallel_loop3A_1114, %parallel_loop3A_1115, %parallel_loop3A_1116], %parallel_loop3A_1112 {strides = array<i32>} : memref<32x8x128xf32, #tpu.memory_space<vmem>>, vector<16xf32>,
        %parallel_loop3A_1118 = tpu.vector_load_idx %arg6[%parallel_loop3A_1089] : memref<256xf32, #tpu.memory_space<vmem>>[vector<16xi32>], vector<16xf32>,
        %parallel_loop3A_1119 = arith.constant 4 : i32
        %parallel_loop3A_1120 = arith.index_cast %parallel_loop3A_690 : i32 to index
        %parallel_loop3A_1121 = arith.index_cast %parallel_loop3A_1119 : i32 to index
        %parallel_loop3A_1122 = arith.constant 96 : index
        %parallel_loop3A_1123 = tpu.vector_load %arg10[%parallel_loop3A_1120, %parallel_loop3A_1121, %parallel_loop3A_1122] {strides = array<i32>} : memref<32x8x128xf32, #tpu.memory_space<vmem>>, vector<16xf32>,
        tpu.vector_store %arg10[%parallel_loop3A_1120, %parallel_loop3A_1121, %parallel_loop3A_1122], %parallel_loop3A_1118 {strides = array<i32>} : memref<32x8x128xf32, #tpu.memory_space<vmem>>, vector<16xf32>,
        %parallel_loop3A_1124 = arith.constant 256 : i32
        %parallel_loop3A_1125 = arith.addi %parallel_loop3A_692, %parallel_loop3A_1124 : i32
        %parallel_loop3A_1126 = arith.constant 96 : i32
        %parallel_loop3A_1127 = arith.addi %parallel_loop3A_1125, %parallel_loop3A_1126 : i32
        %parallel_loop3A_1128 = arith.index_cast %parallel_loop3A_1127 : i32 to index
        %parallel_loop3A_1129 = tpu.vector_load %arg8[%parallel_loop3A_1128] {strides = array<i32>} : memref<16384xf32, #tpu.memory_space<vmem>>, vector<16xf32>,
        %parallel_loop3A_1130 = arith.constant 2 : i32
        %parallel_loop3A_1131 = arith.index_cast %parallel_loop3A_690 : i32 to index
        %parallel_loop3A_1132 = arith.index_cast %parallel_loop3A_1130 : i32 to index
        %parallel_loop3A_1133 = arith.constant 96 : index
        %parallel_loop3A_1134 = tpu.vector_load %arg10[%parallel_loop3A_1131, %parallel_loop3A_1132, %parallel_loop3A_1133] {strides = array<i32>} : memref<32x8x128xf32, #tpu.memory_space<vmem>>, vector<16xf32>,
        tpu.vector_store %arg10[%parallel_loop3A_1131, %parallel_loop3A_1132, %parallel_loop3A_1133], %parallel_loop3A_1129 {strides = array<i32>} : memref<32x8x128xf32, #tpu.memory_space<vmem>>, vector<16xf32>,
        %parallel_loop3A_1135 = tpu.vector_load_idx %arg7[%parallel_loop3A_1089] : memref<256xf32, #tpu.memory_space<vmem>>[vector<16xi32>], vector<16xf32>,
        %parallel_loop3A_1136 = arith.constant 5 : i32
        %parallel_loop3A_1137 = arith.index_cast %parallel_loop3A_690 : i32 to index
        %parallel_loop3A_1138 = arith.index_cast %parallel_loop3A_1136 : i32 to index
        %parallel_loop3A_1139 = arith.constant 96 : index
        %parallel_loop3A_1140 = tpu.vector_load %arg10[%parallel_loop3A_1137, %parallel_loop3A_1138, %parallel_loop3A_1139] {strides = array<i32>} : memref<32x8x128xf32, #tpu.memory_space<vmem>>, vector<16xf32>,
        tpu.vector_store %arg10[%parallel_loop3A_1137, %parallel_loop3A_1138, %parallel_loop3A_1139], %parallel_loop3A_1135 {strides = array<i32>} : memref<32x8x128xf32, #tpu.memory_space<vmem>>, vector<16xf32>,
        %parallel_loop3A_1141 = arith.constant 384 : i32
        %parallel_loop3A_1142 = arith.addi %parallel_loop3A_692, %parallel_loop3A_1141 : i32
        %parallel_loop3A_1143 = arith.constant 112 : i32
        %parallel_loop3A_1144 = arith.addi %parallel_loop3A_1142, %parallel_loop3A_1143 : i32
        %parallel_loop3A_1145 = arith.index_cast %parallel_loop3A_1144 : i32 to index
        %parallel_loop3A_1146 = tpu.vector_load %arg8[%parallel_loop3A_1145] {strides = array<i32>} : memref<16384xf32, #tpu.memory_space<vmem>>, vector<16xf32>,
        %parallel_loop3A_1147 = arith.fptosi %parallel_loop3A_1146 : vector<16xf32> to vector<16xi32>
        %parallel_loop3A_1148 = arith.constant 0 : i32
        %parallel_loop3A_1149 = arith.constant 255 : i32
        %parallel_loop3A_1150 = vector.broadcast %parallel_loop3A_1148 : i32 to vector<16xi32>
        %parallel_loop3A_1151 = arith.maxsi %parallel_loop3A_1150, %parallel_loop3A_1147 : vector<16xi32>
        %parallel_loop3A_1152 = vector.broadcast %parallel_loop3A_1149 : i32 to vector<16xi32>
        %parallel_loop3A_1153 = arith.minsi %parallel_loop3A_1152, %parallel_loop3A_1151 : vector<16xi32>
        %parallel_loop3A_1154 = arith.constant 0 : i32
        %parallel_loop3A_1155 = arith.addi %parallel_loop3A_692, %parallel_loop3A_1154 : i32
        %parallel_loop3A_1156 = arith.constant 112 : i32
        %parallel_loop3A_1157 = arith.addi %parallel_loop3A_1155, %parallel_loop3A_1156 : i32
        %parallel_loop3A_1158 = arith.index_cast %parallel_loop3A_1157 : i32 to index
        %parallel_loop3A_1159 = tpu.vector_load %arg8[%parallel_loop3A_1158] {strides = array<i32>} : memref<16384xf32, #tpu.memory_space<vmem>>, vector<16xf32>,
        %parallel_loop3A_1160 = arith.constant 0 : i32
        %parallel_loop3A_1161 = arith.index_cast %parallel_loop3A_690 : i32 to index
        %parallel_loop3A_1162 = arith.index_cast %parallel_loop3A_1160 : i32 to index
        %parallel_loop3A_1163 = arith.constant 112 : index
        %parallel_loop3A_1164 = tpu.vector_load %arg10[%parallel_loop3A_1161, %parallel_loop3A_1162, %parallel_loop3A_1163] {strides = array<i32>} : memref<32x8x128xf32, #tpu.memory_space<vmem>>, vector<16xf32>,
        tpu.vector_store %arg10[%parallel_loop3A_1161, %parallel_loop3A_1162, %parallel_loop3A_1163], %parallel_loop3A_1159 {strides = array<i32>} : memref<32x8x128xf32, #tpu.memory_space<vmem>>, vector<16xf32>,
        %parallel_loop3A_1165 = tpu.vector_load_idx %arg5[%parallel_loop3A_1153] : memref<256xf32, #tpu.memory_space<vmem>>[vector<16xi32>], vector<16xf32>,
        %parallel_loop3A_1166 = arith.constant 3 : i32
        %parallel_loop3A_1167 = arith.index_cast %parallel_loop3A_690 : i32 to index
        %parallel_loop3A_1168 = arith.index_cast %parallel_loop3A_1166 : i32 to index
        %parallel_loop3A_1169 = arith.constant 112 : index
        %parallel_loop3A_1170 = tpu.vector_load %arg10[%parallel_loop3A_1167, %parallel_loop3A_1168, %parallel_loop3A_1169] {strides = array<i32>} : memref<32x8x128xf32, #tpu.memory_space<vmem>>, vector<16xf32>,
        tpu.vector_store %arg10[%parallel_loop3A_1167, %parallel_loop3A_1168, %parallel_loop3A_1169], %parallel_loop3A_1165 {strides = array<i32>} : memref<32x8x128xf32, #tpu.memory_space<vmem>>, vector<16xf32>,
        %parallel_loop3A_1171 = arith.constant 128 : i32
        %parallel_loop3A_1172 = arith.addi %parallel_loop3A_692, %parallel_loop3A_1171 : i32
        %parallel_loop3A_1173 = arith.constant 112 : i32
        %parallel_loop3A_1174 = arith.addi %parallel_loop3A_1172, %parallel_loop3A_1173 : i32
        %parallel_loop3A_1175 = arith.index_cast %parallel_loop3A_1174 : i32 to index
        %parallel_loop3A_1176 = tpu.vector_load %arg8[%parallel_loop3A_1175] {strides = array<i32>} : memref<16384xf32, #tpu.memory_space<vmem>>, vector<16xf32>,
        %parallel_loop3A_1177 = arith.constant 1 : i32
        %parallel_loop3A_1178 = arith.index_cast %parallel_loop3A_690 : i32 to index
        %parallel_loop3A_1179 = arith.index_cast %parallel_loop3A_1177 : i32 to index
        %parallel_loop3A_1180 = arith.constant 112 : index
        %parallel_loop3A_1181 = tpu.vector_load %arg10[%parallel_loop3A_1178, %parallel_loop3A_1179, %parallel_loop3A_1180] {strides = array<i32>} : memref<32x8x128xf32, #tpu.memory_space<vmem>>, vector<16xf32>,
        tpu.vector_store %arg10[%parallel_loop3A_1178, %parallel_loop3A_1179, %parallel_loop3A_1180], %parallel_loop3A_1176 {strides = array<i32>} : memref<32x8x128xf32, #tpu.memory_space<vmem>>, vector<16xf32>,
        %parallel_loop3A_1182 = tpu.vector_load_idx %arg6[%parallel_loop3A_1153] : memref<256xf32, #tpu.memory_space<vmem>>[vector<16xi32>], vector<16xf32>,
        %parallel_loop3A_1183 = arith.constant 4 : i32
        %parallel_loop3A_1184 = arith.index_cast %parallel_loop3A_690 : i32 to index
        %parallel_loop3A_1185 = arith.index_cast %parallel_loop3A_1183 : i32 to index
        %parallel_loop3A_1186 = arith.constant 112 : index
        %parallel_loop3A_1187 = tpu.vector_load %arg10[%parallel_loop3A_1184, %parallel_loop3A_1185, %parallel_loop3A_1186] {strides = array<i32>} : memref<32x8x128xf32, #tpu.memory_space<vmem>>, vector<16xf32>,
        tpu.vector_store %arg10[%parallel_loop3A_1184, %parallel_loop3A_1185, %parallel_loop3A_1186], %parallel_loop3A_1182 {strides = array<i32>} : memref<32x8x128xf32, #tpu.memory_space<vmem>>, vector<16xf32>,
        %parallel_loop3A_1188 = arith.constant 256 : i32
        %parallel_loop3A_1189 = arith.addi %parallel_loop3A_692, %parallel_loop3A_1188 : i32
        %parallel_loop3A_1190 = arith.constant 112 : i32
        %parallel_loop3A_1191 = arith.addi %parallel_loop3A_1189, %parallel_loop3A_1190 : i32
        %parallel_loop3A_1192 = arith.index_cast %parallel_loop3A_1191 : i32 to index
        %parallel_loop3A_1193 = tpu.vector_load %arg8[%parallel_loop3A_1192] {strides = array<i32>} : memref<16384xf32, #tpu.memory_space<vmem>>, vector<16xf32>,
        %parallel_loop3A_1194 = arith.constant 2 : i32
        %parallel_loop3A_1195 = arith.index_cast %parallel_loop3A_690 : i32 to index
        %parallel_loop3A_1196 = arith.index_cast %parallel_loop3A_1194 : i32 to index
        %parallel_loop3A_1197 = arith.constant 112 : index
        %parallel_loop3A_1198 = tpu.vector_load %arg10[%parallel_loop3A_1195, %parallel_loop3A_1196, %parallel_loop3A_1197] {strides = array<i32>} : memref<32x8x128xf32, #tpu.memory_space<vmem>>, vector<16xf32>,
        tpu.vector_store %arg10[%parallel_loop3A_1195, %parallel_loop3A_1196, %parallel_loop3A_1197], %parallel_loop3A_1193 {strides = array<i32>} : memref<32x8x128xf32, #tpu.memory_space<vmem>>, vector<16xf32>,
        %parallel_loop3A_1199 = tpu.vector_load_idx %arg7[%parallel_loop3A_1153] : memref<256xf32, #tpu.memory_space<vmem>>[vector<16xi32>], vector<16xf32>,
        %parallel_loop3A_1200 = arith.constant 5 : i32
        %parallel_loop3A_1201 = arith.index_cast %parallel_loop3A_690 : i32 to index
        %parallel_loop3A_1202 = arith.index_cast %parallel_loop3A_1200 : i32 to index
        %parallel_loop3A_1203 = arith.constant 112 : index
        %parallel_loop3A_1204 = tpu.vector_load %arg10[%parallel_loop3A_1201, %parallel_loop3A_1202, %parallel_loop3A_1203] {strides = array<i32>} : memref<32x8x128xf32, #tpu.memory_space<vmem>>, vector<16xf32>,
        tpu.vector_store %arg10[%parallel_loop3A_1201, %parallel_loop3A_1202, %parallel_loop3A_1203], %parallel_loop3A_1199 {strides = array<i32>} : memref<32x8x128xf32, #tpu.memory_space<vmem>>, vector<16xf32>,
      } {sc.loop_unroll_factor = 2 : i64, sc.parallel_access}
      %jit3A_582 = arith.constant 128 : i32
      %div3A_583 = arith.divsi %add3A_573, %jit3A_582 : i32
      %sign3A_584 = arith.constant 0 : i32
      %sign3A_585 = arith.cmpi sgt, %add3A_573, %sign3A_584 : i32
      %sign3A_586 = arith.extui %sign3A_585 : i1 to i32
      %sign3A_587 = arith.constant 0 : i32
      %sign3A_588 = arith.cmpi slt, %add3A_573, %sign3A_587 : i32
      %sign3A_589 = arith.extui %sign3A_588 : i1 to i32
      %sign3A_590 = arith.subi %sign3A_586, %sign3A_589 : i32
      %sign3A_591 = arith.constant 0 : i32
      %sign3A_592 = arith.cmpi sgt, %jit3A_582, %sign3A_591 : i32
      %sign3A_593 = arith.extui %sign3A_592 : i1 to i32
      %sign3A_594 = arith.constant 0 : i32
      %sign3A_595 = arith.cmpi slt, %jit3A_582, %sign3A_594 : i32
      %sign3A_596 = arith.extui %sign3A_595 : i1 to i32
      %sign3A_597 = arith.subi %sign3A_593, %sign3A_596 : i32
      %ne3A_598 = arith.cmpi ne, %sign3A_590, %sign3A_597 : i32
      %rem3A_599 = arith.remsi %add3A_573, %jit3A_582 : i32
      %ne3A_600 = arith.constant 0 : i32
      %ne3A_601 = arith.cmpi ne, %rem3A_599, %ne3A_600 : i32
      %and3A_602 = arith.andi %ne3A_598, %ne3A_601 : i1
      %sub3A_603 = arith.constant 1 : i32
      %sub3A_604 = arith.subi %div3A_583, %sub3A_603 : i32
      %select_n3A_605 = arith.select %and3A_602, %sub3A_604, %div3A_583 : i32
      %dma_start3A_606 = arith.constant 0 : i32
      %dma_start3A_607 = arith.constant 0 : i32
      %dma_start3A_608 = arith.constant 0 : i32
      %dma_start3A_609 = tpu.memref_slice %arg10[%dma_start3A_606, %dma_start3A_607, %dma_start3A_608] : memref<32x8x128xf32, #tpu.memory_space<vmem>> -> memref<32x6x128xf32, #tpu.memory_space<vmem>>
      %dma_start3A_610 = arith.constant 0 : i32
      %dma_start3A_611 = arith.constant 0 : i32
      %dma_start3A_612 = tpu.memref_slice %arg4[%select_n3A_605, %dma_start3A_610, %dma_start3A_611] : memref<32768x8x128xf32, #tpu.memory_space<hbm>> -> memref<32x6x128xf32, #tpu.memory_space<hbm>>
      %dma_start3A_613 = arith.constant 0 : i32
      %dma_start3A_614 = arith.constant 0 : i32
      %dma_start3A_615 = tpu.memref_slice %arg4[%select_n3A_605, %dma_start3A_613, %dma_start3A_614] : memref<32768x8x128xf32, #tpu.memory_space<hbm>> -> memref<32x6x128xf32, #tpu.memory_space<hbm>>
      %dma_start3A_616 = arith.constant 0 : i32
      %dma_start3A_617 = arith.constant 0 : i32
      %dma_start3A_618 = arith.constant 0 : i32
      %dma_start3A_619 = tpu.memref_slice %arg10[%dma_start3A_616, %dma_start3A_617, %dma_start3A_618] : memref<32x8x128xf32, #tpu.memory_space<vmem>> -> memref<32x6x128xf32, #tpu.memory_space<vmem>>
      tpu.enqueue_dma source(%dma_start3A_619 : memref<32x6x128xf32, #tpu.memory_space<vmem>>) target(%dma_start3A_615 : memref<32x6x128xf32, #tpu.memory_space<hbm>>) target_semaphore(%arg14 : memref<!tpu.dma_semaphore, #tpu.memory_space<semaphore_mem>>)
      %add3A_620 = arith.constant 2 : i32
      %add3A_621 = arith.addi %add3A_570, %add3A_620 : i32
      %lt3A = arith.constant 32 : i32
      %lt3A_622 = arith.cmpi slt, %add3A_621, %lt3A : i32
      %convert_element_type3A_623 = arith.extui %lt3A_622 : i1 to i32
      %cond3A_624 = arith.constant 0 : i32
      %cond3A_625 = arith.cmpi ne, %convert_element_type3A_623, %cond3A_624 : i32
      scf.if %cond3A_625 {
        %add3A_690 = arith.constant 2 : i32
        %add3A_691 = arith.addi %add3A_570, %add3A_690 : i32
        %mul3A_692 = arith.constant 4096 : i32
        %mul3A_693 = arith.muli %add3A_691, %mul3A_692 : i32
        %add3A_694 = arith.addi %mul3A_2, %mul3A_693 : i32
        %mul3A_695 = arith.constant 4 : i32
        %mul3A_696 = arith.muli %add3A_694, %mul3A_695 : i32
        %dma_start3A_697 = tpu.memref_slice %arg2[%mul3A_696] : memref<16777216xf32, #tpu.memory_space<hbm>> -> memref<16384xf32, #tpu.memory_space<hbm>>
        %dma_start3A_698 = tpu.memref_slice %arg2[%mul3A_696] : memref<16777216xf32, #tpu.memory_space<hbm>> -> memref<16384xf32, #tpu.memory_space<hbm>>
        tpu.enqueue_dma source(%dma_start3A_698 : memref<16384xf32, #tpu.memory_space<hbm>>) target(%arg8 : memref<16384xf32, #tpu.memory_space<vmem>>) target_semaphore(%arg12 : memref<!tpu.dma_semaphore, #tpu.memory_space<semaphore_mem>>)
      } else {
      }
      %mul3A_626 = arith.constant 2 : i32
      %mul3A_627 = arith.muli %scan3A_566, %mul3A_626 : i32
      %add3A_628 = arith.constant 1 : i32
      %add3A_629 = arith.addi %mul3A_627, %add3A_628 : i32
      %mul3A_630 = arith.constant 4096 : i32
      %mul3A_631 = arith.muli %add3A_629, %mul3A_630 : i32
      %add3A_632 = arith.addi %mul3A_2, %mul3A_631 : i32
      %mul3A_633 = arith.constant 4 : i32
      %mul3A_634 = arith.muli %add3A_632, %mul3A_633 : i32
      %dma_wait3A_635 = tpu.memref_slice %arg2[%mul3A_634] : memref<16777216xf32, #tpu.memory_space<hbm>> -> memref<16384xf32, #tpu.memory_space<hbm>>
      %dma_wait3A_636 = tpu.memref_slice %arg2[%mul3A_634] : memref<16777216xf32, #tpu.memory_space<hbm>> -> memref<16384xf32, #tpu.memory_space<hbm>>
      tpu.wait_dma2 semaphore(%arg13 : memref<!tpu.dma_semaphore, #tpu.memory_space<semaphore_mem>>) src(%dma_wait3A_636 : memref<16384xf32, #tpu.memory_space<hbm>>) dst(%arg9 : memref<16384xf32, #tpu.memory_space<vmem>>)
      %ge3A_637 = arith.constant 2 : i32
      %ge3A_638 = arith.cmpi sge, %add3A_629, %ge3A_637 : i32
      %convert_element_type3A_639 = arith.extui %ge3A_638 : i1 to i32
      %cond3A_640 = arith.constant 0 : i32
      %cond3A_641 = arith.cmpi ne, %convert_element_type3A_639, %cond3A_640 : i32
      scf.if %cond3A_641 {
        %sub3A_690 = arith.constant 2 : i32
        %sub3A_691 = arith.subi %add3A_629, %sub3A_690 : i32
        %mul3A_692 = arith.constant 4096 : i32
        %mul3A_693 = arith.muli %sub3A_691, %mul3A_692 : i32
        %add3A_694 = arith.addi %mul3A_2, %mul3A_693 : i32
        %jit3A_695 = arith.constant 128 : i32
        %div3A_696 = arith.divsi %add3A_694, %jit3A_695 : i32
        %sign3A_697 = arith.constant 0 : i32
        %sign3A_698 = arith.cmpi sgt, %add3A_694, %sign3A_697 : i32
        %sign3A_699 = arith.extui %sign3A_698 : i1 to i32
        %sign3A_700 = arith.constant 0 : i32
        %sign3A_701 = arith.cmpi slt, %add3A_694, %sign3A_700 : i32
        %sign3A_702 = arith.extui %sign3A_701 : i1 to i32
        %sign3A_703 = arith.subi %sign3A_699, %sign3A_702 : i32
        %sign3A_704 = arith.constant 0 : i32
        %sign3A_705 = arith.cmpi sgt, %jit3A_695, %sign3A_704 : i32
        %sign3A_706 = arith.extui %sign3A_705 : i1 to i32
        %sign3A_707 = arith.constant 0 : i32
        %sign3A_708 = arith.cmpi slt, %jit3A_695, %sign3A_707 : i32
        %sign3A_709 = arith.extui %sign3A_708 : i1 to i32
        %sign3A_710 = arith.subi %sign3A_706, %sign3A_709 : i32
        %ne3A_711 = arith.cmpi ne, %sign3A_703, %sign3A_710 : i32
        %rem3A_712 = arith.remsi %add3A_694, %jit3A_695 : i32
        %ne3A_713 = arith.constant 0 : i32
        %ne3A_714 = arith.cmpi ne, %rem3A_712, %ne3A_713 : i32
        %and3A_715 = arith.andi %ne3A_711, %ne3A_714 : i1
        %sub3A_716 = arith.constant 1 : i32
        %sub3A_717 = arith.subi %div3A_696, %sub3A_716 : i32
        %select_n3A_718 = arith.select %and3A_715, %sub3A_717, %div3A_696 : i32
        %dma_wait3A_719 = arith.constant 0 : i32
        %dma_wait3A_720 = arith.constant 0 : i32
        %dma_wait3A_721 = arith.constant 0 : i32
        %dma_wait3A_722 = tpu.memref_slice %arg11[%dma_wait3A_719, %dma_wait3A_720, %dma_wait3A_721] : memref<32x8x128xf32, #tpu.memory_space<vmem>> -> memref<32x6x128xf32, #tpu.memory_space<vmem>>
        %dma_wait3A_723 = arith.constant 0 : i32
        %dma_wait3A_724 = arith.constant 0 : i32
        %dma_wait3A_725 = tpu.memref_slice %arg4[%select_n3A_718, %dma_wait3A_723, %dma_wait3A_724] : memref<32768x8x128xf32, #tpu.memory_space<hbm>> -> memref<32x6x128xf32, #tpu.memory_space<hbm>>
        %dma_wait3A_726 = arith.constant 0 : i32
        %dma_wait3A_727 = arith.constant 0 : i32
        %dma_wait3A_728 = tpu.memref_slice %arg4[%select_n3A_718, %dma_wait3A_726, %dma_wait3A_727] : memref<32768x8x128xf32, #tpu.memory_space<hbm>> -> memref<32x6x128xf32, #tpu.memory_space<hbm>>
        %dma_wait3A_729 = arith.constant 0 : i32
        %dma_wait3A_730 = arith.constant 0 : i32
        %dma_wait3A_731 = arith.constant 0 : i32
        %dma_wait3A_732 = tpu.memref_slice %arg11[%dma_wait3A_729, %dma_wait3A_730, %dma_wait3A_731] : memref<32x8x128xf32, #tpu.memory_space<vmem>> -> memref<32x6x128xf32, #tpu.memory_space<vmem>>
        tpu.wait_dma2 semaphore(%arg15 : memref<!tpu.dma_semaphore, #tpu.memory_space<semaphore_mem>>) src(%dma_wait3A_732 : memref<32x6x128xf32, #tpu.memory_space<vmem>>) dst(%dma_wait3A_728 : memref<32x6x128xf32, #tpu.memory_space<hbm>>)
      } else {
      }
      %parallel_loop3A_642 = arith.constant 0 : i32
      %parallel_loop3A_643 = arith.constant 32 : i32
      %parallel_loop3A_644 = arith.constant 1 : i32
      scf.for %parallel_loop3A_690 = %parallel_loop3A_642 to %parallel_loop3A_643 step %parallel_loop3A_644  : i32 {
        %parallel_loop3A_691 = arith.constant 512 : i32
        %parallel_loop3A_692 = arith.muli %parallel_loop3A_690, %parallel_loop3A_691 : i32
        %parallel_loop3A_693 = arith.constant 384 : i32
        %parallel_loop3A_694 = arith.addi %parallel_loop3A_692, %parallel_loop3A_693 : i32
        %parallel_loop3A_695 = arith.constant 0 : i32
        %parallel_loop3A_696 = arith.addi %parallel_loop3A_694, %parallel_loop3A_695 : i32
        %parallel_loop3A_697 = arith.index_cast %parallel_loop3A_696 : i32 to index
        %parallel_loop3A_698 = tpu.vector_load %arg9[%parallel_loop3A_697] {strides = array<i32>} : memref<16384xf32, #tpu.memory_space<vmem>>, vector<16xf32>,
        %parallel_loop3A_699 = arith.fptosi %parallel_loop3A_698 : vector<16xf32> to vector<16xi32>
        %parallel_loop3A_700 = arith.constant 0 : i32
        %parallel_loop3A_701 = arith.constant 255 : i32
        %parallel_loop3A_702 = vector.broadcast %parallel_loop3A_700 : i32 to vector<16xi32>
        %parallel_loop3A_703 = arith.maxsi %parallel_loop3A_702, %parallel_loop3A_699 : vector<16xi32>
        %parallel_loop3A_704 = vector.broadcast %parallel_loop3A_701 : i32 to vector<16xi32>
        %parallel_loop3A_705 = arith.minsi %parallel_loop3A_704, %parallel_loop3A_703 : vector<16xi32>
        %parallel_loop3A_706 = arith.constant 0 : i32
        %parallel_loop3A_707 = arith.addi %parallel_loop3A_692, %parallel_loop3A_706 : i32
        %parallel_loop3A_708 = arith.constant 0 : i32
        %parallel_loop3A_709 = arith.addi %parallel_loop3A_707, %parallel_loop3A_708 : i32
        %parallel_loop3A_710 = arith.index_cast %parallel_loop3A_709 : i32 to index
        %parallel_loop3A_711 = tpu.vector_load %arg9[%parallel_loop3A_710] {strides = array<i32>} : memref<16384xf32, #tpu.memory_space<vmem>>, vector<16xf32>,
        %parallel_loop3A_712 = arith.constant 0 : i32
        %parallel_loop3A_713 = arith.index_cast %parallel_loop3A_690 : i32 to index
        %parallel_loop3A_714 = arith.index_cast %parallel_loop3A_712 : i32 to index
        %parallel_loop3A_715 = arith.constant 0 : index
        %parallel_loop3A_716 = tpu.vector_load %arg11[%parallel_loop3A_713, %parallel_loop3A_714, %parallel_loop3A_715] {strides = array<i32>} : memref<32x8x128xf32, #tpu.memory_space<vmem>>, vector<16xf32>,
        tpu.vector_store %arg11[%parallel_loop3A_713, %parallel_loop3A_714, %parallel_loop3A_715], %parallel_loop3A_711 {strides = array<i32>} : memref<32x8x128xf32, #tpu.memory_space<vmem>>, vector<16xf32>,
        %parallel_loop3A_717 = tpu.vector_load_idx %arg5[%parallel_loop3A_705] : memref<256xf32, #tpu.memory_space<vmem>>[vector<16xi32>], vector<16xf32>,
        %parallel_loop3A_718 = arith.constant 3 : i32
        %parallel_loop3A_719 = arith.index_cast %parallel_loop3A_690 : i32 to index
        %parallel_loop3A_720 = arith.index_cast %parallel_loop3A_718 : i32 to index
        %parallel_loop3A_721 = arith.constant 0 : index
        %parallel_loop3A_722 = tpu.vector_load %arg11[%parallel_loop3A_719, %parallel_loop3A_720, %parallel_loop3A_721] {strides = array<i32>} : memref<32x8x128xf32, #tpu.memory_space<vmem>>, vector<16xf32>,
        tpu.vector_store %arg11[%parallel_loop3A_719, %parallel_loop3A_720, %parallel_loop3A_721], %parallel_loop3A_717 {strides = array<i32>} : memref<32x8x128xf32, #tpu.memory_space<vmem>>, vector<16xf32>,
        %parallel_loop3A_723 = arith.constant 128 : i32
        %parallel_loop3A_724 = arith.addi %parallel_loop3A_692, %parallel_loop3A_723 : i32
        %parallel_loop3A_725 = arith.constant 0 : i32
        %parallel_loop3A_726 = arith.addi %parallel_loop3A_724, %parallel_loop3A_725 : i32
        %parallel_loop3A_727 = arith.index_cast %parallel_loop3A_726 : i32 to index
        %parallel_loop3A_728 = tpu.vector_load %arg9[%parallel_loop3A_727] {strides = array<i32>} : memref<16384xf32, #tpu.memory_space<vmem>>, vector<16xf32>,
        %parallel_loop3A_729 = arith.constant 1 : i32
        %parallel_loop3A_730 = arith.index_cast %parallel_loop3A_690 : i32 to index
        %parallel_loop3A_731 = arith.index_cast %parallel_loop3A_729 : i32 to index
        %parallel_loop3A_732 = arith.constant 0 : index
        %parallel_loop3A_733 = tpu.vector_load %arg11[%parallel_loop3A_730, %parallel_loop3A_731, %parallel_loop3A_732] {strides = array<i32>} : memref<32x8x128xf32, #tpu.memory_space<vmem>>, vector<16xf32>,
        tpu.vector_store %arg11[%parallel_loop3A_730, %parallel_loop3A_731, %parallel_loop3A_732], %parallel_loop3A_728 {strides = array<i32>} : memref<32x8x128xf32, #tpu.memory_space<vmem>>, vector<16xf32>,
        %parallel_loop3A_734 = tpu.vector_load_idx %arg6[%parallel_loop3A_705] : memref<256xf32, #tpu.memory_space<vmem>>[vector<16xi32>], vector<16xf32>,
        %parallel_loop3A_735 = arith.constant 4 : i32
        %parallel_loop3A_736 = arith.index_cast %parallel_loop3A_690 : i32 to index
        %parallel_loop3A_737 = arith.index_cast %parallel_loop3A_735 : i32 to index
        %parallel_loop3A_738 = arith.constant 0 : index
        %parallel_loop3A_739 = tpu.vector_load %arg11[%parallel_loop3A_736, %parallel_loop3A_737, %parallel_loop3A_738] {strides = array<i32>} : memref<32x8x128xf32, #tpu.memory_space<vmem>>, vector<16xf32>,
        tpu.vector_store %arg11[%parallel_loop3A_736, %parallel_loop3A_737, %parallel_loop3A_738], %parallel_loop3A_734 {strides = array<i32>} : memref<32x8x128xf32, #tpu.memory_space<vmem>>, vector<16xf32>,
        %parallel_loop3A_740 = arith.constant 256 : i32
        %parallel_loop3A_741 = arith.addi %parallel_loop3A_692, %parallel_loop3A_740 : i32
        %parallel_loop3A_742 = arith.constant 0 : i32
        %parallel_loop3A_743 = arith.addi %parallel_loop3A_741, %parallel_loop3A_742 : i32
        %parallel_loop3A_744 = arith.index_cast %parallel_loop3A_743 : i32 to index
        %parallel_loop3A_745 = tpu.vector_load %arg9[%parallel_loop3A_744] {strides = array<i32>} : memref<16384xf32, #tpu.memory_space<vmem>>, vector<16xf32>,
        %parallel_loop3A_746 = arith.constant 2 : i32
        %parallel_loop3A_747 = arith.index_cast %parallel_loop3A_690 : i32 to index
        %parallel_loop3A_748 = arith.index_cast %parallel_loop3A_746 : i32 to index
        %parallel_loop3A_749 = arith.constant 0 : index
        %parallel_loop3A_750 = tpu.vector_load %arg11[%parallel_loop3A_747, %parallel_loop3A_748, %parallel_loop3A_749] {strides = array<i32>} : memref<32x8x128xf32, #tpu.memory_space<vmem>>, vector<16xf32>,
        tpu.vector_store %arg11[%parallel_loop3A_747, %parallel_loop3A_748, %parallel_loop3A_749], %parallel_loop3A_745 {strides = array<i32>} : memref<32x8x128xf32, #tpu.memory_space<vmem>>, vector<16xf32>,
        %parallel_loop3A_751 = tpu.vector_load_idx %arg7[%parallel_loop3A_705] : memref<256xf32, #tpu.memory_space<vmem>>[vector<16xi32>], vector<16xf32>,
        %parallel_loop3A_752 = arith.constant 5 : i32
        %parallel_loop3A_753 = arith.index_cast %parallel_loop3A_690 : i32 to index
        %parallel_loop3A_754 = arith.index_cast %parallel_loop3A_752 : i32 to index
        %parallel_loop3A_755 = arith.constant 0 : index
        %parallel_loop3A_756 = tpu.vector_load %arg11[%parallel_loop3A_753, %parallel_loop3A_754, %parallel_loop3A_755] {strides = array<i32>} : memref<32x8x128xf32, #tpu.memory_space<vmem>>, vector<16xf32>,
        tpu.vector_store %arg11[%parallel_loop3A_753, %parallel_loop3A_754, %parallel_loop3A_755], %parallel_loop3A_751 {strides = array<i32>} : memref<32x8x128xf32, #tpu.memory_space<vmem>>, vector<16xf32>,
        %parallel_loop3A_757 = arith.constant 384 : i32
        %parallel_loop3A_758 = arith.addi %parallel_loop3A_692, %parallel_loop3A_757 : i32
        %parallel_loop3A_759 = arith.constant 16 : i32
        %parallel_loop3A_760 = arith.addi %parallel_loop3A_758, %parallel_loop3A_759 : i32
        %parallel_loop3A_761 = arith.index_cast %parallel_loop3A_760 : i32 to index
        %parallel_loop3A_762 = tpu.vector_load %arg9[%parallel_loop3A_761] {strides = array<i32>} : memref<16384xf32, #tpu.memory_space<vmem>>, vector<16xf32>,
        %parallel_loop3A_763 = arith.fptosi %parallel_loop3A_762 : vector<16xf32> to vector<16xi32>
        %parallel_loop3A_764 = arith.constant 0 : i32
        %parallel_loop3A_765 = arith.constant 255 : i32
        %parallel_loop3A_766 = vector.broadcast %parallel_loop3A_764 : i32 to vector<16xi32>
        %parallel_loop3A_767 = arith.maxsi %parallel_loop3A_766, %parallel_loop3A_763 : vector<16xi32>
        %parallel_loop3A_768 = vector.broadcast %parallel_loop3A_765 : i32 to vector<16xi32>
        %parallel_loop3A_769 = arith.minsi %parallel_loop3A_768, %parallel_loop3A_767 : vector<16xi32>
        %parallel_loop3A_770 = arith.constant 0 : i32
        %parallel_loop3A_771 = arith.addi %parallel_loop3A_692, %parallel_loop3A_770 : i32
        %parallel_loop3A_772 = arith.constant 16 : i32
        %parallel_loop3A_773 = arith.addi %parallel_loop3A_771, %parallel_loop3A_772 : i32
        %parallel_loop3A_774 = arith.index_cast %parallel_loop3A_773 : i32 to index
        %parallel_loop3A_775 = tpu.vector_load %arg9[%parallel_loop3A_774] {strides = array<i32>} : memref<16384xf32, #tpu.memory_space<vmem>>, vector<16xf32>,
        %parallel_loop3A_776 = arith.constant 0 : i32
        %parallel_loop3A_777 = arith.index_cast %parallel_loop3A_690 : i32 to index
        %parallel_loop3A_778 = arith.index_cast %parallel_loop3A_776 : i32 to index
        %parallel_loop3A_779 = arith.constant 16 : index
        %parallel_loop3A_780 = tpu.vector_load %arg11[%parallel_loop3A_777, %parallel_loop3A_778, %parallel_loop3A_779] {strides = array<i32>} : memref<32x8x128xf32, #tpu.memory_space<vmem>>, vector<16xf32>,
        tpu.vector_store %arg11[%parallel_loop3A_777, %parallel_loop3A_778, %parallel_loop3A_779], %parallel_loop3A_775 {strides = array<i32>} : memref<32x8x128xf32, #tpu.memory_space<vmem>>, vector<16xf32>,
        %parallel_loop3A_781 = tpu.vector_load_idx %arg5[%parallel_loop3A_769] : memref<256xf32, #tpu.memory_space<vmem>>[vector<16xi32>], vector<16xf32>,
        %parallel_loop3A_782 = arith.constant 3 : i32
        %parallel_loop3A_783 = arith.index_cast %parallel_loop3A_690 : i32 to index
        %parallel_loop3A_784 = arith.index_cast %parallel_loop3A_782 : i32 to index
        %parallel_loop3A_785 = arith.constant 16 : index
        %parallel_loop3A_786 = tpu.vector_load %arg11[%parallel_loop3A_783, %parallel_loop3A_784, %parallel_loop3A_785] {strides = array<i32>} : memref<32x8x128xf32, #tpu.memory_space<vmem>>, vector<16xf32>,
        tpu.vector_store %arg11[%parallel_loop3A_783, %parallel_loop3A_784, %parallel_loop3A_785], %parallel_loop3A_781 {strides = array<i32>} : memref<32x8x128xf32, #tpu.memory_space<vmem>>, vector<16xf32>,
        %parallel_loop3A_787 = arith.constant 128 : i32
        %parallel_loop3A_788 = arith.addi %parallel_loop3A_692, %parallel_loop3A_787 : i32
        %parallel_loop3A_789 = arith.constant 16 : i32
        %parallel_loop3A_790 = arith.addi %parallel_loop3A_788, %parallel_loop3A_789 : i32
        %parallel_loop3A_791 = arith.index_cast %parallel_loop3A_790 : i32 to index
        %parallel_loop3A_792 = tpu.vector_load %arg9[%parallel_loop3A_791] {strides = array<i32>} : memref<16384xf32, #tpu.memory_space<vmem>>, vector<16xf32>,
        %parallel_loop3A_793 = arith.constant 1 : i32
        %parallel_loop3A_794 = arith.index_cast %parallel_loop3A_690 : i32 to index
        %parallel_loop3A_795 = arith.index_cast %parallel_loop3A_793 : i32 to index
        %parallel_loop3A_796 = arith.constant 16 : index
        %parallel_loop3A_797 = tpu.vector_load %arg11[%parallel_loop3A_794, %parallel_loop3A_795, %parallel_loop3A_796] {strides = array<i32>} : memref<32x8x128xf32, #tpu.memory_space<vmem>>, vector<16xf32>,
        tpu.vector_store %arg11[%parallel_loop3A_794, %parallel_loop3A_795, %parallel_loop3A_796], %parallel_loop3A_792 {strides = array<i32>} : memref<32x8x128xf32, #tpu.memory_space<vmem>>, vector<16xf32>,
        %parallel_loop3A_798 = tpu.vector_load_idx %arg6[%parallel_loop3A_769] : memref<256xf32, #tpu.memory_space<vmem>>[vector<16xi32>], vector<16xf32>,
        %parallel_loop3A_799 = arith.constant 4 : i32
        %parallel_loop3A_800 = arith.index_cast %parallel_loop3A_690 : i32 to index
        %parallel_loop3A_801 = arith.index_cast %parallel_loop3A_799 : i32 to index
        %parallel_loop3A_802 = arith.constant 16 : index
        %parallel_loop3A_803 = tpu.vector_load %arg11[%parallel_loop3A_800, %parallel_loop3A_801, %parallel_loop3A_802] {strides = array<i32>} : memref<32x8x128xf32, #tpu.memory_space<vmem>>, vector<16xf32>,
        tpu.vector_store %arg11[%parallel_loop3A_800, %parallel_loop3A_801, %parallel_loop3A_802], %parallel_loop3A_798 {strides = array<i32>} : memref<32x8x128xf32, #tpu.memory_space<vmem>>, vector<16xf32>,
        %parallel_loop3A_804 = arith.constant 256 : i32
        %parallel_loop3A_805 = arith.addi %parallel_loop3A_692, %parallel_loop3A_804 : i32
        %parallel_loop3A_806 = arith.constant 16 : i32
        %parallel_loop3A_807 = arith.addi %parallel_loop3A_805, %parallel_loop3A_806 : i32
        %parallel_loop3A_808 = arith.index_cast %parallel_loop3A_807 : i32 to index
        %parallel_loop3A_809 = tpu.vector_load %arg9[%parallel_loop3A_808] {strides = array<i32>} : memref<16384xf32, #tpu.memory_space<vmem>>, vector<16xf32>,
        %parallel_loop3A_810 = arith.constant 2 : i32
        %parallel_loop3A_811 = arith.index_cast %parallel_loop3A_690 : i32 to index
        %parallel_loop3A_812 = arith.index_cast %parallel_loop3A_810 : i32 to index
        %parallel_loop3A_813 = arith.constant 16 : index
        %parallel_loop3A_814 = tpu.vector_load %arg11[%parallel_loop3A_811, %parallel_loop3A_812, %parallel_loop3A_813] {strides = array<i32>} : memref<32x8x128xf32, #tpu.memory_space<vmem>>, vector<16xf32>,
        tpu.vector_store %arg11[%parallel_loop3A_811, %parallel_loop3A_812, %parallel_loop3A_813], %parallel_loop3A_809 {strides = array<i32>} : memref<32x8x128xf32, #tpu.memory_space<vmem>>, vector<16xf32>,
        %parallel_loop3A_815 = tpu.vector_load_idx %arg7[%parallel_loop3A_769] : memref<256xf32, #tpu.memory_space<vmem>>[vector<16xi32>], vector<16xf32>,
        %parallel_loop3A_816 = arith.constant 5 : i32
        %parallel_loop3A_817 = arith.index_cast %parallel_loop3A_690 : i32 to index
        %parallel_loop3A_818 = arith.index_cast %parallel_loop3A_816 : i32 to index
        %parallel_loop3A_819 = arith.constant 16 : index
        %parallel_loop3A_820 = tpu.vector_load %arg11[%parallel_loop3A_817, %parallel_loop3A_818, %parallel_loop3A_819] {strides = array<i32>} : memref<32x8x128xf32, #tpu.memory_space<vmem>>, vector<16xf32>,
        tpu.vector_store %arg11[%parallel_loop3A_817, %parallel_loop3A_818, %parallel_loop3A_819], %parallel_loop3A_815 {strides = array<i32>} : memref<32x8x128xf32, #tpu.memory_space<vmem>>, vector<16xf32>,
        %parallel_loop3A_821 = arith.constant 384 : i32
        %parallel_loop3A_822 = arith.addi %parallel_loop3A_692, %parallel_loop3A_821 : i32
        %parallel_loop3A_823 = arith.constant 32 : i32
        %parallel_loop3A_824 = arith.addi %parallel_loop3A_822, %parallel_loop3A_823 : i32
        %parallel_loop3A_825 = arith.index_cast %parallel_loop3A_824 : i32 to index
        %parallel_loop3A_826 = tpu.vector_load %arg9[%parallel_loop3A_825] {strides = array<i32>} : memref<16384xf32, #tpu.memory_space<vmem>>, vector<16xf32>,
        %parallel_loop3A_827 = arith.fptosi %parallel_loop3A_826 : vector<16xf32> to vector<16xi32>
        %parallel_loop3A_828 = arith.constant 0 : i32
        %parallel_loop3A_829 = arith.constant 255 : i32
        %parallel_loop3A_830 = vector.broadcast %parallel_loop3A_828 : i32 to vector<16xi32>
        %parallel_loop3A_831 = arith.maxsi %parallel_loop3A_830, %parallel_loop3A_827 : vector<16xi32>
        %parallel_loop3A_832 = vector.broadcast %parallel_loop3A_829 : i32 to vector<16xi32>
        %parallel_loop3A_833 = arith.minsi %parallel_loop3A_832, %parallel_loop3A_831 : vector<16xi32>
        %parallel_loop3A_834 = arith.constant 0 : i32
        %parallel_loop3A_835 = arith.addi %parallel_loop3A_692, %parallel_loop3A_834 : i32
        %parallel_loop3A_836 = arith.constant 32 : i32
        %parallel_loop3A_837 = arith.addi %parallel_loop3A_835, %parallel_loop3A_836 : i32
        %parallel_loop3A_838 = arith.index_cast %parallel_loop3A_837 : i32 to index
        %parallel_loop3A_839 = tpu.vector_load %arg9[%parallel_loop3A_838] {strides = array<i32>} : memref<16384xf32, #tpu.memory_space<vmem>>, vector<16xf32>,
        %parallel_loop3A_840 = arith.constant 0 : i32
        %parallel_loop3A_841 = arith.index_cast %parallel_loop3A_690 : i32 to index
        %parallel_loop3A_842 = arith.index_cast %parallel_loop3A_840 : i32 to index
        %parallel_loop3A_843 = arith.constant 32 : index
        %parallel_loop3A_844 = tpu.vector_load %arg11[%parallel_loop3A_841, %parallel_loop3A_842, %parallel_loop3A_843] {strides = array<i32>} : memref<32x8x128xf32, #tpu.memory_space<vmem>>, vector<16xf32>,
        tpu.vector_store %arg11[%parallel_loop3A_841, %parallel_loop3A_842, %parallel_loop3A_843], %parallel_loop3A_839 {strides = array<i32>} : memref<32x8x128xf32, #tpu.memory_space<vmem>>, vector<16xf32>,
        %parallel_loop3A_845 = tpu.vector_load_idx %arg5[%parallel_loop3A_833] : memref<256xf32, #tpu.memory_space<vmem>>[vector<16xi32>], vector<16xf32>,
        %parallel_loop3A_846 = arith.constant 3 : i32
        %parallel_loop3A_847 = arith.index_cast %parallel_loop3A_690 : i32 to index
        %parallel_loop3A_848 = arith.index_cast %parallel_loop3A_846 : i32 to index
        %parallel_loop3A_849 = arith.constant 32 : index
        %parallel_loop3A_850 = tpu.vector_load %arg11[%parallel_loop3A_847, %parallel_loop3A_848, %parallel_loop3A_849] {strides = array<i32>} : memref<32x8x128xf32, #tpu.memory_space<vmem>>, vector<16xf32>,
        tpu.vector_store %arg11[%parallel_loop3A_847, %parallel_loop3A_848, %parallel_loop3A_849], %parallel_loop3A_845 {strides = array<i32>} : memref<32x8x128xf32, #tpu.memory_space<vmem>>, vector<16xf32>,
        %parallel_loop3A_851 = arith.constant 128 : i32
        %parallel_loop3A_852 = arith.addi %parallel_loop3A_692, %parallel_loop3A_851 : i32
        %parallel_loop3A_853 = arith.constant 32 : i32
        %parallel_loop3A_854 = arith.addi %parallel_loop3A_852, %parallel_loop3A_853 : i32
        %parallel_loop3A_855 = arith.index_cast %parallel_loop3A_854 : i32 to index
        %parallel_loop3A_856 = tpu.vector_load %arg9[%parallel_loop3A_855] {strides = array<i32>} : memref<16384xf32, #tpu.memory_space<vmem>>, vector<16xf32>,
        %parallel_loop3A_857 = arith.constant 1 : i32
        %parallel_loop3A_858 = arith.index_cast %parallel_loop3A_690 : i32 to index
        %parallel_loop3A_859 = arith.index_cast %parallel_loop3A_857 : i32 to index
        %parallel_loop3A_860 = arith.constant 32 : index
        %parallel_loop3A_861 = tpu.vector_load %arg11[%parallel_loop3A_858, %parallel_loop3A_859, %parallel_loop3A_860] {strides = array<i32>} : memref<32x8x128xf32, #tpu.memory_space<vmem>>, vector<16xf32>,
        tpu.vector_store %arg11[%parallel_loop3A_858, %parallel_loop3A_859, %parallel_loop3A_860], %parallel_loop3A_856 {strides = array<i32>} : memref<32x8x128xf32, #tpu.memory_space<vmem>>, vector<16xf32>,
        %parallel_loop3A_862 = tpu.vector_load_idx %arg6[%parallel_loop3A_833] : memref<256xf32, #tpu.memory_space<vmem>>[vector<16xi32>], vector<16xf32>,
        %parallel_loop3A_863 = arith.constant 4 : i32
        %parallel_loop3A_864 = arith.index_cast %parallel_loop3A_690 : i32 to index
        %parallel_loop3A_865 = arith.index_cast %parallel_loop3A_863 : i32 to index
        %parallel_loop3A_866 = arith.constant 32 : index
        %parallel_loop3A_867 = tpu.vector_load %arg11[%parallel_loop3A_864, %parallel_loop3A_865, %parallel_loop3A_866] {strides = array<i32>} : memref<32x8x128xf32, #tpu.memory_space<vmem>>, vector<16xf32>,
        tpu.vector_store %arg11[%parallel_loop3A_864, %parallel_loop3A_865, %parallel_loop3A_866], %parallel_loop3A_862 {strides = array<i32>} : memref<32x8x128xf32, #tpu.memory_space<vmem>>, vector<16xf32>,
        %parallel_loop3A_868 = arith.constant 256 : i32
        %parallel_loop3A_869 = arith.addi %parallel_loop3A_692, %parallel_loop3A_868 : i32
        %parallel_loop3A_870 = arith.constant 32 : i32
        %parallel_loop3A_871 = arith.addi %parallel_loop3A_869, %parallel_loop3A_870 : i32
        %parallel_loop3A_872 = arith.index_cast %parallel_loop3A_871 : i32 to index
        %parallel_loop3A_873 = tpu.vector_load %arg9[%parallel_loop3A_872] {strides = array<i32>} : memref<16384xf32, #tpu.memory_space<vmem>>, vector<16xf32>,
        %parallel_loop3A_874 = arith.constant 2 : i32
        %parallel_loop3A_875 = arith.index_cast %parallel_loop3A_690 : i32 to index
        %parallel_loop3A_876 = arith.index_cast %parallel_loop3A_874 : i32 to index
        %parallel_loop3A_877 = arith.constant 32 : index
        %parallel_loop3A_878 = tpu.vector_load %arg11[%parallel_loop3A_875, %parallel_loop3A_876, %parallel_loop3A_877] {strides = array<i32>} : memref<32x8x128xf32, #tpu.memory_space<vmem>>, vector<16xf32>,
        tpu.vector_store %arg11[%parallel_loop3A_875, %parallel_loop3A_876, %parallel_loop3A_877], %parallel_loop3A_873 {strides = array<i32>} : memref<32x8x128xf32, #tpu.memory_space<vmem>>, vector<16xf32>,
        %parallel_loop3A_879 = tpu.vector_load_idx %arg7[%parallel_loop3A_833] : memref<256xf32, #tpu.memory_space<vmem>>[vector<16xi32>], vector<16xf32>,
        %parallel_loop3A_880 = arith.constant 5 : i32
        %parallel_loop3A_881 = arith.index_cast %parallel_loop3A_690 : i32 to index
        %parallel_loop3A_882 = arith.index_cast %parallel_loop3A_880 : i32 to index
        %parallel_loop3A_883 = arith.constant 32 : index
        %parallel_loop3A_884 = tpu.vector_load %arg11[%parallel_loop3A_881, %parallel_loop3A_882, %parallel_loop3A_883] {strides = array<i32>} : memref<32x8x128xf32, #tpu.memory_space<vmem>>, vector<16xf32>,
        tpu.vector_store %arg11[%parallel_loop3A_881, %parallel_loop3A_882, %parallel_loop3A_883], %parallel_loop3A_879 {strides = array<i32>} : memref<32x8x128xf32, #tpu.memory_space<vmem>>, vector<16xf32>,
        %parallel_loop3A_885 = arith.constant 384 : i32
        %parallel_loop3A_886 = arith.addi %parallel_loop3A_692, %parallel_loop3A_885 : i32
        %parallel_loop3A_887 = arith.constant 48 : i32
        %parallel_loop3A_888 = arith.addi %parallel_loop3A_886, %parallel_loop3A_887 : i32
        %parallel_loop3A_889 = arith.index_cast %parallel_loop3A_888 : i32 to index
        %parallel_loop3A_890 = tpu.vector_load %arg9[%parallel_loop3A_889] {strides = array<i32>} : memref<16384xf32, #tpu.memory_space<vmem>>, vector<16xf32>,
        %parallel_loop3A_891 = arith.fptosi %parallel_loop3A_890 : vector<16xf32> to vector<16xi32>
        %parallel_loop3A_892 = arith.constant 0 : i32
        %parallel_loop3A_893 = arith.constant 255 : i32
        %parallel_loop3A_894 = vector.broadcast %parallel_loop3A_892 : i32 to vector<16xi32>
        %parallel_loop3A_895 = arith.maxsi %parallel_loop3A_894, %parallel_loop3A_891 : vector<16xi32>
        %parallel_loop3A_896 = vector.broadcast %parallel_loop3A_893 : i32 to vector<16xi32>
        %parallel_loop3A_897 = arith.minsi %parallel_loop3A_896, %parallel_loop3A_895 : vector<16xi32>
        %parallel_loop3A_898 = arith.constant 0 : i32
        %parallel_loop3A_899 = arith.addi %parallel_loop3A_692, %parallel_loop3A_898 : i32
        %parallel_loop3A_900 = arith.constant 48 : i32
        %parallel_loop3A_901 = arith.addi %parallel_loop3A_899, %parallel_loop3A_900 : i32
        %parallel_loop3A_902 = arith.index_cast %parallel_loop3A_901 : i32 to index
        %parallel_loop3A_903 = tpu.vector_load %arg9[%parallel_loop3A_902] {strides = array<i32>} : memref<16384xf32, #tpu.memory_space<vmem>>, vector<16xf32>,
        %parallel_loop3A_904 = arith.constant 0 : i32
        %parallel_loop3A_905 = arith.index_cast %parallel_loop3A_690 : i32 to index
        %parallel_loop3A_906 = arith.index_cast %parallel_loop3A_904 : i32 to index
        %parallel_loop3A_907 = arith.constant 48 : index
        %parallel_loop3A_908 = tpu.vector_load %arg11[%parallel_loop3A_905, %parallel_loop3A_906, %parallel_loop3A_907] {strides = array<i32>} : memref<32x8x128xf32, #tpu.memory_space<vmem>>, vector<16xf32>,
        tpu.vector_store %arg11[%parallel_loop3A_905, %parallel_loop3A_906, %parallel_loop3A_907], %parallel_loop3A_903 {strides = array<i32>} : memref<32x8x128xf32, #tpu.memory_space<vmem>>, vector<16xf32>,
        %parallel_loop3A_909 = tpu.vector_load_idx %arg5[%parallel_loop3A_897] : memref<256xf32, #tpu.memory_space<vmem>>[vector<16xi32>], vector<16xf32>,
        %parallel_loop3A_910 = arith.constant 3 : i32
        %parallel_loop3A_911 = arith.index_cast %parallel_loop3A_690 : i32 to index
        %parallel_loop3A_912 = arith.index_cast %parallel_loop3A_910 : i32 to index
        %parallel_loop3A_913 = arith.constant 48 : index
        %parallel_loop3A_914 = tpu.vector_load %arg11[%parallel_loop3A_911, %parallel_loop3A_912, %parallel_loop3A_913] {strides = array<i32>} : memref<32x8x128xf32, #tpu.memory_space<vmem>>, vector<16xf32>,
        tpu.vector_store %arg11[%parallel_loop3A_911, %parallel_loop3A_912, %parallel_loop3A_913], %parallel_loop3A_909 {strides = array<i32>} : memref<32x8x128xf32, #tpu.memory_space<vmem>>, vector<16xf32>,
        %parallel_loop3A_915 = arith.constant 128 : i32
        %parallel_loop3A_916 = arith.addi %parallel_loop3A_692, %parallel_loop3A_915 : i32
        %parallel_loop3A_917 = arith.constant 48 : i32
        %parallel_loop3A_918 = arith.addi %parallel_loop3A_916, %parallel_loop3A_917 : i32
        %parallel_loop3A_919 = arith.index_cast %parallel_loop3A_918 : i32 to index
        %parallel_loop3A_920 = tpu.vector_load %arg9[%parallel_loop3A_919] {strides = array<i32>} : memref<16384xf32, #tpu.memory_space<vmem>>, vector<16xf32>,
        %parallel_loop3A_921 = arith.constant 1 : i32
        %parallel_loop3A_922 = arith.index_cast %parallel_loop3A_690 : i32 to index
        %parallel_loop3A_923 = arith.index_cast %parallel_loop3A_921 : i32 to index
        %parallel_loop3A_924 = arith.constant 48 : index
        %parallel_loop3A_925 = tpu.vector_load %arg11[%parallel_loop3A_922, %parallel_loop3A_923, %parallel_loop3A_924] {strides = array<i32>} : memref<32x8x128xf32, #tpu.memory_space<vmem>>, vector<16xf32>,
        tpu.vector_store %arg11[%parallel_loop3A_922, %parallel_loop3A_923, %parallel_loop3A_924], %parallel_loop3A_920 {strides = array<i32>} : memref<32x8x128xf32, #tpu.memory_space<vmem>>, vector<16xf32>,
        %parallel_loop3A_926 = tpu.vector_load_idx %arg6[%parallel_loop3A_897] : memref<256xf32, #tpu.memory_space<vmem>>[vector<16xi32>], vector<16xf32>,
        %parallel_loop3A_927 = arith.constant 4 : i32
        %parallel_loop3A_928 = arith.index_cast %parallel_loop3A_690 : i32 to index
        %parallel_loop3A_929 = arith.index_cast %parallel_loop3A_927 : i32 to index
        %parallel_loop3A_930 = arith.constant 48 : index
        %parallel_loop3A_931 = tpu.vector_load %arg11[%parallel_loop3A_928, %parallel_loop3A_929, %parallel_loop3A_930] {strides = array<i32>} : memref<32x8x128xf32, #tpu.memory_space<vmem>>, vector<16xf32>,
        tpu.vector_store %arg11[%parallel_loop3A_928, %parallel_loop3A_929, %parallel_loop3A_930], %parallel_loop3A_926 {strides = array<i32>} : memref<32x8x128xf32, #tpu.memory_space<vmem>>, vector<16xf32>,
        %parallel_loop3A_932 = arith.constant 256 : i32
        %parallel_loop3A_933 = arith.addi %parallel_loop3A_692, %parallel_loop3A_932 : i32
        %parallel_loop3A_934 = arith.constant 48 : i32
        %parallel_loop3A_935 = arith.addi %parallel_loop3A_933, %parallel_loop3A_934 : i32
        %parallel_loop3A_936 = arith.index_cast %parallel_loop3A_935 : i32 to index
        %parallel_loop3A_937 = tpu.vector_load %arg9[%parallel_loop3A_936] {strides = array<i32>} : memref<16384xf32, #tpu.memory_space<vmem>>, vector<16xf32>,
        %parallel_loop3A_938 = arith.constant 2 : i32
        %parallel_loop3A_939 = arith.index_cast %parallel_loop3A_690 : i32 to index
        %parallel_loop3A_940 = arith.index_cast %parallel_loop3A_938 : i32 to index
        %parallel_loop3A_941 = arith.constant 48 : index
        %parallel_loop3A_942 = tpu.vector_load %arg11[%parallel_loop3A_939, %parallel_loop3A_940, %parallel_loop3A_941] {strides = array<i32>} : memref<32x8x128xf32, #tpu.memory_space<vmem>>, vector<16xf32>,
        tpu.vector_store %arg11[%parallel_loop3A_939, %parallel_loop3A_940, %parallel_loop3A_941], %parallel_loop3A_937 {strides = array<i32>} : memref<32x8x128xf32, #tpu.memory_space<vmem>>, vector<16xf32>,
        %parallel_loop3A_943 = tpu.vector_load_idx %arg7[%parallel_loop3A_897] : memref<256xf32, #tpu.memory_space<vmem>>[vector<16xi32>], vector<16xf32>,
        %parallel_loop3A_944 = arith.constant 5 : i32
        %parallel_loop3A_945 = arith.index_cast %parallel_loop3A_690 : i32 to index
        %parallel_loop3A_946 = arith.index_cast %parallel_loop3A_944 : i32 to index
        %parallel_loop3A_947 = arith.constant 48 : index
        %parallel_loop3A_948 = tpu.vector_load %arg11[%parallel_loop3A_945, %parallel_loop3A_946, %parallel_loop3A_947] {strides = array<i32>} : memref<32x8x128xf32, #tpu.memory_space<vmem>>, vector<16xf32>,
        tpu.vector_store %arg11[%parallel_loop3A_945, %parallel_loop3A_946, %parallel_loop3A_947], %parallel_loop3A_943 {strides = array<i32>} : memref<32x8x128xf32, #tpu.memory_space<vmem>>, vector<16xf32>,
        %parallel_loop3A_949 = arith.constant 384 : i32
        %parallel_loop3A_950 = arith.addi %parallel_loop3A_692, %parallel_loop3A_949 : i32
        %parallel_loop3A_951 = arith.constant 64 : i32
        %parallel_loop3A_952 = arith.addi %parallel_loop3A_950, %parallel_loop3A_951 : i32
        %parallel_loop3A_953 = arith.index_cast %parallel_loop3A_952 : i32 to index
        %parallel_loop3A_954 = tpu.vector_load %arg9[%parallel_loop3A_953] {strides = array<i32>} : memref<16384xf32, #tpu.memory_space<vmem>>, vector<16xf32>,
        %parallel_loop3A_955 = arith.fptosi %parallel_loop3A_954 : vector<16xf32> to vector<16xi32>
        %parallel_loop3A_956 = arith.constant 0 : i32
        %parallel_loop3A_957 = arith.constant 255 : i32
        %parallel_loop3A_958 = vector.broadcast %parallel_loop3A_956 : i32 to vector<16xi32>
        %parallel_loop3A_959 = arith.maxsi %parallel_loop3A_958, %parallel_loop3A_955 : vector<16xi32>
        %parallel_loop3A_960 = vector.broadcast %parallel_loop3A_957 : i32 to vector<16xi32>
        %parallel_loop3A_961 = arith.minsi %parallel_loop3A_960, %parallel_loop3A_959 : vector<16xi32>
        %parallel_loop3A_962 = arith.constant 0 : i32
        %parallel_loop3A_963 = arith.addi %parallel_loop3A_692, %parallel_loop3A_962 : i32
        %parallel_loop3A_964 = arith.constant 64 : i32
        %parallel_loop3A_965 = arith.addi %parallel_loop3A_963, %parallel_loop3A_964 : i32
        %parallel_loop3A_966 = arith.index_cast %parallel_loop3A_965 : i32 to index
        %parallel_loop3A_967 = tpu.vector_load %arg9[%parallel_loop3A_966] {strides = array<i32>} : memref<16384xf32, #tpu.memory_space<vmem>>, vector<16xf32>,
        %parallel_loop3A_968 = arith.constant 0 : i32
        %parallel_loop3A_969 = arith.index_cast %parallel_loop3A_690 : i32 to index
        %parallel_loop3A_970 = arith.index_cast %parallel_loop3A_968 : i32 to index
        %parallel_loop3A_971 = arith.constant 64 : index
        %parallel_loop3A_972 = tpu.vector_load %arg11[%parallel_loop3A_969, %parallel_loop3A_970, %parallel_loop3A_971] {strides = array<i32>} : memref<32x8x128xf32, #tpu.memory_space<vmem>>, vector<16xf32>,
        tpu.vector_store %arg11[%parallel_loop3A_969, %parallel_loop3A_970, %parallel_loop3A_971], %parallel_loop3A_967 {strides = array<i32>} : memref<32x8x128xf32, #tpu.memory_space<vmem>>, vector<16xf32>,
        %parallel_loop3A_973 = tpu.vector_load_idx %arg5[%parallel_loop3A_961] : memref<256xf32, #tpu.memory_space<vmem>>[vector<16xi32>], vector<16xf32>,
        %parallel_loop3A_974 = arith.constant 3 : i32
        %parallel_loop3A_975 = arith.index_cast %parallel_loop3A_690 : i32 to index
        %parallel_loop3A_976 = arith.index_cast %parallel_loop3A_974 : i32 to index
        %parallel_loop3A_977 = arith.constant 64 : index
        %parallel_loop3A_978 = tpu.vector_load %arg11[%parallel_loop3A_975, %parallel_loop3A_976, %parallel_loop3A_977] {strides = array<i32>} : memref<32x8x128xf32, #tpu.memory_space<vmem>>, vector<16xf32>,
        tpu.vector_store %arg11[%parallel_loop3A_975, %parallel_loop3A_976, %parallel_loop3A_977], %parallel_loop3A_973 {strides = array<i32>} : memref<32x8x128xf32, #tpu.memory_space<vmem>>, vector<16xf32>,
        %parallel_loop3A_979 = arith.constant 128 : i32
        %parallel_loop3A_980 = arith.addi %parallel_loop3A_692, %parallel_loop3A_979 : i32
        %parallel_loop3A_981 = arith.constant 64 : i32
        %parallel_loop3A_982 = arith.addi %parallel_loop3A_980, %parallel_loop3A_981 : i32
        %parallel_loop3A_983 = arith.index_cast %parallel_loop3A_982 : i32 to index
        %parallel_loop3A_984 = tpu.vector_load %arg9[%parallel_loop3A_983] {strides = array<i32>} : memref<16384xf32, #tpu.memory_space<vmem>>, vector<16xf32>,
        %parallel_loop3A_985 = arith.constant 1 : i32
        %parallel_loop3A_986 = arith.index_cast %parallel_loop3A_690 : i32 to index
        %parallel_loop3A_987 = arith.index_cast %parallel_loop3A_985 : i32 to index
        %parallel_loop3A_988 = arith.constant 64 : index
        %parallel_loop3A_989 = tpu.vector_load %arg11[%parallel_loop3A_986, %parallel_loop3A_987, %parallel_loop3A_988] {strides = array<i32>} : memref<32x8x128xf32, #tpu.memory_space<vmem>>, vector<16xf32>,
        tpu.vector_store %arg11[%parallel_loop3A_986, %parallel_loop3A_987, %parallel_loop3A_988], %parallel_loop3A_984 {strides = array<i32>} : memref<32x8x128xf32, #tpu.memory_space<vmem>>, vector<16xf32>,
        %parallel_loop3A_990 = tpu.vector_load_idx %arg6[%parallel_loop3A_961] : memref<256xf32, #tpu.memory_space<vmem>>[vector<16xi32>], vector<16xf32>,
        %parallel_loop3A_991 = arith.constant 4 : i32
        %parallel_loop3A_992 = arith.index_cast %parallel_loop3A_690 : i32 to index
        %parallel_loop3A_993 = arith.index_cast %parallel_loop3A_991 : i32 to index
        %parallel_loop3A_994 = arith.constant 64 : index
        %parallel_loop3A_995 = tpu.vector_load %arg11[%parallel_loop3A_992, %parallel_loop3A_993, %parallel_loop3A_994] {strides = array<i32>} : memref<32x8x128xf32, #tpu.memory_space<vmem>>, vector<16xf32>,
        tpu.vector_store %arg11[%parallel_loop3A_992, %parallel_loop3A_993, %parallel_loop3A_994], %parallel_loop3A_990 {strides = array<i32>} : memref<32x8x128xf32, #tpu.memory_space<vmem>>, vector<16xf32>,
        %parallel_loop3A_996 = arith.constant 256 : i32
        %parallel_loop3A_997 = arith.addi %parallel_loop3A_692, %parallel_loop3A_996 : i32
        %parallel_loop3A_998 = arith.constant 64 : i32
        %parallel_loop3A_999 = arith.addi %parallel_loop3A_997, %parallel_loop3A_998 : i32
        %parallel_loop3A_1000 = arith.index_cast %parallel_loop3A_999 : i32 to index
        %parallel_loop3A_1001 = tpu.vector_load %arg9[%parallel_loop3A_1000] {strides = array<i32>} : memref<16384xf32, #tpu.memory_space<vmem>>, vector<16xf32>,
        %parallel_loop3A_1002 = arith.constant 2 : i32
        %parallel_loop3A_1003 = arith.index_cast %parallel_loop3A_690 : i32 to index
        %parallel_loop3A_1004 = arith.index_cast %parallel_loop3A_1002 : i32 to index
        %parallel_loop3A_1005 = arith.constant 64 : index
        %parallel_loop3A_1006 = tpu.vector_load %arg11[%parallel_loop3A_1003, %parallel_loop3A_1004, %parallel_loop3A_1005] {strides = array<i32>} : memref<32x8x128xf32, #tpu.memory_space<vmem>>, vector<16xf32>,
        tpu.vector_store %arg11[%parallel_loop3A_1003, %parallel_loop3A_1004, %parallel_loop3A_1005], %parallel_loop3A_1001 {strides = array<i32>} : memref<32x8x128xf32, #tpu.memory_space<vmem>>, vector<16xf32>,
        %parallel_loop3A_1007 = tpu.vector_load_idx %arg7[%parallel_loop3A_961] : memref<256xf32, #tpu.memory_space<vmem>>[vector<16xi32>], vector<16xf32>,
        %parallel_loop3A_1008 = arith.constant 5 : i32
        %parallel_loop3A_1009 = arith.index_cast %parallel_loop3A_690 : i32 to index
        %parallel_loop3A_1010 = arith.index_cast %parallel_loop3A_1008 : i32 to index
        %parallel_loop3A_1011 = arith.constant 64 : index
        %parallel_loop3A_1012 = tpu.vector_load %arg11[%parallel_loop3A_1009, %parallel_loop3A_1010, %parallel_loop3A_1011] {strides = array<i32>} : memref<32x8x128xf32, #tpu.memory_space<vmem>>, vector<16xf32>,
        tpu.vector_store %arg11[%parallel_loop3A_1009, %parallel_loop3A_1010, %parallel_loop3A_1011], %parallel_loop3A_1007 {strides = array<i32>} : memref<32x8x128xf32, #tpu.memory_space<vmem>>, vector<16xf32>,
        %parallel_loop3A_1013 = arith.constant 384 : i32
        %parallel_loop3A_1014 = arith.addi %parallel_loop3A_692, %parallel_loop3A_1013 : i32
        %parallel_loop3A_1015 = arith.constant 80 : i32
        %parallel_loop3A_1016 = arith.addi %parallel_loop3A_1014, %parallel_loop3A_1015 : i32
        %parallel_loop3A_1017 = arith.index_cast %parallel_loop3A_1016 : i32 to index
        %parallel_loop3A_1018 = tpu.vector_load %arg9[%parallel_loop3A_1017] {strides = array<i32>} : memref<16384xf32, #tpu.memory_space<vmem>>, vector<16xf32>,
        %parallel_loop3A_1019 = arith.fptosi %parallel_loop3A_1018 : vector<16xf32> to vector<16xi32>
        %parallel_loop3A_1020 = arith.constant 0 : i32
        %parallel_loop3A_1021 = arith.constant 255 : i32
        %parallel_loop3A_1022 = vector.broadcast %parallel_loop3A_1020 : i32 to vector<16xi32>
        %parallel_loop3A_1023 = arith.maxsi %parallel_loop3A_1022, %parallel_loop3A_1019 : vector<16xi32>
        %parallel_loop3A_1024 = vector.broadcast %parallel_loop3A_1021 : i32 to vector<16xi32>
        %parallel_loop3A_1025 = arith.minsi %parallel_loop3A_1024, %parallel_loop3A_1023 : vector<16xi32>
        %parallel_loop3A_1026 = arith.constant 0 : i32
        %parallel_loop3A_1027 = arith.addi %parallel_loop3A_692, %parallel_loop3A_1026 : i32
        %parallel_loop3A_1028 = arith.constant 80 : i32
        %parallel_loop3A_1029 = arith.addi %parallel_loop3A_1027, %parallel_loop3A_1028 : i32
        %parallel_loop3A_1030 = arith.index_cast %parallel_loop3A_1029 : i32 to index
        %parallel_loop3A_1031 = tpu.vector_load %arg9[%parallel_loop3A_1030] {strides = array<i32>} : memref<16384xf32, #tpu.memory_space<vmem>>, vector<16xf32>,
        %parallel_loop3A_1032 = arith.constant 0 : i32
        %parallel_loop3A_1033 = arith.index_cast %parallel_loop3A_690 : i32 to index
        %parallel_loop3A_1034 = arith.index_cast %parallel_loop3A_1032 : i32 to index
        %parallel_loop3A_1035 = arith.constant 80 : index
        %parallel_loop3A_1036 = tpu.vector_load %arg11[%parallel_loop3A_1033, %parallel_loop3A_1034, %parallel_loop3A_1035] {strides = array<i32>} : memref<32x8x128xf32, #tpu.memory_space<vmem>>, vector<16xf32>,
        tpu.vector_store %arg11[%parallel_loop3A_1033, %parallel_loop3A_1034, %parallel_loop3A_1035], %parallel_loop3A_1031 {strides = array<i32>} : memref<32x8x128xf32, #tpu.memory_space<vmem>>, vector<16xf32>,
        %parallel_loop3A_1037 = tpu.vector_load_idx %arg5[%parallel_loop3A_1025] : memref<256xf32, #tpu.memory_space<vmem>>[vector<16xi32>], vector<16xf32>,
        %parallel_loop3A_1038 = arith.constant 3 : i32
        %parallel_loop3A_1039 = arith.index_cast %parallel_loop3A_690 : i32 to index
        %parallel_loop3A_1040 = arith.index_cast %parallel_loop3A_1038 : i32 to index
        %parallel_loop3A_1041 = arith.constant 80 : index
        %parallel_loop3A_1042 = tpu.vector_load %arg11[%parallel_loop3A_1039, %parallel_loop3A_1040, %parallel_loop3A_1041] {strides = array<i32>} : memref<32x8x128xf32, #tpu.memory_space<vmem>>, vector<16xf32>,
        tpu.vector_store %arg11[%parallel_loop3A_1039, %parallel_loop3A_1040, %parallel_loop3A_1041], %parallel_loop3A_1037 {strides = array<i32>} : memref<32x8x128xf32, #tpu.memory_space<vmem>>, vector<16xf32>,
        %parallel_loop3A_1043 = arith.constant 128 : i32
        %parallel_loop3A_1044 = arith.addi %parallel_loop3A_692, %parallel_loop3A_1043 : i32
        %parallel_loop3A_1045 = arith.constant 80 : i32
        %parallel_loop3A_1046 = arith.addi %parallel_loop3A_1044, %parallel_loop3A_1045 : i32
        %parallel_loop3A_1047 = arith.index_cast %parallel_loop3A_1046 : i32 to index
        %parallel_loop3A_1048 = tpu.vector_load %arg9[%parallel_loop3A_1047] {strides = array<i32>} : memref<16384xf32, #tpu.memory_space<vmem>>, vector<16xf32>,
        %parallel_loop3A_1049 = arith.constant 1 : i32
        %parallel_loop3A_1050 = arith.index_cast %parallel_loop3A_690 : i32 to index
        %parallel_loop3A_1051 = arith.index_cast %parallel_loop3A_1049 : i32 to index
        %parallel_loop3A_1052 = arith.constant 80 : index
        %parallel_loop3A_1053 = tpu.vector_load %arg11[%parallel_loop3A_1050, %parallel_loop3A_1051, %parallel_loop3A_1052] {strides = array<i32>} : memref<32x8x128xf32, #tpu.memory_space<vmem>>, vector<16xf32>,
        tpu.vector_store %arg11[%parallel_loop3A_1050, %parallel_loop3A_1051, %parallel_loop3A_1052], %parallel_loop3A_1048 {strides = array<i32>} : memref<32x8x128xf32, #tpu.memory_space<vmem>>, vector<16xf32>,
        %parallel_loop3A_1054 = tpu.vector_load_idx %arg6[%parallel_loop3A_1025] : memref<256xf32, #tpu.memory_space<vmem>>[vector<16xi32>], vector<16xf32>,
        %parallel_loop3A_1055 = arith.constant 4 : i32
        %parallel_loop3A_1056 = arith.index_cast %parallel_loop3A_690 : i32 to index
        %parallel_loop3A_1057 = arith.index_cast %parallel_loop3A_1055 : i32 to index
        %parallel_loop3A_1058 = arith.constant 80 : index
        %parallel_loop3A_1059 = tpu.vector_load %arg11[%parallel_loop3A_1056, %parallel_loop3A_1057, %parallel_loop3A_1058] {strides = array<i32>} : memref<32x8x128xf32, #tpu.memory_space<vmem>>, vector<16xf32>,
        tpu.vector_store %arg11[%parallel_loop3A_1056, %parallel_loop3A_1057, %parallel_loop3A_1058], %parallel_loop3A_1054 {strides = array<i32>} : memref<32x8x128xf32, #tpu.memory_space<vmem>>, vector<16xf32>,
        %parallel_loop3A_1060 = arith.constant 256 : i32
        %parallel_loop3A_1061 = arith.addi %parallel_loop3A_692, %parallel_loop3A_1060 : i32
        %parallel_loop3A_1062 = arith.constant 80 : i32
        %parallel_loop3A_1063 = arith.addi %parallel_loop3A_1061, %parallel_loop3A_1062 : i32
        %parallel_loop3A_1064 = arith.index_cast %parallel_loop3A_1063 : i32 to index
        %parallel_loop3A_1065 = tpu.vector_load %arg9[%parallel_loop3A_1064] {strides = array<i32>} : memref<16384xf32, #tpu.memory_space<vmem>>, vector<16xf32>,
        %parallel_loop3A_1066 = arith.constant 2 : i32
        %parallel_loop3A_1067 = arith.index_cast %parallel_loop3A_690 : i32 to index
        %parallel_loop3A_1068 = arith.index_cast %parallel_loop3A_1066 : i32 to index
        %parallel_loop3A_1069 = arith.constant 80 : index
        %parallel_loop3A_1070 = tpu.vector_load %arg11[%parallel_loop3A_1067, %parallel_loop3A_1068, %parallel_loop3A_1069] {strides = array<i32>} : memref<32x8x128xf32, #tpu.memory_space<vmem>>, vector<16xf32>,
        tpu.vector_store %arg11[%parallel_loop3A_1067, %parallel_loop3A_1068, %parallel_loop3A_1069], %parallel_loop3A_1065 {strides = array<i32>} : memref<32x8x128xf32, #tpu.memory_space<vmem>>, vector<16xf32>,
        %parallel_loop3A_1071 = tpu.vector_load_idx %arg7[%parallel_loop3A_1025] : memref<256xf32, #tpu.memory_space<vmem>>[vector<16xi32>], vector<16xf32>,
        %parallel_loop3A_1072 = arith.constant 5 : i32
        %parallel_loop3A_1073 = arith.index_cast %parallel_loop3A_690 : i32 to index
        %parallel_loop3A_1074 = arith.index_cast %parallel_loop3A_1072 : i32 to index
        %parallel_loop3A_1075 = arith.constant 80 : index
        %parallel_loop3A_1076 = tpu.vector_load %arg11[%parallel_loop3A_1073, %parallel_loop3A_1074, %parallel_loop3A_1075] {strides = array<i32>} : memref<32x8x128xf32, #tpu.memory_space<vmem>>, vector<16xf32>,
        tpu.vector_store %arg11[%parallel_loop3A_1073, %parallel_loop3A_1074, %parallel_loop3A_1075], %parallel_loop3A_1071 {strides = array<i32>} : memref<32x8x128xf32, #tpu.memory_space<vmem>>, vector<16xf32>,
        %parallel_loop3A_1077 = arith.constant 384 : i32
        %parallel_loop3A_1078 = arith.addi %parallel_loop3A_692, %parallel_loop3A_1077 : i32
        %parallel_loop3A_1079 = arith.constant 96 : i32
        %parallel_loop3A_1080 = arith.addi %parallel_loop3A_1078, %parallel_loop3A_1079 : i32
        %parallel_loop3A_1081 = arith.index_cast %parallel_loop3A_1080 : i32 to index
        %parallel_loop3A_1082 = tpu.vector_load %arg9[%parallel_loop3A_1081] {strides = array<i32>} : memref<16384xf32, #tpu.memory_space<vmem>>, vector<16xf32>,
        %parallel_loop3A_1083 = arith.fptosi %parallel_loop3A_1082 : vector<16xf32> to vector<16xi32>
        %parallel_loop3A_1084 = arith.constant 0 : i32
        %parallel_loop3A_1085 = arith.constant 255 : i32
        %parallel_loop3A_1086 = vector.broadcast %parallel_loop3A_1084 : i32 to vector<16xi32>
        %parallel_loop3A_1087 = arith.maxsi %parallel_loop3A_1086, %parallel_loop3A_1083 : vector<16xi32>
        %parallel_loop3A_1088 = vector.broadcast %parallel_loop3A_1085 : i32 to vector<16xi32>
        %parallel_loop3A_1089 = arith.minsi %parallel_loop3A_1088, %parallel_loop3A_1087 : vector<16xi32>
        %parallel_loop3A_1090 = arith.constant 0 : i32
        %parallel_loop3A_1091 = arith.addi %parallel_loop3A_692, %parallel_loop3A_1090 : i32
        %parallel_loop3A_1092 = arith.constant 96 : i32
        %parallel_loop3A_1093 = arith.addi %parallel_loop3A_1091, %parallel_loop3A_1092 : i32
        %parallel_loop3A_1094 = arith.index_cast %parallel_loop3A_1093 : i32 to index
        %parallel_loop3A_1095 = tpu.vector_load %arg9[%parallel_loop3A_1094] {strides = array<i32>} : memref<16384xf32, #tpu.memory_space<vmem>>, vector<16xf32>,
        %parallel_loop3A_1096 = arith.constant 0 : i32
        %parallel_loop3A_1097 = arith.index_cast %parallel_loop3A_690 : i32 to index
        %parallel_loop3A_1098 = arith.index_cast %parallel_loop3A_1096 : i32 to index
        %parallel_loop3A_1099 = arith.constant 96 : index
        %parallel_loop3A_1100 = tpu.vector_load %arg11[%parallel_loop3A_1097, %parallel_loop3A_1098, %parallel_loop3A_1099] {strides = array<i32>} : memref<32x8x128xf32, #tpu.memory_space<vmem>>, vector<16xf32>,
        tpu.vector_store %arg11[%parallel_loop3A_1097, %parallel_loop3A_1098, %parallel_loop3A_1099], %parallel_loop3A_1095 {strides = array<i32>} : memref<32x8x128xf32, #tpu.memory_space<vmem>>, vector<16xf32>,
        %parallel_loop3A_1101 = tpu.vector_load_idx %arg5[%parallel_loop3A_1089] : memref<256xf32, #tpu.memory_space<vmem>>[vector<16xi32>], vector<16xf32>,
        %parallel_loop3A_1102 = arith.constant 3 : i32
        %parallel_loop3A_1103 = arith.index_cast %parallel_loop3A_690 : i32 to index
        %parallel_loop3A_1104 = arith.index_cast %parallel_loop3A_1102 : i32 to index
        %parallel_loop3A_1105 = arith.constant 96 : index
        %parallel_loop3A_1106 = tpu.vector_load %arg11[%parallel_loop3A_1103, %parallel_loop3A_1104, %parallel_loop3A_1105] {strides = array<i32>} : memref<32x8x128xf32, #tpu.memory_space<vmem>>, vector<16xf32>,
        tpu.vector_store %arg11[%parallel_loop3A_1103, %parallel_loop3A_1104, %parallel_loop3A_1105], %parallel_loop3A_1101 {strides = array<i32>} : memref<32x8x128xf32, #tpu.memory_space<vmem>>, vector<16xf32>,
        %parallel_loop3A_1107 = arith.constant 128 : i32
        %parallel_loop3A_1108 = arith.addi %parallel_loop3A_692, %parallel_loop3A_1107 : i32
        %parallel_loop3A_1109 = arith.constant 96 : i32
        %parallel_loop3A_1110 = arith.addi %parallel_loop3A_1108, %parallel_loop3A_1109 : i32
        %parallel_loop3A_1111 = arith.index_cast %parallel_loop3A_1110 : i32 to index
        %parallel_loop3A_1112 = tpu.vector_load %arg9[%parallel_loop3A_1111] {strides = array<i32>} : memref<16384xf32, #tpu.memory_space<vmem>>, vector<16xf32>,
        %parallel_loop3A_1113 = arith.constant 1 : i32
        %parallel_loop3A_1114 = arith.index_cast %parallel_loop3A_690 : i32 to index
        %parallel_loop3A_1115 = arith.index_cast %parallel_loop3A_1113 : i32 to index
        %parallel_loop3A_1116 = arith.constant 96 : index
        %parallel_loop3A_1117 = tpu.vector_load %arg11[%parallel_loop3A_1114, %parallel_loop3A_1115, %parallel_loop3A_1116] {strides = array<i32>} : memref<32x8x128xf32, #tpu.memory_space<vmem>>, vector<16xf32>,
        tpu.vector_store %arg11[%parallel_loop3A_1114, %parallel_loop3A_1115, %parallel_loop3A_1116], %parallel_loop3A_1112 {strides = array<i32>} : memref<32x8x128xf32, #tpu.memory_space<vmem>>, vector<16xf32>,
        %parallel_loop3A_1118 = tpu.vector_load_idx %arg6[%parallel_loop3A_1089] : memref<256xf32, #tpu.memory_space<vmem>>[vector<16xi32>], vector<16xf32>,
        %parallel_loop3A_1119 = arith.constant 4 : i32
        %parallel_loop3A_1120 = arith.index_cast %parallel_loop3A_690 : i32 to index
        %parallel_loop3A_1121 = arith.index_cast %parallel_loop3A_1119 : i32 to index
        %parallel_loop3A_1122 = arith.constant 96 : index
        %parallel_loop3A_1123 = tpu.vector_load %arg11[%parallel_loop3A_1120, %parallel_loop3A_1121, %parallel_loop3A_1122] {strides = array<i32>} : memref<32x8x128xf32, #tpu.memory_space<vmem>>, vector<16xf32>,
        tpu.vector_store %arg11[%parallel_loop3A_1120, %parallel_loop3A_1121, %parallel_loop3A_1122], %parallel_loop3A_1118 {strides = array<i32>} : memref<32x8x128xf32, #tpu.memory_space<vmem>>, vector<16xf32>,
        %parallel_loop3A_1124 = arith.constant 256 : i32
        %parallel_loop3A_1125 = arith.addi %parallel_loop3A_692, %parallel_loop3A_1124 : i32
        %parallel_loop3A_1126 = arith.constant 96 : i32
        %parallel_loop3A_1127 = arith.addi %parallel_loop3A_1125, %parallel_loop3A_1126 : i32
        %parallel_loop3A_1128 = arith.index_cast %parallel_loop3A_1127 : i32 to index
        %parallel_loop3A_1129 = tpu.vector_load %arg9[%parallel_loop3A_1128] {strides = array<i32>} : memref<16384xf32, #tpu.memory_space<vmem>>, vector<16xf32>,
        %parallel_loop3A_1130 = arith.constant 2 : i32
        %parallel_loop3A_1131 = arith.index_cast %parallel_loop3A_690 : i32 to index
        %parallel_loop3A_1132 = arith.index_cast %parallel_loop3A_1130 : i32 to index
        %parallel_loop3A_1133 = arith.constant 96 : index
        %parallel_loop3A_1134 = tpu.vector_load %arg11[%parallel_loop3A_1131, %parallel_loop3A_1132, %parallel_loop3A_1133] {strides = array<i32>} : memref<32x8x128xf32, #tpu.memory_space<vmem>>, vector<16xf32>,
        tpu.vector_store %arg11[%parallel_loop3A_1131, %parallel_loop3A_1132, %parallel_loop3A_1133], %parallel_loop3A_1129 {strides = array<i32>} : memref<32x8x128xf32, #tpu.memory_space<vmem>>, vector<16xf32>,
        %parallel_loop3A_1135 = tpu.vector_load_idx %arg7[%parallel_loop3A_1089] : memref<256xf32, #tpu.memory_space<vmem>>[vector<16xi32>], vector<16xf32>,
        %parallel_loop3A_1136 = arith.constant 5 : i32
        %parallel_loop3A_1137 = arith.index_cast %parallel_loop3A_690 : i32 to index
        %parallel_loop3A_1138 = arith.index_cast %parallel_loop3A_1136 : i32 to index
        %parallel_loop3A_1139 = arith.constant 96 : index
        %parallel_loop3A_1140 = tpu.vector_load %arg11[%parallel_loop3A_1137, %parallel_loop3A_1138, %parallel_loop3A_1139] {strides = array<i32>} : memref<32x8x128xf32, #tpu.memory_space<vmem>>, vector<16xf32>,
        tpu.vector_store %arg11[%parallel_loop3A_1137, %parallel_loop3A_1138, %parallel_loop3A_1139], %parallel_loop3A_1135 {strides = array<i32>} : memref<32x8x128xf32, #tpu.memory_space<vmem>>, vector<16xf32>,
        %parallel_loop3A_1141 = arith.constant 384 : i32
        %parallel_loop3A_1142 = arith.addi %parallel_loop3A_692, %parallel_loop3A_1141 : i32
        %parallel_loop3A_1143 = arith.constant 112 : i32
        %parallel_loop3A_1144 = arith.addi %parallel_loop3A_1142, %parallel_loop3A_1143 : i32
        %parallel_loop3A_1145 = arith.index_cast %parallel_loop3A_1144 : i32 to index
        %parallel_loop3A_1146 = tpu.vector_load %arg9[%parallel_loop3A_1145] {strides = array<i32>} : memref<16384xf32, #tpu.memory_space<vmem>>, vector<16xf32>,
        %parallel_loop3A_1147 = arith.fptosi %parallel_loop3A_1146 : vector<16xf32> to vector<16xi32>
        %parallel_loop3A_1148 = arith.constant 0 : i32
        %parallel_loop3A_1149 = arith.constant 255 : i32
        %parallel_loop3A_1150 = vector.broadcast %parallel_loop3A_1148 : i32 to vector<16xi32>
        %parallel_loop3A_1151 = arith.maxsi %parallel_loop3A_1150, %parallel_loop3A_1147 : vector<16xi32>
        %parallel_loop3A_1152 = vector.broadcast %parallel_loop3A_1149 : i32 to vector<16xi32>
        %parallel_loop3A_1153 = arith.minsi %parallel_loop3A_1152, %parallel_loop3A_1151 : vector<16xi32>
        %parallel_loop3A_1154 = arith.constant 0 : i32
        %parallel_loop3A_1155 = arith.addi %parallel_loop3A_692, %parallel_loop3A_1154 : i32
        %parallel_loop3A_1156 = arith.constant 112 : i32
        %parallel_loop3A_1157 = arith.addi %parallel_loop3A_1155, %parallel_loop3A_1156 : i32
        %parallel_loop3A_1158 = arith.index_cast %parallel_loop3A_1157 : i32 to index
        %parallel_loop3A_1159 = tpu.vector_load %arg9[%parallel_loop3A_1158] {strides = array<i32>} : memref<16384xf32, #tpu.memory_space<vmem>>, vector<16xf32>,
        %parallel_loop3A_1160 = arith.constant 0 : i32
        %parallel_loop3A_1161 = arith.index_cast %parallel_loop3A_690 : i32 to index
        %parallel_loop3A_1162 = arith.index_cast %parallel_loop3A_1160 : i32 to index
        %parallel_loop3A_1163 = arith.constant 112 : index
        %parallel_loop3A_1164 = tpu.vector_load %arg11[%parallel_loop3A_1161, %parallel_loop3A_1162, %parallel_loop3A_1163] {strides = array<i32>} : memref<32x8x128xf32, #tpu.memory_space<vmem>>, vector<16xf32>,
        tpu.vector_store %arg11[%parallel_loop3A_1161, %parallel_loop3A_1162, %parallel_loop3A_1163], %parallel_loop3A_1159 {strides = array<i32>} : memref<32x8x128xf32, #tpu.memory_space<vmem>>, vector<16xf32>,
        %parallel_loop3A_1165 = tpu.vector_load_idx %arg5[%parallel_loop3A_1153] : memref<256xf32, #tpu.memory_space<vmem>>[vector<16xi32>], vector<16xf32>,
        %parallel_loop3A_1166 = arith.constant 3 : i32
        %parallel_loop3A_1167 = arith.index_cast %parallel_loop3A_690 : i32 to index
        %parallel_loop3A_1168 = arith.index_cast %parallel_loop3A_1166 : i32 to index
        %parallel_loop3A_1169 = arith.constant 112 : index
        %parallel_loop3A_1170 = tpu.vector_load %arg11[%parallel_loop3A_1167, %parallel_loop3A_1168, %parallel_loop3A_1169] {strides = array<i32>} : memref<32x8x128xf32, #tpu.memory_space<vmem>>, vector<16xf32>,
        tpu.vector_store %arg11[%parallel_loop3A_1167, %parallel_loop3A_1168, %parallel_loop3A_1169], %parallel_loop3A_1165 {strides = array<i32>} : memref<32x8x128xf32, #tpu.memory_space<vmem>>, vector<16xf32>,
        %parallel_loop3A_1171 = arith.constant 128 : i32
        %parallel_loop3A_1172 = arith.addi %parallel_loop3A_692, %parallel_loop3A_1171 : i32
        %parallel_loop3A_1173 = arith.constant 112 : i32
        %parallel_loop3A_1174 = arith.addi %parallel_loop3A_1172, %parallel_loop3A_1173 : i32
        %parallel_loop3A_1175 = arith.index_cast %parallel_loop3A_1174 : i32 to index
        %parallel_loop3A_1176 = tpu.vector_load %arg9[%parallel_loop3A_1175] {strides = array<i32>} : memref<16384xf32, #tpu.memory_space<vmem>>, vector<16xf32>,
        %parallel_loop3A_1177 = arith.constant 1 : i32
        %parallel_loop3A_1178 = arith.index_cast %parallel_loop3A_690 : i32 to index
        %parallel_loop3A_1179 = arith.index_cast %parallel_loop3A_1177 : i32 to index
        %parallel_loop3A_1180 = arith.constant 112 : index
        %parallel_loop3A_1181 = tpu.vector_load %arg11[%parallel_loop3A_1178, %parallel_loop3A_1179, %parallel_loop3A_1180] {strides = array<i32>} : memref<32x8x128xf32, #tpu.memory_space<vmem>>, vector<16xf32>,
        tpu.vector_store %arg11[%parallel_loop3A_1178, %parallel_loop3A_1179, %parallel_loop3A_1180], %parallel_loop3A_1176 {strides = array<i32>} : memref<32x8x128xf32, #tpu.memory_space<vmem>>, vector<16xf32>,
        %parallel_loop3A_1182 = tpu.vector_load_idx %arg6[%parallel_loop3A_1153] : memref<256xf32, #tpu.memory_space<vmem>>[vector<16xi32>], vector<16xf32>,
        %parallel_loop3A_1183 = arith.constant 4 : i32
        %parallel_loop3A_1184 = arith.index_cast %parallel_loop3A_690 : i32 to index
        %parallel_loop3A_1185 = arith.index_cast %parallel_loop3A_1183 : i32 to index
        %parallel_loop3A_1186 = arith.constant 112 : index
        %parallel_loop3A_1187 = tpu.vector_load %arg11[%parallel_loop3A_1184, %parallel_loop3A_1185, %parallel_loop3A_1186] {strides = array<i32>} : memref<32x8x128xf32, #tpu.memory_space<vmem>>, vector<16xf32>,
        tpu.vector_store %arg11[%parallel_loop3A_1184, %parallel_loop3A_1185, %parallel_loop3A_1186], %parallel_loop3A_1182 {strides = array<i32>} : memref<32x8x128xf32, #tpu.memory_space<vmem>>, vector<16xf32>,
        %parallel_loop3A_1188 = arith.constant 256 : i32
        %parallel_loop3A_1189 = arith.addi %parallel_loop3A_692, %parallel_loop3A_1188 : i32
        %parallel_loop3A_1190 = arith.constant 112 : i32
        %parallel_loop3A_1191 = arith.addi %parallel_loop3A_1189, %parallel_loop3A_1190 : i32
        %parallel_loop3A_1192 = arith.index_cast %parallel_loop3A_1191 : i32 to index
        %parallel_loop3A_1193 = tpu.vector_load %arg9[%parallel_loop3A_1192] {strides = array<i32>} : memref<16384xf32, #tpu.memory_space<vmem>>, vector<16xf32>,
        %parallel_loop3A_1194 = arith.constant 2 : i32
        %parallel_loop3A_1195 = arith.index_cast %parallel_loop3A_690 : i32 to index
        %parallel_loop3A_1196 = arith.index_cast %parallel_loop3A_1194 : i32 to index
        %parallel_loop3A_1197 = arith.constant 112 : index
        %parallel_loop3A_1198 = tpu.vector_load %arg11[%parallel_loop3A_1195, %parallel_loop3A_1196, %parallel_loop3A_1197] {strides = array<i32>} : memref<32x8x128xf32, #tpu.memory_space<vmem>>, vector<16xf32>,
        tpu.vector_store %arg11[%parallel_loop3A_1195, %parallel_loop3A_1196, %parallel_loop3A_1197], %parallel_loop3A_1193 {strides = array<i32>} : memref<32x8x128xf32, #tpu.memory_space<vmem>>, vector<16xf32>,
        %parallel_loop3A_1199 = tpu.vector_load_idx %arg7[%parallel_loop3A_1153] : memref<256xf32, #tpu.memory_space<vmem>>[vector<16xi32>], vector<16xf32>,
        %parallel_loop3A_1200 = arith.constant 5 : i32
        %parallel_loop3A_1201 = arith.index_cast %parallel_loop3A_690 : i32 to index
        %parallel_loop3A_1202 = arith.index_cast %parallel_loop3A_1200 : i32 to index
        %parallel_loop3A_1203 = arith.constant 112 : index
        %parallel_loop3A_1204 = tpu.vector_load %arg11[%parallel_loop3A_1201, %parallel_loop3A_1202, %parallel_loop3A_1203] {strides = array<i32>} : memref<32x8x128xf32, #tpu.memory_space<vmem>>, vector<16xf32>,
        tpu.vector_store %arg11[%parallel_loop3A_1201, %parallel_loop3A_1202, %parallel_loop3A_1203], %parallel_loop3A_1199 {strides = array<i32>} : memref<32x8x128xf32, #tpu.memory_space<vmem>>, vector<16xf32>,
      } {sc.loop_unroll_factor = 2 : i64, sc.parallel_access}
      %jit3A_645 = arith.constant 128 : i32
      %div3A_646 = arith.divsi %add3A_632, %jit3A_645 : i32
      %sign3A_647 = arith.constant 0 : i32
      %sign3A_648 = arith.cmpi sgt, %add3A_632, %sign3A_647 : i32
      %sign3A_649 = arith.extui %sign3A_648 : i1 to i32
      %sign3A_650 = arith.constant 0 : i32
      %sign3A_651 = arith.cmpi slt, %add3A_632, %sign3A_650 : i32
      %sign3A_652 = arith.extui %sign3A_651 : i1 to i32
      %sign3A_653 = arith.subi %sign3A_649, %sign3A_652 : i32
      %sign3A_654 = arith.constant 0 : i32
      %sign3A_655 = arith.cmpi sgt, %jit3A_645, %sign3A_654 : i32
      %sign3A_656 = arith.extui %sign3A_655 : i1 to i32
      %sign3A_657 = arith.constant 0 : i32
      %sign3A_658 = arith.cmpi slt, %jit3A_645, %sign3A_657 : i32
      %sign3A_659 = arith.extui %sign3A_658 : i1 to i32
      %sign3A_660 = arith.subi %sign3A_656, %sign3A_659 : i32
      %ne3A_661 = arith.cmpi ne, %sign3A_653, %sign3A_660 : i32
      %rem3A_662 = arith.remsi %add3A_632, %jit3A_645 : i32
      %ne3A_663 = arith.constant 0 : i32
      %ne3A_664 = arith.cmpi ne, %rem3A_662, %ne3A_663 : i32
      %and3A_665 = arith.andi %ne3A_661, %ne3A_664 : i1
      %sub3A_666 = arith.constant 1 : i32
      %sub3A_667 = arith.subi %div3A_646, %sub3A_666 : i32
      %select_n3A_668 = arith.select %and3A_665, %sub3A_667, %div3A_646 : i32
      %dma_start3A_669 = arith.constant 0 : i32
      %dma_start3A_670 = arith.constant 0 : i32
      %dma_start3A_671 = arith.constant 0 : i32
      %dma_start3A_672 = tpu.memref_slice %arg11[%dma_start3A_669, %dma_start3A_670, %dma_start3A_671] : memref<32x8x128xf32, #tpu.memory_space<vmem>> -> memref<32x6x128xf32, #tpu.memory_space<vmem>>
      %dma_start3A_673 = arith.constant 0 : i32
      %dma_start3A_674 = arith.constant 0 : i32
      %dma_start3A_675 = tpu.memref_slice %arg4[%select_n3A_668, %dma_start3A_673, %dma_start3A_674] : memref<32768x8x128xf32, #tpu.memory_space<hbm>> -> memref<32x6x128xf32, #tpu.memory_space<hbm>>
      %dma_start3A_676 = arith.constant 0 : i32
      %dma_start3A_677 = arith.constant 0 : i32
      %dma_start3A_678 = tpu.memref_slice %arg4[%select_n3A_668, %dma_start3A_676, %dma_start3A_677] : memref<32768x8x128xf32, #tpu.memory_space<hbm>> -> memref<32x6x128xf32, #tpu.memory_space<hbm>>
      %dma_start3A_679 = arith.constant 0 : i32
      %dma_start3A_680 = arith.constant 0 : i32
      %dma_start3A_681 = arith.constant 0 : i32
      %dma_start3A_682 = tpu.memref_slice %arg11[%dma_start3A_679, %dma_start3A_680, %dma_start3A_681] : memref<32x8x128xf32, #tpu.memory_space<vmem>> -> memref<32x6x128xf32, #tpu.memory_space<vmem>>
      tpu.enqueue_dma source(%dma_start3A_682 : memref<32x6x128xf32, #tpu.memory_space<vmem>>) target(%dma_start3A_678 : memref<32x6x128xf32, #tpu.memory_space<hbm>>) target_semaphore(%arg15 : memref<!tpu.dma_semaphore, #tpu.memory_space<semaphore_mem>>)
      %add3A_683 = arith.constant 2 : i32
      %add3A_684 = arith.addi %add3A_629, %add3A_683 : i32
      %lt3A_685 = arith.constant 32 : i32
      %lt3A_686 = arith.cmpi slt, %add3A_684, %lt3A_685 : i32
      %convert_element_type3A_687 = arith.extui %lt3A_686 : i1 to i32
      %cond3A_688 = arith.constant 0 : i32
      %cond3A_689 = arith.cmpi ne, %convert_element_type3A_687, %cond3A_688 : i32
      scf.if %cond3A_689 {
        %add3A_690 = arith.constant 2 : i32
        %add3A_691 = arith.addi %add3A_629, %add3A_690 : i32
        %mul3A_692 = arith.constant 4096 : i32
        %mul3A_693 = arith.muli %add3A_691, %mul3A_692 : i32
        %add3A_694 = arith.addi %mul3A_2, %mul3A_693 : i32
        %mul3A_695 = arith.constant 4 : i32
        %mul3A_696 = arith.muli %add3A_694, %mul3A_695 : i32
        %dma_start3A_697 = tpu.memref_slice %arg2[%mul3A_696] : memref<16777216xf32, #tpu.memory_space<hbm>> -> memref<16384xf32, #tpu.memory_space<hbm>>
        %dma_start3A_698 = tpu.memref_slice %arg2[%mul3A_696] : memref<16777216xf32, #tpu.memory_space<hbm>> -> memref<16384xf32, #tpu.memory_space<hbm>>
        tpu.enqueue_dma source(%dma_start3A_698 : memref<16384xf32, #tpu.memory_space<hbm>>) target(%arg9 : memref<16384xf32, #tpu.memory_space<vmem>>) target_semaphore(%arg13 : memref<!tpu.dma_semaphore, #tpu.memory_space<semaphore_mem>>)
      } else {
      }
    }
    %scan3A_493 = arith.constant 16 : i32
    %add3A_494 = arith.constant 122880 : i32
    %add3A_495 = arith.addi %mul3A_2, %add3A_494 : i32
    %jit3A_496 = arith.constant 128 : i32
    %div3A = arith.divsi %add3A_495, %jit3A_496 : i32
    %sign3A = arith.constant 0 : i32
    %sign3A_497 = arith.cmpi sgt, %add3A_495, %sign3A : i32
    %sign3A_498 = arith.extui %sign3A_497 : i1 to i32
    %sign3A_499 = arith.constant 0 : i32
    %sign3A_500 = arith.cmpi slt, %add3A_495, %sign3A_499 : i32
    %sign3A_501 = arith.extui %sign3A_500 : i1 to i32
    %sign3A_502 = arith.subi %sign3A_498, %sign3A_501 : i32
    %sign3A_503 = arith.constant 0 : i32
    %sign3A_504 = arith.cmpi sgt, %jit3A_496, %sign3A_503 : i32
    %sign3A_505 = arith.extui %sign3A_504 : i1 to i32
    %sign3A_506 = arith.constant 0 : i32
    %sign3A_507 = arith.cmpi slt, %jit3A_496, %sign3A_506 : i32
    %sign3A_508 = arith.extui %sign3A_507 : i1 to i32
    %sign3A_509 = arith.subi %sign3A_505, %sign3A_508 : i32
    %ne3A = arith.cmpi ne, %sign3A_502, %sign3A_509 : i32
    %rem3A = arith.remsi %add3A_495, %jit3A_496 : i32
    %ne3A_510 = arith.constant 0 : i32
    %ne3A_511 = arith.cmpi ne, %rem3A, %ne3A_510 : i32
    %and3A = arith.andi %ne3A, %ne3A_511 : i1
    %sub3A = arith.constant 1 : i32
    %sub3A_512 = arith.subi %div3A, %sub3A : i32
    %select_n3A = arith.select %and3A, %sub3A_512, %div3A : i32
    %dma_wait3A = arith.constant 0 : i32
    %dma_wait3A_513 = arith.constant 0 : i32
    %dma_wait3A_514 = arith.constant 0 : i32
    %dma_wait3A_515 = tpu.memref_slice %arg10[%dma_wait3A, %dma_wait3A_513, %dma_wait3A_514] : memref<32x8x128xf32, #tpu.memory_space<vmem>> -> memref<32x6x128xf32, #tpu.memory_space<vmem>>
    %dma_wait3A_516 = arith.constant 0 : i32
    %dma_wait3A_517 = arith.constant 0 : i32
    %dma_wait3A_518 = tpu.memref_slice %arg4[%select_n3A, %dma_wait3A_516, %dma_wait3A_517] : memref<32768x8x128xf32, #tpu.memory_space<hbm>> -> memref<32x6x128xf32, #tpu.memory_space<hbm>>
    %dma_wait3A_519 = arith.constant 0 : i32
    %dma_wait3A_520 = arith.constant 0 : i32
    %dma_wait3A_521 = tpu.memref_slice %arg4[%select_n3A, %dma_wait3A_519, %dma_wait3A_520] : memref<32768x8x128xf32, #tpu.memory_space<hbm>> -> memref<32x6x128xf32, #tpu.memory_space<hbm>>
    %dma_wait3A_522 = arith.constant 0 : i32
    %dma_wait3A_523 = arith.constant 0 : i32
    %dma_wait3A_524 = arith.constant 0 : i32
    %dma_wait3A_525 = tpu.memref_slice %arg10[%dma_wait3A_522, %dma_wait3A_523, %dma_wait3A_524] : memref<32x8x128xf32, #tpu.memory_space<vmem>> -> memref<32x6x128xf32, #tpu.memory_space<vmem>>
    tpu.wait_dma2 semaphore(%arg14 : memref<!tpu.dma_semaphore, #tpu.memory_space<semaphore_mem>>) src(%dma_wait3A_525 : memref<32x6x128xf32, #tpu.memory_space<vmem>>) dst(%dma_wait3A_521 : memref<32x6x128xf32, #tpu.memory_space<hbm>>)
    %add3A_526 = arith.constant 126976 : i32
    %add3A_527 = arith.addi %mul3A_2, %add3A_526 : i32
    %jit3A_528 = arith.constant 128 : i32
    %div3A_529 = arith.divsi %add3A_527, %jit3A_528 : i32
    %sign3A_530 = arith.constant 0 : i32
    %sign3A_531 = arith.cmpi sgt, %add3A_527, %sign3A_530 : i32
    %sign3A_532 = arith.extui %sign3A_531 : i1 to i32
    %sign3A_533 = arith.constant 0 : i32
    %sign3A_534 = arith.cmpi slt, %add3A_527, %sign3A_533 : i32
    %sign3A_535 = arith.extui %sign3A_534 : i1 to i32
    %sign3A_536 = arith.subi %sign3A_532, %sign3A_535 : i32
    %sign3A_537 = arith.constant 0 : i32
    %sign3A_538 = arith.cmpi sgt, %jit3A_528, %sign3A_537 : i32
    %sign3A_539 = arith.extui %sign3A_538 : i1 to i32
    %sign3A_540 = arith.constant 0 : i32
    %sign3A_541 = arith.cmpi slt, %jit3A_528, %sign3A_540 : i32
    %sign3A_542 = arith.extui %sign3A_541 : i1 to i32
    %sign3A_543 = arith.subi %sign3A_539, %sign3A_542 : i32
    %ne3A_544 = arith.cmpi ne, %sign3A_536, %sign3A_543 : i32
    %rem3A_545 = arith.remsi %add3A_527, %jit3A_528 : i32
    %ne3A_546 = arith.constant 0 : i32
    %ne3A_547 = arith.cmpi ne, %rem3A_545, %ne3A_546 : i32
    %and3A_548 = arith.andi %ne3A_544, %ne3A_547 : i1
    %sub3A_549 = arith.constant 1 : i32
    %sub3A_550 = arith.subi %div3A_529, %sub3A_549 : i32
    %select_n3A_551 = arith.select %and3A_548, %sub3A_550, %div3A_529 : i32
    %dma_wait3A_552 = arith.constant 0 : i32
    %dma_wait3A_553 = arith.constant 0 : i32
    %dma_wait3A_554 = arith.constant 0 : i32
    %dma_wait3A_555 = tpu.memref_slice %arg11[%dma_wait3A_552, %dma_wait3A_553, %dma_wait3A_554] : memref<32x8x128xf32, #tpu.memory_space<vmem>> -> memref<32x6x128xf32, #tpu.memory_space<vmem>>
    %dma_wait3A_556 = arith.constant 0 : i32
    %dma_wait3A_557 = arith.constant 0 : i32
    %dma_wait3A_558 = tpu.memref_slice %arg4[%select_n3A_551, %dma_wait3A_556, %dma_wait3A_557] : memref<32768x8x128xf32, #tpu.memory_space<hbm>> -> memref<32x6x128xf32, #tpu.memory_space<hbm>>
    %dma_wait3A_559 = arith.constant 0 : i32
    %dma_wait3A_560 = arith.constant 0 : i32
    %dma_wait3A_561 = tpu.memref_slice %arg4[%select_n3A_551, %dma_wait3A_559, %dma_wait3A_560] : memref<32768x8x128xf32, #tpu.memory_space<hbm>> -> memref<32x6x128xf32, #tpu.memory_space<hbm>>
    %dma_wait3A_562 = arith.constant 0 : i32
    %dma_wait3A_563 = arith.constant 0 : i32
    %dma_wait3A_564 = arith.constant 0 : i32
    %dma_wait3A_565 = tpu.memref_slice %arg11[%dma_wait3A_562, %dma_wait3A_563, %dma_wait3A_564] : memref<32x8x128xf32, #tpu.memory_space<vmem>> -> memref<32x6x128xf32, #tpu.memory_space<vmem>>
    tpu.wait_dma2 semaphore(%arg15 : memref<!tpu.dma_semaphore, #tpu.memory_space<semaphore_mem>>) src(%dma_wait3A_565 : memref<32x6x128xf32, #tpu.memory_space<vmem>>) dst(%dma_wait3A_561 : memref<32x6x128xf32, #tpu.memory_space<hbm>>)
    return
  }
}

</mosaic_0001>

<sc_bundles>
// kernel: kernel.3.cloned.1.call-start
scs
__scs_entry_jumppad:
0x0: {  	(pc) =	sbr.rel $0x88, $3  }
0x1: {  	(tag) =	ssettag $0x0;
	lr =	simm.s32 $0x1  }
0x2: {  	[smem:$0x3F9F] =	sst lr;
	_ =	strace $0xD0000000  }
0x3: {  	_ = 	snop  }
0x4: {  	_ = 	snop  }
0x5: {  	_ = 	snop  }
0x6: {  	_ = 	snop  }
0x7: {  	_ = 	snop  }
__scs_overlays_trampoline_lowered:
0x8: {  	[smem:$0x3FAE] =	sst s0  }
0x9: {  	[smem:$0x3FAF] =	sst s1  }
0xa: {  	[smem:$0x3FB0] =	sst s2  }
0xb: {  	[smem:$0x3FB1] =	sst s3  }
0xc: {  	[smem:$0x3FB2] =	sst s4  }
0xd: {  	[smem:$0x3FB3] =	sst s5  }
0xe: {  	[smem:$0x3FB4] =	sst s6  }
0xf: {  	[smem:$0x3FB5] =	sst s7  }
0x10: {  	[smem:$0x3FB6] =	sst s8  }
0x11: {  	[smem:$0x3FB7] =	sst s9;
	s0 =	simm.s32 @!p0 $0x0  }
0x12: {  	s1 =	sld [smem:$0x3F9D];
	s0 =	simm.s32 @p0 $0x1  }
0x13: {  	[smem:$0x3FB8] =	sst s0;
	s0 =	simm.s32 @!p1 $0x0  }
0x14: {  	s2 =	sld [smem:$0x3F9C];
	s0 =	simm.s32 @p1 $0x1  }
0x15: {  	[smem:$0x3FB9] =	sst s0;
	s0 =	simm.s32 @!p2 $0x0  }
0x16: {  	s3 =	sld [smem:$0x3FDB];
	s0 =	simm.s32 @p2 $0x1  }
0x17: {  	s4 =	simm.s32 $0x1BF5;
	[smem:$0x3FBB] =	sst s0  }
0x18: {  	s0 =	sld [smem:$0x3F9E];
	_ =	swait.ge [sflag:s4], $0x0  }
0x19: {  	s7 =	sld [smem:$0x3F9F]  }
0x1a: {  	s8 =	sadd.s32 $0xFFFFE003, lr  }
0x1b: {  	s9 =	sadd.s32 $0xFFFFFEF7, lr;
	s5 =	simm.s32 $0xFFFFFFFF;
	p2 =	slt.u32 s8, $0xFFFFF086  }
0x1c: {  	p1 =	slt.u32 s9, $0xF7A;
	s5 =	simm.s32 @!p2 $0x0  }
0x1d: {  	s5 =	simm.s32 @p1 $0x1;
	p0 =	seq.s32 s7, s2  }
0x1e: {  	s7 =	smul.u32 @!p0 $0xF7A, s2;
	p2 =	seq.s32 @!p0 s5, $0x0  }
0x1f: {  	s9 =	smul.u32 $0xF7A, s1;
	s8 =	simm.s32 @!p0 $0x1BF5;
	p2 =	por !p2, p0  }
0x20: {  	[sflag:s8] =	ssyncset.s32 @!p0 $0xFFFFF086;
	s6 =	sadd.s32 @!p0 s3, s7;
	s7 =	simm.s32 @!p0 $0x108  }
0x21: {  	s3 =	sadd.s32 s3, s9;
	s6 =	sadd.s32 @!p0 $0x88, s6;
	s7 =	simm.s32 @p2 $0x1082  }
0x22: {  	[simem:s7], [sflag:s8] =	dma.local @!p0 [hbm:s6], $0xF7A  }
0x23: {  	s9 =	sor.u32 $0xD0000000, s2;
	s6 =	simm.s32 $0x108;
	_ =	swait.ge @!p0 [sflag:s8], $0x0  }
0x24: {  	s3 =	sadd.s32 $0x88, s3;
	s6 =	simm.s32 @!p1 $0x1082;
	[sflag:s4] =	ssyncset.s32 $0xFFFFF086  }
0x25: {  	[simem:s6], [sflag:s4] =	dma.local [hbm:s3], $0xF7A  }
0x26: {  	[smem:$0x3F9F] =	sst s1;
	(tag) =	ssettag s2;
	_ =	strace s9  }
0x27: {  	s1 =	sld [smem:$0x3FAF]  }
0x28: {  	s2 =	sld [smem:$0x3FB0]  }
0x29: {  	s4 =	sld [smem:$0x3FB2]  }
0x2a: {  	p0 =	seq.s32 s5, $0x0;
	s5 =	sld [smem:$0x3FB3]  }
0x2b: {  	s6 =	sld [smem:$0x3FB4]  }
0x2c: {  	s7 =	sld [smem:$0x3FB5]  }
0x2d: {  	s3 =	simm.s32 $0x108;
	s8 =	sld [smem:$0x3FB6]  }
0x2e: {  	s3 =	simm.s32 @!p0 $0x1082;
	s9 =	sld [smem:$0x3FB7]  }
0x2f: {  	lr =	sadd.s32 s0, s3;
	s0 =	sld [smem:$0x3FAE]  }
0x30: {  	s3 =	sld [smem:$0x3FB1]  }
0x31: {  	[smem:$0x3FBA] =	sst s10  }
0x32: {  	s10 =	sld [smem:$0x3FB8];
	_ =	sdelay $0x3  }
0x33: {  	p0 =	seq.s32 s10, $0x1;
	s10 =	sld [smem:$0x3FBA];
	_ =	sdelay $0x3  }
0x34: {  	[smem:$0x3FBA] =	sst s10  }
0x35: {  	s10 =	sld [smem:$0x3FB9];
	_ =	sdelay $0x3  }
0x36: {  	p1 =	seq.s32 s10, $0x1;
	s10 =	sld [smem:$0x3FBA];
	_ =	sdelay $0x3  }
0x37: {  	[smem:$0x3FBA] =	sst s10  }
0x38: {  	s10 =	sld [smem:$0x3FBB]  }
0x39: {  	_ = 	snop;
	(pc) =	sbr.ind lr, $3  }
0x3a: {  	_ = 	snop  }
0x3b: {  	_ = 	snop  }
0x3c: {  	p2 =	seq.s32 s10, $0x1;
	s10 =	sld [smem:$0x3FBA]  }
0x3d: {  	_ =	shalt  }
0x3e: {  	_ =	shalt  }
0x3f: {  	_ =	shalt  }
0x40: {  	_ =	shalt  }
0x41: {  	_ =	shalt  }
0x42: {  	_ =	shalt  }
0x43: {  	_ =	shalt  }
0x44: {  	_ =	shalt  }
0x45: {  	_ =	shalt  }
0x46: {  	_ =	shalt  }
0x47: {  	_ =	shalt  }
0x48: {  	_ =	shalt  }
0x49: {  	_ =	shalt  }
0x4a: {  	_ =	shalt  }
0x4b: {  	_ =	shalt  }
0x4c: {  	_ =	shalt  }
0x4d: {  	_ =	shalt  }
0x4e: {  	_ =	shalt  }
0x4f: {  	_ =	shalt  }
0x50: {  	_ =	shalt  }
0x51: {  	_ =	shalt  }
0x52: {  	_ =	shalt  }
0x53: {  	_ =	shalt  }
0x54: {  	_ =	shalt  }
0x55: {  	_ =	shalt  }
0x56: {  	_ =	shalt  }
0x57: {  	_ =	shalt  }
0x58: {  	_ =	shalt  }
0x59: {  	_ =	shalt  }
0x5a: {  	_ =	shalt  }
0x5b: {  	_ =	shalt  }
0x5c: {  	_ =	shalt  }
0x5d: {  	_ =	shalt  }
0x5e: {  	_ =	shalt  }
0x5f: {  	_ =	shalt  }
0x60: {  	_ =	shalt  }
0x61: {  	_ =	shalt  }
0x62: {  	_ =	shalt  }
0x63: {  	_ =	shalt  }
0x64: {  	_ =	shalt  }
0x65: {  	_ =	shalt  }
0x66: {  	_ =	shalt  }
0x67: {  	_ =	shalt  }
0x68: {  	_ =	shalt  }
0x69: {  	_ =	shalt  }
0x6a: {  	_ =	shalt  }
0x6b: {  	_ =	shalt  }
0x6c: {  	_ =	shalt  }
0x6d: {  	_ =	shalt  }
0x6e: {  	_ =	shalt  }
0x6f: {  	_ =	shalt  }
0x70: {  	_ =	shalt  }
0x71: {  	_ =	shalt  }
0x72: {  	_ =	shalt  }
0x73: {  	_ =	shalt  }
0x74: {  	_ =	shalt  }
0x75: {  	_ =	shalt  }
0x76: {  	_ =	shalt  }
0x77: {  	_ =	shalt  }
0x78: {  	_ =	shalt  }
0x79: {  	_ =	shalt  }
0x7a: {  	_ =	shalt  }
0x7b: {  	_ =	shalt  }
0x7c: {  	_ =	shalt  }
0x7d: {  	_ =	shalt  }
0x7e: {  	_ =	shalt  }
0x7f: {  	_ =	shalt  }
0x80: {  	_ =	shalt  }
0x81: {  	_ =	shalt  }
0x82: {  	_ =	shalt  }
0x83: {  	_ =	shalt  }
0x84: {  	_ =	shalt  }
0x85: {  	_ =	shalt  }
0x86: {  	_ =	shalt  }
0x87: {  	_ =	shalt  }
.Lfunc_end0:
.L_simem_size_0:
called_computation_lowered:
.L_overlay_start_0:
0x88: {  	s2 =	sld [smem:$0x3FD9]  }
0x89: {  	s3 =	sld [smem:$0x3FFE];
	_ =	sdelay $0x1  }
0x8a: {  	s1 =	srdreg.scid  }
0x8b: {  	s0 =	sand.u32 $0x1, s1  }
0x8c: {  	s17 =	sshll.u32 s0, $0xA;
	s2 =	sadd.s32 s3, s2  }
0x8d: {  	s2 =	sadd.s32 s2, s17  }
0x8e: {  	[smem:$0x3FC6] =	sst s2  }
0x8f: {  	_ = 	snop  }
0x90: {  	s2 =	sld [smem:$0x3FC9]  }
0x91: {  	s18 =	sld [smem:$0x3FD0];
	(tm) =	ssettm $0x1  }
0x92: {  	s4 =	sld [smem:$0x3FFB];
	_ =	sdelay $0x3  }
0x93: {  	_ =	strace s4  }
0x94: {  	s4 =	sld [smem:$0x3FFC];
	_ =	sdelay $0x3  }
0x95: {  	_ =	strace s4  }
0x96: {  	s4 =	sld [smem:$0x3FFD];
	_ =	sdelay $0x3  }
0x97: {  	_ =	strace s4  }
0x98: {  	_ =	strace $0x8FFFFFFF  }
0x99: {  	s19 =	sld [smem:$0x3FDB];
	_ =	sdelay $0x1  }
0x9a: {  	s5 =	simm.s32 $_scs_section_size  }
0x9b: {  	s6 =	simm.s32 $_size__tile_overlayer_lowered;
	s7 =	simm.s32 $_tile_overlayer_lowered  }
0x9c: {  	s22 =	simm.s32 $0x1BFF;
	s21 =	sshll.u32 s7, $0x1;
	s4 =	sadd.s32 s5, s19  }
0x9d: {  	s8 =	simm.s32 $0x0;
	s20 =	sshll.u32 s6, $0x1;
	s6 =	sadd.s32 s21, s4  }
0x9e: {  	[timem:s8], [sflag:s22] =	dma.local [hbm:s6], s20  }
0x9f: {  	_ =	swait.ge [sflag:s22], s20  }
0xa0: {  	s5 =	ssub.s32 $0x0, s20;
	[sflag:s22] =	ssyncset.done $0x0  }
0xa1: {  	[sflag:s22] =	ssyncadd.s32 s5;
	_ =	sdelay $0x1  }
0xa2: {  	s23 =	simm.s32 $0x1B8B  }
0xa3: {  	_ =	swait.ge [sflag:s23], $0x1  }
0xa4: {  	[sflag:s23] =	ssyncset.done $0x0  }
0xa5: {  	s25 =	simm.s32 $0x1B8E;
	s24 =	sld [smem:$0x3FFE];
	[sflag:s23] =	ssyncadd.s32 $0xFFFFFFFF  }
0xa6: {  	s26 =	simm.s32 $execute0_lowered;
	[smem:$0x3FD2] =	sst s25  }
0xa7: {  	s6 =	sshll.u32 s26, $0x1;
	_ =	strace $0x80000046;
	[dreg:$0x1] =	wrdreg $0xFFFFFFFF  }
0xa8: {  	s28 =	simm.s32 $_size_execute0_lowered;
	s4 =	sadd.s32 s4, s6;
	[dreg:$0x0] =	wrdreg $0x0  }
0xa9: {  	s6 =	sshll.u32 s28, $0x1;
	[dreg:$0x2] =	wrdreg s4  }
0xaa: {  	[dreg:$0x3] =	wrdreg s6  }
0xab: {  	[dreg:$0x4] =	wrdreg $0xC0  }
0xac: {  	_ =	task [dreg:s8], $0x5FFFF  }
0xad: {  	[dreg:$0x1] =	wrdreg $0xFFFFFFFF  }
0xae: {  	[dreg:$0x0] =	wrdreg $0x60  }
0xaf: {  	[dreg:$0x2] =	wrdreg s2  }
0xb0: {  	[dreg:$0x3] =	wrdreg s18  }
0xb1: {  	[dreg:$0x4] =	wrdreg s24  }
0xb2: {  	[dreg:$0x5] =	wrdreg $0x9  }
0xb3: {  	_ =	task.clear_ibuf [dreg:s8], $0x6FFFF;
	_ =	strace $0x90000046  }
0xb4: {  	s29 =	simm.s32 $0x9;
	_ =	strace $0x80000048  }
0xb5: {  	_ =	swait.ge [sflag:s29], $0x1  }
0xb6: {  	[sflag:s29] =	ssyncadd.s32 $0xFFFFFFFF  }
0xb7: {  	_ =	strace $0x90000048  }
0xb8: {  	_ =	sfence  }
0xb9: {  	s30 =	sld [smem:$0x0];
	_ =	sdelay $0x2  }
0xba: {  	s31 =	sshll.u32 s1, $0xD;
	s1 =	sshrl.u32 s1, $0x2  }
0xbb: {  	s3 =	sand.u32 $0x4000, s31;
	s1 =	sadd.s32 s1, s30  }
0xbc: {  	s0 =	sor.u32 s3, s0;
	s1 =	sshll.u32 s1, $0x11  }
0xbd: {  	s0 =	sor.u32 s1, s0  }
0xbe: {  	s0 =	sadd.s32 $0x8F2B, s0  }
0xbf: {  	[sflag:s0] =	ssyncadd.remote.s32 $0x1  }
0xc0: {  	_ =	sfence.sel $0xFFFF  }
0xc1: {  	[dreg:$0x0] =	wrdreg $0xFFFFFFFF;
	(pc) =	sbr.abs _section_cstart, $3  }
0xc2: {  	[dreg:$0x1] =	wrdreg $0xFFFFFFFF  }
0xc3: {  	_ =	task.clear_ibuf [dreg:s8], $0x2FFFF;
	_ =	strace $0x9FFFFFFF  }
0xc4: {  	(tm) =	ssettm $0x7FFFFFFF  }
0xc5: {  	_ =	shalt  }
tec
execute0_lowered:
.L_overlay_start_1:
0x0: {  	(tag) =	ssettag $0x1  }
0x1: {  	s0 =	rddreg [dreg:$0x0]  }
0x2: {  	s7 =	rddreg [dreg:$0x1]  }
0x3: {  	s1 =	rddreg [dreg:$0x2]  }
0x4: {  	s2 =	srdreg.scid;
	s4 =	stileid.u32;
	s3 =	simm.s32 $0x0  }
0x5: {  	s12 =	simm.s32 $0x5;
	s13 =	simm.s32 $0x100;
	s14 =	simm.s32 $0x200  }
0x6: {  	s16 =	simm.s32 $0x4300;
	s17 =	simm.s32 $0x1;
	s18 =	simm.s32 $0x2  }
0x7: {  	s19 =	simm.s32 $0x3;
	s20 =	simm.s32 $0x4;
	s21 =	simm.s32 $0x0  }
0x8: {  	s2 =	sand.u32 $0x1, s2;
	s4 =	sshll.u32 s4, $0x1;
	[smem:$0x7FF] =	sst s3  }
0x9: {  	s31 =	sadd.s32 $0x20, s7;
	s4 =	sor.u32 s2, s4;
	s2 =	ssub.s32 $0x2, s2  }
.Ltmp0:
0xa: {  	_ =	strace $0x80000047;
	[dreg:$0x4] =	wrdreg s31;
	(pc) =	sbr.rel .LBB2_1-.Ltmp0, $4  }
0xb: {  	s5 =	sshll.u32 s4, $0x11;
	s6 =	sshrl.u32 s2, $0x1;
	s4 =	sshll.u32 s4, $0x10  }
0xc: {  	s1 =	sadd.s32 s5, s1;
	s2 =	ssub.s32 s2, s6;
	s6 =	sadd.s32 s0, s4  }
0xd: {  	s5 =	sadd.s32 $0x40, s7;
	s7 =	sadd.s32 $0x800, s6;
	s8 =	sadd.s32 $0x400, s1  }
0xe: {  	s9 =	sadd.s32 $0x1000, s6;
	s10 =	sadd.s32 $0x1800, s6;
	s11 =	smax.u32 s2, $0x1  }
.LBB2_12:
0xf: {  	s21 =	sadd.s32 $0x1, s21  }
0x10: {  	_ =	swait.ge [sflag:s19], $0x6000;
	p0 =	sne.s32 s21, s11  }
.Ltmp1:
0x11: {  	[sflag:s19] =	ssyncset.done $0x0;
	(pc) =	sbr.rel @!p0 .LBB2_13-.Ltmp1, $4  }
0x12: {  	[sflag:s19] =	ssyncadd.s32 $0xFFFFA000  }
0x13: {  	_ =	swait.ge [sflag:s20], $0x6000  }
0x14: {  	[sflag:s20] =	ssyncset.done $0x0  }
0x15: {  	[sflag:s20] =	ssyncadd.s32 $0xFFFFA000  }
.LBB2_1:
0x16: {  	s0 =	rddreg [dreg:$0x1]  }
0x17: {  	[tilespmem:s3], [sflag:$0x5] =	stream.linear.gather [hbm4b:s0+s3], $0x100, $0x38;
	[tilespmem:$0x18300] =	vst v63  }
0x18: {  	_ =	swait.ge [sflag:s12], $0x100  }
0x19: {  	[sflag:s12] =	ssyncset.done $0x0  }
0x1a: {  	s30 =	rddreg [dreg:$0x4];
	[sflag:s12] =	ssyncadd.s32 $0xFFFFFF00  }
0x1b: {  	[tilespmem:s13], [sflag:$0x5] =	stream.linear.gather [hbm4b:s30+s3], $0x100, $0x38;
	[tilespmem:$0x18300] =	vst v63  }
0x1c: {  	_ =	swait.ge [sflag:s12], $0x100  }
0x1d: {  	[sflag:s12] =	ssyncset.done $0x0  }
0x1e: {  	[sflag:s12] =	ssyncadd.s32 $0xFFFFFF00  }
0x1f: {  	[tilespmem:s14], [sflag:$0x5] =	stream.linear.gather [hbm4b:s5+s3], $0x100, $0x38;
	[tilespmem:$0x18300] =	vst v63  }
0x20: {  	_ =	swait.ge [sflag:s12], $0x100  }
0x21: {  	[sflag:s12] =	ssyncset.done $0x0  }
0x22: {  	s31 =	simm.s32 $0x300;
	[sflag:s12] =	ssyncadd.s32 $0xFFFFFF00  }
0x23: {  	[tilespmem:s31], [sflag:$0x1] =	stream.linear.gather [hbm4b:s6+s3], $0x4000, $0x38;
	[tilespmem:$0x18300] =	vst v63  }
0x24: {  	_ = 	snop  }
0x25: {  	[tilespmem:s16], [sflag:$0x2] =	stream.linear.gather [hbm4b:s7+s3], $0x4000, $0x38;
	[tilespmem:$0x18300] =	vst v63  }
0x26: {  	v0 =	vld [tilespmem:$0x0]  }
0x27: {  	v1 =	vld [tilespmem:$0x10]  }
0x28: {  	v2 =	vld [tilespmem:$0x20]  }
0x29: {  	v3 =	vld [tilespmem:$0x30]  }
0x2a: {  	v4 =	vld [tilespmem:$0x40]  }
0x2b: {  	v5 =	vld [tilespmem:$0x50];
	v0 =	vmax.f32 v0, $0.0e+00  }
0x2c: {  	v6 =	vld [tilespmem:$0x60];
	v1 =	vmax.f32 v1, $0.0e+00;
	v0 =	vmin.f32 v0, $1.000000000e+00  }
0x2d: {  	v44 =	vld [tilespmem:$0x70];
	v43 =	vmax.f32 v2, $0.0e+00;
	v42 =	vmin.f32 v1, $1.000000000e+00;
	[tilespmem:$0x0] =	vst v0  }
0x2e: {  	v47 =	vld [tilespmem:$0x80];
	v46 =	vmax.f32 v3, $0.0e+00;
	v45 =	vmin.f32 v43, $1.000000000e+00;
	[tilespmem:$0x10] =	vst v42  }
0x2f: {  	v50 =	vld [tilespmem:$0x90];
	v49 =	vmax.f32 v4, $0.0e+00;
	v48 =	vmin.f32 v46, $1.000000000e+00;
	[tilespmem:$0x20] =	vst v45  }
0x30: {  	v53 =	vld [tilespmem:$0xA0];
	v52 =	vmax.f32 v5, $0.0e+00;
	v51 =	vmin.f32 v49, $1.000000000e+00;
	[tilespmem:$0x30] =	vst v48  }
0x31: {  	v56 =	vld [tilespmem:$0xB0];
	v55 =	vmax.f32 v6, $0.0e+00;
	v54 =	vmin.f32 v52, $1.000000000e+00;
	[tilespmem:$0x40] =	vst v51  }
0x32: {  	v59 =	vld [tilespmem:$0xC0];
	v58 =	vmax.f32 v44, $0.0e+00;
	v57 =	vmin.f32 v55, $1.000000000e+00;
	[tilespmem:$0x50] =	vst v54  }
0x33: {  	v62 =	vld [tilespmem:$0xD0];
	v61 =	vmax.f32 v47, $0.0e+00;
	v60 =	vmin.f32 v58, $1.000000000e+00;
	[tilespmem:$0x60] =	vst v57  }
0x34: {  	v9 =	vld [tilespmem:$0xE0];
	v8 =	vmax.f32 v50, $0.0e+00;
	v63 =	vmin.f32 v61, $1.000000000e+00;
	[tilespmem:$0x70] =	vst v60  }
0x35: {  	v12 =	vld [tilespmem:$0xF0];
	v11 =	vmax.f32 v53, $0.0e+00;
	v10 =	vmin.f32 v8, $1.000000000e+00;
	[tilespmem:$0x80] =	vst v63  }
0x36: {  	v15 =	vld [tilespmem:$0x100];
	v14 =	vmax.f32 v56, $0.0e+00;
	v13 =	vmin.f32 v11, $1.000000000e+00;
	[tilespmem:$0x90] =	vst v10  }
0x37: {  	v18 =	vld [tilespmem:$0x110];
	v17 =	vmax.f32 v59, $0.0e+00;
	v16 =	vmin.f32 v14, $1.000000000e+00;
	[tilespmem:$0xA0] =	vst v13  }
0x38: {  	v21 =	vld [tilespmem:$0x120];
	v20 =	vmax.f32 v62, $0.0e+00;
	v19 =	vmin.f32 v17, $1.000000000e+00;
	[tilespmem:$0xB0] =	vst v16  }
0x39: {  	v24 =	vld [tilespmem:$0x130];
	v23 =	vmax.f32 v9, $0.0e+00;
	v22 =	vmin.f32 v20, $1.000000000e+00;
	[tilespmem:$0xC0] =	vst v19  }
0x3a: {  	v27 =	vld [tilespmem:$0x140];
	v26 =	vmax.f32 v12, $0.0e+00;
	v25 =	vmin.f32 v23, $1.000000000e+00;
	[tilespmem:$0xD0] =	vst v22  }
0x3b: {  	v30 =	vld [tilespmem:$0x150];
	v29 =	vmax.f32 v15, $0.0e+00;
	v28 =	vmin.f32 v26, $1.000000000e+00;
	[tilespmem:$0xE0] =	vst v25  }
0x3c: {  	v33 =	vld [tilespmem:$0x160];
	v32 =	vmax.f32 v18, $0.0e+00;
	v31 =	vmin.f32 v29, $1.000000000e+00;
	[tilespmem:$0xF0] =	vst v28  }
0x3d: {  	v36 =	vld [tilespmem:$0x170];
	v35 =	vmax.f32 v21, $0.0e+00;
	v34 =	vmin.f32 v32, $1.000000000e+00;
	[tilespmem:$0x100] =	vst v31  }
0x3e: {  	v39 =	vld [tilespmem:$0x180];
	v38 =	vmax.f32 v24, $0.0e+00;
	v37 =	vmin.f32 v35, $1.000000000e+00;
	[tilespmem:$0x110] =	vst v34  }
0x3f: {  	v41 =	vmax.f32 v27, $0.0e+00;
	v40 =	vmin.f32 v38, $1.000000000e+00;
	[tilespmem:$0x120] =	vst v37;
	v42 =	vld [tilespmem:$0x190]  }
0x40: {  	v44 =	vmax.f32 v30, $0.0e+00;
	v43 =	vmin.f32 v41, $1.000000000e+00;
	[tilespmem:$0x130] =	vst v40;
	v45 =	vld [tilespmem:$0x1A0]  }
0x41: {  	v47 =	vmax.f32 v33, $0.0e+00;
	v46 =	vmin.f32 v44, $1.000000000e+00;
	[tilespmem:$0x140] =	vst v43;
	v48 =	vld [tilespmem:$0x1B0]  }
0x42: {  	v50 =	vmax.f32 v36, $0.0e+00;
	v49 =	vmin.f32 v47, $1.000000000e+00;
	[tilespmem:$0x150] =	vst v46;
	v51 =	vld [tilespmem:$0x1C0]  }
0x43: {  	v53 =	vmax.f32 v39, $0.0e+00;
	v52 =	vmin.f32 v50, $1.000000000e+00;
	[tilespmem:$0x160] =	vst v49;
	v54 =	vld [tilespmem:$0x1D0]  }
0x44: {  	v55 =	vmin.f32 v53, $1.000000000e+00;
	[tilespmem:$0x170] =	vst v52;
	v57 =	vld [tilespmem:$0x1E0];
	v56 =	vmax.f32 v42, $0.0e+00  }
0x45: {  	[tilespmem:$0x180] =	vst v55;
	v60 =	vld [tilespmem:$0x1F0];
	v59 =	vmax.f32 v45, $0.0e+00;
	v58 =	vmin.f32 v56, $1.000000000e+00  }
0x46: {  	v63 =	vld [tilespmem:$0x200];
	v62 =	vmax.f32 v48, $0.0e+00;
	v61 =	vmin.f32 v59, $1.000000000e+00;
	[tilespmem:$0x190] =	vst v58  }
0x47: {  	v10 =	vld [tilespmem:$0x210];
	v9 =	vmax.f32 v51, $0.0e+00;
	v8 =	vmin.f32 v62, $1.000000000e+00;
	[tilespmem:$0x1A0] =	vst v61  }
0x48: {  	v13 =	vld [tilespmem:$0x220];
	v12 =	vmax.f32 v54, $0.0e+00;
	v11 =	vmin.f32 v9, $1.000000000e+00;
	[tilespmem:$0x1B0] =	vst v8  }
0x49: {  	v16 =	vld [tilespmem:$0x230];
	v15 =	vmax.f32 v57, $0.0e+00;
	v14 =	vmin.f32 v12, $1.000000000e+00;
	[tilespmem:$0x1C0] =	vst v11  }
0x4a: {  	v19 =	vld [tilespmem:$0x240];
	v18 =	vmax.f32 v60, $0.0e+00;
	v17 =	vmin.f32 v15, $1.000000000e+00;
	[tilespmem:$0x1D0] =	vst v14  }
0x4b: {  	v22 =	vld [tilespmem:$0x250];
	v21 =	vmax.f32 v63, $0.0e+00;
	v20 =	vmin.f32 v18, $1.000000000e+00;
	[tilespmem:$0x1E0] =	vst v17  }
0x4c: {  	v25 =	vld [tilespmem:$0x260];
	v24 =	vmax.f32 v10, $0.0e+00;
	v23 =	vmin.f32 v21, $1.000000000e+00;
	[tilespmem:$0x1F0] =	vst v20  }
0x4d: {  	v28 =	vld [tilespmem:$0x270];
	v27 =	vmax.f32 v13, $0.0e+00;
	v26 =	vmin.f32 v24, $1.000000000e+00;
	[tilespmem:$0x200] =	vst v23  }
0x4e: {  	v31 =	vld [tilespmem:$0x280];
	v30 =	vmax.f32 v16, $0.0e+00;
	v29 =	vmin.f32 v27, $1.000000000e+00;
	[tilespmem:$0x210] =	vst v26  }
0x4f: {  	v34 =	vld [tilespmem:$0x290];
	v33 =	vmax.f32 v19, $0.0e+00;
	v32 =	vmin.f32 v30, $1.000000000e+00;
	[tilespmem:$0x220] =	vst v29  }
0x50: {  	v37 =	vld [tilespmem:$0x2A0];
	v36 =	vmax.f32 v22, $0.0e+00;
	v35 =	vmin.f32 v33, $1.000000000e+00;
	[tilespmem:$0x230] =	vst v32  }
0x51: {  	v40 =	vld [tilespmem:$0x2B0];
	v39 =	vmax.f32 v25, $0.0e+00;
	v38 =	vmin.f32 v36, $1.000000000e+00;
	[tilespmem:$0x240] =	vst v35  }
0x52: {  	v43 =	vld [tilespmem:$0x2C0];
	v42 =	vmax.f32 v28, $0.0e+00;
	v41 =	vmin.f32 v39, $1.000000000e+00;
	[tilespmem:$0x250] =	vst v38  }
0x53: {  	v49 =	vld [tilespmem:$0x2E0];
	v45 =	vmax.f32 v31, $0.0e+00;
	v44 =	vmin.f32 v42, $1.000000000e+00;
	[tilespmem:$0x260] =	vst v41  }
0x54: {  	v52 =	vld [tilespmem:$0x2F0];
	v48 =	vmax.f32 v34, $0.0e+00;
	v47 =	vmin.f32 v45, $1.000000000e+00;
	[tilespmem:$0x270] =	vst v44  }
0x55: {  	v46 =	vld [tilespmem:$0x2D0];
	v51 =	vmax.f32 v37, $0.0e+00;
	v50 =	vmin.f32 v48, $1.000000000e+00;
	[tilespmem:$0x280] =	vst v47  }
0x56: {  	v54 =	vmax.f32 v40, $0.0e+00;
	v53 =	vmin.f32 v51, $1.000000000e+00;
	[tilespmem:$0x290] =	vst v50  }
0x57: {  	v55 =	vmin.f32 v54, $1.000000000e+00;
	v56 =	vmax.f32 v43, $0.0e+00;
	[tilespmem:$0x2A0] =	vst v53  }
0x58: {  	v60 =	vmax.f32 v49, $0.0e+00;
	[tilespmem:$0x2B0] =	vst v55;
	v57 =	vmin.f32 v56, $1.000000000e+00  }
0x59: {  	v62 =	vmax.f32 v52, $0.0e+00;
	v61 =	vmin.f32 v60, $1.000000000e+00;
	[tilespmem:$0x2C0] =	vst v57  }
0x5a: {  	v58 =	vmax.f32 v46, $0.0e+00;
	v63 =	vmin.f32 v62, $1.000000000e+00;
	[tilespmem:$0x2E0] =	vst v61  }
0x5b: {  	v59 =	vmin.f32 v58, $1.000000000e+00;
	[tilespmem:$0x2F0] =	vst v63  }
0x5c: {  	s22 =	simm.s32 $0x0;
	[tilespmem:$0x2D0] =	vst v59  }
.LBB2_2:
0x5d: {  	_ =	swait.ge [sflag:s17], $0x4000  }
0x5e: {  	p0 =	seq.s32 s22, $0x0;
	[sflag:s17] =	ssyncset.done $0x0  }
0x5f: {  	s0 =	simm.s32 @!p0 $0x3;
	[sflag:s17] =	ssyncadd.s32 $0xFFFFC000  }
0x60: {  	_ =	swait.ge @!p0 [sflag:s0], $0x6000  }
0x61: {  	[sflag:s0] =	ssyncset.done @!p0 $0x0  }
0x62: {  	s1 =	simm.s32 $0x500;
	[sflag:s0] =	ssyncadd.s32 @!p0 $0xFFFFA000  }
0x63: {  	v0 =	vld [tilespmem:s1+$0x180];
	_ =	sdelay $0x4  }
0x64: {  	v0 =	vtrunc.f32 v0  }
0x65: {  	v0 =	vcvt.f32.s32 v0;
	_ =	sdelay $0x1  }
0x66: {  	vm0 =	vgt.s32 v0, $0x0  }
0x67: {  	v1 =	vld [tilespmem:s1+$0x0];
	v0 =	vnsel vm0, $0x0, v0  }
0x68: {  	v0 =	vmin.u32 v0, $0xFF;
	_ =	sdelay $0x2  }
0x69: {  	s24 =	simm.s32 $0x8700  }
0x6a: {  	[tilespmem:s24+$0x0] =	vst v1  }
0x6b: {  	v1 =	vld.idx.msk [tilespmem:v0+s3+$0x0], $0xffff;
	_ =	sdelay $0x4  }
0x6c: {  	v2 =	vld [tilespmem:s1+$0xFFFFFF80];
	[tilespmem:s24+$0x180] =	vst v1  }
0x6d: {  	v1 =	vld [tilespmem:s1+$0x80];
	_ =	sdelay $0x3  }
0x6e: {  	v2 =	vtrunc.f32 v2  }
0x6f: {  	v2 =	vcvt.f32.s32 v2;
	[tilespmem:s24+$0x80] =	vst v1  }
0x70: {  	v1 =	vld.idx.msk [tilespmem:v0+s13+$0x0], $0xffff  }
0x71: {  	vm5 =	vgt.s32 v2, $0x0  }
0x72: {  	v3 =	vld [tilespmem:s1+$0xFFFFFE00];
	v2 =	vnsel vm5, $0x0, v2  }
0x73: {  	v2 =	vmin.u32 v2, $0xFF;
	_ =	sdelay $0x1  }
0x74: {  	[tilespmem:s24+$0x200] =	vst v1  }
0x75: {  	v1 =	vld [tilespmem:s1+$0x100]  }
0x76: {  	[tilespmem:s24+$0xFFFFFC00] =	vst v3  }
0x77: {  	v3 =	vld.idx.msk [tilespmem:v2+s3+$0x0], $0xffff;
	_ =	sdelay $0x2  }
0x78: {  	[tilespmem:s24+$0x100] =	vst v1  }
0x79: {  	v0 =	vld.idx.msk [tilespmem:v0+s14+$0x0], $0xffff  }
0x7a: {  	[tilespmem:s24+$0xFFFFFD80] =	vst v3  }
0x7b: {  	v1 =	vld [tilespmem:s1+$0xFFFFFE80];
	_ =	sdelay $0x2  }
0x7c: {  	[tilespmem:s24+$0x280] =	vst v0  }
0x7d: {  	v0 =	vld [tilespmem:s1+$0x190]  }
0x7e: {  	[tilespmem:s24+$0xFFFFFC80] =	vst v1  }
0x7f: {  	v1 =	vld.idx.msk [tilespmem:v2+s13+$0x0], $0xffff;
	_ =	sdelay $0x2  }
0x80: {  	v0 =	vtrunc.f32 v0  }
0x81: {  	v0 =	vcvt.f32.s32 v0  }
0x82: {  	[tilespmem:s24+$0xFFFFFE00] =	vst v1  }
0x83: {  	v1 =	vld [tilespmem:s1+$0xFFFFFF00];
	vm6 =	vgt.s32 v0, $0x0  }
0x84: {  	v3 =	vld [tilespmem:s1+$0x10];
	v0 =	vnsel vm6, $0x0, v0  }
0x85: {  	v0 =	vmin.u32 v0, $0xFF;
	_ =	sdelay $0x2  }
0x86: {  	[tilespmem:s24+$0xFFFFFD00] =	vst v1  }
0x87: {  	[tilespmem:s24+$0x10] =	vst v3;
	v1 =	vld.idx.msk [tilespmem:v2+s14+$0x0], $0xffff  }
0x88: {  	v2 =	vld.idx.msk [tilespmem:v0+s3+$0x0], $0xffff;
	_ =	sdelay $0x3  }
0x89: {  	[tilespmem:s24+$0xFFFFFE80] =	vst v1  }
0x8a: {  	v1 =	vld [tilespmem:s1+$0xFFFFFF90];
	[tilespmem:s24+$0x190] =	vst v2  }
0x8b: {  	v2 =	vld [tilespmem:s1+$0x90];
	_ =	sdelay $0x3  }
0x8c: {  	v1 =	vtrunc.f32 v1  }
0x8d: {  	v1 =	vcvt.f32.s32 v1;
	[tilespmem:s24+$0x90] =	vst v2  }
0x8e: {  	v2 =	vld.idx.msk [tilespmem:v0+s13+$0x0], $0xffff  }
0x8f: {  	vm7 =	vgt.s32 v1, $0x0  }
0x90: {  	v3 =	vld [tilespmem:s1+$0xFFFFFE10];
	v1 =	vnsel vm7, $0x0, v1  }
0x91: {  	v1 =	vmin.u32 v1, $0xFF;
	_ =	sdelay $0x1  }
0x92: {  	[tilespmem:s24+$0x210] =	vst v2  }
0x93: {  	v2 =	vld [tilespmem:s1+$0x110]  }
0x94: {  	[tilespmem:s24+$0xFFFFFC10] =	vst v3  }
0x95: {  	v3 =	vld.idx.msk [tilespmem:v1+s3+$0x0], $0xffff;
	_ =	sdelay $0x2  }
0x96: {  	[tilespmem:s24+$0x110] =	vst v2  }
0x97: {  	v0 =	vld.idx.msk [tilespmem:v0+s14+$0x0], $0xffff  }
0x98: {  	[tilespmem:s24+$0xFFFFFD90] =	vst v3  }
0x99: {  	v2 =	vld [tilespmem:s1+$0xFFFFFE90];
	_ =	sdelay $0x2  }
0x9a: {  	[tilespmem:s24+$0x290] =	vst v0  }
0x9b: {  	v0 =	vld [tilespmem:s1+$0x1A0]  }
0x9c: {  	[tilespmem:s24+$0xFFFFFC90] =	vst v2  }
0x9d: {  	v2 =	vld.idx.msk [tilespmem:v1+s13+$0x0], $0xffff;
	_ =	sdelay $0x2  }
0x9e: {  	v0 =	vtrunc.f32 v0  }
0x9f: {  	v0 =	vcvt.f32.s32 v0  }
0xa0: {  	[tilespmem:s24+$0xFFFFFE10] =	vst v2  }
0xa1: {  	v2 =	vld [tilespmem:s1+$0xFFFFFF10];
	vm8 =	vgt.s32 v0, $0x0  }
0xa2: {  	v3 =	vld [tilespmem:s1+$0x20];
	v0 =	vnsel vm8, $0x0, v0  }
0xa3: {  	v0 =	vmin.u32 v0, $0xFF;
	_ =	sdelay $0x1  }
0xa4: {  	s26 =	simm.s32 $0x900  }
0xa5: {  	[tilespmem:s24+$0xFFFFFD10] =	vst v2;
	v2 =	vld [tilespmem:s26+$0x180]  }
0xa6: {  	[tilespmem:s24+$0x20] =	vst v3;
	v1 =	vld.idx.msk [tilespmem:v1+s14+$0x0], $0xffff  }
0xa7: {  	v3 =	vld.idx.msk [tilespmem:v0+s3+$0x0], $0xffff;
	_ =	sdelay $0x2  }
0xa8: {  	v2 =	vtrunc.f32 v2  }
0xa9: {  	v4 =	vld [tilespmem:s26+$0xFFFFFF80];
	[tilespmem:s24+$0xFFFFFE90] =	vst v1;
	v2 =	vcvt.f32.s32 v2  }
0xaa: {  	v1 =	vld [tilespmem:s1+$0xFFFFFFA0];
	[tilespmem:s24+$0x1A0] =	vst v3  }
0xab: {  	vm9 =	vgt.s32 v2, $0x0;
	v3 =	vld [tilespmem:s1+$0xA0]  }
0xac: {  	v5 =	vld [tilespmem:s26+$0x0];
	v2 =	vnsel vm9, $0x0, v2  }
0xad: {  	v2 =	vmin.u32 v2, $0xFF;
	_ =	sdelay $0x1  }
0xae: {  	v1 =	vtrunc.f32 v1  }
0xaf: {  	s25 =	simm.s32 $0x8F00;
	v1 =	vcvt.f32.s32 v1;
	[tilespmem:s24+$0xA0] =	vst v3  }
0xb0: {  	[tilespmem:s25+$0x0] =	vst v5;
	v3 =	vtrunc.f32 v4;
	v4 =	vld.idx.msk [tilespmem:v0+s13+$0x0], $0xffff  }
0xb1: {  	vm10 =	vgt.s32 v1, $0x0;
	v5 =	vld.idx.msk [tilespmem:v2+s3+$0x0], $0xffff;
	v3 =	vcvt.f32.s32 v3  }
0xb2: {  	v6 =	vld [tilespmem:s1+$0xFFFFFE20];
	v1 =	vnsel vm10, $0x0, v1  }
0xb3: {  	v1 =	vmin.u32 v1, $0xFF;
	vm11 =	vgt.s32 v3, $0x0  }
0xb4: {  	v7 =	vld [tilespmem:s26+$0xFFFFFE00];
	v3 =	vnsel vm11, $0x0, v3  }
0xb5: {  	v3 =	vmin.u32 v3, $0xFF;
	[tilespmem:s24+$0x220] =	vst v4  }
0xb6: {  	[tilespmem:s25+$0x180] =	vst v5;
	v4 =	vld [tilespmem:s1+$0x120]  }
0xb7: {  	[tilespmem:s24+$0xFFFFFC20] =	vst v6;
	v5 =	vld [tilespmem:s26+$0x80]  }
0xb8: {  	v6 =	vld.idx.msk [tilespmem:v1+s3+$0x0], $0xffff  }
0xb9: {  	[tilespmem:s25+$0xFFFFFC00] =	vst v7  }
0xba: {  	v7 =	vld.idx.msk [tilespmem:v3+s3+$0x0], $0xffff  }
0xbb: {  	[tilespmem:s24+$0x120] =	vst v4  }
0xbc: {  	[tilespmem:s25+$0x80] =	vst v5;
	v0 =	vld.idx.msk [tilespmem:v0+s14+$0x0], $0xffff  }
0xbd: {  	[tilespmem:s24+$0xFFFFFDA0] =	vst v6;
	v5 =	vld.idx.msk [tilespmem:v2+s13+$0x0], $0xffff  }
0xbe: {  	v4 =	vld [tilespmem:s1+$0xFFFFFEA0]  }
0xbf: {  	[tilespmem:s25+$0xFFFFFD80] =	vst v7  }
0xc0: {  	v6 =	vld [tilespmem:s26+$0xFFFFFE80]  }
0xc1: {  	[tilespmem:s24+$0x2A0] =	vst v0  }
0xc2: {  	[tilespmem:s25+$0x200] =	vst v5;
	v0 =	vld [tilespmem:s1+$0x1B0]  }
0xc3: {  	[tilespmem:s24+$0xFFFFFCA0] =	vst v4;
	v5 =	vld [tilespmem:s26+$0x100]  }
0xc4: {  	v4 =	vld.idx.msk [tilespmem:v1+s13+$0x0], $0xffff  }
0xc5: {  	[tilespmem:s25+$0xFFFFFC80] =	vst v6  }
0xc6: {  	v6 =	vld.idx.msk [tilespmem:v3+s13+$0x0], $0xffff  }
0xc7: {  	v0 =	vtrunc.f32 v0  }
0xc8: {  	[tilespmem:s25+$0x100] =	vst v5;
	v0 =	vcvt.f32.s32 v0  }
0xc9: {  	[tilespmem:s24+$0xFFFFFE20] =	vst v4;
	v2 =	vld.idx.msk [tilespmem:v2+s14+$0x0], $0xffff  }
0xca: {  	v4 =	vld [tilespmem:s1+$0xFFFFFF20];
	vm12 =	vgt.s32 v0, $0x0  }
0xcb: {  	v5 =	vld [tilespmem:s1+$0x30];
	[tilespmem:s25+$0xFFFFFE00] =	vst v6;
	v0 =	vnsel vm12, $0x0, v0  }
0xcc: {  	v6 =	vld [tilespmem:s26+$0xFFFFFF00];
	v0 =	vmin.u32 v0, $0xFF;
	_ =	sdelay $0x1  }
0xcd: {  	[tilespmem:s25+$0x280] =	vst v2  }
0xce: {  	[tilespmem:s24+$0xFFFFFD20] =	vst v4;
	v2 =	vld [tilespmem:s26+$0x190]  }
0xcf: {  	[tilespmem:s24+$0x30] =	vst v5;
	v1 =	vld.idx.msk [tilespmem:v1+s14+$0x0], $0xffff  }
0xd0: {  	[tilespmem:s25+$0xFFFFFD00] =	vst v6;
	v4 =	vld.idx.msk [tilespmem:v0+s3+$0x0], $0xffff  }
0xd1: {  	v3 =	vld.idx.msk [tilespmem:v3+s14+$0x0], $0xffff;
	_ =	sdelay $0x1  }
0xd2: {  	v2 =	vtrunc.f32 v2  }
0xd3: {  	v5 =	vld [tilespmem:s26+$0x10];
	[tilespmem:s24+$0xFFFFFEA0] =	vst v1;
	v2 =	vcvt.f32.s32 v2  }
0xd4: {  	v1 =	vld [tilespmem:s1+$0xFFFFFFB0];
	[tilespmem:s24+$0x1B0] =	vst v4  }
0xd5: {  	vm13 =	vgt.s32 v2, $0x0;
	[tilespmem:s25+$0xFFFFFE80] =	vst v3;
	v3 =	vld [tilespmem:s1+$0xB0]  }
0xd6: {  	v2 =	vnsel vm13, $0x0, v2;
	v4 =	vld [tilespmem:s26+$0xFFFFFF90]  }
0xd7: {  	v2 =	vmin.u32 v2, $0xFF;
	_ =	sdelay $0x1  }
0xd8: {  	v1 =	vtrunc.f32 v1  }
0xd9: {  	v1 =	vcvt.f32.s32 v1;
	[tilespmem:s24+$0xB0] =	vst v3  }
0xda: {  	[tilespmem:s25+$0x10] =	vst v5;
	v3 =	vtrunc.f32 v4;
	v4 =	vld.idx.msk [tilespmem:v0+s13+$0x0], $0xffff  }
0xdb: {  	vm14 =	vgt.s32 v1, $0x0;
	v5 =	vld.idx.msk [tilespmem:v2+s3+$0x0], $0xffff;
	v3 =	vcvt.f32.s32 v3  }
0xdc: {  	v6 =	vld [tilespmem:s1+$0xFFFFFE30];
	v1 =	vnsel vm14, $0x0, v1  }
0xdd: {  	v1 =	vmin.u32 v1, $0xFF;
	vm15 =	vgt.s32 v3, $0x0  }
0xde: {  	v7 =	vld [tilespmem:s26+$0xFFFFFE10];
	v3 =	vnsel vm15, $0x0, v3  }
0xdf: {  	v3 =	vmin.u32 v3, $0xFF;
	[tilespmem:s24+$0x230] =	vst v4  }
0xe0: {  	[tilespmem:s25+$0x190] =	vst v5;
	v4 =	vld [tilespmem:s1+$0x130]  }
0xe1: {  	[tilespmem:s24+$0xFFFFFC30] =	vst v6;
	v5 =	vld [tilespmem:s26+$0x90]  }
0xe2: {  	v6 =	vld.idx.msk [tilespmem:v1+s3+$0x0], $0xffff  }
0xe3: {  	[tilespmem:s25+$0xFFFFFC10] =	vst v7  }
0xe4: {  	v7 =	vld.idx.msk [tilespmem:v3+s3+$0x0], $0xffff  }
0xe5: {  	[tilespmem:s24+$0x130] =	vst v4  }
0xe6: {  	[tilespmem:s25+$0x90] =	vst v5;
	v0 =	vld.idx.msk [tilespmem:v0+s14+$0x0], $0xffff  }
0xe7: {  	[tilespmem:s24+$0xFFFFFDB0] =	vst v6;
	v5 =	vld.idx.msk [tilespmem:v2+s13+$0x0], $0xffff  }
0xe8: {  	v4 =	vld [tilespmem:s1+$0xFFFFFEB0]  }
0xe9: {  	[tilespmem:s25+$0xFFFFFD90] =	vst v7  }
0xea: {  	v6 =	vld [tilespmem:s26+$0xFFFFFE90]  }
0xeb: {  	[tilespmem:s24+$0x2B0] =	vst v0  }
0xec: {  	[tilespmem:s25+$0x210] =	vst v5;
	v0 =	vld [tilespmem:s1+$0x1C0]  }
0xed: {  	[tilespmem:s24+$0xFFFFFCB0] =	vst v4;
	v5 =	vld [tilespmem:s26+$0x110]  }
0xee: {  	v4 =	vld.idx.msk [tilespmem:v1+s13+$0x0], $0xffff  }
0xef: {  	[tilespmem:s25+$0xFFFFFC90] =	vst v6  }
0xf0: {  	v6 =	vld.idx.msk [tilespmem:v3+s13+$0x0], $0xffff  }
0xf1: {  	v0 =	vtrunc.f32 v0  }
0xf2: {  	[tilespmem:s25+$0x110] =	vst v5;
	v0 =	vcvt.f32.s32 v0  }
0xf3: {  	[tilespmem:s24+$0xFFFFFE30] =	vst v4;
	v2 =	vld.idx.msk [tilespmem:v2+s14+$0x0], $0xffff  }
0xf4: {  	v4 =	vld [tilespmem:s1+$0xFFFFFF30];
	vm4 =	vgt.s32 v0, $0x0  }
0xf5: {  	v5 =	vld [tilespmem:s1+$0x40];
	[tilespmem:s25+$0xFFFFFE10] =	vst v6;
	v0 =	vnsel vm4, $0x0, v0  }
0xf6: {  	v6 =	vld [tilespmem:s26+$0xFFFFFF10];
	v0 =	vmin.u32 v0, $0xFF;
	_ =	sdelay $0x1  }
0xf7: {  	[tilespmem:s25+$0x290] =	vst v2  }
0xf8: {  	[tilespmem:s24+$0xFFFFFD30] =	vst v4;
	v2 =	vld [tilespmem:s26+$0x1A0]  }
0xf9: {  	[tilespmem:s24+$0x40] =	vst v5;
	v1 =	vld.idx.msk [tilespmem:v1+s14+$0x0], $0xffff  }
0xfa: {  	[tilespmem:s25+$0xFFFFFD10] =	vst v6;
	v4 =	vld.idx.msk [tilespmem:v0+s3+$0x0], $0xffff  }
0xfb: {  	v3 =	vld.idx.msk [tilespmem:v3+s14+$0x0], $0xffff;
	_ =	sdelay $0x1  }
0xfc: {  	s28 =	simm.s32 $0xD00;
	v5 =	vld [tilespmem:s26+$0x20];
	v2 =	vtrunc.f32 v2  }
0xfd: {  	v6 =	vld [tilespmem:s28+$0x180];
	[tilespmem:s24+$0xFFFFFEB0] =	vst v1;
	v2 =	vcvt.f32.s32 v2  }
0xfe: {  	v1 =	vld [tilespmem:s1+$0xFFFFFFC0];
	[tilespmem:s24+$0x1C0] =	vst v4  }
0xff: {  	vm5 =	vgt.s32 v2, $0x0;
	[tilespmem:s25+$0xFFFFFE90] =	vst v3;
	v3 =	vld [tilespmem:s1+$0xC0]  }
0x100: {  	v2 =	vnsel vm5, $0x0, v2;
	v4 =	vld [tilespmem:s26+$0xFFFFFFA0]  }
0x101: {  	v2 =	vmin.u32 v2, $0xFF;
	_ =	sdelay $0x1  }
0x102: {  	[tilespmem:s25+$0x20] =	vst v5;
	v1 =	vtrunc.f32 v1  }
0x103: {  	v7 =	vld [tilespmem:s28+$0xFFFFFF80];
	v5 =	vtrunc.f32 v6;
	v1 =	vcvt.f32.s32 v1;
	[tilespmem:s24+$0xC0] =	vst v3  }
0x104: {  	v5 =	vcvt.f32.s32 v5;
	v3 =	vtrunc.f32 v4;
	v4 =	vld.idx.msk [tilespmem:v0+s13+$0x0], $0xffff  }
0x105: {  	vm6 =	vgt.s32 v1, $0x0;
	v6 =	vld.idx.msk [tilespmem:v2+s3+$0x0], $0xffff  }
0x106: {  	v8 =	vld [tilespmem:s1+$0xFFFFFE40];
	vm8 =	vgt.s32 v5, $0x0;
	v1 =	vnsel vm6, $0x0, v1;
	v3 =	vcvt.f32.s32 v3  }
0x107: {  	v10 =	vld [tilespmem:s28+$0x0];
	v5 =	vnsel vm8, $0x0, v5;
	v1 =	vmin.u32 v1, $0xFF  }
0x108: {  	v5 =	vmin.u32 v5, $0xFF;
	vm7 =	vgt.s32 v3, $0x0  }
0x109: {  	v7 =	vtrunc.f32 v7;
	v9 =	vld [tilespmem:s26+$0xFFFFFE20];
	v3 =	vnsel vm7, $0x0, v3;
	[tilespmem:s24+$0x240] =	vst v4  }
0x10a: {  	[tilespmem:s25+$0x1A0] =	vst v6;
	v3 =	vmin.u32 v3, $0xFF;
	v4 =	vcvt.f32.s32 v7;
	v7 =	vld [tilespmem:s1+$0x140]  }
0x10b: {  	s29 =	simm.s32 $0x9700;
	[tilespmem:s24+$0xFFFFFC40] =	vst v8;
	v6 =	vld [tilespmem:s26+$0xA0]  }
0x10c: {  	[tilespmem:s29+$0x0] =	vst v10;
	v8 =	vld.idx.msk [tilespmem:v1+s3+$0x0], $0xffff  }
0x10d: {  	v10 =	vld.idx.msk [tilespmem:v5+s3+$0x0], $0xffff;
	vm9 =	vgt.s32 v4, $0x0  }
0x10e: {  	v11 =	vld [tilespmem:s28+$0xFFFFFE00];
	[tilespmem:s25+$0xFFFFFC20] =	vst v9;
	v4 =	vnsel vm9, $0x0, v4  }
0x10f: {  	v4 =	vmin.u32 v4, $0xFF;
	v9 =	vld.idx.msk [tilespmem:v3+s3+$0x0], $0xffff;
	[tilespmem:s24+$0x140] =	vst v7  }
0x110: {  	[tilespmem:s25+$0xA0] =	vst v6;
	v0 =	vld.idx.msk [tilespmem:v0+s14+$0x0], $0xffff  }
0x111: {  	[tilespmem:s24+$0xFFFFFDC0] =	vst v8;
	v6 =	vld.idx.msk [tilespmem:v2+s13+$0x0], $0xffff  }
0x112: {  	[tilespmem:s29+$0x180] =	vst v10;
	v7 =	vld [tilespmem:s1+$0xFFFFFEC0]  }
0x113: {  	[tilespmem:s29+$0xFFFFFC00] =	vst v11;
	v10 =	vld [tilespmem:s28+$0x80]  }
0x114: {  	v8 =	vld.idx.msk [tilespmem:v4+s3+$0x0], $0xffff;
	[tilespmem:s25+$0xFFFFFDA0] =	vst v9  }
0x115: {  	v9 =	vld [tilespmem:s26+$0xFFFFFEA0];
	[tilespmem:s24+$0x2C0] =	vst v0  }
0x116: {  	[tilespmem:s25+$0x220] =	vst v6;
	v0 =	vld [tilespmem:s1+$0x1D0]  }
0x117: {  	[tilespmem:s24+$0xFFFFFCC0] =	vst v7;
	v6 =	vld [tilespmem:s26+$0x120]  }
0x118: {  	v7 =	vld.idx.msk [tilespmem:v1+s13+$0x0], $0xffff  }
0x119: {  	[tilespmem:s29+$0x80] =	vst v10  }
0x11a: {  	v10 =	vld.idx.msk [tilespmem:v5+s13+$0x0], $0xffff;
	[tilespmem:s29+$0xFFFFFD80] =	vst v8  }
0x11b: {  	v8 =	vld [tilespmem:s28+$0xFFFFFE80];
	[tilespmem:s25+$0xFFFFFCA0] =	vst v9;
	v0 =	vtrunc.f32 v0  }
0x11c: {  	v9 =	vld.idx.msk [tilespmem:v3+s13+$0x0], $0xffff;
	[tilespmem:s25+$0x120] =	vst v6;
	v0 =	vcvt.f32.s32 v0  }
0x11d: {  	[tilespmem:s24+$0xFFFFFE40] =	vst v7;
	v2 =	vld.idx.msk [tilespmem:v2+s14+$0x0], $0xffff  }
0x11e: {  	v7 =	vld [tilespmem:s1+$0xFFFFFF40];
	vm10 =	vgt.s32 v0, $0x0  }
0x11f: {  	[tilespmem:s29+$0x200] =	vst v10;
	v6 =	vld [tilespmem:s1+$0x50];
	v0 =	vnsel vm10, $0x0, v0  }
0x120: {  	v10 =	vld [tilespmem:s28+$0x100];
	[tilespmem:s29+$0xFFFFFC80] =	vst v8;
	v0 =	vmin.u32 v0, $0xFF  }
0x121: {  	v8 =	vld.idx.msk [tilespmem:v4+s13+$0x0], $0xffff;
	[tilespmem:s25+$0xFFFFFE20] =	vst v9  }
0x122: {  	v9 =	vld [tilespmem:s26+$0xFFFFFF20];
	[tilespmem:s25+$0x2A0] =	vst v2  }
0x123: {  	[tilespmem:s24+$0xFFFFFD40] =	vst v7;
	v2 =	vld [tilespmem:s26+$0x1B0]  }
0x124: {  	[tilespmem:s24+$0x50] =	vst v6;
	v1 =	vld.idx.msk [tilespmem:v1+s14+$0x0], $0xffff  }
0x125: {  	v6 =	vld.idx.msk [tilespmem:v0+s3+$0x0], $0xffff  }
0x126: {  	[tilespmem:s29+$0x100] =	vst v10  }
0x127: {  	v5 =	vld.idx.msk [tilespmem:v5+s14+$0x0], $0xffff;
	[tilespmem:s29+$0xFFFFFE00] =	vst v8  }
0x128: {  	[tilespmem:s25+$0xFFFFFD20] =	vst v9  }
0x129: {  	v7 =	vld [tilespmem:s28+$0xFFFFFF00];
	v2 =	vtrunc.f32 v2;
	[tilespmem:s24+$0xFFFFFEC0] =	vst v1  }
0x12a: {  	v3 =	vld.idx.msk [tilespmem:v3+s14+$0x0], $0xffff;
	v1 =	vcvt.f32.s32 v2;
	[tilespmem:s24+$0x1D0] =	vst v6  }
0x12b: {  	v6 =	vld [tilespmem:s1+$0xD0]  }
0x12c: {  	[tilespmem:s29+$0x280] =	vst v5;
	v5 =	vld [tilespmem:s26+$0x30];
	vm11 =	vgt.s32 v1, $0x0  }
0x12d: {  	v2 =	vld [tilespmem:s1+$0xFFFFFFD0];
	v1 =	vnsel vm11, $0x0, v1  }
0x12e: {  	v8 =	vld [tilespmem:s1+$0xFFFFFE50];
	[tilespmem:s29+$0xFFFFFD00] =	vst v7;
	v1 =	vmin.u32 v1, $0xFF  }
0x12f: {  	v7 =	vld [tilespmem:s28+$0x190];
	[tilespmem:s25+$0xFFFFFEA0] =	vst v3  }
0x130: {  	v3 =	vld.idx.msk [tilespmem:v4+s14+$0x0], $0xffff;
	[tilespmem:s24+$0xD0] =	vst v6  }
0x131: {  	v4 =	vld.idx.msk [tilespmem:v0+s13+$0x0], $0xffff  }
0x132: {  	[tilespmem:s25+$0x30] =	vst v5  }
0x133: {  	v5 =	vld.idx.msk [tilespmem:v1+s3+$0x0], $0xffff;
	_ =	sdelay $0x1  }
0x134: {  	v6 =	vld [tilespmem:s26+$0xFFFFFFB0]  }
0x135: {  	[tilespmem:s24+$0x250] =	vst v4  }
0x136: {  	v4 =	vtrunc.f32 v7;
	v7 =	vld [tilespmem:s1+$0x150]  }
0x137: {  	v2 =	vtrunc.f32 v2;
	[tilespmem:s25+$0x1B0] =	vst v5;
	v4 =	vcvt.f32.s32 v4  }
0x138: {  	v2 =	vcvt.f32.s32 v2;
	[tilespmem:s29+$0xFFFFFE80] =	vst v3;
	v3 =	vld [tilespmem:s26+$0xB0]  }
0x139: {  	v5 =	vtrunc.f32 v6;
	v6 =	vld [tilespmem:s28+$0xFFFFFF90];
	vm12 =	vgt.s32 v4, $0x0  }
0x13a: {  	v9 =	vld [tilespmem:s28+$0x10];
	vm13 =	vgt.s32 v2, $0x0;
	v5 =	vcvt.f32.s32 v5;
	v4 =	vnsel vm12, $0x0, v4  }
0x13b: {  	v2 =	vnsel vm13, $0x0, v2;
	v4 =	vmin.u32 v4, $0xFF;
	[tilespmem:s24+$0x150] =	vst v7  }
0x13c: {  	v2 =	vmin.u32 v2, $0xFF;
	vm14 =	vgt.s32 v5, $0x0;
	v0 =	vld.idx.msk [tilespmem:v0+s14+$0x0], $0xffff  }
0x13d: {  	v5 =	vnsel vm14, $0x0, v5;
	[tilespmem:s25+$0xB0] =	vst v3;
	v7 =	vld [tilespmem:s26+$0xFFFFFE30]  }
0x13e: {  	v3 =	vmin.u32 v5, $0xFF;
	v5 =	vtrunc.f32 v6;
	v6 =	vld.idx.msk [tilespmem:v1+s13+$0x0], $0xffff  }
0x13f: {  	[tilespmem:s29+$0x10] =	vst v9;
	v10 =	vld [tilespmem:s28+$0xFFFFFE10];
	v5 =	vcvt.f32.s32 v5  }
0x140: {  	[tilespmem:s24+$0xFFFFFC50] =	vst v8;
	v8 =	vld.idx.msk [tilespmem:v4+s3+$0x0], $0xffff  }
0x141: {  	v9 =	vld.idx.msk [tilespmem:v2+s3+$0x0], $0xffff;
	vm15 =	vgt.s32 v5, $0x0;
	[tilespmem:s24+$0x2D0] =	vst v0  }
0x142: {  	[tilespmem:s25+$0xFFFFFC30] =	vst v7;
	v0 =	vnsel vm15, $0x0, v5;
	v5 =	vld [tilespmem:s1+$0x1E0]  }
0x143: {  	[tilespmem:s25+$0x230] =	vst v6;
	v7 =	vld.idx.msk [tilespmem:v3+s3+$0x0], $0xffff;
	v0 =	vmin.u32 v0, $0xFF  }
0x144: {  	v6 =	vld [tilespmem:s26+$0x130]  }
0x145: {  	[tilespmem:s29+$0x190] =	vst v8  }
0x146: {  	[tilespmem:s24+$0xFFFFFDD0] =	vst v9;
	v8 =	vld [tilespmem:s28+$0x90]  }
0x147: {  	[tilespmem:s29+$0xFFFFFC10] =	vst v10;
	v9 =	vld [tilespmem:s1+$0xFFFFFED0];
	v5 =	vtrunc.f32 v5  }
0x148: {  	[tilespmem:s25+$0xFFFFFDB0] =	vst v7;
	v7 =	vld.idx.msk [tilespmem:v0+s3+$0x0], $0xffff;
	v5 =	vcvt.f32.s32 v5  }
0x149: {  	[tilespmem:s25+$0x130] =	vst v6;
	v10 =	vld [tilespmem:s26+$0xFFFFFEB0]  }
0x14a: {  	v1 =	vld.idx.msk [tilespmem:v1+s14+$0x0], $0xffff;
	vm4 =	vgt.s32 v5, $0x0  }
0x14b: {  	v6 =	vld [tilespmem:s1+$0x60];
	[tilespmem:s29+$0x90] =	vst v8;
	v5 =	vnsel vm4, $0x0, v5  }
0x14c: {  	[tilespmem:s24+$0xFFFFFCD0] =	vst v9;
	v8 =	vld.idx.msk [tilespmem:v4+s13+$0x0], $0xffff;
	v5 =	vmin.u32 v5, $0xFF  }
0x14d: {  	v9 =	vld.idx.msk [tilespmem:v2+s13+$0x0], $0xffff;
	[tilespmem:s29+$0xFFFFFD90] =	vst v7  }
0x14e: {  	[tilespmem:s25+$0xFFFFFCB0] =	vst v10;
	v7 =	vld [tilespmem:s28+$0xFFFFFE90]  }
0x14f: {  	[tilespmem:s25+$0x2B0] =	vst v1;
	v10 =	vld.idx.msk [tilespmem:v3+s13+$0x0], $0xffff  }
0x150: {  	[tilespmem:s24+$0x60] =	vst v6;
	v1 =	vld [tilespmem:s26+$0x1C0]  }
0x151: {  	[tilespmem:s29+$0x210] =	vst v8;
	v6 =	vld.idx.msk [tilespmem:v5+s3+$0x0], $0xffff  }
0x152: {  	v8 =	vld [tilespmem:s28+$0x110]  }
0x153: {  	[tilespmem:s29+$0xFFFFFC90] =	vst v7  }
0x154: {  	[tilespmem:s25+$0xFFFFFE30] =	vst v10;
	v7 =	vld.idx.msk [tilespmem:v0+s13+$0x0], $0xffff  }
0x155: {  	[tilespmem:s24+$0xFFFFFE50] =	vst v9;
	v1 =	vtrunc.f32 v1;
	v9 =	vld [tilespmem:s26+$0xFFFFFF30]  }
0x156: {  	v10 =	vld [tilespmem:s1+$0xFFFFFF50];
	v1 =	vcvt.f32.s32 v1;
	[tilespmem:s24+$0x1E0] =	vst v6  }
0x157: {  	[tilespmem:s29+$0x110] =	vst v8;
	v6 =	vld [tilespmem:s1+$0xE0]  }
0x158: {  	vm5 =	vgt.s32 v1, $0x0;
	v4 =	vld.idx.msk [tilespmem:v4+s14+$0x0], $0xffff  }
0x159: {  	v1 =	vnsel vm5, $0x0, v1;
	[tilespmem:s29+$0xFFFFFE10] =	vst v7;
	v7 =	vld [tilespmem:s26+$0x40]  }
0x15a: {  	[tilespmem:s25+$0xFFFFFD30] =	vst v9;
	v9 =	vmin.u32 v1, $0xFF;
	v8 =	vld [tilespmem:s28+$0xFFFFFF10]  }
0x15b: {  	[tilespmem:s24+$0xFFFFFD50] =	vst v10;
	v1 =	vld.idx.msk [tilespmem:v3+s14+$0x0], $0xffff  }
0x15c: {  	v2 =	vld.idx.msk [tilespmem:v2+s14+$0x0], $0xffff;
	[tilespmem:s24+$0xE0] =	vst v6  }
0x15d: {  	[tilespmem:s29+$0x290] =	vst v4;
	v3 =	vld.idx.msk [tilespmem:v5+s13+$0x0], $0xffff  }
0x15e: {  	v4 =	vld [tilespmem:s28+$0x1A0];
	[tilespmem:s25+$0x40] =	vst v7  }
0x15f: {  	[tilespmem:s29+$0xFFFFFD10] =	vst v8;
	v6 =	vld.idx.msk [tilespmem:v9+s3+$0x0], $0xffff  }
0x160: {  	[tilespmem:s25+$0xFFFFFEB0] =	vst v1;
	v0 =	vld.idx.msk [tilespmem:v0+s14+$0x0], $0xffff  }
0x161: {  	v1 =	vld [tilespmem:s26+$0xFFFFFFC0]  }
0x162: {  	s30 =	simm.s32 $0x1100  }
0x163: {  	v11 =	vld [tilespmem:s30+$0x180];
	[tilespmem:s24+$0xFFFFFED0] =	vst v2  }
0x164: {  	v2 =	vld [tilespmem:s1+$0xFFFFFFE0];
	[tilespmem:s24+$0x260] =	vst v3  }
0x165: {  	v3 =	vtrunc.f32 v4;
	v4 =	vld [tilespmem:s1+$0x160];
	[tilespmem:s25+$0x1C0] =	vst v6  }
0x166: {  	v3 =	vcvt.f32.s32 v3;
	[tilespmem:s29+$0xFFFFFE90] =	vst v0;
	v0 =	vtrunc.f32 v1;
	v1 =	vld [tilespmem:s26+$0xC0]  }
0x167: {  	v6 =	vld [tilespmem:s28+$0xFFFFFFA0]  }
0x168: {  	v12 =	vld [tilespmem:s30+$0xFFFFFE00];
	vm6 =	vgt.s32 v3, $0x0;
	v0 =	vcvt.f32.s32 v0  }
0x169: {  	v10 =	vld [tilespmem:s28+$0x20];
	v3 =	vnsel vm6, $0x0, v3  }
0x16a: {  	v8 =	vld [tilespmem:s26+$0xFFFFFE40];
	v2 =	vtrunc.f32 v2;
	v3 =	vmin.u32 v3, $0xFF;
	vm7 =	vgt.s32 v0, $0x0;
	[tilespmem:s24+$0x160] =	vst v4  }
0x16b: {  	v2 =	vcvt.f32.s32 v2;
	v0 =	vnsel vm7, $0x0, v0;
	v4 =	vld.idx.msk [tilespmem:v5+s14+$0x0], $0xffff  }
0x16c: {  	v5 =	vld [tilespmem:s30+$0xFFFFFF80];
	v0 =	vmin.u32 v0, $0xFF;
	[tilespmem:s25+$0xC0] =	vst v1;
	v1 =	vtrunc.f32 v6  }
0x16d: {  	vm8 =	vgt.s32 v2, $0x0;
	v6 =	vld.idx.msk [tilespmem:v9+s13+$0x0], $0xffff;
	v13 =	vcvt.f32.s32 v1  }
0x16e: {  	v14 =	vld [tilespmem:s30+$0x0];
	[tilespmem:s29+$0x20] =	vst v10;
	v1 =	vnsel vm8, $0x0, v2;
	v2 =	vtrunc.f32 v11  }
0x16f: {  	v10 =	vld.idx.msk [tilespmem:v3+s3+$0x0], $0xffff;
	v2 =	vcvt.f32.s32 v2;
	vm9 =	vgt.s32 v13, $0x0  }
0x170: {  	[tilespmem:s25+$0xFFFFFC40] =	vst v8;
	v8 =	vld [tilespmem:s28+$0xFFFFFE20];
	v11 =	vnsel vm9, $0x0, v13  }
0x171: {  	v53 =	vld.idx.msk [tilespmem:v0+s3+$0x0], $0xffff;
	[tilespmem:s24+$0x2E0] =	vst v4;
	vm10 =	vgt.s32 v2, $0x0;
	v4 =	vmin.u32 v11, $0xFF  }
0x172: {  	v5 =	vtrunc.f32 v5;
	v11 =	vld [tilespmem:s1+$0x1F0];
	v2 =	vnsel vm10, $0x0, v2;
	[tilespmem:s25+$0x240] =	vst v6  }
0x173: {  	v5 =	vcvt.f32.s32 v5;
	v2 =	vmin.u32 v2, $0xFF;
	v6 =	vld [tilespmem:s26+$0x140]  }
0x174: {  	v7 =	vld [tilespmem:s1+$0xFFFFFE60];
	[tilespmem:s29+$0x1A0] =	vst v10  }
0x175: {  	[tilespmem:s29+$0xFFFFFC20] =	vst v8;
	vm11 =	vgt.s32 v5, $0x0;
	v8 =	vld [tilespmem:s28+$0xA0]  }
0x176: {  	s31 =	simm.s32 $0x9F00;
	v5 =	vnsel vm11, $0x0, v5;
	[tilespmem:s25+$0xFFFFFDC0] =	vst v53;
	v10 =	vld.idx.msk [tilespmem:v4+s3+$0x0], $0xffff  }
0x177: {  	[tilespmem:s31+$0x0] =	vst v14;
	v5 =	vmin.u32 v5, $0xFF;
	v11 =	vtrunc.f32 v11;
	v13 =	vld [tilespmem:s26+$0xFFFFFEC0]  }
0x178: {  	v11 =	vcvt.f32.s32 v11;
	v14 =	vld.idx.msk [tilespmem:v2+s3+$0x0], $0xffff;
	[tilespmem:s25+$0x140] =	vst v6  }
0x179: {  	v6 =	vld.idx.msk [tilespmem:v9+s14+$0x0], $0xffff  }
0x17a: {  	v9 =	vld [tilespmem:s1+$0x70];
	vm12 =	vgt.s32 v11, $0x0;
	[tilespmem:s29+$0xA0] =	vst v8  }
0x17b: {  	[tilespmem:s31+$0xFFFFFC00] =	vst v12;
	v8 =	vnsel vm12, $0x0, v11;
	v11 =	vld.idx.msk [tilespmem:v3+s13+$0x0], $0xffff  }
0x17c: {  	v12 =	vld.idx.msk [tilespmem:v5+s3+$0x0], $0xffff;
	v8 =	vmin.u32 v8, $0xFF;
	[tilespmem:s29+$0xFFFFFDA0] =	vst v10  }
0x17d: {  	[tilespmem:s25+$0xFFFFFCC0] =	vst v13;
	v10 =	vld [tilespmem:s28+$0xFFFFFEA0]  }
0x17e: {  	[tilespmem:s31+$0x180] =	vst v14;
	v13 =	vld.idx.msk [tilespmem:v0+s13+$0x0], $0xffff  }
0x17f: {  	v14 =	vld [tilespmem:s30+$0x80];
	[tilespmem:s25+$0x2C0] =	vst v6  }
0x180: {  	[tilespmem:s24+$0x70] =	vst v9;
	v9 =	vld [tilespmem:s26+$0x1D0]  }
0x181: {  	[tilespmem:s29+$0x220] =	vst v11;
	v6 =	vld.idx.msk [tilespmem:v8+s3+$0x0], $0xffff  }
0x182: {  	[tilespmem:s31+$0xFFFFFD80] =	vst v12;
	v11 =	vld [tilespmem:s28+$0x120]  }
0x183: {  	v12 =	vld [tilespmem:s30+$0xFFFFFE80];
	[tilespmem:s29+$0xFFFFFCA0] =	vst v10  }
0x184: {  	[tilespmem:s25+$0xFFFFFE40] =	vst v13;
	v10 =	vld.idx.msk [tilespmem:v4+s13+$0x0], $0xffff  }
0x185: {  	[tilespmem:s31+$0x80] =	vst v14;
	v13 =	vld [tilespmem:s26+$0xFFFFFF40]  }
0x186: {  	v14 =	vld.idx.msk [tilespmem:v2+s13+$0x0], $0xffff;
	v9 =	vtrunc.f32 v9;
	[tilespmem:s24+$0x1F0] =	vst v6  }
0x187: {  	[tilespmem:s29+$0x120] =	vst v11;
	v6 =	vcvt.f32.s32 v9;
	v9 =	vld [tilespmem:s1+$0xF0]  }
0x188: {  	[tilespmem:s31+$0xFFFFFC80] =	vst v12;
	v3 =	vld.idx.msk [tilespmem:v3+s14+$0x0], $0xffff  }
0x189: {  	[tilespmem:s24+$0xFFFFFC60] =	vst v7;
	v11 =	vld.idx.msk [tilespmem:v5+s13+$0x0], $0xffff  }
0x18a: {  	vm13 =	vgt.s32 v6, $0x0;
	[tilespmem:s29+$0xFFFFFE20] =	vst v10;
	v10 =	vld [tilespmem:s26+$0x50]  }
0x18b: {  	[tilespmem:s25+$0xFFFFFD40] =	vst v13;
	v6 =	vnsel vm13, $0x0, v6;
	v54 =	vld [tilespmem:s28+$0xFFFFFF20]  }
0x18c: {  	[tilespmem:s31+$0x200] =	vst v14;
	v0 =	vld.idx.msk [tilespmem:v0+s14+$0x0], $0xffff;
	v6 =	vmin.u32 v6, $0xFF  }
0x18d: {  	v14 =	vld [tilespmem:s30+$0x100];
	[tilespmem:s24+$0xF0] =	vst v9  }
0x18e: {  	v1 =	vmin.u32 v1, $0xFF;
	[tilespmem:s29+$0x2A0] =	vst v3;
	v9 =	vld.idx.msk [tilespmem:v8+s13+$0x0], $0xffff  }
0x18f: {  	[tilespmem:s31+$0xFFFFFE00] =	vst v11;
	v3 =	vld [tilespmem:s28+$0x1B0]  }
0x190: {  	[tilespmem:s25+$0x50] =	vst v10;
	v11 =	vld [tilespmem:s30+$0xFFFFFF00]  }
0x191: {  	[tilespmem:s29+$0xFFFFFD20] =	vst v54;
	v10 =	vld.idx.msk [tilespmem:v6+s3+$0x0], $0xffff  }
0x192: {  	[tilespmem:s25+$0xFFFFFEC0] =	vst v0;
	v4 =	vld.idx.msk [tilespmem:v4+s14+$0x0], $0xffff  }
0x193: {  	v7 =	vld.idx.msk [tilespmem:v1+s3+$0x0], $0xffff;
	[tilespmem:s31+$0x100] =	vst v14  }
0x194: {  	v2 =	vld.idx.msk [tilespmem:v2+s14+$0x0], $0xffff;
	[tilespmem:s24+$0x270] =	vst v9  }
0x195: {  	v3 =	vtrunc.f32 v3;
	v9 =	vld [tilespmem:s26+$0xFFFFFFD0];
	[tilespmem:s31+$0xFFFFFD00] =	vst v11  }
0x196: {  	v0 =	vld [tilespmem:s1+$0x170];
	v3 =	vcvt.f32.s32 v3;
	[tilespmem:s25+$0x1D0] =	vst v10  }
0x197: {  	[tilespmem:s29+$0xFFFFFEA0] =	vst v4;
	v4 =	vld.idx.msk [tilespmem:v5+s14+$0x0], $0xffff  }
0x198: {  	v10 =	vld [tilespmem:s26+$0xD0];
	vm14 =	vgt.s32 v3, $0x0  }
0x199: {  	[tilespmem:s31+$0x280] =	vst v2;
	v2 =	vnsel vm14, $0x0, v3;
	v3 =	vld [tilespmem:s28+$0x30]  }
0x19a: {  	v11 =	vld [tilespmem:s30+$0x190];
	v2 =	vmin.u32 v2, $0xFF  }
0x19b: {  	v5 =	vld [tilespmem:s28+$0xFFFFFFB0]  }
0x19c: {  	v55 =	vld [tilespmem:s26+$0xFFFFFE50];
	v9 =	vtrunc.f32 v9;
	[tilespmem:s24+$0x170] =	vst v0  }
0x19d: {  	v0 =	vld.idx.msk [tilespmem:v8+s14+$0x0], $0xffff;
	v8 =	vcvt.f32.s32 v9;
	[tilespmem:s25+$0xD0] =	vst v10  }
0x19e: {  	v10 =	vld.idx.msk [tilespmem:v6+s13+$0x0], $0xffff;
	[tilespmem:s29+$0x30] =	vst v3  }
0x19f: {  	[tilespmem:s24+$0xFFFFFDE0] =	vst v7;
	vm15 =	vgt.s32 v8, $0x0;
	v7 =	vtrunc.f32 v11;
	v3 =	vld.idx.msk [tilespmem:v2+s3+$0x0], $0xffff  }
0x1a0: {  	v56 =	vld [tilespmem:s30+$0x10];
	[tilespmem:s31+$0xFFFFFE80] =	vst v4;
	v5 =	vtrunc.f32 v5;
	v8 =	vnsel vm15, $0x0, v8;
	v7 =	vcvt.f32.s32 v7  }
0x1a1: {  	v5 =	vcvt.f32.s32 v5;
	v4 =	vmin.u32 v8, $0xFF;
	v8 =	vld [tilespmem:s30+$0xFFFFFF90]  }
0x1a2: {  	v11 =	vld [tilespmem:s1+$0xFFFFFEE0];
	vm4 =	vgt.s32 v7, $0x0  }
0x1a3: {  	v9 =	vld [tilespmem:s28+$0xFFFFFE30];
	vm5 =	vgt.s32 v5, $0x0;
	v7 =	vnsel vm4, $0x0, v7;
	[tilespmem:s25+$0x250] =	vst v10  }
0x1a4: {  	v5 =	vnsel vm5, $0x0, v5;
	v10 =	vld [tilespmem:s26+$0x150];
	[tilespmem:s29+$0x1B0] =	vst v3;
	v3 =	vmin.u32 v7, $0xFF  }
0x1a5: {  	[tilespmem:s25+$0xFFFFFC50] =	vst v55;
	v57 =	vld [tilespmem:s30+$0xFFFFFE10];
	v5 =	vmin.u32 v5, $0xFF  }
0x1a6: {  	[tilespmem:s31+$0x10] =	vst v56;
	v7 =	vld [tilespmem:s28+$0xB0];
	v8 =	vtrunc.f32 v8  }
0x1a7: {  	[tilespmem:s24+$0xFFFFFCE0] =	vst v11;
	v11 =	vld.idx.msk [tilespmem:v4+s3+$0x0], $0xffff;
	v8 =	vcvt.f32.s32 v8  }
0x1a8: {  	[tilespmem:s29+$0xFFFFFC30] =	vst v9;
	v58 =	vld.idx.msk [tilespmem:v1+s13+$0x0], $0xffff  }
0x1a9: {  	vm6 =	vgt.s32 v8, $0x0;
	[tilespmem:s25+$0x150] =	vst v10;
	v10 =	vld.idx.msk [tilespmem:v3+s3+$0x0], $0xffff  }
0x1aa: {  	[tilespmem:s31+$0xFFFFFC10] =	vst v57;
	v9 =	vld.idx.msk [tilespmem:v5+s3+$0x0], $0xffff;
	v8 =	vnsel vm6, $0x0, v8  }
0x1ab: {  	v6 =	vld.idx.msk [tilespmem:v6+s14+$0x0], $0xffff;
	[tilespmem:s29+$0xB0] =	vst v7;
	v8 =	vmin.u32 v8, $0xFF  }
0x1ac: {  	[tilespmem:s25+$0xFFFFFDD0] =	vst v11;
	v7 =	vld.idx.msk [tilespmem:v2+s13+$0x0], $0xffff  }
0x1ad: {  	[tilespmem:s24+$0xFFFFFE60] =	vst v58;
	v11 =	vld [tilespmem:s26+$0xFFFFFED0]  }
0x1ae: {  	v59 =	vld [tilespmem:s1+$0xFFFFFF60];
	[tilespmem:s31+$0x190] =	vst v10  }
0x1af: {  	[tilespmem:s29+$0xFFFFFDB0] =	vst v9;
	v10 =	vld [tilespmem:s30+$0x90]  }
0x1b0: {  	[tilespmem:s25+$0x2D0] =	vst v6;
	v9 =	vld.idx.msk [tilespmem:v8+s3+$0x0], $0xffff  }
0x1b1: {  	v6 =	vld [tilespmem:s26+$0x1E0];
	[tilespmem:s29+$0x230] =	vst v7  }
0x1b2: {  	[tilespmem:s25+$0xFFFFFCD0] =	vst v11;
	v11 =	vld [tilespmem:s28+$0xFFFFFEB0]  }
0x1b3: {  	[tilespmem:s24+$0xFFFFFD60] =	vst v59;
	v7 =	vld [tilespmem:s28+$0x130]  }
0x1b4: {  	v1 =	vld.idx.msk [tilespmem:v1+s14+$0x0], $0xffff  }
0x1b5: {  	v60 =	vld.idx.msk [tilespmem:v4+s13+$0x0], $0xffff;
	[tilespmem:s31+$0x90] =	vst v10  }
0x1b6: {  	[tilespmem:s31+$0xFFFFFD90] =	vst v9;
	v6 =	vtrunc.f32 v6;
	v10 =	vld.idx.msk [tilespmem:v3+s13+$0x0], $0xffff  }
0x1b7: {  	[tilespmem:s29+$0xFFFFFCB0] =	vst v11;
	v9 =	vld [tilespmem:s30+$0xFFFFFE90];
	v6 =	vcvt.f32.s32 v6  }
0x1b8: {  	[tilespmem:s29+$0x130] =	vst v7;
	v11 =	vld.idx.msk [tilespmem:v5+s13+$0x0], $0xffff  }
0x1b9: {  	[tilespmem:s24+$0xFFFFFEE0] =	vst v1;
	v2 =	vld.idx.msk [tilespmem:v2+s14+$0x0], $0xffff;
	vm7 =	vgt.s32 v6, $0x0  }
0x1ba: {  	s0 =	simm.s32 $0x1500;
	v7 =	vld [tilespmem:s26+$0x60];
	[tilespmem:s25+$0xFFFFFE50] =	vst v60;
	v6 =	vnsel vm7, $0x0, v6  }
0x1bb: {  	v21 =	vld [tilespmem:s0+$0x180];
	v6 =	vmin.u32 v6, $0xFF;
	[tilespmem:s31+$0x210] =	vst v10  }
0x1bc: {  	v10 =	vld [tilespmem:s26+$0xFFFFFF50];
	[tilespmem:s31+$0xFFFFFC90] =	vst v9  }
0x1bd: {  	v1 =	vld.idx.msk [tilespmem:v8+s13+$0x0], $0xffff;
	[tilespmem:s29+$0xFFFFFE30] =	vst v11  }
0x1be: {  	[tilespmem:s29+$0x2B0] =	vst v2;
	v11 =	vld [tilespmem:s28+$0xFFFFFF30]  }
0x1bf: {  	[tilespmem:s25+$0x60] =	vst v7;
	v2 =	vld [tilespmem:s28+$0x1C0]  }
0x1c0: {  	v7 =	vld.idx.msk [tilespmem:v6+s3+$0x0], $0xffff  }
0x1c1: {  	v61 =	vld [tilespmem:s30+$0x110]  }
0x1c2: {  	v9 =	vld [tilespmem:s1+$0xFFFFFFF0];
	[tilespmem:s25+$0xFFFFFD50] =	vst v10  }
0x1c3: {  	v10 =	vld [tilespmem:s1+$0xFFFFFE70];
	[tilespmem:s31+$0xFFFFFE10] =	vst v1  }
0x1c4: {  	v62 =	vld [tilespmem:s30+$0xFFFFFF10];
	[tilespmem:s29+$0xFFFFFD30] =	vst v11;
	v2 =	vtrunc.f32 v2  }
0x1c5: {  	v5 =	vld.idx.msk [tilespmem:v5+s14+$0x0], $0xffff;
	v2 =	vcvt.f32.s32 v2;
	[tilespmem:s25+$0x1E0] =	vst v7  }
0x1c6: {  	[tilespmem:s31+$0x110] =	vst v61;
	v7 =	vld [tilespmem:s26+$0xE0]  }
0x1c7: {  	v3 =	vld.idx.msk [tilespmem:v3+s14+$0x0], $0xffff;
	vm8 =	vgt.s32 v2, $0x0  }
0x1c8: {  	v1 =	vnsel vm8, $0x0, v2;
	v2 =	vld [tilespmem:s28+$0x40]  }
0x1c9: {  	v4 =	vld.idx.msk [tilespmem:v4+s14+$0x0], $0xffff;
	[tilespmem:s31+$0xFFFFFD10] =	vst v62;
	v11 =	vmin.u32 v1, $0xFF  }
0x1ca: {  	v8 =	vld.idx.msk [tilespmem:v8+s14+$0x0], $0xffff;
	[tilespmem:s29+$0xFFFFFEB0] =	vst v5  }
0x1cb: {  	v5 =	vld [tilespmem:s28+$0xFFFFFFC0];
	[tilespmem:s25+$0xE0] =	vst v7  }
0x1cc: {  	[tilespmem:s31+$0x290] =	vst v3;
	v3 =	vld.idx.msk [tilespmem:v6+s13+$0x0], $0xffff  }
0x1cd: {  	v1 =	vtrunc.f32 v9;
	v7 =	vld [tilespmem:s30+$0x1A0];
	[tilespmem:s29+$0x40] =	vst v2  }
0x1ce: {  	[tilespmem:s25+$0xFFFFFED0] =	vst v4;
	v1 =	vcvt.f32.s32 v1;
	v2 =	vld.idx.msk [tilespmem:v11+s3+$0x0], $0xffff  }
0x1cf: {  	v4 =	vld [tilespmem:s26+$0xFFFFFFE0]  }
0x1d0: {  	[tilespmem:s24+$0xFFFFFC70] =	vst v10;
	v9 =	vld [tilespmem:s26+$0xFFFFFE60];
	vm9 =	vgt.s32 v1, $0x0  }
0x1d1: {  	v20 =	vld [tilespmem:s30+$0x20];
	v1 =	vnsel vm9, $0x0, v1;
	[tilespmem:s25+$0x260] =	vst v3  }
0x1d2: {  	v1 =	vmin.u32 v1, $0xFF;
	[tilespmem:s31+$0xFFFFFE90] =	vst v8;
	v7 =	vtrunc.f32 v7;
	v10 =	vld [tilespmem:s26+$0x160]  }
0x1d3: {  	v8 =	vld [tilespmem:s30+$0xFFFFFFA0];
	v7 =	vcvt.f32.s32 v7;
	[tilespmem:s29+$0x1C0] =	vst v2;
	v2 =	vtrunc.f32 v5  }
0x1d4: {  	v5 =	vld [tilespmem:s28+$0xC0];
	v2 =	vcvt.f32.s32 v2  }
0x1d5: {  	v63 =	vld [tilespmem:s28+$0xFFFFFE40];
	vm10 =	vgt.s32 v7, $0x0  }
0x1d6: {  	v4 =	vtrunc.f32 v4;
	v22 =	vld [tilespmem:s30+$0xFFFFFE20];
	v7 =	vnsel vm10, $0x0, v7;
	vm11 =	vgt.s32 v2, $0x0  }
0x1d7: {  	v4 =	vcvt.f32.s32 v4;
	v3 =	vld.idx.msk [tilespmem:v1+s3+$0x0], $0xffff;
	v7 =	vmin.u32 v7, $0xFF;
	v2 =	vnsel vm11, $0x0, v2;
	[tilespmem:s25+$0x160] =	vst v10  }
0x1d8: {  	v15 =	vmin.u32 v2, $0xFF;
	v6 =	vld.idx.msk [tilespmem:v6+s14+$0x0], $0xffff  }
0x1d9: {  	vm12 =	vgt.s32 v4, $0x0;
	v10 =	vld [tilespmem:s0+$0xFFFFFF80];
	v2 =	vtrunc.f32 v8;
	[tilespmem:s29+$0xC0] =	vst v5  }
0x1da: {  	v16 =	vcvt.f32.s32 v2;
	v2 =	vnsel vm12, $0x0, v4;
	v5 =	vld.idx.msk [tilespmem:v11+s13+$0x0], $0xffff  }
0x1db: {  	[tilespmem:s31+$0x20] =	vst v20;
	v8 =	vld [tilespmem:s0+$0xFFFFFE00];
	v2 =	vmin.u32 v2, $0xFF  }
0x1dc: {  	[tilespmem:s29+$0xFFFFFC40] =	vst v63;
	v4 =	vtrunc.f32 v21;
	v13 =	vld.idx.msk [tilespmem:v7+s3+$0x0], $0xffff  }
0x1dd: {  	v4 =	vcvt.f32.s32 v4;
	vm13 =	vgt.s32 v16, $0x0;
	v24 =	vld.idx.msk [tilespmem:v15+s3+$0x0], $0xffff;
	[tilespmem:s25+$0x2E0] =	vst v6  }
0x1de: {  	[tilespmem:s25+$0xFFFFFC60] =	vst v9;
	v23 =	vnsel vm13, $0x0, v16;
	v25 =	vld [tilespmem:s26+$0x1F0]  }
0x1df: {  	vm14 =	vgt.s32 v4, $0x0;
	v10 =	vtrunc.f32 v10;
	v6 =	vmin.u32 v23, $0xFF;
	[tilespmem:s29+$0x240] =	vst v5;
	v5 =	vld [tilespmem:s0+$0x0]  }
0x1e0: {  	v4 =	vnsel vm14, $0x0, v4;
	v9 =	vcvt.f32.s32 v10;
	v26 =	vld.idx.msk [tilespmem:v2+s3+$0x0], $0xffff  }
0x1e1: {  	v4 =	vmin.u32 v4, $0xFF;
	v10 =	vld [tilespmem:s28+$0x140];
	[tilespmem:s31+$0x1A0] =	vst v13  }
0x1e2: {  	vm15 =	vgt.s32 v9, $0x0;
	v27 =	vld [tilespmem:s30+$0xA0]  }
0x1e3: {  	[tilespmem:s31+$0xFFFFFC20] =	vst v22;
	v30 =	vld [tilespmem:s26+$0x70];
	v9 =	vnsel vm15, $0x0, v9  }
0x1e4: {  	s15 =	simm.s32 $0xA700;
	[tilespmem:s29+$0xFFFFFDC0] =	vst v24;
	v9 =	vmin.u32 v9, $0xFF;
	v28 =	vld.idx.msk [tilespmem:v6+s3+$0x0], $0xffff  }
0x1e5: {  	v14 =	vtrunc.f32 v25;
	[tilespmem:s15+$0x0] =	vst v5;
	v5 =	vld [tilespmem:s28+$0xFFFFFEC0]  }
0x1e6: {  	v14 =	vcvt.f32.s32 v14;
	[tilespmem:s29+$0x140] =	vst v10;
	v10 =	vld.idx.msk [tilespmem:v4+s3+$0x0], $0xffff  }
0x1e7: {  	v11 =	vld.idx.msk [tilespmem:v11+s14+$0x0], $0xffff;
	[tilespmem:s31+$0xA0] =	vst v27  }
0x1e8: {  	[tilespmem:s15+$0xFFFFFC00] =	vst v8;
	vm4 =	vgt.s32 v14, $0x0;
	v8 =	vld.idx.msk [tilespmem:v7+s13+$0x0], $0xffff  }
0x1e9: {  	v31 =	vld.idx.msk [tilespmem:v9+s3+$0x0], $0xffff;
	v29 =	vnsel vm4, $0x0, v14;
	[tilespmem:s31+$0xFFFFFDA0] =	vst v28  }
0x1ea: {  	v12 =	vmin.u32 v29, $0xFF;
	[tilespmem:s29+$0xFFFFFCC0] =	vst v5;
	v5 =	vld [tilespmem:s30+$0xFFFFFEA0]  }
0x1eb: {  	[tilespmem:s15+$0x180] =	vst v10;
	v10 =	vld.idx.msk [tilespmem:v15+s13+$0x0], $0xffff  }
0x1ec: {  	v32 =	vld [tilespmem:s0+$0x80];
	[tilespmem:s29+$0x2C0] =	vst v11  }
0x1ed: {  	[tilespmem:s31+$0x220] =	vst v8;
	v8 =	vld [tilespmem:s28+$0x1D0]  }
0x1ee: {  	[tilespmem:s25+$0x70] =	vst v30;
	v33 =	vld [tilespmem:s30+$0x120]  }
0x1ef: {  	[tilespmem:s15+$0xFFFFFD80] =	vst v31;
	v11 =	vld.idx.msk [tilespmem:v12+s3+$0x0], $0xffff  }
0x1f0: {  	[tilespmem:s31+$0xFFFFFCA0] =	vst v5;
	v5 =	vld [tilespmem:s0+$0xFFFFFE80]  }
0x1f1: {  	v36 =	vld [tilespmem:s28+$0x50];
	[tilespmem:s29+$0xFFFFFE40] =	vst v10  }
0x1f2: {  	v34 =	vld.idx.msk [tilespmem:v6+s13+$0x0], $0xffff;
	[tilespmem:s15+$0x80] =	vst v32  }
0x1f3: {  	v10 =	vld.idx.msk [tilespmem:v4+s13+$0x0], $0xffff;
	[tilespmem:s31+$0x120] =	vst v33  }
0x1f4: {  	v8 =	vtrunc.f32 v8;
	[tilespmem:s25+$0x1F0] =	vst v11;
	v11 =	vld [tilespmem:s28+$0xFFFFFF40]  }
0x1f5: {  	v8 =	vcvt.f32.s32 v8;
	[tilespmem:s15+$0xFFFFFC80] =	vst v5;
	v5 =	vld.idx.msk [tilespmem:v7+s14+$0x0], $0xffff  }
0x1f6: {  	v35 =	vld [tilespmem:s26+$0xF0]  }
0x1f7: {  	v7 =	vld.idx.msk [tilespmem:v9+s13+$0x0], $0xffff;
	vm5 =	vgt.s32 v8, $0x0;
	[tilespmem:s31+$0xFFFFFE20] =	vst v34  }
0x1f8: {  	v8 =	vnsel vm5, $0x0, v8;
	[tilespmem:s15+$0x200] =	vst v10;
	v10 =	vld [tilespmem:s30+$0xFFFFFF20]  }
0x1f9: {  	v8 =	vmin.u32 v8, $0xFF;
	v37 =	vld [tilespmem:s0+$0x100];
	[tilespmem:s29+$0xFFFFFD40] =	vst v11  }
0x1fa: {  	[tilespmem:s31+$0x2A0] =	vst v5;
	v5 =	vld.idx.msk [tilespmem:v15+s14+$0x0], $0xffff  }
0x1fb: {  	[tilespmem:s25+$0xF0] =	vst v35;
	v38 =	vld [tilespmem:s30+$0x1B0]  }
0x1fc: {  	[tilespmem:s15+$0xFFFFFE00] =	vst v7;
	v11 =	vld.idx.msk [tilespmem:v12+s13+$0x0], $0xffff  }
0x1fd: {  	[tilespmem:s29+$0x50] =	vst v36;
	v39 =	vld [tilespmem:s0+$0xFFFFFF00]  }
0x1fe: {  	v7 =	vld.idx.msk [tilespmem:v8+s3+$0x0], $0xffff;
	[tilespmem:s31+$0xFFFFFD20] =	vst v10  }
0x1ff: {  	[tilespmem:s15+$0x100] =	vst v37;
	v6 =	vld.idx.msk [tilespmem:v6+s14+$0x0], $0xffff  }
0x200: {  	v4 =	vld.idx.msk [tilespmem:v4+s14+$0x0], $0xffff;
	[tilespmem:s29+$0xFFFFFEC0] =	vst v5  }
0x201: {  	v10 =	vtrunc.f32 v38;
	[tilespmem:s25+$0x270] =	vst v11;
	v11 =	vld [tilespmem:s28+$0xFFFFFFD0]  }
0x202: {  	v10 =	vcvt.f32.s32 v10;
	v40 =	vld [tilespmem:s28+$0xFFFFFE50]  }
0x203: {  	v5 =	vld [tilespmem:s26+$0x170];
	[tilespmem:s29+$0x1D0] =	vst v7  }
0x204: {  	vm6 =	vgt.s32 v10, $0x0;
	v7 =	vld [tilespmem:s28+$0xD0];
	[tilespmem:s31+$0xFFFFFEA0] =	vst v6  }
0x205: {  	[tilespmem:s15+$0x280] =	vst v4;
	v4 =	vnsel vm6, $0x0, v10;
	v10 =	vld [tilespmem:s30+$0x30]  }
0x206: {  	v6 =	vld [tilespmem:s30+$0xFFFFFFB0]  }
0x207: {  	v41 =	vld [tilespmem:s30+$0xFFFFFE30]  }
0x208: {  	v16 =	vld [tilespmem:s0+$0x190];
	v17 =	vmin.u32 v4, $0xFF  }
0x209: {  	[tilespmem:s15+$0xFFFFFD00] =	vst v39;
	v43 =	vld [tilespmem:s0+$0x10]  }
0x20a: {  	[tilespmem:s25+$0x170] =	vst v5;
	v5 =	vld.idx.msk [tilespmem:v9+s14+$0x0], $0xffff  }
0x20b: {  	v4 =	vld.idx.msk [tilespmem:v12+s14+$0x0], $0xffff;
	[tilespmem:s29+$0xD0] =	vst v7;
	v7 =	vtrunc.f32 v11  }
0x20c: {  	[tilespmem:s31+$0x30] =	vst v10;
	v9 =	vld.idx.msk [tilespmem:v8+s13+$0x0], $0xffff;
	v7 =	vcvt.f32.s32 v7;
	v6 =	vtrunc.f32 v6  }
0x20d: {  	[tilespmem:s25+$0xFFFFFDE0] =	vst v26;
	v10 =	vld.idx.msk [tilespmem:v17+s3+$0x0], $0xffff;
	v11 =	vtrunc.f32 v16;
	v6 =	vcvt.f32.s32 v6  }
0x20e: {  	[tilespmem:s24+$0xFFFFFDF0] =	vst v3;
	vm7 =	vgt.s32 v7, $0x0;
	v3 =	vcvt.f32.s32 v11;
	v11 =	vld [tilespmem:s26+$0xFFFFFEE0]  }
0x20f: {  	v7 =	vnsel vm7, $0x0, v7;
	[tilespmem:s15+$0xFFFFFE80] =	vst v5;
	v5 =	vld [tilespmem:s1+$0xFFFFFEF0];
	vm9 =	vgt.s32 v6, $0x0  }
0x210: {  	[tilespmem:s29+$0xFFFFFC50] =	vst v40;
	v7 =	vmin.u32 v7, $0xFF;
	v42 =	vld [tilespmem:s0+$0xFFFFFF90];
	vm8 =	vgt.s32 v3, $0x0;
	v6 =	vnsel vm9, $0x0, v6  }
0x211: {  	v44 =	vld [tilespmem:s0+$0xFFFFFE10];
	v3 =	vnsel vm8, $0x0, v3;
	[tilespmem:s29+$0x250] =	vst v9;
	v6 =	vmin.u32 v6, $0xFF  }
0x212: {  	v3 =	vmin.u32 v3, $0xFF;
	[tilespmem:s31+$0x1B0] =	vst v10;
	v9 =	vld [tilespmem:s28+$0x150]  }
0x213: {  	v10 =	vld [tilespmem:s30+$0xB0];
	[tilespmem:s25+$0xFFFFFCE0] =	vst v11  }
0x214: {  	[tilespmem:s31+$0xFFFFFC30] =	vst v41;
	v45 =	vld.idx.msk [tilespmem:v2+s13+$0x0], $0xffff  }
0x215: {  	[tilespmem:s15+$0x10] =	vst v43;
	v11 =	vld.idx.msk [tilespmem:v7+s3+$0x0], $0xffff  }
0x216: {  	[tilespmem:s24+$0xFFFFFCF0] =	vst v5;
	v5 =	vld.idx.msk [tilespmem:v6+s3+$0x0], $0xffff  }
0x217: {  	[tilespmem:s29+$0x150] =	vst v9;
	v9 =	vld.idx.msk [tilespmem:v3+s3+$0x0], $0xffff  }
0x218: {  	v13 =	vtrunc.f32 v42;
	[tilespmem:s31+$0xB0] =	vst v10;
	v8 =	vld.idx.msk [tilespmem:v8+s14+$0x0], $0xffff  }
0x219: {  	v10 =	vcvt.f32.s32 v13;
	v46 =	vld.idx.msk [tilespmem:v17+s13+$0x0], $0xffff;
	[tilespmem:s25+$0xFFFFFE60] =	vst v45  }
0x21a: {  	[tilespmem:s29+$0xFFFFFDD0] =	vst v11;
	v11 =	vld.idx.msk [tilespmem:v1+s13+$0x0], $0xffff  }
0x21b: {  	vm10 =	vgt.s32 v10, $0x0;
	v47 =	vld [tilespmem:s28+$0xFFFFFED0];
	[tilespmem:s31+$0xFFFFFDB0] =	vst v5  }
0x21c: {  	v10 =	vnsel vm10, $0x0, v10;
	[tilespmem:s15+$0x190] =	vst v9;
	v9 =	vld [tilespmem:s26+$0xFFFFFF60]  }
0x21d: {  	v10 =	vmin.u32 v10, $0xFF;
	v50 =	vld [tilespmem:s30+$0xFFFFFEB0]  }
0x21e: {  	[tilespmem:s29+$0x2D0] =	vst v8;
	v8 =	vld [tilespmem:s0+$0x90]  }
0x21f: {  	[tilespmem:s31+$0x230] =	vst v46;
	v48 =	vld [tilespmem:s28+$0x1E0]  }
0x220: {  	v49 =	vld [tilespmem:s30+$0x130];
	[tilespmem:s24+$0xFFFFFE70] =	vst v11  }
0x221: {  	[tilespmem:s15+$0xFFFFFC10] =	vst v44;
	v11 =	vld [tilespmem:s1+$0xFFFFFF70]  }
0x222: {  	[tilespmem:s29+$0xFFFFFCD0] =	vst v47;
	v5 =	vld.idx.msk [tilespmem:v10+s3+$0x0], $0xffff  }
0x223: {  	[tilespmem:s25+$0xFFFFFD60] =	vst v9;
	v9 =	vld.idx.msk [tilespmem:v7+s13+$0x0], $0xffff  }
0x224: {  	[tilespmem:s15+$0x90] =	vst v8;
	v51 =	vld.idx.msk [tilespmem:v2+s14+$0x0], $0xffff  }
0x225: {  	v8 =	vtrunc.f32 v48;
	v52 =	vld.idx.msk [tilespmem:v3+s13+$0x0], $0xffff;
	[tilespmem:s31+$0x130] =	vst v49  }
0x226: {  	[tilespmem:s31+$0xFFFFFCB0] =	vst v50;
	v2 =	vcvt.f32.s32 v8;
	v8 =	vld.idx.msk [tilespmem:v17+s14+$0x0], $0xffff  }
0x227: {  	[tilespmem:s15+$0xFFFFFD90] =	vst v5;
	v5 =	vld [tilespmem:s28+$0x60]  }
0x228: {  	vm11 =	vgt.s32 v2, $0x0;
	[tilespmem:s29+$0xFFFFFE50] =	vst v9;
	v9 =	vld.idx.msk [tilespmem:v6+s13+$0x0], $0xffff  }
0x229: {  	v2 =	vnsel vm11, $0x0, v2;
	v53 =	vld [tilespmem:s0+$0xFFFFFE90]  }
0x22a: {  	v54 =	vld [tilespmem:s28+$0xFFFFFF50];
	[tilespmem:s25+$0xFFFFFEE0] =	vst v51;
	v2 =	vmin.u32 v2, $0xFF  }
0x22b: {  	[tilespmem:s15+$0x210] =	vst v52;
	v57 =	vld [tilespmem:s26+$0xFFFFFE70]  }
0x22c: {  	v15 =	vld [tilespmem:s0+$0x110];
	[tilespmem:s31+$0x2B0] =	vst v8  }
0x22d: {  	v8 =	vld [tilespmem:s30+$0x1C0];
	[tilespmem:s29+$0x60] =	vst v5  }
0x22e: {  	[tilespmem:s31+$0xFFFFFE30] =	vst v9;
	v9 =	vld [tilespmem:s26+$0xFFFFFFF0]  }
0x22f: {  	v5 =	vld.idx.msk [tilespmem:v2+s3+$0x0], $0xffff  }
0x230: {  	[tilespmem:s15+$0xFFFFFC90] =	vst v53;
	v56 =	vld [tilespmem:s30+$0xFFFFFF30]  }
0x231: {  	[tilespmem:s29+$0xFFFFFD50] =	vst v54;
	v55 =	vld.idx.msk [tilespmem:v10+s13+$0x0], $0xffff  }
0x232: {  	v7 =	vld.idx.msk [tilespmem:v7+s14+$0x0], $0xffff;
	[tilespmem:s15+$0x110] =	vst v15  }
0x233: {  	[tilespmem:s24+$0x2F0] =	vst v0;
	v3 =	vld.idx.msk [tilespmem:v3+s14+$0x0], $0xffff;
	v8 =	vtrunc.f32 v8  }
0x234: {  	v8 =	vcvt.f32.s32 v8;
	[tilespmem:s29+$0x1E0] =	vst v5;
	v5 =	vtrunc.f32 v9;
	v9 =	vld [tilespmem:s30+$0x40]  }
0x235: {  	[tilespmem:s31+$0xFFFFFD30] =	vst v56;
	v58 =	vld [tilespmem:s28+$0xE0]  }
0x236: {  	[tilespmem:s15+$0xFFFFFE10] =	vst v55;
	v6 =	vld.idx.msk [tilespmem:v6+s14+$0x0], $0xffff;
	vm12 =	vgt.s32 v8, $0x0  }
0x237: {  	[tilespmem:s29+$0xFFFFFED0] =	vst v7;
	v59 =	vld [tilespmem:s0+$0xFFFFFF10];
	v8 =	vnsel vm12, $0x0, v8  }
0x238: {  	[tilespmem:s25+$0x2F0] =	vst v4;
	v60 =	vcvt.f32.s32 v5;
	v7 =	vld [tilespmem:s28+$0xFFFFFFE0];
	v5 =	vmin.u32 v8, $0xFF  }
0x239: {  	[tilespmem:s15+$0x290] =	vst v3;
	v8 =	vld [tilespmem:s28+$0xFFFFFE60]  }
0x23a: {  	v61 =	vld [tilespmem:s0+$0x1A0];
	[tilespmem:s29+$0xE0] =	vst v58  }
0x23b: {  	vm13 =	vgt.s32 v60, $0x0;
	[tilespmem:s31+$0xFFFFFEB0] =	vst v6;
	v3 =	vld.idx.msk [tilespmem:v2+s13+$0x0], $0xffff  }
0x23c: {  	v0 =	vnsel vm13, $0x0, v60;
	[tilespmem:s31+$0x40] =	vst v9;
	v62 =	vld [tilespmem:s30+$0xFFFFFFC0]  }
0x23d: {  	v0 =	vmin.u32 v0, $0xFF;
	[tilespmem:s15+$0xFFFFFD10] =	vst v59;
	v9 =	vld.idx.msk [tilespmem:v5+s3+$0x0], $0xffff  }
0x23e: {  	[tilespmem:s24+$0xFFFFFD70] =	vst v11;
	v4 =	vtrunc.f32 v7;
	v10 =	vld.idx.msk [tilespmem:v10+s14+$0x0], $0xffff  }
0x23f: {  	[tilespmem:s25+$0xFFFFFC70] =	vst v57;
	v63 =	vld [tilespmem:s30+$0xFFFFFE40];
	v11 =	vcvt.f32.s32 v4;
	v4 =	vtrunc.f32 v61  }
0x240: {  	v12 =	vcvt.f32.s32 v4;
	v4 =	vld.idx.msk [tilespmem:v1+s14+$0x0], $0xffff;
	[tilespmem:s29+$0x260] =	vst v3  }
0x241: {  	[tilespmem:s29+$0xFFFFFC60] =	vst v8;
	v6 =	vld [tilespmem:s28+$0x160]  }
0x242: {  	v3 =	vld.idx.msk [tilespmem:v0+s3+$0x0], $0xffff;
	[tilespmem:s31+$0x1C0] =	vst v9  }
0x243: {  	vm14 =	vgt.s32 v11, $0x0;
	v8 =	vtrunc.f32 v62;
	[tilespmem:s15+$0xFFFFFE90] =	vst v10;
	v7 =	vld [tilespmem:s30+$0xC0]  }
0x244: {  	v1 =	vnsel vm14, $0x0, v11;
	vm15 =	vgt.s32 v12, $0x0;
	v8 =	vcvt.f32.s32 v8;
	v10 =	vld [tilespmem:s0+$0xFFFFFFA0]  }
0x245: {  	s23 =	sshll.u32 s22, $0xC;
	s2 =	simm.s32 $0x1900;
	s1 =	simm.s32 $0x8;
	v1 =	vmin.u32 v1, $0xFF;
	[tilespmem:s31+$0xFFFFFC40] =	vst v63;
	v11 =	vnsel vm15, $0x0, v12;
	v9 =	vld [tilespmem:s0+$0x20]  }
.LBB2_3:
0x246: {  	v12 =	vld [tilespmem:s2+$0x180];
	v11 =	vmin.u32 v11, $0xFF;
	vm0 =	vgt.s32 v8, $0x0;
	[tilespmem:s29+$0x160] =	vst v6  }
0x247: {  	v6 =	vnsel vm0, $0x0, v8;
	v8 =	vld.idx.msk [tilespmem:v2+s14+$0x0], $0xffff;
	[tilespmem:s25+$0xFFFFFDF0] =	vst v3  }
0x248: {  	v3 =	vld [tilespmem:s2+$0xFFFFFF80];
	v2 =	vmin.u32 v6, $0xFF;
	[tilespmem:s31+$0xC0] =	vst v7  }
0x249: {  	v6 =	vtrunc.f32 v10;
	v7 =	vld.idx.msk [tilespmem:v5+s13+$0x0], $0xffff;
	[tilespmem:s24+$0xFFFFFEF0] =	vst v4;
	s24 =	smov.u32 s25;
	s25 =	smov.u32 s29;
	s29 =	smov.u32 s31  }
0x24a: {  	s31 =	smov.u32 s15;
	v4 =	vld [tilespmem:s2+$0xFFFFFE00];
	v6 =	vcvt.f32.s32 v6;
	[tilespmem:s15+$0x20] =	vst v9  }
0x24b: {  	v9 =	vtrunc.f32 v12;
	v10 =	vld.idx.msk [tilespmem:v11+s3+$0x0], $0xffff  }
0x24c: {  	v9 =	vcvt.f32.s32 v9;
	vm0 =	vgt.s32 v6, $0x0;
	v12 =	vld [tilespmem:s0+$0xFFFFFE20]  }
0x24d: {  	v3 =	vtrunc.f32 v3;
	v6 =	vnsel vm0, $0x0, v6;
	v13 =	vld.idx.msk [tilespmem:v2+s3+$0x0], $0xffff;
	[tilespmem:s25+$0x2E0] =	vst v8  }
0x24e: {  	s1 =	sadd.s32 $0x2, s1;
	v3 =	vcvt.f32.s32 v3;
	vm0 =	vgt.s32 v9, $0x0;
	v6 =	vmin.u32 v6, $0xFF;
	v8 =	vld [tilespmem:s28+$0x1F0]  }
0x24f: {  	p1 =	slt.u32 s1, $0x1E;
	v9 =	vnsel vm0, $0x0, v9;
	v14 =	vld [tilespmem:s2+$0x0];
	[tilespmem:s29+$0x240] =	vst v7  }
0x250: {  	vm0 =	vgt.s32 v3, $0x0;
	v7 =	vmin.u32 v9, $0xFF;
	v9 =	vld [tilespmem:s30+$0x140]  }
0x251: {  	v3 =	vnsel vm0, $0x0, v3;
	[tilespmem:s15+$0x1A0] =	vst v10;
	v10 =	vld.idx.msk [tilespmem:v1+s3+$0x0], $0xffff  }
0x252: {  	v3 =	vmin.u32 v3, $0xFF;
	[tilespmem:s15+$0xFFFFFC20] =	vst v12;
	v12 =	vld [tilespmem:s0+$0xA0]  }
0x253: {  	s15 =	sadd.s32 $0x800, s15;
	v15 =	vld.idx.msk [tilespmem:v6+s3+$0x0], $0xffff;
	[tilespmem:s29+$0xFFFFFDC0] =	vst v13;
	v8 =	vtrunc.f32 v8  }
0x254: {  	[tilespmem:s15+$0x0] =	vst v14;
	v13 =	vld [tilespmem:s30+$0xFFFFFEC0];
	v8 =	vcvt.f32.s32 v8  }
0x255: {  	v14 =	vld.idx.msk [tilespmem:v7+s3+$0x0], $0xffff;
	[tilespmem:s29+$0x140] =	vst v9  }
0x256: {  	[tilespmem:s15+$0xFFFFFC00] =	vst v4;
	v4 =	vld.idx.msk [tilespmem:v5+s14+$0x0], $0xffff;
	vm0 =	vgt.s32 v8, $0x0  }
0x257: {  	[tilespmem:s31+$0xA0] =	vst v12;
	v5 =	vnsel vm0, $0x0, v8;
	v8 =	vld [tilespmem:s28+$0x70]  }
0x258: {  	v9 =	vld.idx.msk [tilespmem:v11+s13+$0x0], $0xffff;
	[tilespmem:s25+$0xFFFFFDE0] =	vst v10;
	v5 =	vmin.u32 v5, $0xFF  }
0x259: {  	v10 =	vld.idx.msk [tilespmem:v3+s3+$0x0], $0xffff;
	[tilespmem:s31+$0xFFFFFDA0] =	vst v15  }
0x25a: {  	v12 =	vld [tilespmem:s0+$0xFFFFFEA0];
	[tilespmem:s29+$0xFFFFFCC0] =	vst v13  }
0x25b: {  	[tilespmem:s15+$0x180] =	vst v14;
	v13 =	vld.idx.msk [tilespmem:v2+s13+$0x0], $0xffff  }
0x25c: {  	v14 =	vld [tilespmem:s2+$0x80];
	[tilespmem:s25+$0x70] =	vst v8  }
0x25d: {  	[tilespmem:s29+$0x2C0] =	vst v4;
	v4 =	vld.idx.msk [tilespmem:v5+s3+$0x0], $0xffff  }
0x25e: {  	[tilespmem:s31+$0x220] =	vst v9;
	v8 =	vld [tilespmem:s30+$0x1D0]  }
0x25f: {  	[tilespmem:s15+$0xFFFFFD80] =	vst v10;
	v9 =	vld [tilespmem:s0+$0x120]  }
0x260: {  	v10 =	vld [tilespmem:s2+$0xFFFFFE80];
	[tilespmem:s31+$0xFFFFFCA0] =	vst v12  }
0x261: {  	[tilespmem:s15+$0x80] =	vst v14;
	v12 =	vld.idx.msk [tilespmem:v6+s13+$0x0], $0xffff  }
0x262: {  	v14 =	vld.idx.msk [tilespmem:v7+s13+$0x0], $0xffff;
	[tilespmem:s29+$0xFFFFFE40] =	vst v13  }
0x263: {  	v13 =	vld [tilespmem:s30+$0xFFFFFF40];
	v8 =	vtrunc.f32 v8;
	[tilespmem:s25+$0x1F0] =	vst v4  }
0x264: {  	[tilespmem:s31+$0x120] =	vst v9;
	v4 =	vcvt.f32.s32 v8;
	v8 =	vld [tilespmem:s28+$0xF0]  }
0x265: {  	[tilespmem:s15+$0xFFFFFC80] =	vst v10;
	v9 =	vld.idx.msk [tilespmem:v11+s14+$0x0], $0xffff  }
0x266: {  	v10 =	vld.idx.msk [tilespmem:v3+s13+$0x0], $0xffff;
	vm0 =	vgt.s32 v4, $0x0  }
0x267: {  	[tilespmem:s31+$0xFFFFFE20] =	vst v12;
	v4 =	vnsel vm0, $0x0, v4;
	v11 =	vld [tilespmem:s30+$0x50]  }
0x268: {  	[tilespmem:s15+$0x200] =	vst v14;
	v12 =	vld [tilespmem:s0+$0xFFFFFF20];
	v4 =	vmin.u32 v4, $0xFF  }
0x269: {  	v14 =	vld [tilespmem:s2+$0x100];
	[tilespmem:s25+$0xF0] =	vst v8  }
0x26a: {  	[tilespmem:s29+$0xFFFFFD40] =	vst v13;
	v8 =	vld.idx.msk [tilespmem:v5+s13+$0x0], $0xffff  }
0x26b: {  	[tilespmem:s31+$0x2A0] =	vst v9;
	v2 =	vld.idx.msk [tilespmem:v2+s14+$0x0], $0xffff  }
0x26c: {  	v9 =	vld [tilespmem:s0+$0x1B0];
	[tilespmem:s29+$0x50] =	vst v11  }
0x26d: {  	[tilespmem:s15+$0xFFFFFE00] =	vst v10;
	v10 =	vld.idx.msk [tilespmem:v4+s3+$0x0], $0xffff  }
0x26e: {  	v11 =	vld [tilespmem:s2+$0xFFFFFF00];
	[tilespmem:s15+$0x100] =	vst v14  }
0x26f: {  	v7 =	vld.idx.msk [tilespmem:v7+s14+$0x0], $0xffff;
	[tilespmem:s31+$0xFFFFFD20] =	vst v12  }
0x270: {  	v6 =	vld.idx.msk [tilespmem:v6+s14+$0x0], $0xffff;
	[tilespmem:s25+$0x270] =	vst v8  }
0x271: {  	v8 =	vtrunc.f32 v9;
	[tilespmem:s29+$0xFFFFFEC0] =	vst v2;
	v2 =	vld [tilespmem:s28+$0x170]  }
0x272: {  	v8 =	vcvt.f32.s32 v8;
	v9 =	vld [tilespmem:s30+$0xFFFFFFD0]  }
0x273: {  	v12 =	vld [tilespmem:s30+$0xFFFFFE50];
	[tilespmem:s29+$0x1D0] =	vst v10  }
0x274: {  	[tilespmem:s15+$0xFFFFFD00] =	vst v11;
	vm0 =	vgt.s32 v8, $0x0;
	v10 =	vld [tilespmem:s30+$0xD0]  }
0x275: {  	[tilespmem:s15+$0x280] =	vst v7;
	v7 =	vnsel vm0, $0x0, v8;
	v8 =	vld [tilespmem:s0+$0x30]  }
0x276: {  	v11 =	vld [tilespmem:s2+$0x190];
	v7 =	vmin.u32 v7, $0xFF;
	[tilespmem:s25+$0x170] =	vst v2  }
0x277: {  	[tilespmem:s31+$0xFFFFFEA0] =	vst v6;
	v2 =	vtrunc.f32 v9;
	v5 =	vld.idx.msk [tilespmem:v5+s14+$0x0], $0xffff  }
0x278: {  	v6 =	vld.idx.msk [tilespmem:v3+s14+$0x0], $0xffff;
	v2 =	vcvt.f32.s32 v2;
	[tilespmem:s29+$0xFFFFFC50] =	vst v12  }
0x279: {  	v9 =	vld [tilespmem:s0+$0xFFFFFFB0];
	[tilespmem:s29+$0xD0] =	vst v10  }
0x27a: {  	[tilespmem:s31+$0x30] =	vst v8;
	vm0 =	vgt.s32 v2, $0x0;
	v8 =	vld.idx.msk [tilespmem:v4+s13+$0x0], $0xffff  }
0x27b: {  	v10 =	vld.idx.msk [tilespmem:v7+s3+$0x0], $0xffff;
	v2 =	vnsel vm0, $0x0, v2  }
0x27c: {  	v11 =	vtrunc.f32 v11;
	v12 =	vld [tilespmem:s0+$0xFFFFFE30];
	v3 =	vmin.u32 v2, $0xFF  }
0x27d: {  	v2 =	vcvt.f32.s32 v11;
	v11 =	vld [tilespmem:s28+$0xFFFFFEE0];
	[tilespmem:s25+$0x2F0] =	vst v5  }
0x27e: {  	[tilespmem:s15+$0xFFFFFE80] =	vst v6;
	v5 =	vtrunc.f32 v9;
	v6 =	vld [tilespmem:s26+$0xFFFFFEF0]  }
0x27f: {  	vm0 =	vgt.s32 v2, $0x0;
	v9 =	vld [tilespmem:s2+$0xFFFFFF90];
	v5 =	vcvt.f32.s32 v5  }
0x280: {  	v2 =	vnsel vm0, $0x0, v2;
	v13 =	vld [tilespmem:s2+$0x10];
	[tilespmem:s29+$0x250] =	vst v8  }
0x281: {  	v8 =	vmin.u32 v2, $0xFF;
	vm0 =	vgt.s32 v5, $0x0;
	[tilespmem:s31+$0x1B0] =	vst v10;
	v2 =	vld [tilespmem:s30+$0x150]  }
0x282: {  	v5 =	vnsel vm0, $0x0, v5;
	[tilespmem:s31+$0xFFFFFC30] =	vst v12;
	v10 =	vld [tilespmem:s0+$0xB0]  }
0x283: {  	v12 =	vld [tilespmem:s2+$0xFFFFFE10];
	v5 =	vmin.u32 v5, $0xFF;
	[tilespmem:s25+$0xFFFFFCE0] =	vst v11  }
0x284: {  	v9 =	vtrunc.f32 v9;
	v11 =	vld.idx.msk [tilespmem:v3+s3+$0x0], $0xffff;
	[tilespmem:s24+$0xFFFFFCF0] =	vst v6  }
0x285: {  	v6 =	vcvt.f32.s32 v9;
	[tilespmem:s15+$0x10] =	vst v13;
	v9 =	vld.idx.msk [tilespmem:v1+s13+$0x0], $0xffff  }
0x286: {  	v13 =	vld.idx.msk [tilespmem:v8+s3+$0x0], $0xffff;
	[tilespmem:s29+$0x150] =	vst v2  }
0x287: {  	vm0 =	vgt.s32 v6, $0x0;
	[tilespmem:s31+$0xB0] =	vst v10;
	v2 =	vld.idx.msk [tilespmem:v4+s14+$0x0], $0xffff  }
0x288: {  	v4 =	vnsel vm0, $0x0, v6;
	[tilespmem:s15+$0xFFFFFC10] =	vst v12;
	v6 =	vld.idx.msk [tilespmem:v7+s13+$0x0], $0xffff  }
0x289: {  	v4 =	vmin.u32 v4, $0xFF;
	v10 =	vld.idx.msk [tilespmem:v5+s3+$0x0], $0xffff  }
0x28a: {  	[tilespmem:s29+$0xFFFFFDD0] =	vst v11;
	v11 =	vld.idx.msk [tilespmem:v0+s13+$0x0], $0xffff  }
0x28b: {  	v12 =	vld [tilespmem:s30+$0xFFFFFED0];
	[tilespmem:s25+$0xFFFFFE60] =	vst v9  }
0x28c: {  	[tilespmem:s15+$0x190] =	vst v13;
	v9 =	vld [tilespmem:s28+$0xFFFFFF60]  }
0x28d: {  	v13 =	vld [tilespmem:s2+$0x90];
	[tilespmem:s29+$0x2D0] =	vst v2  }
0x28e: {  	[tilespmem:s31+$0x230] =	vst v6;
	v2 =	vld [tilespmem:s30+$0x1E0]  }
0x28f: {  	[tilespmem:s31+$0xFFFFFDB0] =	vst v10;
	v6 =	vld [tilespmem:s0+$0x130]  }
0x290: {  	v10 =	vld.idx.msk [tilespmem:v4+s3+$0x0], $0xffff;
	[tilespmem:s29+$0xFFFFFCD0] =	vst v12  }
0x291: {  	v12 =	vld [tilespmem:s0+$0xFFFFFEB0];
	[tilespmem:s25+$0xFFFFFD60] =	vst v9  }
0x292: {  	v9 =	vld.idx.msk [tilespmem:v3+s13+$0x0], $0xffff;
	[tilespmem:s24+$0xFFFFFE70] =	vst v11  }
0x293: {  	[tilespmem:s15+$0x90] =	vst v13;
	v2 =	vtrunc.f32 v2;
	v1 =	vld.idx.msk [tilespmem:v1+s14+$0x0], $0xffff  }
0x294: {  	v11 =	vld.idx.msk [tilespmem:v8+s13+$0x0], $0xffff;
	[tilespmem:s31+$0x130] =	vst v6;
	v2 =	vcvt.f32.s32 v2  }
0x295: {  	v6 =	vld.idx.msk [tilespmem:v7+s14+$0x0], $0xffff  }
0x296: {  	[tilespmem:s15+$0xFFFFFD90] =	vst v10;
	vm0 =	vgt.s32 v2, $0x0;
	v7 =	vld [tilespmem:s26+$0xFFFFFF70];
	s26 =	smov.u32 s28;
	s28 =	smov.u32 s30;
	s30 =	smov.u32 s0  }
0x297: {  	s0 =	smov.u32 s2;
	[tilespmem:s31+$0xFFFFFCB0] =	vst v12;
	v2 =	vnsel vm0, $0x0, v2;
	v10 =	vld [tilespmem:s28+$0x60]  }
0x298: {  	v12 =	vld [tilespmem:s2+$0xFFFFFE90];
	[tilespmem:s29+$0xFFFFFE50] =	vst v9;
	v2 =	vmin.u32 v2, $0xFF  }
0x299: {  	v9 =	vld.idx.msk [tilespmem:v5+s13+$0x0], $0xffff;
	[tilespmem:s25+$0xFFFFFEE0] =	vst v1  }
0x29a: {  	[tilespmem:s15+$0x210] =	vst v11;
	v1 =	vld [tilespmem:s28+$0xFFFFFF50]  }
0x29b: {  	v11 =	vld [tilespmem:s2+$0x110];
	[tilespmem:s31+$0x2B0] =	vst v6  }
0x29c: {  	v6 =	vld [tilespmem:s30+$0x1C0];
	[tilespmem:s29+$0x60] =	vst v10  }
0x29d: {  	[tilespmem:s15+$0xFFFFFC90] =	vst v12;
	v10 =	vld.idx.msk [tilespmem:v2+s3+$0x0], $0xffff  }
0x29e: {  	v12 =	vld.idx.msk [tilespmem:v4+s13+$0x0], $0xffff;
	[tilespmem:s24+$0xFFFFFD70] =	vst v7  }
0x29f: {  	[tilespmem:s31+$0xFFFFFE30] =	vst v9;
	v7 =	vld [tilespmem:s26+$0xFFFFFFF0]  }
0x2a0: {  	v9 =	vld [tilespmem:s30+$0xFFFFFF30];
	[tilespmem:s29+$0xFFFFFD50] =	vst v1  }
0x2a1: {  	v1 =	vld.idx.msk [tilespmem:v3+s14+$0x0], $0xffff  }
0x2a2: {  	v3 =	vtrunc.f32 v6;
	[tilespmem:s15+$0x110] =	vst v11;
	v6 =	vld [tilespmem:s26+$0xFFFFFE70]  }
0x2a3: {  	v3 =	vcvt.f32.s32 v3;
	v8 =	vld.idx.msk [tilespmem:v8+s14+$0x0], $0xffff;
	[tilespmem:s29+$0x1E0] =	vst v10  }
0x2a4: {  	[tilespmem:s15+$0xFFFFFE10] =	vst v12;
	v10 =	vld [tilespmem:s28+$0xE0];
	v7 =	vtrunc.f32 v7  }
0x2a5: {  	vm0 =	vgt.s32 v3, $0x0;
	v11 =	vld [tilespmem:s2+$0xFFFFFF10];
	[tilespmem:s31+$0xFFFFFD30] =	vst v9;
	v7 =	vcvt.f32.s32 v7  }
0x2a6: {  	v3 =	vnsel vm0, $0x0, v3;
	v9 =	vld [tilespmem:s30+$0x40]  }
0x2a7: {  	v12 =	vld.idx.msk [tilespmem:v5+s14+$0x0], $0xffff;
	v5 =	vmin.u32 v3, $0xFF;
	[tilespmem:s29+$0xFFFFFED0] =	vst v1;
	vm0 =	vgt.s32 v7, $0x0  }
0x2a8: {  	v1 =	vld [tilespmem:s28+$0xFFFFFFE0];
	v3 =	vnsel vm0, $0x0, v7;
	[tilespmem:s25+$0xFFFFFC70] =	vst v6  }
0x2a9: {  	v6 =	vld [tilespmem:s28+$0xFFFFFE60];
	[tilespmem:s29+$0xE0] =	vst v10;
	v7 =	vmin.u32 v3, $0xFF  }
0x2aa: {  	[tilespmem:s15+$0x290] =	vst v8;
	v3 =	vld.idx.msk [tilespmem:v2+s13+$0x0], $0xffff  }
0x2ab: {  	v8 =	vld [tilespmem:s2+$0x1A0];
	[tilespmem:s31+$0x40] =	vst v9  }
0x2ac: {  	[tilespmem:s15+$0xFFFFFD10] =	vst v11;
	v9 =	vld.idx.msk [tilespmem:v5+s3+$0x0], $0xffff  }
0x2ad: {  	v10 =	vld.idx.msk [tilespmem:v4+s14+$0x0], $0xffff;
	[tilespmem:s31+$0xFFFFFEB0] =	vst v12;
	v1 =	vtrunc.f32 v1  }
0x2ae: {  	v11 =	vld [tilespmem:s30+$0xFFFFFFC0];
	v1 =	vcvt.f32.s32 v1;
	[tilespmem:s29+$0xFFFFFC60] =	vst v6  }
0x2af: {  	v12 =	vld [tilespmem:s30+$0xFFFFFE40]  }
0x2b0: {  	vm0 =	vgt.s32 v1, $0x0;
	[tilespmem:s29+$0x260] =	vst v3;
	v3 =	vld.idx.msk [tilespmem:v7+s3+$0x0], $0xffff  }
.Ltmp2:
0x2b1: {  	v4 =	vtrunc.f32 v8;
	v1 =	vnsel vm0, $0x0, v1;
	v6 =	vld [tilespmem:s28+$0x160];
	(pc) =	sbr.rel @p1 .LBB2_3-.Ltmp2, $4  }
0x2b2: {  	v13 =	vcvt.f32.s32 v4;
	[tilespmem:s31+$0x1C0] =	vst v9;
	v1 =	vmin.u32 v1, $0xFF;
	v4 =	vld.idx.msk [tilespmem:v0+s14+$0x0], $0xffff;
	v0 =	vmov v7  }
0x2b3: {  	[tilespmem:s15+$0xFFFFFE90] =	vst v10;
	v8 =	vtrunc.f32 v11;
	v7 =	vld [tilespmem:s30+$0xC0]  }
0x2b4: {  	vm0 =	vgt.s32 v13, $0x0;
	v10 =	vld [tilespmem:s2+$0xFFFFFFA0];
	v8 =	vcvt.f32.s32 v8;
	[tilespmem:s31+$0xFFFFFC40] =	vst v12  }
0x2b5: {  	v11 =	vnsel vm0, $0x0, v13;
	s2 =	sadd.s32 $0x400, s2;
	v9 =	vld [tilespmem:s0+$0x20]  }
0x2b6: {  	_ =	sdelay $0x2  }
0x2b7: {  	v10 =	vtrunc.f32 v10  }
0x2b8: {  	v10 =	vcvt.f32.s32 v10;
	_ =	sdelay $0x1  }
0x2b9: {  	vm0 =	vgt.s32 v10, $0x0  }
0x2ba: {  	v11 =	vmin.u32 v11, $0xFF;
	v12 =	vld [tilespmem:s0+$0xFFFFFE20];
	v10 =	vnsel vm0, $0x0, v10  }
0x2bb: {  	v10 =	vmin.u32 v10, $0xFF;
	_ =	sdelay $0x2  }
0x2bc: {  	[tilespmem:s15+$0x20] =	vst v9  }
0x2bd: {  	v9 =	vld.idx.msk [tilespmem:v11+s3+$0x0], $0xffff;
	[tilespmem:s15+$0xFFFFFC20] =	vst v12  }
0x2be: {  	v12 =	vld.idx.msk [tilespmem:v10+s3+$0x0], $0xffff;
	_ =	sdelay $0x3  }
0x2bf: {  	[tilespmem:s15+$0x1A0] =	vst v9  }
0x2c0: {  	v9 =	vld [tilespmem:s0+$0xA0];
	[tilespmem:s15+$0xFFFFFDA0] =	vst v12  }
0x2c1: {  	v12 =	vld [tilespmem:s0+$0xFFFFFEA0];
	_ =	sdelay $0x3  }
0x2c2: {  	[tilespmem:s15+$0xA0] =	vst v9  }
0x2c3: {  	v9 =	vld.idx.msk [tilespmem:v11+s13+$0x0], $0xffff;
	[tilespmem:s15+$0xFFFFFCA0] =	vst v12  }
0x2c4: {  	v12 =	vld.idx.msk [tilespmem:v10+s13+$0x0], $0xffff;
	_ =	sdelay $0x3  }
0x2c5: {  	[tilespmem:s15+$0x220] =	vst v9  }
0x2c6: {  	v9 =	vld [tilespmem:s0+$0x120];
	[tilespmem:s15+$0xFFFFFE20] =	vst v12  }
0x2c7: {  	v12 =	vld [tilespmem:s0+$0xFFFFFF20];
	_ =	sdelay $0x3  }
0x2c8: {  	[tilespmem:s15+$0x120] =	vst v9  }
0x2c9: {  	v9 =	vld.idx.msk [tilespmem:v11+s14+$0x0], $0xffff;
	[tilespmem:s15+$0xFFFFFD20] =	vst v12  }
0x2ca: {  	v10 =	vld.idx.msk [tilespmem:v10+s14+$0x0], $0xffff;
	_ =	sdelay $0x3  }
0x2cb: {  	[tilespmem:s15+$0x2A0] =	vst v9  }
0x2cc: {  	v9 =	vld [tilespmem:s0+$0x1B0];
	[tilespmem:s15+$0xFFFFFEA0] =	vst v10  }
0x2cd: {  	v10 =	vld [tilespmem:s0+$0xFFFFFFB0];
	_ =	sdelay $0x3  }
0x2ce: {  	v9 =	vtrunc.f32 v9  }
0x2cf: {  	v9 =	vcvt.f32.s32 v9;
	v10 =	vtrunc.f32 v10  }
0x2d0: {  	v10 =	vcvt.f32.s32 v10  }
0x2d1: {  	vm9 =	vgt.s32 v9, $0x0  }
0x2d2: {  	v63 =	vld [tilespmem:s0+$0x30];
	v9 =	vnsel vm9, $0x0, v9;
	vm10 =	vgt.s32 v10, $0x0  }
0x2d3: {  	v12 =	vld [tilespmem:s0+$0xFFFFFE30];
	v9 =	vmin.u32 v9, $0xFF;
	v10 =	vnsel vm10, $0x0, v10  }
0x2d4: {  	v10 =	vmin.u32 v10, $0xFF;
	_ =	sdelay $0x2  }
0x2d5: {  	[tilespmem:s15+$0x30] =	vst v63  }
0x2d6: {  	[tilespmem:s15+$0xFFFFFC30] =	vst v12;
	v11 =	vld.idx.msk [tilespmem:v9+s3+$0x0], $0xffff  }
0x2d7: {  	v12 =	vld.idx.msk [tilespmem:v10+s3+$0x0], $0xffff;
	_ =	sdelay $0x3  }
0x2d8: {  	[tilespmem:s15+$0x1B0] =	vst v11  }
0x2d9: {  	v11 =	vld [tilespmem:s0+$0xB0];
	[tilespmem:s15+$0xFFFFFDB0] =	vst v12  }
0x2da: {  	v12 =	vld [tilespmem:s0+$0xFFFFFEB0];
	_ =	sdelay $0x3  }
0x2db: {  	[tilespmem:s15+$0xB0] =	vst v11  }
0x2dc: {  	v11 =	vld.idx.msk [tilespmem:v9+s13+$0x0], $0xffff;
	[tilespmem:s15+$0xFFFFFCB0] =	vst v12  }
0x2dd: {  	v12 =	vld.idx.msk [tilespmem:v10+s13+$0x0], $0xffff;
	_ =	sdelay $0x3  }
0x2de: {  	[tilespmem:s15+$0x230] =	vst v11  }
0x2df: {  	v11 =	vld [tilespmem:s0+$0x130];
	[tilespmem:s15+$0xFFFFFE30] =	vst v12  }
0x2e0: {  	v12 =	vld [tilespmem:s0+$0xFFFFFF30];
	_ =	sdelay $0x3  }
0x2e1: {  	[tilespmem:s15+$0x130] =	vst v11  }
0x2e2: {  	v9 =	vld.idx.msk [tilespmem:v9+s14+$0x0], $0xffff;
	[tilespmem:s15+$0xFFFFFD30] =	vst v12  }
0x2e3: {  	v10 =	vld.idx.msk [tilespmem:v10+s14+$0x0], $0xffff;
	_ =	sdelay $0x3  }
0x2e4: {  	[tilespmem:s15+$0x2B0] =	vst v9  }
0x2e5: {  	v9 =	vld [tilespmem:s0+$0x1C0];
	[tilespmem:s15+$0xFFFFFEB0] =	vst v10  }
0x2e6: {  	v10 =	vld [tilespmem:s0+$0xFFFFFFC0];
	_ =	sdelay $0x3  }
0x2e7: {  	v9 =	vtrunc.f32 v9  }
0x2e8: {  	v9 =	vcvt.f32.s32 v9;
	v10 =	vtrunc.f32 v10  }
0x2e9: {  	vm12 =	vgt.s32 v8, $0x0;
	v10 =	vcvt.f32.s32 v10  }
0x2ea: {  	v8 =	vnsel vm12, $0x0, v8;
	vm11 =	vgt.s32 v9, $0x0  }
0x2eb: {  	v8 =	vmin.u32 v8, $0xFF;
	v11 =	vld [tilespmem:s0+$0x40];
	v9 =	vnsel vm11, $0x0, v9;
	vm13 =	vgt.s32 v10, $0x0  }
0x2ec: {  	v12 =	vld [tilespmem:s0+$0xFFFFFE40];
	v9 =	vmin.u32 v9, $0xFF;
	v10 =	vnsel vm13, $0x0, v10  }
0x2ed: {  	v10 =	vmin.u32 v10, $0xFF;
	_ =	sdelay $0x2  }
0x2ee: {  	v13 =	vld.idx.msk [tilespmem:v8+s3+$0x0], $0xffff;
	[tilespmem:s15+$0x40] =	vst v11  }
0x2ef: {  	[tilespmem:s15+$0xFFFFFC40] =	vst v12;
	v11 =	vld.idx.msk [tilespmem:v9+s3+$0x0], $0xffff  }
0x2f0: {  	v12 =	vld.idx.msk [tilespmem:v10+s3+$0x0], $0xffff;
	_ =	sdelay $0x2  }
0x2f1: {  	[tilespmem:s31+$0xFFFFFDC0] =	vst v13  }
0x2f2: {  	v13 =	vld [tilespmem:s30+$0xFFFFFEC0];
	[tilespmem:s15+$0x1C0] =	vst v11  }
0x2f3: {  	v11 =	vld [tilespmem:s0+$0xC0];
	[tilespmem:s15+$0xFFFFFDC0] =	vst v12  }
0x2f4: {  	v12 =	vld [tilespmem:s0+$0xFFFFFEC0];
	_ =	sdelay $0x1  }
0x2f5: {  	[tilespmem:s31+$0xC0] =	vst v7  }
0x2f6: {  	v7 =	vld.idx.msk [tilespmem:v5+s13+$0x0], $0xffff;
	[tilespmem:s31+$0xFFFFFCC0] =	vst v13  }
0x2f7: {  	v13 =	vld.idx.msk [tilespmem:v8+s13+$0x0], $0xffff;
	[tilespmem:s15+$0xC0] =	vst v11  }
0x2f8: {  	v11 =	vld.idx.msk [tilespmem:v9+s13+$0x0], $0xffff;
	[tilespmem:s15+$0xFFFFFCC0] =	vst v12  }
0x2f9: {  	v12 =	vld.idx.msk [tilespmem:v10+s13+$0x0], $0xffff;
	_ =	sdelay $0x1  }
0x2fa: {  	[tilespmem:s31+$0x240] =	vst v7  }
0x2fb: {  	v7 =	vld [tilespmem:s30+$0x140];
	[tilespmem:s31+$0xFFFFFE40] =	vst v13  }
0x2fc: {  	v13 =	vld [tilespmem:s30+$0xFFFFFF40];
	[tilespmem:s15+$0x240] =	vst v11  }
0x2fd: {  	v11 =	vld [tilespmem:s0+$0x140];
	[tilespmem:s15+$0xFFFFFE40] =	vst v12  }
0x2fe: {  	v12 =	vld [tilespmem:s0+$0xFFFFFF40];
	_ =	sdelay $0x1  }
0x2ff: {  	[tilespmem:s31+$0x140] =	vst v7  }
0x300: {  	v16 =	vld.idx.msk [tilespmem:v5+s14+$0x0], $0xffff;
	[tilespmem:s31+$0xFFFFFD40] =	vst v13  }
0x301: {  	v8 =	vld.idx.msk [tilespmem:v8+s14+$0x0], $0xffff;
	[tilespmem:s15+$0x140] =	vst v11  }
0x302: {  	v17 =	vld.idx.msk [tilespmem:v9+s14+$0x0], $0xffff;
	[tilespmem:s15+$0xFFFFFD40] =	vst v12  }
0x303: {  	v18 =	vld.idx.msk [tilespmem:v10+s14+$0x0], $0xffff;
	_ =	sdelay $0x1  }
0x304: {  	[tilespmem:s31+$0x2C0] =	vst v16  }
0x305: {  	v5 =	vld [tilespmem:s30+$0x1D0];
	[tilespmem:s31+$0xFFFFFEC0] =	vst v8  }
0x306: {  	v8 =	vld [tilespmem:s30+$0xFFFFFFD0];
	[tilespmem:s15+$0x2C0] =	vst v17  }
0x307: {  	v7 =	vld [tilespmem:s0+$0x1D0];
	[tilespmem:s15+$0xFFFFFEC0] =	vst v18  }
0x308: {  	v9 =	vld [tilespmem:s0+$0xFFFFFFD0];
	_ =	sdelay $0x1  }
0x309: {  	v5 =	vtrunc.f32 v5  }
0x30a: {  	v5 =	vcvt.f32.s32 v5;
	v8 =	vtrunc.f32 v8  }
0x30b: {  	v8 =	vcvt.f32.s32 v8;
	v7 =	vtrunc.f32 v7  }
0x30c: {  	vm14 =	vgt.s32 v5, $0x0;
	v7 =	vcvt.f32.s32 v7;
	v9 =	vtrunc.f32 v9  }
0x30d: {  	v19 =	vld [tilespmem:s30+$0x50];
	v5 =	vnsel vm14, $0x0, v5;
	vm4 =	vgt.s32 v8, $0x0;
	v9 =	vcvt.f32.s32 v9  }
0x30e: {  	v5 =	vmin.u32 v5, $0xFF;
	v20 =	vld [tilespmem:s30+$0xFFFFFE50];
	v8 =	vnsel vm4, $0x0, v8;
	vm15 =	vgt.s32 v7, $0x0  }
0x30f: {  	v8 =	vmin.u32 v8, $0xFF;
	v11 =	vld [tilespmem:s0+$0x50];
	v7 =	vnsel vm15, $0x0, v7;
	vm5 =	vgt.s32 v9, $0x0  }
0x310: {  	v21 =	vld [tilespmem:s0+$0xFFFFFE50];
	v7 =	vmin.u32 v7, $0xFF;
	v9 =	vnsel vm5, $0x0, v9  }
0x311: {  	v9 =	vmin.u32 v9, $0xFF  }
0x312: {  	[tilespmem:s31+$0x50] =	vst v19  }
0x313: {  	[tilespmem:s31+$0xFFFFFC50] =	vst v20;
	v10 =	vld.idx.msk [tilespmem:v5+s3+$0x0], $0xffff  }
0x314: {  	v12 =	vld.idx.msk [tilespmem:v8+s3+$0x0], $0xffff;
	[tilespmem:s15+$0x50] =	vst v11  }
0x315: {  	[tilespmem:s15+$0xFFFFFC50] =	vst v21;
	v11 =	vld.idx.msk [tilespmem:v7+s3+$0x0], $0xffff  }
0x316: {  	v13 =	vld.idx.msk [tilespmem:v9+s3+$0x0], $0xffff;
	_ =	sdelay $0x1  }
0x317: {  	[tilespmem:s31+$0x1D0] =	vst v10  }
0x318: {  	[tilespmem:s31+$0xFFFFFDD0] =	vst v12;
	v10 =	vld [tilespmem:s30+$0xD0]  }
0x319: {  	v12 =	vld [tilespmem:s30+$0xFFFFFED0];
	[tilespmem:s15+$0x1D0] =	vst v11  }
0x31a: {  	v11 =	vld [tilespmem:s0+$0xD0];
	[tilespmem:s15+$0xFFFFFDD0] =	vst v13  }
0x31b: {  	v13 =	vld [tilespmem:s0+$0xFFFFFED0];
	_ =	sdelay $0x1  }
0x31c: {  	[tilespmem:s31+$0xD0] =	vst v10  }
0x31d: {  	[tilespmem:s31+$0xFFFFFCD0] =	vst v12;
	v10 =	vld.idx.msk [tilespmem:v5+s13+$0x0], $0xffff  }
0x31e: {  	v12 =	vld.idx.msk [tilespmem:v8+s13+$0x0], $0xffff;
	[tilespmem:s15+$0xD0] =	vst v11  }
0x31f: {  	v11 =	vld.idx.msk [tilespmem:v7+s13+$0x0], $0xffff;
	[tilespmem:s15+$0xFFFFFCD0] =	vst v13  }
0x320: {  	v13 =	vld.idx.msk [tilespmem:v9+s13+$0x0], $0xffff;
	_ =	sdelay $0x1  }
0x321: {  	[tilespmem:s31+$0x250] =	vst v10  }
0x322: {  	[tilespmem:s31+$0xFFFFFE50] =	vst v12;
	v10 =	vld [tilespmem:s30+$0x150]  }
0x323: {  	v12 =	vld [tilespmem:s30+$0xFFFFFF50];
	[tilespmem:s15+$0x250] =	vst v11  }
0x324: {  	v11 =	vld [tilespmem:s0+$0x150];
	[tilespmem:s15+$0xFFFFFE50] =	vst v13  }
0x325: {  	v13 =	vld [tilespmem:s0+$0xFFFFFF50];
	_ =	sdelay $0x1  }
0x326: {  	[tilespmem:s31+$0x150] =	vst v10  }
0x327: {  	[tilespmem:s31+$0xFFFFFD50] =	vst v12;
	v5 =	vld.idx.msk [tilespmem:v5+s14+$0x0], $0xffff  }
0x328: {  	v8 =	vld.idx.msk [tilespmem:v8+s14+$0x0], $0xffff;
	[tilespmem:s15+$0x150] =	vst v11  }
0x329: {  	v7 =	vld.idx.msk [tilespmem:v7+s14+$0x0], $0xffff;
	[tilespmem:s15+$0xFFFFFD50] =	vst v13  }
0x32a: {  	v9 =	vld.idx.msk [tilespmem:v9+s14+$0x0], $0xffff;
	_ =	sdelay $0x1  }
0x32b: {  	[tilespmem:s31+$0x2D0] =	vst v5  }
0x32c: {  	[tilespmem:s31+$0xFFFFFED0] =	vst v8;
	v5 =	vld [tilespmem:s30+$0x1E0]  }
0x32d: {  	v8 =	vld [tilespmem:s30+$0xFFFFFFE0];
	[tilespmem:s15+$0x2D0] =	vst v7  }
0x32e: {  	v7 =	vld [tilespmem:s0+$0x1E0];
	[tilespmem:s15+$0xFFFFFED0] =	vst v9  }
0x32f: {  	v9 =	vld [tilespmem:s0+$0xFFFFFFE0];
	_ =	sdelay $0x1  }
0x330: {  	v5 =	vtrunc.f32 v5  }
0x331: {  	v23 =	vtrunc.f32 v8;
	v5 =	vcvt.f32.s32 v5  }
0x332: {  	v22 =	vtrunc.f32 v7;
	v7 =	vcvt.f32.s32 v23  }
0x333: {  	[tilespmem:s29+$0x160] =	vst v6;
	v25 =	vld.idx.msk [tilespmem:v1+s3+$0x0], $0xffff;
	vm6 =	vgt.s32 v5, $0x0;
	v6 =	vcvt.f32.s32 v22;
	v9 =	vtrunc.f32 v9  }
0x334: {  	v24 =	vld [tilespmem:s30+$0x60];
	v5 =	vnsel vm6, $0x0, v5;
	vm8 =	vgt.s32 v7, $0x0;
	v9 =	vcvt.f32.s32 v9  }
0x335: {  	v12 =	vld [tilespmem:s30+$0xFFFFFE60];
	v5 =	vmin.u32 v5, $0xFF;
	vm7 =	vgt.s32 v6, $0x0;
	v7 =	vnsel vm8, $0x0, v7  }
0x336: {  	v11 =	vld [tilespmem:s0+$0x60];
	v6 =	vnsel vm7, $0x0, v6;
	v26 =	vmin.u32 v7, $0xFF;
	vm9 =	vgt.s32 v9, $0x0  }
0x337: {  	v27 =	vld [tilespmem:s0+$0xFFFFFE60];
	v6 =	vmin.u32 v6, $0xFF;
	v9 =	vnsel vm9, $0x0, v9  }
0x338: {  	v2 =	vld.idx.msk [tilespmem:v2+s14+$0x0], $0xffff;
	[tilespmem:s29+$0xFFFFFDE0] =	vst v25;
	v29 =	vmin.u32 v9, $0xFF  }
0x339: {  	v10 =	vld [tilespmem:s28+$0xFFFFFEE0];
	[tilespmem:s31+$0x60] =	vst v24  }
0x33a: {  	[tilespmem:s31+$0xFFFFFC60] =	vst v12;
	v30 =	vld.idx.msk [tilespmem:v5+s3+$0x0], $0xffff  }
0x33b: {  	[tilespmem:s15+$0x60] =	vst v11;
	v12 =	vld.idx.msk [tilespmem:v26+s3+$0x0], $0xffff  }
0x33c: {  	[tilespmem:s15+$0xFFFFFC60] =	vst v27;
	v11 =	vld.idx.msk [tilespmem:v6+s3+$0x0], $0xffff  }
0x33d: {  	[tilespmem:s29+$0x2E0] =	vst v2;
	v7 =	vld.idx.msk [tilespmem:v29+s3+$0x0], $0xffff  }
0x33e: {  	v28 =	vld [tilespmem:s28+$0x1F0];
	[tilespmem:s29+$0xFFFFFCE0] =	vst v10  }
0x33f: {  	v32 =	vld.idx.msk [tilespmem:v1+s13+$0x0], $0xffff;
	[tilespmem:s31+$0x1E0] =	vst v30  }
0x340: {  	v9 =	vld [tilespmem:s30+$0xE0];
	[tilespmem:s31+$0xFFFFFDE0] =	vst v12  }
0x341: {  	[tilespmem:s15+$0x1E0] =	vst v11;
	v12 =	vld [tilespmem:s30+$0xFFFFFEE0]  }
0x342: {  	v11 =	vld [tilespmem:s0+$0xE0];
	[tilespmem:s15+$0xFFFFFDE0] =	vst v7  }
0x343: {  	v7 =	vld [tilespmem:s0+$0xFFFFFEE0]  }
0x344: {  	[tilespmem:s29+$0xFFFFFE60] =	vst v32  }
0x345: {  	v35 =	vld [tilespmem:s28+$0xFFFFFF60];
	[tilespmem:s31+$0xE0] =	vst v9  }
0x346: {  	v31 =	vtrunc.f32 v28;
	v34 =	vld.idx.msk [tilespmem:v5+s13+$0x0], $0xffff;
	[tilespmem:s31+$0xFFFFFCE0] =	vst v12  }
0x347: {  	v10 =	vcvt.f32.s32 v31;
	[tilespmem:s15+$0xE0] =	vst v11;
	v37 =	vld.idx.msk [tilespmem:v26+s13+$0x0], $0xffff  }
0x348: {  	v36 =	vld.idx.msk [tilespmem:v6+s13+$0x0], $0xffff;
	[tilespmem:s15+$0xFFFFFCE0] =	vst v7  }
0x349: {  	vm10 =	vgt.s32 v10, $0x0;
	v38 =	vld.idx.msk [tilespmem:v29+s13+$0x0], $0xffff  }
0x34a: {  	v33 =	vld [tilespmem:s28+$0x70];
	v10 =	vnsel vm10, $0x0, v10;
	[tilespmem:s29+$0xFFFFFD60] =	vst v35  }
0x34b: {  	v10 =	vmin.u32 v10, $0xFF;
	v41 =	vld.idx.msk [tilespmem:v1+s14+$0x0], $0xffff;
	[tilespmem:s31+$0x260] =	vst v34  }
0x34c: {  	v40 =	vld [tilespmem:s30+$0x160];
	[tilespmem:s31+$0xFFFFFE60] =	vst v37  }
0x34d: {  	[tilespmem:s15+$0x260] =	vst v36;
	v43 =	vld [tilespmem:s30+$0xFFFFFF60]  }
0x34e: {  	v42 =	vld [tilespmem:s0+$0x160];
	[tilespmem:s15+$0xFFFFFE60] =	vst v38  }
0x34f: {  	[tilespmem:s29+$0x70] =	vst v33;
	v44 =	vld [tilespmem:s0+$0xFFFFFF60]  }
0x350: {  	v39 =	vld.idx.msk [tilespmem:v10+s3+$0x0], $0xffff;
	[tilespmem:s29+$0xFFFFFEE0] =	vst v41  }
0x351: {  	v47 =	vld [tilespmem:s28+$0xFFFFFFF0];
	[tilespmem:s31+$0x160] =	vst v40  }
0x352: {  	v46 =	vld.idx.msk [tilespmem:v5+s14+$0x0], $0xffff;
	[tilespmem:s31+$0xFFFFFD60] =	vst v43  }
0x353: {  	[tilespmem:s15+$0x160] =	vst v42;
	v2 =	vld.idx.msk [tilespmem:v26+s14+$0x0], $0xffff  }
0x354: {  	v6 =	vld.idx.msk [tilespmem:v6+s14+$0x0], $0xffff;
	[tilespmem:s15+$0xFFFFFD60] =	vst v44  }
0x355: {  	v48 =	vld.idx.msk [tilespmem:v29+s14+$0x0], $0xffff  }
0x356: {  	[tilespmem:s29+$0x1F0] =	vst v39  }
0x357: {  	v45 =	vld [tilespmem:s28+$0xF0];
	[tilespmem:s31+$0x2E0] =	vst v46  }
0x358: {  	v1 =	vld [tilespmem:s30+$0x1F0];
	[tilespmem:s31+$0xFFFFFEE0] =	vst v2  }
0x359: {  	[tilespmem:s15+$0x2E0] =	vst v6;
	v51 =	vld [tilespmem:s30+$0xFFFFFFF0]  }
0x35a: {  	v5 =	vtrunc.f32 v47;
	v50 =	vld [tilespmem:s0+$0x1F0];
	[tilespmem:s15+$0xFFFFFEE0] =	vst v48  }
0x35b: {  	v5 =	vcvt.f32.s32 v5;
	v7 =	vld [tilespmem:s0+$0xFFFFFFF0];
	_ =	sdelay $0x1  }
0x35c: {  	[tilespmem:s25+$0xFFFFFDF0] =	vst v3;
	vm11 =	vgt.s32 v5, $0x0;
	v1 =	vtrunc.f32 v1  }
0x35d: {  	v60 =	vld [tilespmem:s26+$0xFFFFFEF0];
	[tilespmem:s29+$0xF0] =	vst v45;
	v5 =	vnsel vm11, $0x0, v5;
	v1 =	vcvt.f32.s32 v1;
	v6 =	vtrunc.f32 v51  }
0x35e: {  	v49 =	vld.idx.msk [tilespmem:v10+s13+$0x0], $0xffff;
	v54 =	vmin.u32 v5, $0xFF;
	v2 =	vtrunc.f32 v50;
	v6 =	vcvt.f32.s32 v6  }
0x35f: {  	v53 =	vld [tilespmem:s28+$0xFFFFFE70];
	vm12 =	vgt.s32 v1, $0x0;
	v2 =	vcvt.f32.s32 v2;
	v7 =	vtrunc.f32 v7  }
0x360: {  	v52 =	vld [tilespmem:s30+$0x70];
	v1 =	vnsel vm12, $0x0, v1;
	vm14 =	vgt.s32 v6, $0x0;
	v7 =	vcvt.f32.s32 v7  }
0x361: {  	[tilespmem:s24+$0xFFFFFEF0] =	vst v4;
	v56 =	vld [tilespmem:s30+$0xFFFFFE70];
	v1 =	vmin.u32 v1, $0xFF;
	vm13 =	vgt.s32 v2, $0x0;
	v6 =	vnsel vm14, $0x0, v6  }
0x362: {  	[tilespmem:s25+$0xFFFFFCF0] =	vst v60;
	v55 =	vld [tilespmem:s0+$0x70];
	v2 =	vnsel vm13, $0x0, v2;
	v6 =	vmin.u32 v6, $0xFF;
	vm15 =	vgt.s32 v7, $0x0  }
0x363: {  	[tilespmem:s29+$0x270] =	vst v49;
	v57 =	vld [tilespmem:s0+$0xFFFFFE70];
	v2 =	vmin.u32 v2, $0xFF;
	v7 =	vnsel vm15, $0x0, v7  }
0x364: {  	[tilespmem:s29+$0xFFFFFC70] =	vst v53;
	v8 =	vld [tilespmem:s28+$0x170];
	v7 =	vmin.u32 v7, $0xFF  }
0x365: {  	v11 =	vld.idx.msk [tilespmem:v54+s3+$0x0], $0xffff;
	[tilespmem:s31+$0x70] =	vst v52  }
0x366: {  	[tilespmem:s31+$0xFFFFFC70] =	vst v56;
	v9 =	vld.idx.msk [tilespmem:v1+s3+$0x0], $0xffff  }
0x367: {  	[tilespmem:s15+$0x70] =	vst v55;
	v59 =	vld.idx.msk [tilespmem:v6+s3+$0x0], $0xffff  }
0x368: {  	[tilespmem:s15+$0xFFFFFC70] =	vst v57;
	v58 =	vld.idx.msk [tilespmem:v2+s3+$0x0], $0xffff  }
0x369: {  	[tilespmem:s29+$0x170] =	vst v8;
	v8 =	vld.idx.msk [tilespmem:v7+s3+$0x0], $0xffff  }
0x36a: {  	v10 =	vld.idx.msk [tilespmem:v10+s14+$0x0], $0xffff;
	[tilespmem:s29+$0xFFFFFDF0] =	vst v11  }
0x36b: {  	v11 =	vld [tilespmem:s28+$0xFFFFFEF0];
	[tilespmem:s31+$0x1F0] =	vst v9  }
0x36c: {  	v9 =	vld [tilespmem:s30+$0xF0];
	[tilespmem:s31+$0xFFFFFDF0] =	vst v59  }
0x36d: {  	[tilespmem:s15+$0x1F0] =	vst v58;
	v5 =	vld [tilespmem:s30+$0xFFFFFEF0]  }
0x36e: {  	v4 =	vld [tilespmem:s0+$0xF0];
	[tilespmem:s15+$0xFFFFFDF0] =	vst v8  }
0x36f: {  	[tilespmem:s29+$0x2F0] =	vst v10;
	v8 =	vld [tilespmem:s0+$0xFFFFFEF0]  }
0x370: {  	v10 =	vld.idx.msk [tilespmem:v0+s13+$0x0], $0xffff;
	[tilespmem:s29+$0xFFFFFCF0] =	vst v11  }
0x371: {  	v11 =	vld.idx.msk [tilespmem:v54+s13+$0x0], $0xffff;
	[tilespmem:s31+$0xF0] =	vst v9  }
0x372: {  	v9 =	vld.idx.msk [tilespmem:v1+s13+$0x0], $0xffff;
	[tilespmem:s31+$0xFFFFFCF0] =	vst v5  }
0x373: {  	[tilespmem:s15+$0xF0] =	vst v4;
	v5 =	vld.idx.msk [tilespmem:v6+s13+$0x0], $0xffff  }
0x374: {  	v4 =	vld.idx.msk [tilespmem:v2+s13+$0x0], $0xffff;
	[tilespmem:s15+$0xFFFFFCF0] =	vst v8  }
0x375: {  	[tilespmem:s25+$0xFFFFFE70] =	vst v10;
	v8 =	vld.idx.msk [tilespmem:v7+s13+$0x0], $0xffff  }
0x376: {  	v10 =	vld [tilespmem:s26+$0xFFFFFF70];
	[tilespmem:s29+$0xFFFFFE70] =	vst v11  }
0x377: {  	v11 =	vld [tilespmem:s28+$0xFFFFFF70];
	[tilespmem:s31+$0x270] =	vst v9  }
0x378: {  	v9 =	vld [tilespmem:s30+$0x170];
	[tilespmem:s31+$0xFFFFFE70] =	vst v5  }
0x379: {  	[tilespmem:s15+$0x270] =	vst v4;
	v5 =	vld [tilespmem:s30+$0xFFFFFF70]  }
0x37a: {  	v4 =	vld [tilespmem:s0+$0x170];
	[tilespmem:s15+$0xFFFFFE70] =	vst v8  }
0x37b: {  	[tilespmem:s25+$0xFFFFFD70] =	vst v10;
	v8 =	vld [tilespmem:s0+$0xFFFFFF70]  }
0x37c: {  	v61 =	vld.idx.msk [tilespmem:v0+s14+$0x0], $0xffff;
	[tilespmem:s29+$0xFFFFFD70] =	vst v11  }
0x37d: {  	v3 =	vld.idx.msk [tilespmem:v54+s14+$0x0], $0xffff;
	[tilespmem:s31+$0x170] =	vst v9  }
0x37e: {  	v1 =	vld.idx.msk [tilespmem:v1+s14+$0x0], $0xffff;
	[tilespmem:s31+$0xFFFFFD70] =	vst v5  }
0x37f: {  	[tilespmem:s15+$0x170] =	vst v4;
	v62 =	vld.idx.msk [tilespmem:v6+s14+$0x0], $0xffff  }
0x380: {  	v2 =	vld.idx.msk [tilespmem:v2+s14+$0x0], $0xffff;
	[tilespmem:s15+$0xFFFFFD70] =	vst v8  }
0x381: {  	[tilespmem:s25+$0xFFFFFEF0] =	vst v61;
	v63 =	vld.idx.msk [tilespmem:v7+s14+$0x0], $0xffff  }
0x382: {  	[tilespmem:s29+$0xFFFFFEF0] =	vst v3  }
0x383: {  	[tilespmem:s31+$0x2F0] =	vst v1  }
0x384: {  	s1 =	sshll.u32 s22, $0xD;
	[tilespmem:s31+$0xFFFFFEF0] =	vst v62  }
0x385: {  	s2 =	simm.s32 $0x8300;
	s0 =	sadd.s32 s1, s8;
	[tilespmem:s15+$0x2F0] =	vst v2  }
0x386: {  	s4 =	simm.s32 $0x80;
	s24 =	sadd.s32 $0x0, s0;
	[tilespmem:s15+$0xFFFFFEF0] =	vst v63;
	s15 =	simm.s32 $0x8700  }
.LBB2_5:
0x387: {  	[hbm4b:s24+s3] =	stream.linear.scatter [tilespmem:s2], [sflag:$0x3], $0x300, $0x38;
	[tilespmem:$0x18300] =	vst v63  }
0x388: {  	s24 =	smov.u32 s4;
	s2 =	smov.u32 s15;
	p1 =	sne.s32 s4, $0xF80  }
.Ltmp3:
0x389: {  	s4 =	sadd.s32 $0x80, s4;
	(pc) =	sbr.rel @p1 .LBB2_5-.Ltmp3, $2  }
0x38a: {  	_ =	sdelay $0x2  }
0x38b: {  	s15 =	sadd.s32 $0x400, s15;
	s24 =	sadd.s32 s24, s0  }
0x38c: {  	[hbm4b:s24+s3] =	stream.linear.scatter [tilespmem:s2], [sflag:$0x3], $0x300, $0x38;
	[tilespmem:$0x18300] =	vst v63  }
0x38d: {  	p1 =	seq.s32 s22, $0xF  }
0x38e: {  	s0 =	sadd.s32 @!p1 s23, s9;
	s2 =	simm.s32 @!p1 $0x0;
	s4 =	simm.s32 @!p1 $0x300  }
0x38f: {  	[tilespmem:s4], [sflag:$0x1] =	stream.linear.gather @!p1 [hbm4b:s0+s2], $0x4000, $0x38;
	[tilespmem:$0x18300] =	vst v63  }
0x390: {  	_ =	swait.ge [sflag:s18], $0x4000  }
0x391: {  	[sflag:s18] =	ssyncset.done $0x0  }
0x392: {  	s0 =	simm.s32 @!p0 $0x4;
	[sflag:s18] =	ssyncadd.s32 $0xFFFFC000  }
0x393: {  	_ =	swait.ge @!p0 [sflag:s0], $0x6000  }
0x394: {  	[sflag:s0] =	ssyncset.done @!p0 $0x0  }
0x395: {  	s4 =	simm.s32 $0x4500;
	[sflag:s0] =	ssyncadd.s32 @!p0 $0xFFFFA000  }
0x396: {  	v0 =	vld [tilespmem:s4+$0x180];
	_ =	sdelay $0x4  }
0x397: {  	v0 =	vtrunc.f32 v0  }
0x398: {  	v0 =	vcvt.f32.s32 v0;
	_ =	sdelay $0x1  }
0x399: {  	vm0 =	vgt.s32 v0, $0x0  }
0x39a: {  	v1 =	vld [tilespmem:s4+$0x0];
	v0 =	vnsel vm0, $0x0, v0  }
0x39b: {  	v0 =	vmin.u32 v0, $0xFF;
	_ =	sdelay $0x2  }
0x39c: {  	s24 =	simm.s32 $0x10700  }
0x39d: {  	[tilespmem:s24+$0x0] =	vst v1  }
0x39e: {  	v1 =	vld.idx.msk [tilespmem:v0+s3+$0x0], $0xffff;
	_ =	sdelay $0x4  }
0x39f: {  	v2 =	vld [tilespmem:s4+$0xFFFFFF80];
	[tilespmem:s24+$0x180] =	vst v1  }
0x3a0: {  	v1 =	vld [tilespmem:s4+$0x80];
	_ =	sdelay $0x3  }
0x3a1: {  	v2 =	vtrunc.f32 v2  }
0x3a2: {  	v2 =	vcvt.f32.s32 v2;
	[tilespmem:s24+$0x80] =	vst v1  }
0x3a3: {  	v1 =	vld.idx.msk [tilespmem:v0+s13+$0x0], $0xffff  }
0x3a4: {  	vm5 =	vgt.s32 v2, $0x0  }
0x3a5: {  	v3 =	vld [tilespmem:s4+$0xFFFFFE00];
	v2 =	vnsel vm5, $0x0, v2  }
0x3a6: {  	v2 =	vmin.u32 v2, $0xFF;
	_ =	sdelay $0x1  }
0x3a7: {  	[tilespmem:s24+$0x200] =	vst v1  }
0x3a8: {  	v1 =	vld [tilespmem:s4+$0x100]  }
0x3a9: {  	[tilespmem:s24+$0xFFFFFC00] =	vst v3  }
0x3aa: {  	v3 =	vld.idx.msk [tilespmem:v2+s3+$0x0], $0xffff;
	_ =	sdelay $0x2  }
0x3ab: {  	[tilespmem:s24+$0x100] =	vst v1  }
0x3ac: {  	v0 =	vld.idx.msk [tilespmem:v0+s14+$0x0], $0xffff  }
0x3ad: {  	[tilespmem:s24+$0xFFFFFD80] =	vst v3  }
0x3ae: {  	v1 =	vld [tilespmem:s4+$0xFFFFFE80];
	_ =	sdelay $0x2  }
0x3af: {  	[tilespmem:s24+$0x280] =	vst v0  }
0x3b0: {  	v0 =	vld [tilespmem:s4+$0x190]  }
0x3b1: {  	[tilespmem:s24+$0xFFFFFC80] =	vst v1  }
0x3b2: {  	v1 =	vld.idx.msk [tilespmem:v2+s13+$0x0], $0xffff;
	_ =	sdelay $0x2  }
0x3b3: {  	v0 =	vtrunc.f32 v0  }
0x3b4: {  	v0 =	vcvt.f32.s32 v0  }
0x3b5: {  	[tilespmem:s24+$0xFFFFFE00] =	vst v1  }
0x3b6: {  	v1 =	vld [tilespmem:s4+$0xFFFFFF00];
	vm6 =	vgt.s32 v0, $0x0  }
0x3b7: {  	v3 =	vld [tilespmem:s4+$0x10];
	v0 =	vnsel vm6, $0x0, v0  }
0x3b8: {  	v0 =	vmin.u32 v0, $0xFF;
	_ =	sdelay $0x2  }
0x3b9: {  	[tilespmem:s24+$0xFFFFFD00] =	vst v1  }
0x3ba: {  	[tilespmem:s24+$0x10] =	vst v3;
	v1 =	vld.idx.msk [tilespmem:v2+s14+$0x0], $0xffff  }
0x3bb: {  	v2 =	vld.idx.msk [tilespmem:v0+s3+$0x0], $0xffff;
	_ =	sdelay $0x3  }
0x3bc: {  	[tilespmem:s24+$0xFFFFFE80] =	vst v1  }
0x3bd: {  	v1 =	vld [tilespmem:s4+$0xFFFFFF90];
	[tilespmem:s24+$0x190] =	vst v2  }
0x3be: {  	v2 =	vld [tilespmem:s4+$0x90];
	_ =	sdelay $0x3  }
0x3bf: {  	v1 =	vtrunc.f32 v1  }
0x3c0: {  	v1 =	vcvt.f32.s32 v1;
	[tilespmem:s24+$0x90] =	vst v2  }
0x3c1: {  	v2 =	vld.idx.msk [tilespmem:v0+s13+$0x0], $0xffff  }
0x3c2: {  	vm7 =	vgt.s32 v1, $0x0  }
0x3c3: {  	v3 =	vld [tilespmem:s4+$0xFFFFFE10];
	v1 =	vnsel vm7, $0x0, v1  }
0x3c4: {  	v1 =	vmin.u32 v1, $0xFF;
	_ =	sdelay $0x1  }
0x3c5: {  	[tilespmem:s24+$0x210] =	vst v2  }
0x3c6: {  	v2 =	vld [tilespmem:s4+$0x110]  }
0x3c7: {  	[tilespmem:s24+$0xFFFFFC10] =	vst v3  }
0x3c8: {  	v3 =	vld.idx.msk [tilespmem:v1+s3+$0x0], $0xffff;
	_ =	sdelay $0x2  }
0x3c9: {  	[tilespmem:s24+$0x110] =	vst v2  }
0x3ca: {  	v0 =	vld.idx.msk [tilespmem:v0+s14+$0x0], $0xffff  }
0x3cb: {  	[tilespmem:s24+$0xFFFFFD90] =	vst v3  }
0x3cc: {  	v2 =	vld [tilespmem:s4+$0xFFFFFE90];
	_ =	sdelay $0x2  }
0x3cd: {  	[tilespmem:s24+$0x290] =	vst v0  }
0x3ce: {  	v0 =	vld [tilespmem:s4+$0x1A0]  }
0x3cf: {  	[tilespmem:s24+$0xFFFFFC90] =	vst v2  }
0x3d0: {  	v2 =	vld.idx.msk [tilespmem:v1+s13+$0x0], $0xffff;
	_ =	sdelay $0x2  }
0x3d1: {  	v0 =	vtrunc.f32 v0  }
0x3d2: {  	v0 =	vcvt.f32.s32 v0  }
0x3d3: {  	[tilespmem:s24+$0xFFFFFE10] =	vst v2  }
0x3d4: {  	v2 =	vld [tilespmem:s4+$0xFFFFFF10];
	vm8 =	vgt.s32 v0, $0x0  }
0x3d5: {  	v3 =	vld [tilespmem:s4+$0x20];
	v0 =	vnsel vm8, $0x0, v0  }
0x3d6: {  	v0 =	vmin.u32 v0, $0xFF;
	_ =	sdelay $0x1  }
0x3d7: {  	s26 =	simm.s32 $0x4900  }
0x3d8: {  	[tilespmem:s24+$0xFFFFFD10] =	vst v2;
	v2 =	vld [tilespmem:s26+$0x180]  }
0x3d9: {  	[tilespmem:s24+$0x20] =	vst v3;
	v1 =	vld.idx.msk [tilespmem:v1+s14+$0x0], $0xffff  }
0x3da: {  	v3 =	vld.idx.msk [tilespmem:v0+s3+$0x0], $0xffff;
	_ =	sdelay $0x2  }
0x3db: {  	v2 =	vtrunc.f32 v2  }
0x3dc: {  	v4 =	vld [tilespmem:s26+$0xFFFFFF80];
	[tilespmem:s24+$0xFFFFFE90] =	vst v1;
	v2 =	vcvt.f32.s32 v2  }
0x3dd: {  	v1 =	vld [tilespmem:s4+$0xFFFFFFA0];
	[tilespmem:s24+$0x1A0] =	vst v3  }
0x3de: {  	vm9 =	vgt.s32 v2, $0x0;
	v3 =	vld [tilespmem:s4+$0xA0]  }
0x3df: {  	v5 =	vld [tilespmem:s26+$0x0];
	v2 =	vnsel vm9, $0x0, v2  }
0x3e0: {  	v2 =	vmin.u32 v2, $0xFF;
	_ =	sdelay $0x1  }
0x3e1: {  	v1 =	vtrunc.f32 v1  }
0x3e2: {  	s25 =	simm.s32 $0x10F00;
	v1 =	vcvt.f32.s32 v1;
	[tilespmem:s24+$0xA0] =	vst v3  }
0x3e3: {  	[tilespmem:s25+$0x0] =	vst v5;
	v3 =	vtrunc.f32 v4;
	v4 =	vld.idx.msk [tilespmem:v0+s13+$0x0], $0xffff  }
0x3e4: {  	vm10 =	vgt.s32 v1, $0x0;
	v5 =	vld.idx.msk [tilespmem:v2+s3+$0x0], $0xffff;
	v3 =	vcvt.f32.s32 v3  }
0x3e5: {  	v6 =	vld [tilespmem:s4+$0xFFFFFE20];
	v1 =	vnsel vm10, $0x0, v1  }
0x3e6: {  	v1 =	vmin.u32 v1, $0xFF;
	vm11 =	vgt.s32 v3, $0x0  }
0x3e7: {  	v7 =	vld [tilespmem:s26+$0xFFFFFE00];
	v3 =	vnsel vm11, $0x0, v3  }
0x3e8: {  	v3 =	vmin.u32 v3, $0xFF;
	[tilespmem:s24+$0x220] =	vst v4  }
0x3e9: {  	[tilespmem:s25+$0x180] =	vst v5;
	v4 =	vld [tilespmem:s4+$0x120]  }
0x3ea: {  	[tilespmem:s24+$0xFFFFFC20] =	vst v6;
	v5 =	vld [tilespmem:s26+$0x80]  }
0x3eb: {  	v6 =	vld.idx.msk [tilespmem:v1+s3+$0x0], $0xffff  }
0x3ec: {  	[tilespmem:s25+$0xFFFFFC00] =	vst v7  }
0x3ed: {  	v7 =	vld.idx.msk [tilespmem:v3+s3+$0x0], $0xffff  }
0x3ee: {  	[tilespmem:s24+$0x120] =	vst v4  }
0x3ef: {  	[tilespmem:s25+$0x80] =	vst v5;
	v0 =	vld.idx.msk [tilespmem:v0+s14+$0x0], $0xffff  }
0x3f0: {  	[tilespmem:s24+$0xFFFFFDA0] =	vst v6;
	v5 =	vld.idx.msk [tilespmem:v2+s13+$0x0], $0xffff  }
0x3f1: {  	v4 =	vld [tilespmem:s4+$0xFFFFFEA0]  }
0x3f2: {  	[tilespmem:s25+$0xFFFFFD80] =	vst v7  }
0x3f3: {  	v6 =	vld [tilespmem:s26+$0xFFFFFE80]  }
0x3f4: {  	[tilespmem:s24+$0x2A0] =	vst v0  }
0x3f5: {  	[tilespmem:s25+$0x200] =	vst v5;
	v0 =	vld [tilespmem:s4+$0x1B0]  }
0x3f6: {  	[tilespmem:s24+$0xFFFFFCA0] =	vst v4;
	v5 =	vld [tilespmem:s26+$0x100]  }
0x3f7: {  	v4 =	vld.idx.msk [tilespmem:v1+s13+$0x0], $0xffff  }
0x3f8: {  	[tilespmem:s25+$0xFFFFFC80] =	vst v6  }
0x3f9: {  	v6 =	vld.idx.msk [tilespmem:v3+s13+$0x0], $0xffff  }
0x3fa: {  	v0 =	vtrunc.f32 v0  }
0x3fb: {  	[tilespmem:s25+$0x100] =	vst v5;
	v0 =	vcvt.f32.s32 v0  }
0x3fc: {  	[tilespmem:s24+$0xFFFFFE20] =	vst v4;
	v2 =	vld.idx.msk [tilespmem:v2+s14+$0x0], $0xffff  }
0x3fd: {  	v4 =	vld [tilespmem:s4+$0xFFFFFF20];
	vm12 =	vgt.s32 v0, $0x0  }
0x3fe: {  	v5 =	vld [tilespmem:s4+$0x30];
	[tilespmem:s25+$0xFFFFFE00] =	vst v6;
	v0 =	vnsel vm12, $0x0, v0  }
0x3ff: {  	v6 =	vld [tilespmem:s26+$0xFFFFFF00];
	v0 =	vmin.u32 v0, $0xFF;
	_ =	sdelay $0x1  }
0x400: {  	[tilespmem:s25+$0x280] =	vst v2  }
0x401: {  	[tilespmem:s24+$0xFFFFFD20] =	vst v4;
	v2 =	vld [tilespmem:s26+$0x190]  }
0x402: {  	[tilespmem:s24+$0x30] =	vst v5;
	v1 =	vld.idx.msk [tilespmem:v1+s14+$0x0], $0xffff  }
0x403: {  	[tilespmem:s25+$0xFFFFFD00] =	vst v6;
	v4 =	vld.idx.msk [tilespmem:v0+s3+$0x0], $0xffff  }
0x404: {  	v3 =	vld.idx.msk [tilespmem:v3+s14+$0x0], $0xffff;
	_ =	sdelay $0x1  }
0x405: {  	v2 =	vtrunc.f32 v2  }
0x406: {  	v5 =	vld [tilespmem:s26+$0x10];
	[tilespmem:s24+$0xFFFFFEA0] =	vst v1;
	v2 =	vcvt.f32.s32 v2  }
0x407: {  	v1 =	vld [tilespmem:s4+$0xFFFFFFB0];
	[tilespmem:s24+$0x1B0] =	vst v4  }
0x408: {  	vm13 =	vgt.s32 v2, $0x0;
	[tilespmem:s25+$0xFFFFFE80] =	vst v3;
	v3 =	vld [tilespmem:s4+$0xB0]  }
0x409: {  	v2 =	vnsel vm13, $0x0, v2;
	v4 =	vld [tilespmem:s26+$0xFFFFFF90]  }
0x40a: {  	v2 =	vmin.u32 v2, $0xFF;
	_ =	sdelay $0x1  }
0x40b: {  	v1 =	vtrunc.f32 v1  }
0x40c: {  	v1 =	vcvt.f32.s32 v1;
	[tilespmem:s24+$0xB0] =	vst v3  }
0x40d: {  	[tilespmem:s25+$0x10] =	vst v5;
	v3 =	vtrunc.f32 v4;
	v4 =	vld.idx.msk [tilespmem:v0+s13+$0x0], $0xffff  }
0x40e: {  	vm14 =	vgt.s32 v1, $0x0;
	v5 =	vld.idx.msk [tilespmem:v2+s3+$0x0], $0xffff;
	v3 =	vcvt.f32.s32 v3  }
0x40f: {  	v6 =	vld [tilespmem:s4+$0xFFFFFE30];
	v1 =	vnsel vm14, $0x0, v1  }
0x410: {  	v1 =	vmin.u32 v1, $0xFF;
	vm15 =	vgt.s32 v3, $0x0  }
0x411: {  	v7 =	vld [tilespmem:s26+$0xFFFFFE10];
	v3 =	vnsel vm15, $0x0, v3  }
0x412: {  	v3 =	vmin.u32 v3, $0xFF;
	[tilespmem:s24+$0x230] =	vst v4  }
0x413: {  	[tilespmem:s25+$0x190] =	vst v5;
	v4 =	vld [tilespmem:s4+$0x130]  }
0x414: {  	[tilespmem:s24+$0xFFFFFC30] =	vst v6;
	v5 =	vld [tilespmem:s26+$0x90]  }
0x415: {  	v6 =	vld.idx.msk [tilespmem:v1+s3+$0x0], $0xffff  }
0x416: {  	[tilespmem:s25+$0xFFFFFC10] =	vst v7  }
0x417: {  	v7 =	vld.idx.msk [tilespmem:v3+s3+$0x0], $0xffff  }
0x418: {  	[tilespmem:s24+$0x130] =	vst v4  }
0x419: {  	[tilespmem:s25+$0x90] =	vst v5;
	v0 =	vld.idx.msk [tilespmem:v0+s14+$0x0], $0xffff  }
0x41a: {  	[tilespmem:s24+$0xFFFFFDB0] =	vst v6;
	v5 =	vld.idx.msk [tilespmem:v2+s13+$0x0], $0xffff  }
0x41b: {  	v4 =	vld [tilespmem:s4+$0xFFFFFEB0]  }
0x41c: {  	[tilespmem:s25+$0xFFFFFD90] =	vst v7  }
0x41d: {  	v6 =	vld [tilespmem:s26+$0xFFFFFE90]  }
0x41e: {  	[tilespmem:s24+$0x2B0] =	vst v0  }
0x41f: {  	[tilespmem:s25+$0x210] =	vst v5;
	v0 =	vld [tilespmem:s4+$0x1C0]  }
0x420: {  	[tilespmem:s24+$0xFFFFFCB0] =	vst v4;
	v5 =	vld [tilespmem:s26+$0x110]  }
0x421: {  	v4 =	vld.idx.msk [tilespmem:v1+s13+$0x0], $0xffff  }
0x422: {  	[tilespmem:s25+$0xFFFFFC90] =	vst v6  }
0x423: {  	v6 =	vld.idx.msk [tilespmem:v3+s13+$0x0], $0xffff  }
0x424: {  	v0 =	vtrunc.f32 v0  }
0x425: {  	[tilespmem:s25+$0x110] =	vst v5;
	v0 =	vcvt.f32.s32 v0  }
0x426: {  	[tilespmem:s24+$0xFFFFFE30] =	vst v4;
	v2 =	vld.idx.msk [tilespmem:v2+s14+$0x0], $0xffff  }
0x427: {  	v4 =	vld [tilespmem:s4+$0xFFFFFF30];
	vm4 =	vgt.s32 v0, $0x0  }
0x428: {  	v5 =	vld [tilespmem:s4+$0x40];
	[tilespmem:s25+$0xFFFFFE10] =	vst v6;
	v0 =	vnsel vm4, $0x0, v0  }
0x429: {  	v6 =	vld [tilespmem:s26+$0xFFFFFF10];
	v0 =	vmin.u32 v0, $0xFF;
	_ =	sdelay $0x1  }
0x42a: {  	[tilespmem:s25+$0x290] =	vst v2  }
0x42b: {  	[tilespmem:s24+$0xFFFFFD30] =	vst v4;
	v2 =	vld [tilespmem:s26+$0x1A0]  }
0x42c: {  	[tilespmem:s24+$0x40] =	vst v5;
	v1 =	vld.idx.msk [tilespmem:v1+s14+$0x0], $0xffff  }
0x42d: {  	[tilespmem:s25+$0xFFFFFD10] =	vst v6;
	v4 =	vld.idx.msk [tilespmem:v0+s3+$0x0], $0xffff  }
0x42e: {  	v3 =	vld.idx.msk [tilespmem:v3+s14+$0x0], $0xffff;
	_ =	sdelay $0x1  }
0x42f: {  	s28 =	simm.s32 $0x4D00;
	v5 =	vld [tilespmem:s26+$0x20];
	v2 =	vtrunc.f32 v2  }
0x430: {  	v6 =	vld [tilespmem:s28+$0x180];
	[tilespmem:s24+$0xFFFFFEB0] =	vst v1;
	v2 =	vcvt.f32.s32 v2  }
0x431: {  	v1 =	vld [tilespmem:s4+$0xFFFFFFC0];
	[tilespmem:s24+$0x1C0] =	vst v4  }
0x432: {  	vm5 =	vgt.s32 v2, $0x0;
	[tilespmem:s25+$0xFFFFFE90] =	vst v3;
	v3 =	vld [tilespmem:s4+$0xC0]  }
0x433: {  	v2 =	vnsel vm5, $0x0, v2;
	v4 =	vld [tilespmem:s26+$0xFFFFFFA0]  }
0x434: {  	v2 =	vmin.u32 v2, $0xFF;
	_ =	sdelay $0x1  }
0x435: {  	[tilespmem:s25+$0x20] =	vst v5;
	v1 =	vtrunc.f32 v1  }
0x436: {  	v7 =	vld [tilespmem:s28+$0xFFFFFF80];
	v5 =	vtrunc.f32 v6;
	v1 =	vcvt.f32.s32 v1;
	[tilespmem:s24+$0xC0] =	vst v3  }
0x437: {  	v5 =	vcvt.f32.s32 v5;
	v3 =	vtrunc.f32 v4;
	v4 =	vld.idx.msk [tilespmem:v0+s13+$0x0], $0xffff  }
0x438: {  	vm6 =	vgt.s32 v1, $0x0;
	v6 =	vld.idx.msk [tilespmem:v2+s3+$0x0], $0xffff  }
0x439: {  	v8 =	vld [tilespmem:s4+$0xFFFFFE40];
	vm8 =	vgt.s32 v5, $0x0;
	v1 =	vnsel vm6, $0x0, v1;
	v3 =	vcvt.f32.s32 v3  }
0x43a: {  	v10 =	vld [tilespmem:s28+$0x0];
	v5 =	vnsel vm8, $0x0, v5;
	v1 =	vmin.u32 v1, $0xFF  }
0x43b: {  	v5 =	vmin.u32 v5, $0xFF;
	vm7 =	vgt.s32 v3, $0x0  }
0x43c: {  	v7 =	vtrunc.f32 v7;
	v9 =	vld [tilespmem:s26+$0xFFFFFE20];
	v3 =	vnsel vm7, $0x0, v3;
	[tilespmem:s24+$0x240] =	vst v4  }
0x43d: {  	[tilespmem:s25+$0x1A0] =	vst v6;
	v3 =	vmin.u32 v3, $0xFF;
	v4 =	vcvt.f32.s32 v7;
	v7 =	vld [tilespmem:s4+$0x140]  }
0x43e: {  	s29 =	simm.s32 $0x11700;
	[tilespmem:s24+$0xFFFFFC40] =	vst v8;
	v6 =	vld [tilespmem:s26+$0xA0]  }
0x43f: {  	[tilespmem:s29+$0x0] =	vst v10;
	v8 =	vld.idx.msk [tilespmem:v1+s3+$0x0], $0xffff  }
0x440: {  	v10 =	vld.idx.msk [tilespmem:v5+s3+$0x0], $0xffff;
	vm9 =	vgt.s32 v4, $0x0  }
0x441: {  	v11 =	vld [tilespmem:s28+$0xFFFFFE00];
	[tilespmem:s25+$0xFFFFFC20] =	vst v9;
	v4 =	vnsel vm9, $0x0, v4  }
0x442: {  	v4 =	vmin.u32 v4, $0xFF;
	v9 =	vld.idx.msk [tilespmem:v3+s3+$0x0], $0xffff;
	[tilespmem:s24+$0x140] =	vst v7  }
0x443: {  	[tilespmem:s25+$0xA0] =	vst v6;
	v0 =	vld.idx.msk [tilespmem:v0+s14+$0x0], $0xffff  }
0x444: {  	[tilespmem:s24+$0xFFFFFDC0] =	vst v8;
	v6 =	vld.idx.msk [tilespmem:v2+s13+$0x0], $0xffff  }
0x445: {  	[tilespmem:s29+$0x180] =	vst v10;
	v7 =	vld [tilespmem:s4+$0xFFFFFEC0]  }
0x446: {  	[tilespmem:s29+$0xFFFFFC00] =	vst v11;
	v10 =	vld [tilespmem:s28+$0x80]  }
0x447: {  	v8 =	vld.idx.msk [tilespmem:v4+s3+$0x0], $0xffff;
	[tilespmem:s25+$0xFFFFFDA0] =	vst v9  }
0x448: {  	v9 =	vld [tilespmem:s26+$0xFFFFFEA0];
	[tilespmem:s24+$0x2C0] =	vst v0  }
0x449: {  	[tilespmem:s25+$0x220] =	vst v6;
	v0 =	vld [tilespmem:s4+$0x1D0]  }
0x44a: {  	[tilespmem:s24+$0xFFFFFCC0] =	vst v7;
	v6 =	vld [tilespmem:s26+$0x120]  }
0x44b: {  	v7 =	vld.idx.msk [tilespmem:v1+s13+$0x0], $0xffff  }
0x44c: {  	[tilespmem:s29+$0x80] =	vst v10  }
0x44d: {  	v10 =	vld.idx.msk [tilespmem:v5+s13+$0x0], $0xffff;
	[tilespmem:s29+$0xFFFFFD80] =	vst v8  }
0x44e: {  	v8 =	vld [tilespmem:s28+$0xFFFFFE80];
	[tilespmem:s25+$0xFFFFFCA0] =	vst v9;
	v0 =	vtrunc.f32 v0  }
0x44f: {  	v9 =	vld.idx.msk [tilespmem:v3+s13+$0x0], $0xffff;
	[tilespmem:s25+$0x120] =	vst v6;
	v0 =	vcvt.f32.s32 v0  }
0x450: {  	[tilespmem:s24+$0xFFFFFE40] =	vst v7;
	v2 =	vld.idx.msk [tilespmem:v2+s14+$0x0], $0xffff  }
0x451: {  	v7 =	vld [tilespmem:s4+$0xFFFFFF40];
	vm10 =	vgt.s32 v0, $0x0  }
0x452: {  	[tilespmem:s29+$0x200] =	vst v10;
	v6 =	vld [tilespmem:s4+$0x50];
	v0 =	vnsel vm10, $0x0, v0  }
0x453: {  	v10 =	vld [tilespmem:s28+$0x100];
	[tilespmem:s29+$0xFFFFFC80] =	vst v8;
	v0 =	vmin.u32 v0, $0xFF  }
0x454: {  	v8 =	vld.idx.msk [tilespmem:v4+s13+$0x0], $0xffff;
	[tilespmem:s25+$0xFFFFFE20] =	vst v9  }
0x455: {  	v9 =	vld [tilespmem:s26+$0xFFFFFF20];
	[tilespmem:s25+$0x2A0] =	vst v2  }
0x456: {  	[tilespmem:s24+$0xFFFFFD40] =	vst v7;
	v2 =	vld [tilespmem:s26+$0x1B0]  }
0x457: {  	[tilespmem:s24+$0x50] =	vst v6;
	v1 =	vld.idx.msk [tilespmem:v1+s14+$0x0], $0xffff  }
0x458: {  	v6 =	vld.idx.msk [tilespmem:v0+s3+$0x0], $0xffff  }
0x459: {  	[tilespmem:s29+$0x100] =	vst v10  }
0x45a: {  	v5 =	vld.idx.msk [tilespmem:v5+s14+$0x0], $0xffff;
	[tilespmem:s29+$0xFFFFFE00] =	vst v8  }
0x45b: {  	[tilespmem:s25+$0xFFFFFD20] =	vst v9  }
0x45c: {  	v7 =	vld [tilespmem:s28+$0xFFFFFF00];
	v2 =	vtrunc.f32 v2;
	[tilespmem:s24+$0xFFFFFEC0] =	vst v1  }
0x45d: {  	v3 =	vld.idx.msk [tilespmem:v3+s14+$0x0], $0xffff;
	v1 =	vcvt.f32.s32 v2;
	[tilespmem:s24+$0x1D0] =	vst v6  }
0x45e: {  	v6 =	vld [tilespmem:s4+$0xD0]  }
0x45f: {  	[tilespmem:s29+$0x280] =	vst v5;
	v5 =	vld [tilespmem:s26+$0x30];
	vm11 =	vgt.s32 v1, $0x0  }
0x460: {  	v2 =	vld [tilespmem:s4+$0xFFFFFFD0];
	v1 =	vnsel vm11, $0x0, v1  }
0x461: {  	v8 =	vld [tilespmem:s4+$0xFFFFFE50];
	[tilespmem:s29+$0xFFFFFD00] =	vst v7;
	v1 =	vmin.u32 v1, $0xFF  }
0x462: {  	v7 =	vld [tilespmem:s28+$0x190];
	[tilespmem:s25+$0xFFFFFEA0] =	vst v3  }
0x463: {  	v3 =	vld.idx.msk [tilespmem:v4+s14+$0x0], $0xffff;
	[tilespmem:s24+$0xD0] =	vst v6  }
0x464: {  	v4 =	vld.idx.msk [tilespmem:v0+s13+$0x0], $0xffff  }
0x465: {  	[tilespmem:s25+$0x30] =	vst v5  }
0x466: {  	v5 =	vld.idx.msk [tilespmem:v1+s3+$0x0], $0xffff;
	_ =	sdelay $0x1  }
0x467: {  	v6 =	vld [tilespmem:s26+$0xFFFFFFB0]  }
0x468: {  	[tilespmem:s24+$0x250] =	vst v4  }
0x469: {  	v4 =	vtrunc.f32 v7;
	v7 =	vld [tilespmem:s4+$0x150]  }
0x46a: {  	v2 =	vtrunc.f32 v2;
	[tilespmem:s25+$0x1B0] =	vst v5;
	v4 =	vcvt.f32.s32 v4  }
0x46b: {  	v2 =	vcvt.f32.s32 v2;
	[tilespmem:s29+$0xFFFFFE80] =	vst v3;
	v3 =	vld [tilespmem:s26+$0xB0]  }
0x46c: {  	v5 =	vtrunc.f32 v6;
	v6 =	vld [tilespmem:s28+$0xFFFFFF90];
	vm12 =	vgt.s32 v4, $0x0  }
0x46d: {  	v9 =	vld [tilespmem:s28+$0x10];
	vm13 =	vgt.s32 v2, $0x0;
	v5 =	vcvt.f32.s32 v5;
	v4 =	vnsel vm12, $0x0, v4  }
0x46e: {  	v2 =	vnsel vm13, $0x0, v2;
	v4 =	vmin.u32 v4, $0xFF;
	[tilespmem:s24+$0x150] =	vst v7  }
0x46f: {  	v2 =	vmin.u32 v2, $0xFF;
	vm14 =	vgt.s32 v5, $0x0;
	v0 =	vld.idx.msk [tilespmem:v0+s14+$0x0], $0xffff  }
0x470: {  	v5 =	vnsel vm14, $0x0, v5;
	[tilespmem:s25+$0xB0] =	vst v3;
	v7 =	vld [tilespmem:s26+$0xFFFFFE30]  }
0x471: {  	v3 =	vmin.u32 v5, $0xFF;
	v5 =	vtrunc.f32 v6;
	v6 =	vld.idx.msk [tilespmem:v1+s13+$0x0], $0xffff  }
0x472: {  	[tilespmem:s29+$0x10] =	vst v9;
	v10 =	vld [tilespmem:s28+$0xFFFFFE10];
	v5 =	vcvt.f32.s32 v5  }
0x473: {  	[tilespmem:s24+$0xFFFFFC50] =	vst v8;
	v8 =	vld.idx.msk [tilespmem:v4+s3+$0x0], $0xffff  }
0x474: {  	v9 =	vld.idx.msk [tilespmem:v2+s3+$0x0], $0xffff;
	vm15 =	vgt.s32 v5, $0x0;
	[tilespmem:s24+$0x2D0] =	vst v0  }
0x475: {  	[tilespmem:s25+$0xFFFFFC30] =	vst v7;
	v0 =	vnsel vm15, $0x0, v5;
	v5 =	vld [tilespmem:s4+$0x1E0]  }
0x476: {  	[tilespmem:s25+$0x230] =	vst v6;
	v7 =	vld.idx.msk [tilespmem:v3+s3+$0x0], $0xffff;
	v0 =	vmin.u32 v0, $0xFF  }
0x477: {  	v6 =	vld [tilespmem:s26+$0x130]  }
0x478: {  	[tilespmem:s29+$0x190] =	vst v8  }
0x479: {  	[tilespmem:s24+$0xFFFFFDD0] =	vst v9;
	v8 =	vld [tilespmem:s28+$0x90]  }
0x47a: {  	[tilespmem:s29+$0xFFFFFC10] =	vst v10;
	v9 =	vld [tilespmem:s4+$0xFFFFFED0];
	v5 =	vtrunc.f32 v5  }
0x47b: {  	[tilespmem:s25+$0xFFFFFDB0] =	vst v7;
	v7 =	vld.idx.msk [tilespmem:v0+s3+$0x0], $0xffff;
	v5 =	vcvt.f32.s32 v5  }
0x47c: {  	[tilespmem:s25+$0x130] =	vst v6;
	v10 =	vld [tilespmem:s26+$0xFFFFFEB0]  }
0x47d: {  	v1 =	vld.idx.msk [tilespmem:v1+s14+$0x0], $0xffff;
	vm4 =	vgt.s32 v5, $0x0  }
0x47e: {  	v6 =	vld [tilespmem:s4+$0x60];
	[tilespmem:s29+$0x90] =	vst v8;
	v5 =	vnsel vm4, $0x0, v5  }
0x47f: {  	[tilespmem:s24+$0xFFFFFCD0] =	vst v9;
	v8 =	vld.idx.msk [tilespmem:v4+s13+$0x0], $0xffff;
	v5 =	vmin.u32 v5, $0xFF  }
0x480: {  	v9 =	vld.idx.msk [tilespmem:v2+s13+$0x0], $0xffff;
	[tilespmem:s29+$0xFFFFFD90] =	vst v7  }
0x481: {  	[tilespmem:s25+$0xFFFFFCB0] =	vst v10;
	v7 =	vld [tilespmem:s28+$0xFFFFFE90]  }
0x482: {  	[tilespmem:s25+$0x2B0] =	vst v1;
	v10 =	vld.idx.msk [tilespmem:v3+s13+$0x0], $0xffff  }
0x483: {  	[tilespmem:s24+$0x60] =	vst v6;
	v1 =	vld [tilespmem:s26+$0x1C0]  }
0x484: {  	[tilespmem:s29+$0x210] =	vst v8;
	v6 =	vld.idx.msk [tilespmem:v5+s3+$0x0], $0xffff  }
0x485: {  	v8 =	vld [tilespmem:s28+$0x110]  }
0x486: {  	[tilespmem:s29+$0xFFFFFC90] =	vst v7  }
0x487: {  	[tilespmem:s25+$0xFFFFFE30] =	vst v10;
	v7 =	vld.idx.msk [tilespmem:v0+s13+$0x0], $0xffff  }
0x488: {  	[tilespmem:s24+$0xFFFFFE50] =	vst v9;
	v1 =	vtrunc.f32 v1;
	v9 =	vld [tilespmem:s26+$0xFFFFFF30]  }
0x489: {  	v10 =	vld [tilespmem:s4+$0xFFFFFF50];
	v1 =	vcvt.f32.s32 v1;
	[tilespmem:s24+$0x1E0] =	vst v6  }
0x48a: {  	[tilespmem:s29+$0x110] =	vst v8;
	v6 =	vld [tilespmem:s4+$0xE0]  }
0x48b: {  	vm5 =	vgt.s32 v1, $0x0;
	v4 =	vld.idx.msk [tilespmem:v4+s14+$0x0], $0xffff  }
0x48c: {  	v1 =	vnsel vm5, $0x0, v1;
	[tilespmem:s29+$0xFFFFFE10] =	vst v7;
	v7 =	vld [tilespmem:s26+$0x40]  }
0x48d: {  	[tilespmem:s25+$0xFFFFFD30] =	vst v9;
	v9 =	vmin.u32 v1, $0xFF;
	v8 =	vld [tilespmem:s28+$0xFFFFFF10]  }
0x48e: {  	[tilespmem:s24+$0xFFFFFD50] =	vst v10;
	v1 =	vld.idx.msk [tilespmem:v3+s14+$0x0], $0xffff  }
0x48f: {  	v2 =	vld.idx.msk [tilespmem:v2+s14+$0x0], $0xffff;
	[tilespmem:s24+$0xE0] =	vst v6  }
0x490: {  	[tilespmem:s29+$0x290] =	vst v4;
	v3 =	vld.idx.msk [tilespmem:v5+s13+$0x0], $0xffff  }
0x491: {  	v4 =	vld [tilespmem:s28+$0x1A0];
	[tilespmem:s25+$0x40] =	vst v7  }
0x492: {  	[tilespmem:s29+$0xFFFFFD10] =	vst v8;
	v6 =	vld.idx.msk [tilespmem:v9+s3+$0x0], $0xffff  }
0x493: {  	[tilespmem:s25+$0xFFFFFEB0] =	vst v1;
	v0 =	vld.idx.msk [tilespmem:v0+s14+$0x0], $0xffff  }
0x494: {  	v1 =	vld [tilespmem:s26+$0xFFFFFFC0]  }
0x495: {  	s30 =	simm.s32 $0x5100  }
0x496: {  	v11 =	vld [tilespmem:s30+$0x180];
	[tilespmem:s24+$0xFFFFFED0] =	vst v2  }
0x497: {  	v2 =	vld [tilespmem:s4+$0xFFFFFFE0];
	[tilespmem:s24+$0x260] =	vst v3  }
0x498: {  	v3 =	vtrunc.f32 v4;
	v4 =	vld [tilespmem:s4+$0x160];
	[tilespmem:s25+$0x1C0] =	vst v6  }
0x499: {  	v3 =	vcvt.f32.s32 v3;
	[tilespmem:s29+$0xFFFFFE90] =	vst v0;
	v0 =	vtrunc.f32 v1;
	v1 =	vld [tilespmem:s26+$0xC0]  }
0x49a: {  	v6 =	vld [tilespmem:s28+$0xFFFFFFA0]  }
0x49b: {  	v12 =	vld [tilespmem:s30+$0xFFFFFE00];
	vm6 =	vgt.s32 v3, $0x0;
	v0 =	vcvt.f32.s32 v0  }
0x49c: {  	v10 =	vld [tilespmem:s28+$0x20];
	v3 =	vnsel vm6, $0x0, v3  }
0x49d: {  	v8 =	vld [tilespmem:s26+$0xFFFFFE40];
	v2 =	vtrunc.f32 v2;
	v3 =	vmin.u32 v3, $0xFF;
	vm7 =	vgt.s32 v0, $0x0;
	[tilespmem:s24+$0x160] =	vst v4  }
0x49e: {  	v2 =	vcvt.f32.s32 v2;
	v0 =	vnsel vm7, $0x0, v0;
	v4 =	vld.idx.msk [tilespmem:v5+s14+$0x0], $0xffff  }
0x49f: {  	v5 =	vld [tilespmem:s30+$0xFFFFFF80];
	v0 =	vmin.u32 v0, $0xFF;
	[tilespmem:s25+$0xC0] =	vst v1;
	v1 =	vtrunc.f32 v6  }
0x4a0: {  	vm8 =	vgt.s32 v2, $0x0;
	v6 =	vld.idx.msk [tilespmem:v9+s13+$0x0], $0xffff;
	v13 =	vcvt.f32.s32 v1  }
0x4a1: {  	v14 =	vld [tilespmem:s30+$0x0];
	[tilespmem:s29+$0x20] =	vst v10;
	v1 =	vnsel vm8, $0x0, v2;
	v2 =	vtrunc.f32 v11  }
0x4a2: {  	v10 =	vld.idx.msk [tilespmem:v3+s3+$0x0], $0xffff;
	v2 =	vcvt.f32.s32 v2;
	vm9 =	vgt.s32 v13, $0x0  }
0x4a3: {  	[tilespmem:s25+$0xFFFFFC40] =	vst v8;
	v8 =	vld [tilespmem:s28+$0xFFFFFE20];
	v11 =	vnsel vm9, $0x0, v13  }
0x4a4: {  	v53 =	vld.idx.msk [tilespmem:v0+s3+$0x0], $0xffff;
	[tilespmem:s24+$0x2E0] =	vst v4;
	vm10 =	vgt.s32 v2, $0x0;
	v4 =	vmin.u32 v11, $0xFF  }
0x4a5: {  	v5 =	vtrunc.f32 v5;
	v11 =	vld [tilespmem:s4+$0x1F0];
	v2 =	vnsel vm10, $0x0, v2;
	[tilespmem:s25+$0x240] =	vst v6  }
0x4a6: {  	v5 =	vcvt.f32.s32 v5;
	v2 =	vmin.u32 v2, $0xFF;
	v6 =	vld [tilespmem:s26+$0x140]  }
0x4a7: {  	v7 =	vld [tilespmem:s4+$0xFFFFFE60];
	[tilespmem:s29+$0x1A0] =	vst v10  }
0x4a8: {  	[tilespmem:s29+$0xFFFFFC20] =	vst v8;
	vm11 =	vgt.s32 v5, $0x0;
	v8 =	vld [tilespmem:s28+$0xA0]  }
0x4a9: {  	s31 =	simm.s32 $0x11F00;
	v5 =	vnsel vm11, $0x0, v5;
	[tilespmem:s25+$0xFFFFFDC0] =	vst v53;
	v10 =	vld.idx.msk [tilespmem:v4+s3+$0x0], $0xffff  }
0x4aa: {  	[tilespmem:s31+$0x0] =	vst v14;
	v5 =	vmin.u32 v5, $0xFF;
	v11 =	vtrunc.f32 v11;
	v13 =	vld [tilespmem:s26+$0xFFFFFEC0]  }
0x4ab: {  	v11 =	vcvt.f32.s32 v11;
	v14 =	vld.idx.msk [tilespmem:v2+s3+$0x0], $0xffff;
	[tilespmem:s25+$0x140] =	vst v6  }
0x4ac: {  	v6 =	vld.idx.msk [tilespmem:v9+s14+$0x0], $0xffff  }
0x4ad: {  	v9 =	vld [tilespmem:s4+$0x70];
	vm12 =	vgt.s32 v11, $0x0;
	[tilespmem:s29+$0xA0] =	vst v8  }
0x4ae: {  	[tilespmem:s31+$0xFFFFFC00] =	vst v12;
	v8 =	vnsel vm12, $0x0, v11;
	v11 =	vld.idx.msk [tilespmem:v3+s13+$0x0], $0xffff  }
0x4af: {  	v12 =	vld.idx.msk [tilespmem:v5+s3+$0x0], $0xffff;
	v8 =	vmin.u32 v8, $0xFF;
	[tilespmem:s29+$0xFFFFFDA0] =	vst v10  }
0x4b0: {  	[tilespmem:s25+$0xFFFFFCC0] =	vst v13;
	v10 =	vld [tilespmem:s28+$0xFFFFFEA0]  }
0x4b1: {  	[tilespmem:s31+$0x180] =	vst v14;
	v13 =	vld.idx.msk [tilespmem:v0+s13+$0x0], $0xffff  }
0x4b2: {  	v14 =	vld [tilespmem:s30+$0x80];
	[tilespmem:s25+$0x2C0] =	vst v6  }
0x4b3: {  	[tilespmem:s24+$0x70] =	vst v9;
	v9 =	vld [tilespmem:s26+$0x1D0]  }
0x4b4: {  	[tilespmem:s29+$0x220] =	vst v11;
	v6 =	vld.idx.msk [tilespmem:v8+s3+$0x0], $0xffff  }
0x4b5: {  	[tilespmem:s31+$0xFFFFFD80] =	vst v12;
	v11 =	vld [tilespmem:s28+$0x120]  }
0x4b6: {  	v12 =	vld [tilespmem:s30+$0xFFFFFE80];
	[tilespmem:s29+$0xFFFFFCA0] =	vst v10  }
0x4b7: {  	[tilespmem:s25+$0xFFFFFE40] =	vst v13;
	v10 =	vld.idx.msk [tilespmem:v4+s13+$0x0], $0xffff  }
0x4b8: {  	[tilespmem:s31+$0x80] =	vst v14;
	v13 =	vld [tilespmem:s26+$0xFFFFFF40]  }
0x4b9: {  	v14 =	vld.idx.msk [tilespmem:v2+s13+$0x0], $0xffff;
	v9 =	vtrunc.f32 v9;
	[tilespmem:s24+$0x1F0] =	vst v6  }
0x4ba: {  	[tilespmem:s29+$0x120] =	vst v11;
	v6 =	vcvt.f32.s32 v9;
	v9 =	vld [tilespmem:s4+$0xF0]  }
0x4bb: {  	[tilespmem:s31+$0xFFFFFC80] =	vst v12;
	v3 =	vld.idx.msk [tilespmem:v3+s14+$0x0], $0xffff  }
0x4bc: {  	[tilespmem:s24+$0xFFFFFC60] =	vst v7;
	v11 =	vld.idx.msk [tilespmem:v5+s13+$0x0], $0xffff  }
0x4bd: {  	vm13 =	vgt.s32 v6, $0x0;
	[tilespmem:s29+$0xFFFFFE20] =	vst v10;
	v10 =	vld [tilespmem:s26+$0x50]  }
0x4be: {  	[tilespmem:s25+$0xFFFFFD40] =	vst v13;
	v6 =	vnsel vm13, $0x0, v6;
	v54 =	vld [tilespmem:s28+$0xFFFFFF20]  }
0x4bf: {  	[tilespmem:s31+$0x200] =	vst v14;
	v0 =	vld.idx.msk [tilespmem:v0+s14+$0x0], $0xffff;
	v6 =	vmin.u32 v6, $0xFF  }
0x4c0: {  	v14 =	vld [tilespmem:s30+$0x100];
	[tilespmem:s24+$0xF0] =	vst v9  }
0x4c1: {  	v1 =	vmin.u32 v1, $0xFF;
	[tilespmem:s29+$0x2A0] =	vst v3;
	v9 =	vld.idx.msk [tilespmem:v8+s13+$0x0], $0xffff  }
0x4c2: {  	[tilespmem:s31+$0xFFFFFE00] =	vst v11;
	v3 =	vld [tilespmem:s28+$0x1B0]  }
0x4c3: {  	[tilespmem:s25+$0x50] =	vst v10;
	v11 =	vld [tilespmem:s30+$0xFFFFFF00]  }
0x4c4: {  	[tilespmem:s29+$0xFFFFFD20] =	vst v54;
	v10 =	vld.idx.msk [tilespmem:v6+s3+$0x0], $0xffff  }
0x4c5: {  	[tilespmem:s25+$0xFFFFFEC0] =	vst v0;
	v4 =	vld.idx.msk [tilespmem:v4+s14+$0x0], $0xffff  }
0x4c6: {  	v7 =	vld.idx.msk [tilespmem:v1+s3+$0x0], $0xffff;
	[tilespmem:s31+$0x100] =	vst v14  }
0x4c7: {  	v2 =	vld.idx.msk [tilespmem:v2+s14+$0x0], $0xffff;
	[tilespmem:s24+$0x270] =	vst v9  }
0x4c8: {  	v3 =	vtrunc.f32 v3;
	v9 =	vld [tilespmem:s26+$0xFFFFFFD0];
	[tilespmem:s31+$0xFFFFFD00] =	vst v11  }
0x4c9: {  	v0 =	vld [tilespmem:s4+$0x170];
	v3 =	vcvt.f32.s32 v3;
	[tilespmem:s25+$0x1D0] =	vst v10  }
0x4ca: {  	[tilespmem:s29+$0xFFFFFEA0] =	vst v4;
	v4 =	vld.idx.msk [tilespmem:v5+s14+$0x0], $0xffff  }
0x4cb: {  	v10 =	vld [tilespmem:s26+$0xD0];
	vm14 =	vgt.s32 v3, $0x0  }
0x4cc: {  	[tilespmem:s31+$0x280] =	vst v2;
	v2 =	vnsel vm14, $0x0, v3;
	v3 =	vld [tilespmem:s28+$0x30]  }
0x4cd: {  	v11 =	vld [tilespmem:s30+$0x190];
	v2 =	vmin.u32 v2, $0xFF  }
0x4ce: {  	v5 =	vld [tilespmem:s28+$0xFFFFFFB0]  }
0x4cf: {  	v55 =	vld [tilespmem:s26+$0xFFFFFE50];
	v9 =	vtrunc.f32 v9;
	[tilespmem:s24+$0x170] =	vst v0  }
0x4d0: {  	v0 =	vld.idx.msk [tilespmem:v8+s14+$0x0], $0xffff;
	v8 =	vcvt.f32.s32 v9;
	[tilespmem:s25+$0xD0] =	vst v10  }
0x4d1: {  	v10 =	vld.idx.msk [tilespmem:v6+s13+$0x0], $0xffff;
	[tilespmem:s29+$0x30] =	vst v3  }
0x4d2: {  	[tilespmem:s24+$0xFFFFFDE0] =	vst v7;
	vm15 =	vgt.s32 v8, $0x0;
	v7 =	vtrunc.f32 v11;
	v3 =	vld.idx.msk [tilespmem:v2+s3+$0x0], $0xffff  }
0x4d3: {  	v56 =	vld [tilespmem:s30+$0x10];
	[tilespmem:s31+$0xFFFFFE80] =	vst v4;
	v5 =	vtrunc.f32 v5;
	v8 =	vnsel vm15, $0x0, v8;
	v7 =	vcvt.f32.s32 v7  }
0x4d4: {  	v5 =	vcvt.f32.s32 v5;
	v4 =	vmin.u32 v8, $0xFF;
	v8 =	vld [tilespmem:s30+$0xFFFFFF90]  }
0x4d5: {  	v11 =	vld [tilespmem:s4+$0xFFFFFEE0];
	vm4 =	vgt.s32 v7, $0x0  }
0x4d6: {  	v9 =	vld [tilespmem:s28+$0xFFFFFE30];
	vm5 =	vgt.s32 v5, $0x0;
	v7 =	vnsel vm4, $0x0, v7;
	[tilespmem:s25+$0x250] =	vst v10  }
0x4d7: {  	v5 =	vnsel vm5, $0x0, v5;
	v10 =	vld [tilespmem:s26+$0x150];
	[tilespmem:s29+$0x1B0] =	vst v3;
	v3 =	vmin.u32 v7, $0xFF  }
0x4d8: {  	[tilespmem:s25+$0xFFFFFC50] =	vst v55;
	v57 =	vld [tilespmem:s30+$0xFFFFFE10];
	v5 =	vmin.u32 v5, $0xFF  }
0x4d9: {  	[tilespmem:s31+$0x10] =	vst v56;
	v7 =	vld [tilespmem:s28+$0xB0];
	v8 =	vtrunc.f32 v8  }
0x4da: {  	[tilespmem:s24+$0xFFFFFCE0] =	vst v11;
	v11 =	vld.idx.msk [tilespmem:v4+s3+$0x0], $0xffff;
	v8 =	vcvt.f32.s32 v8  }
0x4db: {  	[tilespmem:s29+$0xFFFFFC30] =	vst v9;
	v58 =	vld.idx.msk [tilespmem:v1+s13+$0x0], $0xffff  }
0x4dc: {  	vm6 =	vgt.s32 v8, $0x0;
	[tilespmem:s25+$0x150] =	vst v10;
	v10 =	vld.idx.msk [tilespmem:v3+s3+$0x0], $0xffff  }
0x4dd: {  	[tilespmem:s31+$0xFFFFFC10] =	vst v57;
	v9 =	vld.idx.msk [tilespmem:v5+s3+$0x0], $0xffff;
	v8 =	vnsel vm6, $0x0, v8  }
0x4de: {  	v6 =	vld.idx.msk [tilespmem:v6+s14+$0x0], $0xffff;
	[tilespmem:s29+$0xB0] =	vst v7;
	v8 =	vmin.u32 v8, $0xFF  }
0x4df: {  	[tilespmem:s25+$0xFFFFFDD0] =	vst v11;
	v7 =	vld.idx.msk [tilespmem:v2+s13+$0x0], $0xffff  }
0x4e0: {  	[tilespmem:s24+$0xFFFFFE60] =	vst v58;
	v11 =	vld [tilespmem:s26+$0xFFFFFED0]  }
0x4e1: {  	v59 =	vld [tilespmem:s4+$0xFFFFFF60];
	[tilespmem:s31+$0x190] =	vst v10  }
0x4e2: {  	[tilespmem:s29+$0xFFFFFDB0] =	vst v9;
	v10 =	vld [tilespmem:s30+$0x90]  }
0x4e3: {  	[tilespmem:s25+$0x2D0] =	vst v6;
	v9 =	vld.idx.msk [tilespmem:v8+s3+$0x0], $0xffff  }
0x4e4: {  	v6 =	vld [tilespmem:s26+$0x1E0];
	[tilespmem:s29+$0x230] =	vst v7  }
0x4e5: {  	[tilespmem:s25+$0xFFFFFCD0] =	vst v11;
	v11 =	vld [tilespmem:s28+$0xFFFFFEB0]  }
0x4e6: {  	[tilespmem:s24+$0xFFFFFD60] =	vst v59;
	v7 =	vld [tilespmem:s28+$0x130]  }
0x4e7: {  	v1 =	vld.idx.msk [tilespmem:v1+s14+$0x0], $0xffff  }
0x4e8: {  	v60 =	vld.idx.msk [tilespmem:v4+s13+$0x0], $0xffff;
	[tilespmem:s31+$0x90] =	vst v10  }
0x4e9: {  	[tilespmem:s31+$0xFFFFFD90] =	vst v9;
	v6 =	vtrunc.f32 v6;
	v10 =	vld.idx.msk [tilespmem:v3+s13+$0x0], $0xffff  }
0x4ea: {  	[tilespmem:s29+$0xFFFFFCB0] =	vst v11;
	v9 =	vld [tilespmem:s30+$0xFFFFFE90];
	v6 =	vcvt.f32.s32 v6  }
0x4eb: {  	[tilespmem:s29+$0x130] =	vst v7;
	v11 =	vld.idx.msk [tilespmem:v5+s13+$0x0], $0xffff  }
0x4ec: {  	[tilespmem:s24+$0xFFFFFEE0] =	vst v1;
	v2 =	vld.idx.msk [tilespmem:v2+s14+$0x0], $0xffff;
	vm7 =	vgt.s32 v6, $0x0  }
0x4ed: {  	s0 =	simm.s32 $0x5500;
	v7 =	vld [tilespmem:s26+$0x60];
	[tilespmem:s25+$0xFFFFFE50] =	vst v60;
	v6 =	vnsel vm7, $0x0, v6  }
0x4ee: {  	v21 =	vld [tilespmem:s0+$0x180];
	v6 =	vmin.u32 v6, $0xFF;
	[tilespmem:s31+$0x210] =	vst v10  }
0x4ef: {  	v10 =	vld [tilespmem:s26+$0xFFFFFF50];
	[tilespmem:s31+$0xFFFFFC90] =	vst v9  }
0x4f0: {  	v1 =	vld.idx.msk [tilespmem:v8+s13+$0x0], $0xffff;
	[tilespmem:s29+$0xFFFFFE30] =	vst v11  }
0x4f1: {  	[tilespmem:s29+$0x2B0] =	vst v2;
	v11 =	vld [tilespmem:s28+$0xFFFFFF30]  }
0x4f2: {  	[tilespmem:s25+$0x60] =	vst v7;
	v2 =	vld [tilespmem:s28+$0x1C0]  }
0x4f3: {  	v7 =	vld.idx.msk [tilespmem:v6+s3+$0x0], $0xffff  }
0x4f4: {  	v61 =	vld [tilespmem:s30+$0x110]  }
0x4f5: {  	v9 =	vld [tilespmem:s4+$0xFFFFFFF0];
	[tilespmem:s25+$0xFFFFFD50] =	vst v10  }
0x4f6: {  	v10 =	vld [tilespmem:s4+$0xFFFFFE70];
	[tilespmem:s31+$0xFFFFFE10] =	vst v1  }
0x4f7: {  	v62 =	vld [tilespmem:s30+$0xFFFFFF10];
	[tilespmem:s29+$0xFFFFFD30] =	vst v11;
	v2 =	vtrunc.f32 v2  }
0x4f8: {  	v5 =	vld.idx.msk [tilespmem:v5+s14+$0x0], $0xffff;
	v2 =	vcvt.f32.s32 v2;
	[tilespmem:s25+$0x1E0] =	vst v7  }
0x4f9: {  	[tilespmem:s31+$0x110] =	vst v61;
	v7 =	vld [tilespmem:s26+$0xE0]  }
0x4fa: {  	v3 =	vld.idx.msk [tilespmem:v3+s14+$0x0], $0xffff;
	vm8 =	vgt.s32 v2, $0x0  }
0x4fb: {  	v1 =	vnsel vm8, $0x0, v2;
	v2 =	vld [tilespmem:s28+$0x40]  }
0x4fc: {  	v4 =	vld.idx.msk [tilespmem:v4+s14+$0x0], $0xffff;
	[tilespmem:s31+$0xFFFFFD10] =	vst v62;
	v11 =	vmin.u32 v1, $0xFF  }
0x4fd: {  	v8 =	vld.idx.msk [tilespmem:v8+s14+$0x0], $0xffff;
	[tilespmem:s29+$0xFFFFFEB0] =	vst v5  }
0x4fe: {  	v5 =	vld [tilespmem:s28+$0xFFFFFFC0];
	[tilespmem:s25+$0xE0] =	vst v7  }
0x4ff: {  	[tilespmem:s31+$0x290] =	vst v3;
	v3 =	vld.idx.msk [tilespmem:v6+s13+$0x0], $0xffff  }
0x500: {  	v1 =	vtrunc.f32 v9;
	v7 =	vld [tilespmem:s30+$0x1A0];
	[tilespmem:s29+$0x40] =	vst v2  }
0x501: {  	[tilespmem:s25+$0xFFFFFED0] =	vst v4;
	v1 =	vcvt.f32.s32 v1;
	v2 =	vld.idx.msk [tilespmem:v11+s3+$0x0], $0xffff  }
0x502: {  	v4 =	vld [tilespmem:s26+$0xFFFFFFE0]  }
0x503: {  	[tilespmem:s24+$0xFFFFFC70] =	vst v10;
	v9 =	vld [tilespmem:s26+$0xFFFFFE60];
	vm9 =	vgt.s32 v1, $0x0  }
0x504: {  	v20 =	vld [tilespmem:s30+$0x20];
	v1 =	vnsel vm9, $0x0, v1;
	[tilespmem:s25+$0x260] =	vst v3  }
0x505: {  	v1 =	vmin.u32 v1, $0xFF;
	[tilespmem:s31+$0xFFFFFE90] =	vst v8;
	v7 =	vtrunc.f32 v7;
	v10 =	vld [tilespmem:s26+$0x160]  }
0x506: {  	v8 =	vld [tilespmem:s30+$0xFFFFFFA0];
	v7 =	vcvt.f32.s32 v7;
	[tilespmem:s29+$0x1C0] =	vst v2;
	v2 =	vtrunc.f32 v5  }
0x507: {  	v5 =	vld [tilespmem:s28+$0xC0];
	v2 =	vcvt.f32.s32 v2  }
0x508: {  	v63 =	vld [tilespmem:s28+$0xFFFFFE40];
	vm10 =	vgt.s32 v7, $0x0  }
0x509: {  	v4 =	vtrunc.f32 v4;
	v22 =	vld [tilespmem:s30+$0xFFFFFE20];
	v7 =	vnsel vm10, $0x0, v7;
	vm11 =	vgt.s32 v2, $0x0  }
0x50a: {  	v4 =	vcvt.f32.s32 v4;
	v3 =	vld.idx.msk [tilespmem:v1+s3+$0x0], $0xffff;
	v7 =	vmin.u32 v7, $0xFF;
	v2 =	vnsel vm11, $0x0, v2;
	[tilespmem:s25+$0x160] =	vst v10  }
0x50b: {  	v15 =	vmin.u32 v2, $0xFF;
	v6 =	vld.idx.msk [tilespmem:v6+s14+$0x0], $0xffff  }
0x50c: {  	vm12 =	vgt.s32 v4, $0x0;
	v10 =	vld [tilespmem:s0+$0xFFFFFF80];
	v2 =	vtrunc.f32 v8;
	[tilespmem:s29+$0xC0] =	vst v5  }
0x50d: {  	v16 =	vcvt.f32.s32 v2;
	v2 =	vnsel vm12, $0x0, v4;
	v5 =	vld.idx.msk [tilespmem:v11+s13+$0x0], $0xffff  }
0x50e: {  	[tilespmem:s31+$0x20] =	vst v20;
	v8 =	vld [tilespmem:s0+$0xFFFFFE00];
	v2 =	vmin.u32 v2, $0xFF  }
0x50f: {  	[tilespmem:s29+$0xFFFFFC40] =	vst v63;
	v4 =	vtrunc.f32 v21;
	v13 =	vld.idx.msk [tilespmem:v7+s3+$0x0], $0xffff  }
0x510: {  	v4 =	vcvt.f32.s32 v4;
	vm13 =	vgt.s32 v16, $0x0;
	v24 =	vld.idx.msk [tilespmem:v15+s3+$0x0], $0xffff;
	[tilespmem:s25+$0x2E0] =	vst v6  }
0x511: {  	[tilespmem:s25+$0xFFFFFC60] =	vst v9;
	v23 =	vnsel vm13, $0x0, v16;
	v25 =	vld [tilespmem:s26+$0x1F0]  }
0x512: {  	vm14 =	vgt.s32 v4, $0x0;
	v10 =	vtrunc.f32 v10;
	v6 =	vmin.u32 v23, $0xFF;
	[tilespmem:s29+$0x240] =	vst v5;
	v5 =	vld [tilespmem:s0+$0x0]  }
0x513: {  	v4 =	vnsel vm14, $0x0, v4;
	v9 =	vcvt.f32.s32 v10;
	v26 =	vld.idx.msk [tilespmem:v2+s3+$0x0], $0xffff  }
0x514: {  	v4 =	vmin.u32 v4, $0xFF;
	v10 =	vld [tilespmem:s28+$0x140];
	[tilespmem:s31+$0x1A0] =	vst v13  }
0x515: {  	vm15 =	vgt.s32 v9, $0x0;
	v27 =	vld [tilespmem:s30+$0xA0]  }
0x516: {  	[tilespmem:s31+$0xFFFFFC20] =	vst v22;
	v30 =	vld [tilespmem:s26+$0x70];
	v9 =	vnsel vm15, $0x0, v9  }
0x517: {  	s15 =	simm.s32 $0x12700;
	[tilespmem:s29+$0xFFFFFDC0] =	vst v24;
	v9 =	vmin.u32 v9, $0xFF;
	v28 =	vld.idx.msk [tilespmem:v6+s3+$0x0], $0xffff  }
0x518: {  	v14 =	vtrunc.f32 v25;
	[tilespmem:s15+$0x0] =	vst v5;
	v5 =	vld [tilespmem:s28+$0xFFFFFEC0]  }
0x519: {  	v14 =	vcvt.f32.s32 v14;
	[tilespmem:s29+$0x140] =	vst v10;
	v10 =	vld.idx.msk [tilespmem:v4+s3+$0x0], $0xffff  }
0x51a: {  	v11 =	vld.idx.msk [tilespmem:v11+s14+$0x0], $0xffff;
	[tilespmem:s31+$0xA0] =	vst v27  }
0x51b: {  	[tilespmem:s15+$0xFFFFFC00] =	vst v8;
	vm4 =	vgt.s32 v14, $0x0;
	v8 =	vld.idx.msk [tilespmem:v7+s13+$0x0], $0xffff  }
0x51c: {  	v31 =	vld.idx.msk [tilespmem:v9+s3+$0x0], $0xffff;
	v29 =	vnsel vm4, $0x0, v14;
	[tilespmem:s31+$0xFFFFFDA0] =	vst v28  }
0x51d: {  	v12 =	vmin.u32 v29, $0xFF;
	[tilespmem:s29+$0xFFFFFCC0] =	vst v5;
	v5 =	vld [tilespmem:s30+$0xFFFFFEA0]  }
0x51e: {  	[tilespmem:s15+$0x180] =	vst v10;
	v10 =	vld.idx.msk [tilespmem:v15+s13+$0x0], $0xffff  }
0x51f: {  	v32 =	vld [tilespmem:s0+$0x80];
	[tilespmem:s29+$0x2C0] =	vst v11  }
0x520: {  	[tilespmem:s31+$0x220] =	vst v8;
	v8 =	vld [tilespmem:s28+$0x1D0]  }
0x521: {  	[tilespmem:s25+$0x70] =	vst v30;
	v33 =	vld [tilespmem:s30+$0x120]  }
0x522: {  	[tilespmem:s15+$0xFFFFFD80] =	vst v31;
	v11 =	vld.idx.msk [tilespmem:v12+s3+$0x0], $0xffff  }
0x523: {  	[tilespmem:s31+$0xFFFFFCA0] =	vst v5;
	v5 =	vld [tilespmem:s0+$0xFFFFFE80]  }
0x524: {  	v36 =	vld [tilespmem:s28+$0x50];
	[tilespmem:s29+$0xFFFFFE40] =	vst v10  }
0x525: {  	v34 =	vld.idx.msk [tilespmem:v6+s13+$0x0], $0xffff;
	[tilespmem:s15+$0x80] =	vst v32  }
0x526: {  	v10 =	vld.idx.msk [tilespmem:v4+s13+$0x0], $0xffff;
	[tilespmem:s31+$0x120] =	vst v33  }
0x527: {  	v8 =	vtrunc.f32 v8;
	[tilespmem:s25+$0x1F0] =	vst v11;
	v11 =	vld [tilespmem:s28+$0xFFFFFF40]  }
0x528: {  	v8 =	vcvt.f32.s32 v8;
	[tilespmem:s15+$0xFFFFFC80] =	vst v5;
	v5 =	vld.idx.msk [tilespmem:v7+s14+$0x0], $0xffff  }
0x529: {  	v35 =	vld [tilespmem:s26+$0xF0]  }
0x52a: {  	v7 =	vld.idx.msk [tilespmem:v9+s13+$0x0], $0xffff;
	vm5 =	vgt.s32 v8, $0x0;
	[tilespmem:s31+$0xFFFFFE20] =	vst v34  }
0x52b: {  	v8 =	vnsel vm5, $0x0, v8;
	[tilespmem:s15+$0x200] =	vst v10;
	v10 =	vld [tilespmem:s30+$0xFFFFFF20]  }
0x52c: {  	v8 =	vmin.u32 v8, $0xFF;
	v37 =	vld [tilespmem:s0+$0x100];
	[tilespmem:s29+$0xFFFFFD40] =	vst v11  }
0x52d: {  	[tilespmem:s31+$0x2A0] =	vst v5;
	v5 =	vld.idx.msk [tilespmem:v15+s14+$0x0], $0xffff  }
0x52e: {  	[tilespmem:s25+$0xF0] =	vst v35;
	v38 =	vld [tilespmem:s30+$0x1B0]  }
0x52f: {  	[tilespmem:s15+$0xFFFFFE00] =	vst v7;
	v11 =	vld.idx.msk [tilespmem:v12+s13+$0x0], $0xffff  }
0x530: {  	[tilespmem:s29+$0x50] =	vst v36;
	v39 =	vld [tilespmem:s0+$0xFFFFFF00]  }
0x531: {  	v7 =	vld.idx.msk [tilespmem:v8+s3+$0x0], $0xffff;
	[tilespmem:s31+$0xFFFFFD20] =	vst v10  }
0x532: {  	[tilespmem:s15+$0x100] =	vst v37;
	v6 =	vld.idx.msk [tilespmem:v6+s14+$0x0], $0xffff  }
0x533: {  	v4 =	vld.idx.msk [tilespmem:v4+s14+$0x0], $0xffff;
	[tilespmem:s29+$0xFFFFFEC0] =	vst v5  }
0x534: {  	v10 =	vtrunc.f32 v38;
	[tilespmem:s25+$0x270] =	vst v11;
	v11 =	vld [tilespmem:s28+$0xFFFFFFD0]  }
0x535: {  	v10 =	vcvt.f32.s32 v10;
	v40 =	vld [tilespmem:s28+$0xFFFFFE50]  }
0x536: {  	v5 =	vld [tilespmem:s26+$0x170];
	[tilespmem:s29+$0x1D0] =	vst v7  }
0x537: {  	vm6 =	vgt.s32 v10, $0x0;
	v7 =	vld [tilespmem:s28+$0xD0];
	[tilespmem:s31+$0xFFFFFEA0] =	vst v6  }
0x538: {  	[tilespmem:s15+$0x280] =	vst v4;
	v4 =	vnsel vm6, $0x0, v10;
	v10 =	vld [tilespmem:s30+$0x30]  }
0x539: {  	v6 =	vld [tilespmem:s30+$0xFFFFFFB0]  }
0x53a: {  	v41 =	vld [tilespmem:s30+$0xFFFFFE30]  }
0x53b: {  	v16 =	vld [tilespmem:s0+$0x190];
	v17 =	vmin.u32 v4, $0xFF  }
0x53c: {  	[tilespmem:s15+$0xFFFFFD00] =	vst v39;
	v43 =	vld [tilespmem:s0+$0x10]  }
0x53d: {  	[tilespmem:s25+$0x170] =	vst v5;
	v5 =	vld.idx.msk [tilespmem:v9+s14+$0x0], $0xffff  }
0x53e: {  	v4 =	vld.idx.msk [tilespmem:v12+s14+$0x0], $0xffff;
	[tilespmem:s29+$0xD0] =	vst v7;
	v7 =	vtrunc.f32 v11  }
0x53f: {  	[tilespmem:s31+$0x30] =	vst v10;
	v9 =	vld.idx.msk [tilespmem:v8+s13+$0x0], $0xffff;
	v7 =	vcvt.f32.s32 v7;
	v6 =	vtrunc.f32 v6  }
0x540: {  	[tilespmem:s25+$0xFFFFFDE0] =	vst v26;
	v10 =	vld.idx.msk [tilespmem:v17+s3+$0x0], $0xffff;
	v11 =	vtrunc.f32 v16;
	v6 =	vcvt.f32.s32 v6  }
0x541: {  	[tilespmem:s24+$0xFFFFFDF0] =	vst v3;
	vm7 =	vgt.s32 v7, $0x0;
	v3 =	vcvt.f32.s32 v11;
	v11 =	vld [tilespmem:s26+$0xFFFFFEE0]  }
0x542: {  	v7 =	vnsel vm7, $0x0, v7;
	[tilespmem:s15+$0xFFFFFE80] =	vst v5;
	v5 =	vld [tilespmem:s4+$0xFFFFFEF0];
	vm9 =	vgt.s32 v6, $0x0  }
0x543: {  	[tilespmem:s29+$0xFFFFFC50] =	vst v40;
	v7 =	vmin.u32 v7, $0xFF;
	v42 =	vld [tilespmem:s0+$0xFFFFFF90];
	vm8 =	vgt.s32 v3, $0x0;
	v6 =	vnsel vm9, $0x0, v6  }
0x544: {  	v44 =	vld [tilespmem:s0+$0xFFFFFE10];
	v3 =	vnsel vm8, $0x0, v3;
	[tilespmem:s29+$0x250] =	vst v9;
	v6 =	vmin.u32 v6, $0xFF  }
0x545: {  	v3 =	vmin.u32 v3, $0xFF;
	[tilespmem:s31+$0x1B0] =	vst v10;
	v9 =	vld [tilespmem:s28+$0x150]  }
0x546: {  	v10 =	vld [tilespmem:s30+$0xB0];
	[tilespmem:s25+$0xFFFFFCE0] =	vst v11  }
0x547: {  	[tilespmem:s31+$0xFFFFFC30] =	vst v41;
	v45 =	vld.idx.msk [tilespmem:v2+s13+$0x0], $0xffff  }
0x548: {  	[tilespmem:s15+$0x10] =	vst v43;
	v11 =	vld.idx.msk [tilespmem:v7+s3+$0x0], $0xffff  }
0x549: {  	[tilespmem:s24+$0xFFFFFCF0] =	vst v5;
	v5 =	vld.idx.msk [tilespmem:v6+s3+$0x0], $0xffff  }
0x54a: {  	[tilespmem:s29+$0x150] =	vst v9;
	v9 =	vld.idx.msk [tilespmem:v3+s3+$0x0], $0xffff  }
0x54b: {  	v13 =	vtrunc.f32 v42;
	[tilespmem:s31+$0xB0] =	vst v10;
	v8 =	vld.idx.msk [tilespmem:v8+s14+$0x0], $0xffff  }
0x54c: {  	v10 =	vcvt.f32.s32 v13;
	v46 =	vld.idx.msk [tilespmem:v17+s13+$0x0], $0xffff;
	[tilespmem:s25+$0xFFFFFE60] =	vst v45  }
0x54d: {  	[tilespmem:s29+$0xFFFFFDD0] =	vst v11;
	v11 =	vld.idx.msk [tilespmem:v1+s13+$0x0], $0xffff  }
0x54e: {  	vm10 =	vgt.s32 v10, $0x0;
	v47 =	vld [tilespmem:s28+$0xFFFFFED0];
	[tilespmem:s31+$0xFFFFFDB0] =	vst v5  }
0x54f: {  	v10 =	vnsel vm10, $0x0, v10;
	[tilespmem:s15+$0x190] =	vst v9;
	v9 =	vld [tilespmem:s26+$0xFFFFFF60]  }
0x550: {  	v10 =	vmin.u32 v10, $0xFF;
	v50 =	vld [tilespmem:s30+$0xFFFFFEB0]  }
0x551: {  	[tilespmem:s29+$0x2D0] =	vst v8;
	v8 =	vld [tilespmem:s0+$0x90]  }
0x552: {  	[tilespmem:s31+$0x230] =	vst v46;
	v48 =	vld [tilespmem:s28+$0x1E0]  }
0x553: {  	v49 =	vld [tilespmem:s30+$0x130];
	[tilespmem:s24+$0xFFFFFE70] =	vst v11  }
0x554: {  	[tilespmem:s15+$0xFFFFFC10] =	vst v44;
	v11 =	vld [tilespmem:s4+$0xFFFFFF70]  }
0x555: {  	[tilespmem:s29+$0xFFFFFCD0] =	vst v47;
	v5 =	vld.idx.msk [tilespmem:v10+s3+$0x0], $0xffff  }
0x556: {  	[tilespmem:s25+$0xFFFFFD60] =	vst v9;
	v9 =	vld.idx.msk [tilespmem:v7+s13+$0x0], $0xffff  }
0x557: {  	[tilespmem:s15+$0x90] =	vst v8;
	v51 =	vld.idx.msk [tilespmem:v2+s14+$0x0], $0xffff  }
0x558: {  	v8 =	vtrunc.f32 v48;
	v52 =	vld.idx.msk [tilespmem:v3+s13+$0x0], $0xffff;
	[tilespmem:s31+$0x130] =	vst v49  }
0x559: {  	[tilespmem:s31+$0xFFFFFCB0] =	vst v50;
	v2 =	vcvt.f32.s32 v8;
	v8 =	vld.idx.msk [tilespmem:v17+s14+$0x0], $0xffff  }
0x55a: {  	[tilespmem:s15+$0xFFFFFD90] =	vst v5;
	v5 =	vld [tilespmem:s28+$0x60]  }
0x55b: {  	vm11 =	vgt.s32 v2, $0x0;
	[tilespmem:s29+$0xFFFFFE50] =	vst v9;
	v9 =	vld.idx.msk [tilespmem:v6+s13+$0x0], $0xffff  }
0x55c: {  	v2 =	vnsel vm11, $0x0, v2;
	v53 =	vld [tilespmem:s0+$0xFFFFFE90]  }
0x55d: {  	v54 =	vld [tilespmem:s28+$0xFFFFFF50];
	[tilespmem:s25+$0xFFFFFEE0] =	vst v51;
	v2 =	vmin.u32 v2, $0xFF  }
0x55e: {  	[tilespmem:s15+$0x210] =	vst v52;
	v57 =	vld [tilespmem:s26+$0xFFFFFE70]  }
0x55f: {  	v15 =	vld [tilespmem:s0+$0x110];
	[tilespmem:s31+$0x2B0] =	vst v8  }
0x560: {  	v8 =	vld [tilespmem:s30+$0x1C0];
	[tilespmem:s29+$0x60] =	vst v5  }
0x561: {  	[tilespmem:s31+$0xFFFFFE30] =	vst v9;
	v9 =	vld [tilespmem:s26+$0xFFFFFFF0]  }
0x562: {  	v5 =	vld.idx.msk [tilespmem:v2+s3+$0x0], $0xffff  }
0x563: {  	[tilespmem:s15+$0xFFFFFC90] =	vst v53;
	v56 =	vld [tilespmem:s30+$0xFFFFFF30]  }
0x564: {  	[tilespmem:s29+$0xFFFFFD50] =	vst v54;
	v55 =	vld.idx.msk [tilespmem:v10+s13+$0x0], $0xffff  }
0x565: {  	v7 =	vld.idx.msk [tilespmem:v7+s14+$0x0], $0xffff;
	[tilespmem:s15+$0x110] =	vst v15  }
0x566: {  	[tilespmem:s24+$0x2F0] =	vst v0;
	v3 =	vld.idx.msk [tilespmem:v3+s14+$0x0], $0xffff;
	v8 =	vtrunc.f32 v8  }
0x567: {  	v8 =	vcvt.f32.s32 v8;
	[tilespmem:s29+$0x1E0] =	vst v5;
	v5 =	vtrunc.f32 v9;
	v9 =	vld [tilespmem:s30+$0x40]  }
0x568: {  	[tilespmem:s31+$0xFFFFFD30] =	vst v56;
	v58 =	vld [tilespmem:s28+$0xE0]  }
0x569: {  	[tilespmem:s15+$0xFFFFFE10] =	vst v55;
	v6 =	vld.idx.msk [tilespmem:v6+s14+$0x0], $0xffff;
	vm12 =	vgt.s32 v8, $0x0  }
0x56a: {  	[tilespmem:s29+$0xFFFFFED0] =	vst v7;
	v59 =	vld [tilespmem:s0+$0xFFFFFF10];
	v8 =	vnsel vm12, $0x0, v8  }
0x56b: {  	[tilespmem:s25+$0x2F0] =	vst v4;
	v60 =	vcvt.f32.s32 v5;
	v7 =	vld [tilespmem:s28+$0xFFFFFFE0];
	v5 =	vmin.u32 v8, $0xFF  }
0x56c: {  	[tilespmem:s15+$0x290] =	vst v3;
	v8 =	vld [tilespmem:s28+$0xFFFFFE60]  }
0x56d: {  	v61 =	vld [tilespmem:s0+$0x1A0];
	[tilespmem:s29+$0xE0] =	vst v58  }
0x56e: {  	vm13 =	vgt.s32 v60, $0x0;
	[tilespmem:s31+$0xFFFFFEB0] =	vst v6;
	v3 =	vld.idx.msk [tilespmem:v2+s13+$0x0], $0xffff  }
0x56f: {  	v0 =	vnsel vm13, $0x0, v60;
	[tilespmem:s31+$0x40] =	vst v9;
	v62 =	vld [tilespmem:s30+$0xFFFFFFC0]  }
0x570: {  	v0 =	vmin.u32 v0, $0xFF;
	[tilespmem:s15+$0xFFFFFD10] =	vst v59;
	v9 =	vld.idx.msk [tilespmem:v5+s3+$0x0], $0xffff  }
0x571: {  	[tilespmem:s24+$0xFFFFFD70] =	vst v11;
	v4 =	vtrunc.f32 v7;
	v10 =	vld.idx.msk [tilespmem:v10+s14+$0x0], $0xffff  }
0x572: {  	[tilespmem:s25+$0xFFFFFC70] =	vst v57;
	v63 =	vld [tilespmem:s30+$0xFFFFFE40];
	v11 =	vcvt.f32.s32 v4;
	v4 =	vtrunc.f32 v61  }
0x573: {  	v12 =	vcvt.f32.s32 v4;
	v4 =	vld.idx.msk [tilespmem:v1+s14+$0x0], $0xffff;
	[tilespmem:s29+$0x260] =	vst v3  }
0x574: {  	[tilespmem:s29+$0xFFFFFC60] =	vst v8;
	v6 =	vld [tilespmem:s28+$0x160]  }
0x575: {  	v3 =	vld.idx.msk [tilespmem:v0+s3+$0x0], $0xffff;
	[tilespmem:s31+$0x1C0] =	vst v9  }
0x576: {  	vm14 =	vgt.s32 v11, $0x0;
	v8 =	vtrunc.f32 v62;
	[tilespmem:s15+$0xFFFFFE90] =	vst v10;
	v7 =	vld [tilespmem:s30+$0xC0]  }
0x577: {  	v1 =	vnsel vm14, $0x0, v11;
	vm15 =	vgt.s32 v12, $0x0;
	v8 =	vcvt.f32.s32 v8;
	v10 =	vld [tilespmem:s0+$0xFFFFFFA0]  }
0x578: {  	s1 =	sor.u32 $0x1000, s1;
	s2 =	simm.s32 $0x8;
	s4 =	simm.s32 $0x5900;
	v1 =	vmin.u32 v1, $0xFF;
	[tilespmem:s31+$0xFFFFFC40] =	vst v63;
	v11 =	vnsel vm15, $0x0, v12;
	v9 =	vld [tilespmem:s0+$0x20]  }
.LBB2_7:
0x579: {  	v12 =	vld [tilespmem:s4+$0x180];
	v11 =	vmin.u32 v11, $0xFF;
	vm0 =	vgt.s32 v8, $0x0;
	[tilespmem:s29+$0x160] =	vst v6  }
0x57a: {  	v6 =	vnsel vm0, $0x0, v8;
	v8 =	vld.idx.msk [tilespmem:v2+s14+$0x0], $0xffff;
	[tilespmem:s25+$0xFFFFFDF0] =	vst v3  }
0x57b: {  	v3 =	vld [tilespmem:s4+$0xFFFFFF80];
	v2 =	vmin.u32 v6, $0xFF;
	[tilespmem:s31+$0xC0] =	vst v7  }
0x57c: {  	v6 =	vtrunc.f32 v10;
	v7 =	vld.idx.msk [tilespmem:v5+s13+$0x0], $0xffff;
	[tilespmem:s24+$0xFFFFFEF0] =	vst v4;
	s24 =	smov.u32 s25;
	s25 =	smov.u32 s29;
	s29 =	smov.u32 s31  }
0x57d: {  	s31 =	smov.u32 s15;
	v4 =	vld [tilespmem:s4+$0xFFFFFE00];
	v6 =	vcvt.f32.s32 v6;
	[tilespmem:s15+$0x20] =	vst v9  }
0x57e: {  	v9 =	vtrunc.f32 v12;
	v10 =	vld.idx.msk [tilespmem:v11+s3+$0x0], $0xffff  }
0x57f: {  	v9 =	vcvt.f32.s32 v9;
	vm0 =	vgt.s32 v6, $0x0;
	v12 =	vld [tilespmem:s0+$0xFFFFFE20]  }
0x580: {  	v3 =	vtrunc.f32 v3;
	v6 =	vnsel vm0, $0x0, v6;
	v13 =	vld.idx.msk [tilespmem:v2+s3+$0x0], $0xffff;
	[tilespmem:s25+$0x2E0] =	vst v8  }
0x581: {  	s2 =	sadd.s32 $0x2, s2;
	v3 =	vcvt.f32.s32 v3;
	vm0 =	vgt.s32 v9, $0x0;
	v6 =	vmin.u32 v6, $0xFF;
	v8 =	vld [tilespmem:s28+$0x1F0]  }
0x582: {  	p0 =	slt.u32 s2, $0x1E;
	v9 =	vnsel vm0, $0x0, v9;
	v14 =	vld [tilespmem:s4+$0x0];
	[tilespmem:s29+$0x240] =	vst v7  }
0x583: {  	vm0 =	vgt.s32 v3, $0x0;
	v7 =	vmin.u32 v9, $0xFF;
	v9 =	vld [tilespmem:s30+$0x140]  }
0x584: {  	v3 =	vnsel vm0, $0x0, v3;
	[tilespmem:s15+$0x1A0] =	vst v10;
	v10 =	vld.idx.msk [tilespmem:v1+s3+$0x0], $0xffff  }
0x585: {  	v3 =	vmin.u32 v3, $0xFF;
	[tilespmem:s15+$0xFFFFFC20] =	vst v12;
	v12 =	vld [tilespmem:s0+$0xA0]  }
0x586: {  	s15 =	sadd.s32 $0x800, s15;
	v15 =	vld.idx.msk [tilespmem:v6+s3+$0x0], $0xffff;
	[tilespmem:s29+$0xFFFFFDC0] =	vst v13;
	v8 =	vtrunc.f32 v8  }
0x587: {  	[tilespmem:s15+$0x0] =	vst v14;
	v13 =	vld [tilespmem:s30+$0xFFFFFEC0];
	v8 =	vcvt.f32.s32 v8  }
0x588: {  	v14 =	vld.idx.msk [tilespmem:v7+s3+$0x0], $0xffff;
	[tilespmem:s29+$0x140] =	vst v9  }
0x589: {  	[tilespmem:s15+$0xFFFFFC00] =	vst v4;
	v4 =	vld.idx.msk [tilespmem:v5+s14+$0x0], $0xffff;
	vm0 =	vgt.s32 v8, $0x0  }
0x58a: {  	[tilespmem:s31+$0xA0] =	vst v12;
	v5 =	vnsel vm0, $0x0, v8;
	v8 =	vld [tilespmem:s28+$0x70]  }
0x58b: {  	v9 =	vld.idx.msk [tilespmem:v11+s13+$0x0], $0xffff;
	[tilespmem:s25+$0xFFFFFDE0] =	vst v10;
	v5 =	vmin.u32 v5, $0xFF  }
0x58c: {  	v10 =	vld.idx.msk [tilespmem:v3+s3+$0x0], $0xffff;
	[tilespmem:s31+$0xFFFFFDA0] =	vst v15  }
0x58d: {  	v12 =	vld [tilespmem:s0+$0xFFFFFEA0];
	[tilespmem:s29+$0xFFFFFCC0] =	vst v13  }
0x58e: {  	[tilespmem:s15+$0x180] =	vst v14;
	v13 =	vld.idx.msk [tilespmem:v2+s13+$0x0], $0xffff  }
0x58f: {  	v14 =	vld [tilespmem:s4+$0x80];
	[tilespmem:s25+$0x70] =	vst v8  }
0x590: {  	[tilespmem:s29+$0x2C0] =	vst v4;
	v4 =	vld.idx.msk [tilespmem:v5+s3+$0x0], $0xffff  }
0x591: {  	[tilespmem:s31+$0x220] =	vst v9;
	v8 =	vld [tilespmem:s30+$0x1D0]  }
0x592: {  	[tilespmem:s15+$0xFFFFFD80] =	vst v10;
	v9 =	vld [tilespmem:s0+$0x120]  }
0x593: {  	v10 =	vld [tilespmem:s4+$0xFFFFFE80];
	[tilespmem:s31+$0xFFFFFCA0] =	vst v12  }
0x594: {  	[tilespmem:s15+$0x80] =	vst v14;
	v12 =	vld.idx.msk [tilespmem:v6+s13+$0x0], $0xffff  }
0x595: {  	v14 =	vld.idx.msk [tilespmem:v7+s13+$0x0], $0xffff;
	[tilespmem:s29+$0xFFFFFE40] =	vst v13  }
0x596: {  	v13 =	vld [tilespmem:s30+$0xFFFFFF40];
	v8 =	vtrunc.f32 v8;
	[tilespmem:s25+$0x1F0] =	vst v4  }
0x597: {  	[tilespmem:s31+$0x120] =	vst v9;
	v4 =	vcvt.f32.s32 v8;
	v8 =	vld [tilespmem:s28+$0xF0]  }
0x598: {  	[tilespmem:s15+$0xFFFFFC80] =	vst v10;
	v9 =	vld.idx.msk [tilespmem:v11+s14+$0x0], $0xffff  }
0x599: {  	v10 =	vld.idx.msk [tilespmem:v3+s13+$0x0], $0xffff;
	vm0 =	vgt.s32 v4, $0x0  }
0x59a: {  	[tilespmem:s31+$0xFFFFFE20] =	vst v12;
	v4 =	vnsel vm0, $0x0, v4;
	v11 =	vld [tilespmem:s30+$0x50]  }
0x59b: {  	[tilespmem:s15+$0x200] =	vst v14;
	v12 =	vld [tilespmem:s0+$0xFFFFFF20];
	v4 =	vmin.u32 v4, $0xFF  }
0x59c: {  	v14 =	vld [tilespmem:s4+$0x100];
	[tilespmem:s25+$0xF0] =	vst v8  }
0x59d: {  	[tilespmem:s29+$0xFFFFFD40] =	vst v13;
	v8 =	vld.idx.msk [tilespmem:v5+s13+$0x0], $0xffff  }
0x59e: {  	[tilespmem:s31+$0x2A0] =	vst v9;
	v2 =	vld.idx.msk [tilespmem:v2+s14+$0x0], $0xffff  }
0x59f: {  	v9 =	vld [tilespmem:s0+$0x1B0];
	[tilespmem:s29+$0x50] =	vst v11  }
0x5a0: {  	[tilespmem:s15+$0xFFFFFE00] =	vst v10;
	v10 =	vld.idx.msk [tilespmem:v4+s3+$0x0], $0xffff  }
0x5a1: {  	v11 =	vld [tilespmem:s4+$0xFFFFFF00];
	[tilespmem:s15+$0x100] =	vst v14  }
0x5a2: {  	v7 =	vld.idx.msk [tilespmem:v7+s14+$0x0], $0xffff;
	[tilespmem:s31+$0xFFFFFD20] =	vst v12  }
0x5a3: {  	v6 =	vld.idx.msk [tilespmem:v6+s14+$0x0], $0xffff;
	[tilespmem:s25+$0x270] =	vst v8  }
0x5a4: {  	v8 =	vtrunc.f32 v9;
	[tilespmem:s29+$0xFFFFFEC0] =	vst v2;
	v2 =	vld [tilespmem:s28+$0x170]  }
0x5a5: {  	v8 =	vcvt.f32.s32 v8;
	v9 =	vld [tilespmem:s30+$0xFFFFFFD0]  }
0x5a6: {  	v12 =	vld [tilespmem:s30+$0xFFFFFE50];
	[tilespmem:s29+$0x1D0] =	vst v10  }
0x5a7: {  	[tilespmem:s15+$0xFFFFFD00] =	vst v11;
	vm0 =	vgt.s32 v8, $0x0;
	v10 =	vld [tilespmem:s30+$0xD0]  }
0x5a8: {  	[tilespmem:s15+$0x280] =	vst v7;
	v7 =	vnsel vm0, $0x0, v8;
	v8 =	vld [tilespmem:s0+$0x30]  }
0x5a9: {  	v11 =	vld [tilespmem:s4+$0x190];
	v7 =	vmin.u32 v7, $0xFF;
	[tilespmem:s25+$0x170] =	vst v2  }
0x5aa: {  	[tilespmem:s31+$0xFFFFFEA0] =	vst v6;
	v2 =	vtrunc.f32 v9;
	v5 =	vld.idx.msk [tilespmem:v5+s14+$0x0], $0xffff  }
0x5ab: {  	v6 =	vld.idx.msk [tilespmem:v3+s14+$0x0], $0xffff;
	v2 =	vcvt.f32.s32 v2;
	[tilespmem:s29+$0xFFFFFC50] =	vst v12  }
0x5ac: {  	v9 =	vld [tilespmem:s0+$0xFFFFFFB0];
	[tilespmem:s29+$0xD0] =	vst v10  }
0x5ad: {  	[tilespmem:s31+$0x30] =	vst v8;
	vm0 =	vgt.s32 v2, $0x0;
	v8 =	vld.idx.msk [tilespmem:v4+s13+$0x0], $0xffff  }
0x5ae: {  	v10 =	vld.idx.msk [tilespmem:v7+s3+$0x0], $0xffff;
	v2 =	vnsel vm0, $0x0, v2  }
0x5af: {  	v11 =	vtrunc.f32 v11;
	v12 =	vld [tilespmem:s0+$0xFFFFFE30];
	v3 =	vmin.u32 v2, $0xFF  }
0x5b0: {  	v2 =	vcvt.f32.s32 v11;
	v11 =	vld [tilespmem:s28+$0xFFFFFEE0];
	[tilespmem:s25+$0x2F0] =	vst v5  }
0x5b1: {  	[tilespmem:s15+$0xFFFFFE80] =	vst v6;
	v5 =	vtrunc.f32 v9;
	v6 =	vld [tilespmem:s26+$0xFFFFFEF0]  }
0x5b2: {  	vm0 =	vgt.s32 v2, $0x0;
	v9 =	vld [tilespmem:s4+$0xFFFFFF90];
	v5 =	vcvt.f32.s32 v5  }
0x5b3: {  	v2 =	vnsel vm0, $0x0, v2;
	v13 =	vld [tilespmem:s4+$0x10];
	[tilespmem:s29+$0x250] =	vst v8  }
0x5b4: {  	v8 =	vmin.u32 v2, $0xFF;
	vm0 =	vgt.s32 v5, $0x0;
	[tilespmem:s31+$0x1B0] =	vst v10;
	v2 =	vld [tilespmem:s30+$0x150]  }
0x5b5: {  	v5 =	vnsel vm0, $0x0, v5;
	[tilespmem:s31+$0xFFFFFC30] =	vst v12;
	v10 =	vld [tilespmem:s0+$0xB0]  }
0x5b6: {  	v12 =	vld [tilespmem:s4+$0xFFFFFE10];
	v5 =	vmin.u32 v5, $0xFF;
	[tilespmem:s25+$0xFFFFFCE0] =	vst v11  }
0x5b7: {  	v9 =	vtrunc.f32 v9;
	v11 =	vld.idx.msk [tilespmem:v3+s3+$0x0], $0xffff;
	[tilespmem:s24+$0xFFFFFCF0] =	vst v6  }
0x5b8: {  	v6 =	vcvt.f32.s32 v9;
	[tilespmem:s15+$0x10] =	vst v13;
	v9 =	vld.idx.msk [tilespmem:v1+s13+$0x0], $0xffff  }
0x5b9: {  	v13 =	vld.idx.msk [tilespmem:v8+s3+$0x0], $0xffff;
	[tilespmem:s29+$0x150] =	vst v2  }
0x5ba: {  	vm0 =	vgt.s32 v6, $0x0;
	[tilespmem:s31+$0xB0] =	vst v10;
	v2 =	vld.idx.msk [tilespmem:v4+s14+$0x0], $0xffff  }
0x5bb: {  	v4 =	vnsel vm0, $0x0, v6;
	[tilespmem:s15+$0xFFFFFC10] =	vst v12;
	v6 =	vld.idx.msk [tilespmem:v7+s13+$0x0], $0xffff  }
0x5bc: {  	v4 =	vmin.u32 v4, $0xFF;
	v10 =	vld.idx.msk [tilespmem:v5+s3+$0x0], $0xffff  }
0x5bd: {  	[tilespmem:s29+$0xFFFFFDD0] =	vst v11;
	v11 =	vld.idx.msk [tilespmem:v0+s13+$0x0], $0xffff  }
0x5be: {  	v12 =	vld [tilespmem:s30+$0xFFFFFED0];
	[tilespmem:s25+$0xFFFFFE60] =	vst v9  }
0x5bf: {  	[tilespmem:s15+$0x190] =	vst v13;
	v9 =	vld [tilespmem:s28+$0xFFFFFF60]  }
0x5c0: {  	v13 =	vld [tilespmem:s4+$0x90];
	[tilespmem:s29+$0x2D0] =	vst v2  }
0x5c1: {  	[tilespmem:s31+$0x230] =	vst v6;
	v2 =	vld [tilespmem:s30+$0x1E0]  }
0x5c2: {  	[tilespmem:s31+$0xFFFFFDB0] =	vst v10;
	v6 =	vld [tilespmem:s0+$0x130]  }
0x5c3: {  	v10 =	vld.idx.msk [tilespmem:v4+s3+$0x0], $0xffff;
	[tilespmem:s29+$0xFFFFFCD0] =	vst v12  }
0x5c4: {  	v12 =	vld [tilespmem:s0+$0xFFFFFEB0];
	[tilespmem:s25+$0xFFFFFD60] =	vst v9  }
0x5c5: {  	v9 =	vld.idx.msk [tilespmem:v3+s13+$0x0], $0xffff;
	[tilespmem:s24+$0xFFFFFE70] =	vst v11  }
0x5c6: {  	[tilespmem:s15+$0x90] =	vst v13;
	v2 =	vtrunc.f32 v2;
	v1 =	vld.idx.msk [tilespmem:v1+s14+$0x0], $0xffff  }
0x5c7: {  	v11 =	vld.idx.msk [tilespmem:v8+s13+$0x0], $0xffff;
	[tilespmem:s31+$0x130] =	vst v6;
	v2 =	vcvt.f32.s32 v2  }
0x5c8: {  	v6 =	vld.idx.msk [tilespmem:v7+s14+$0x0], $0xffff  }
0x5c9: {  	[tilespmem:s15+$0xFFFFFD90] =	vst v10;
	vm0 =	vgt.s32 v2, $0x0;
	v7 =	vld [tilespmem:s26+$0xFFFFFF70];
	s26 =	smov.u32 s28;
	s28 =	smov.u32 s30;
	s30 =	smov.u32 s0  }
0x5ca: {  	s0 =	smov.u32 s4;
	[tilespmem:s31+$0xFFFFFCB0] =	vst v12;
	v2 =	vnsel vm0, $0x0, v2;
	v10 =	vld [tilespmem:s28+$0x60]  }
0x5cb: {  	v12 =	vld [tilespmem:s4+$0xFFFFFE90];
	[tilespmem:s29+$0xFFFFFE50] =	vst v9;
	v2 =	vmin.u32 v2, $0xFF  }
0x5cc: {  	v9 =	vld.idx.msk [tilespmem:v5+s13+$0x0], $0xffff;
	[tilespmem:s25+$0xFFFFFEE0] =	vst v1  }
0x5cd: {  	[tilespmem:s15+$0x210] =	vst v11;
	v1 =	vld [tilespmem:s28+$0xFFFFFF50]  }
0x5ce: {  	v11 =	vld [tilespmem:s4+$0x110];
	[tilespmem:s31+$0x2B0] =	vst v6  }
0x5cf: {  	v6 =	vld [tilespmem:s30+$0x1C0];
	[tilespmem:s29+$0x60] =	vst v10  }
0x5d0: {  	[tilespmem:s15+$0xFFFFFC90] =	vst v12;
	v10 =	vld.idx.msk [tilespmem:v2+s3+$0x0], $0xffff  }
0x5d1: {  	v12 =	vld.idx.msk [tilespmem:v4+s13+$0x0], $0xffff;
	[tilespmem:s24+$0xFFFFFD70] =	vst v7  }
0x5d2: {  	[tilespmem:s31+$0xFFFFFE30] =	vst v9;
	v7 =	vld [tilespmem:s26+$0xFFFFFFF0]  }
0x5d3: {  	v9 =	vld [tilespmem:s30+$0xFFFFFF30];
	[tilespmem:s29+$0xFFFFFD50] =	vst v1  }
0x5d4: {  	v1 =	vld.idx.msk [tilespmem:v3+s14+$0x0], $0xffff  }
0x5d5: {  	v3 =	vtrunc.f32 v6;
	[tilespmem:s15+$0x110] =	vst v11;
	v6 =	vld [tilespmem:s26+$0xFFFFFE70]  }
0x5d6: {  	v3 =	vcvt.f32.s32 v3;
	v8 =	vld.idx.msk [tilespmem:v8+s14+$0x0], $0xffff;
	[tilespmem:s29+$0x1E0] =	vst v10  }
0x5d7: {  	[tilespmem:s15+$0xFFFFFE10] =	vst v12;
	v10 =	vld [tilespmem:s28+$0xE0];
	v7 =	vtrunc.f32 v7  }
0x5d8: {  	vm0 =	vgt.s32 v3, $0x0;
	v11 =	vld [tilespmem:s4+$0xFFFFFF10];
	[tilespmem:s31+$0xFFFFFD30] =	vst v9;
	v7 =	vcvt.f32.s32 v7  }
0x5d9: {  	v3 =	vnsel vm0, $0x0, v3;
	v9 =	vld [tilespmem:s30+$0x40]  }
0x5da: {  	v12 =	vld.idx.msk [tilespmem:v5+s14+$0x0], $0xffff;
	v5 =	vmin.u32 v3, $0xFF;
	[tilespmem:s29+$0xFFFFFED0] =	vst v1;
	vm0 =	vgt.s32 v7, $0x0  }
0x5db: {  	v1 =	vld [tilespmem:s28+$0xFFFFFFE0];
	v3 =	vnsel vm0, $0x0, v7;
	[tilespmem:s25+$0xFFFFFC70] =	vst v6  }
0x5dc: {  	v6 =	vld [tilespmem:s28+$0xFFFFFE60];
	[tilespmem:s29+$0xE0] =	vst v10;
	v7 =	vmin.u32 v3, $0xFF  }
0x5dd: {  	[tilespmem:s15+$0x290] =	vst v8;
	v3 =	vld.idx.msk [tilespmem:v2+s13+$0x0], $0xffff  }
0x5de: {  	v8 =	vld [tilespmem:s4+$0x1A0];
	[tilespmem:s31+$0x40] =	vst v9  }
0x5df: {  	[tilespmem:s15+$0xFFFFFD10] =	vst v11;
	v9 =	vld.idx.msk [tilespmem:v5+s3+$0x0], $0xffff  }
0x5e0: {  	v10 =	vld.idx.msk [tilespmem:v4+s14+$0x0], $0xffff;
	[tilespmem:s31+$0xFFFFFEB0] =	vst v12;
	v1 =	vtrunc.f32 v1  }
0x5e1: {  	v11 =	vld [tilespmem:s30+$0xFFFFFFC0];
	v1 =	vcvt.f32.s32 v1;
	[tilespmem:s29+$0xFFFFFC60] =	vst v6  }
0x5e2: {  	v12 =	vld [tilespmem:s30+$0xFFFFFE40]  }
0x5e3: {  	vm0 =	vgt.s32 v1, $0x0;
	[tilespmem:s29+$0x260] =	vst v3;
	v3 =	vld.idx.msk [tilespmem:v7+s3+$0x0], $0xffff  }
.Ltmp4:
0x5e4: {  	v4 =	vtrunc.f32 v8;
	v1 =	vnsel vm0, $0x0, v1;
	v6 =	vld [tilespmem:s28+$0x160];
	(pc) =	sbr.rel @p0 .LBB2_7-.Ltmp4, $4  }
0x5e5: {  	v13 =	vcvt.f32.s32 v4;
	[tilespmem:s31+$0x1C0] =	vst v9;
	v1 =	vmin.u32 v1, $0xFF;
	v4 =	vld.idx.msk [tilespmem:v0+s14+$0x0], $0xffff;
	v0 =	vmov v7  }
0x5e6: {  	[tilespmem:s15+$0xFFFFFE90] =	vst v10;
	v8 =	vtrunc.f32 v11;
	v7 =	vld [tilespmem:s30+$0xC0]  }
0x5e7: {  	vm0 =	vgt.s32 v13, $0x0;
	v10 =	vld [tilespmem:s4+$0xFFFFFFA0];
	v8 =	vcvt.f32.s32 v8;
	[tilespmem:s31+$0xFFFFFC40] =	vst v12  }
0x5e8: {  	v11 =	vnsel vm0, $0x0, v13;
	s4 =	sadd.s32 $0x400, s4;
	v9 =	vld [tilespmem:s0+$0x20]  }
0x5e9: {  	_ =	sdelay $0x2  }
0x5ea: {  	v10 =	vtrunc.f32 v10  }
0x5eb: {  	v10 =	vcvt.f32.s32 v10;
	_ =	sdelay $0x1  }
0x5ec: {  	vm0 =	vgt.s32 v10, $0x0  }
0x5ed: {  	v11 =	vmin.u32 v11, $0xFF;
	v12 =	vld [tilespmem:s0+$0xFFFFFE20];
	v10 =	vnsel vm0, $0x0, v10  }
0x5ee: {  	v10 =	vmin.u32 v10, $0xFF;
	_ =	sdelay $0x2  }
0x5ef: {  	[tilespmem:s15+$0x20] =	vst v9  }
0x5f0: {  	v9 =	vld.idx.msk [tilespmem:v11+s3+$0x0], $0xffff;
	[tilespmem:s15+$0xFFFFFC20] =	vst v12  }
0x5f1: {  	v12 =	vld.idx.msk [tilespmem:v10+s3+$0x0], $0xffff;
	_ =	sdelay $0x3  }
0x5f2: {  	[tilespmem:s15+$0x1A0] =	vst v9  }
0x5f3: {  	v9 =	vld [tilespmem:s0+$0xA0];
	[tilespmem:s15+$0xFFFFFDA0] =	vst v12  }
0x5f4: {  	v12 =	vld [tilespmem:s0+$0xFFFFFEA0];
	_ =	sdelay $0x3  }
0x5f5: {  	[tilespmem:s15+$0xA0] =	vst v9  }
0x5f6: {  	v9 =	vld.idx.msk [tilespmem:v11+s13+$0x0], $0xffff;
	[tilespmem:s15+$0xFFFFFCA0] =	vst v12  }
0x5f7: {  	v12 =	vld.idx.msk [tilespmem:v10+s13+$0x0], $0xffff;
	_ =	sdelay $0x3  }
0x5f8: {  	[tilespmem:s15+$0x220] =	vst v9  }
0x5f9: {  	v9 =	vld [tilespmem:s0+$0x120];
	[tilespmem:s15+$0xFFFFFE20] =	vst v12  }
0x5fa: {  	v12 =	vld [tilespmem:s0+$0xFFFFFF20];
	_ =	sdelay $0x3  }
0x5fb: {  	[tilespmem:s15+$0x120] =	vst v9  }
0x5fc: {  	v9 =	vld.idx.msk [tilespmem:v11+s14+$0x0], $0xffff;
	[tilespmem:s15+$0xFFFFFD20] =	vst v12  }
0x5fd: {  	v10 =	vld.idx.msk [tilespmem:v10+s14+$0x0], $0xffff;
	_ =	sdelay $0x3  }
0x5fe: {  	[tilespmem:s15+$0x2A0] =	vst v9  }
0x5ff: {  	v9 =	vld [tilespmem:s0+$0x1B0];
	[tilespmem:s15+$0xFFFFFEA0] =	vst v10  }
0x600: {  	v10 =	vld [tilespmem:s0+$0xFFFFFFB0];
	_ =	sdelay $0x3  }
0x601: {  	v9 =	vtrunc.f32 v9  }
0x602: {  	v9 =	vcvt.f32.s32 v9;
	v10 =	vtrunc.f32 v10  }
0x603: {  	v10 =	vcvt.f32.s32 v10  }
0x604: {  	vm9 =	vgt.s32 v9, $0x0  }
0x605: {  	v63 =	vld [tilespmem:s0+$0x30];
	v9 =	vnsel vm9, $0x0, v9;
	vm10 =	vgt.s32 v10, $0x0  }
0x606: {  	v12 =	vld [tilespmem:s0+$0xFFFFFE30];
	v9 =	vmin.u32 v9, $0xFF;
	v10 =	vnsel vm10, $0x0, v10  }
0x607: {  	v10 =	vmin.u32 v10, $0xFF;
	_ =	sdelay $0x2  }
0x608: {  	[tilespmem:s15+$0x30] =	vst v63  }
0x609: {  	[tilespmem:s15+$0xFFFFFC30] =	vst v12;
	v11 =	vld.idx.msk [tilespmem:v9+s3+$0x0], $0xffff  }
0x60a: {  	v12 =	vld.idx.msk [tilespmem:v10+s3+$0x0], $0xffff;
	_ =	sdelay $0x3  }
0x60b: {  	[tilespmem:s15+$0x1B0] =	vst v11  }
0x60c: {  	v11 =	vld [tilespmem:s0+$0xB0];
	[tilespmem:s15+$0xFFFFFDB0] =	vst v12  }
0x60d: {  	v12 =	vld [tilespmem:s0+$0xFFFFFEB0];
	_ =	sdelay $0x3  }
0x60e: {  	[tilespmem:s15+$0xB0] =	vst v11  }
0x60f: {  	v11 =	vld.idx.msk [tilespmem:v9+s13+$0x0], $0xffff;
	[tilespmem:s15+$0xFFFFFCB0] =	vst v12  }
0x610: {  	v12 =	vld.idx.msk [tilespmem:v10+s13+$0x0], $0xffff;
	_ =	sdelay $0x3  }
0x611: {  	[tilespmem:s15+$0x230] =	vst v11  }
0x612: {  	v11 =	vld [tilespmem:s0+$0x130];
	[tilespmem:s15+$0xFFFFFE30] =	vst v12  }
0x613: {  	v12 =	vld [tilespmem:s0+$0xFFFFFF30];
	_ =	sdelay $0x3  }
0x614: {  	[tilespmem:s15+$0x130] =	vst v11  }
0x615: {  	v9 =	vld.idx.msk [tilespmem:v9+s14+$0x0], $0xffff;
	[tilespmem:s15+$0xFFFFFD30] =	vst v12  }
0x616: {  	v10 =	vld.idx.msk [tilespmem:v10+s14+$0x0], $0xffff;
	_ =	sdelay $0x3  }
0x617: {  	[tilespmem:s15+$0x2B0] =	vst v9  }
0x618: {  	v9 =	vld [tilespmem:s0+$0x1C0];
	[tilespmem:s15+$0xFFFFFEB0] =	vst v10  }
0x619: {  	v10 =	vld [tilespmem:s0+$0xFFFFFFC0];
	_ =	sdelay $0x3  }
0x61a: {  	v9 =	vtrunc.f32 v9  }
0x61b: {  	v9 =	vcvt.f32.s32 v9;
	v10 =	vtrunc.f32 v10  }
0x61c: {  	vm12 =	vgt.s32 v8, $0x0;
	v10 =	vcvt.f32.s32 v10  }
0x61d: {  	v8 =	vnsel vm12, $0x0, v8;
	vm11 =	vgt.s32 v9, $0x0  }
0x61e: {  	v8 =	vmin.u32 v8, $0xFF;
	v11 =	vld [tilespmem:s0+$0x40];
	v9 =	vnsel vm11, $0x0, v9;
	vm13 =	vgt.s32 v10, $0x0  }
0x61f: {  	v12 =	vld [tilespmem:s0+$0xFFFFFE40];
	v9 =	vmin.u32 v9, $0xFF;
	v10 =	vnsel vm13, $0x0, v10  }
0x620: {  	v10 =	vmin.u32 v10, $0xFF;
	_ =	sdelay $0x2  }
0x621: {  	v13 =	vld.idx.msk [tilespmem:v8+s3+$0x0], $0xffff;
	[tilespmem:s15+$0x40] =	vst v11  }
0x622: {  	[tilespmem:s15+$0xFFFFFC40] =	vst v12;
	v11 =	vld.idx.msk [tilespmem:v9+s3+$0x0], $0xffff  }
0x623: {  	v12 =	vld.idx.msk [tilespmem:v10+s3+$0x0], $0xffff;
	_ =	sdelay $0x2  }
0x624: {  	[tilespmem:s31+$0xFFFFFDC0] =	vst v13  }
0x625: {  	v13 =	vld [tilespmem:s30+$0xFFFFFEC0];
	[tilespmem:s15+$0x1C0] =	vst v11  }
0x626: {  	v11 =	vld [tilespmem:s0+$0xC0];
	[tilespmem:s15+$0xFFFFFDC0] =	vst v12  }
0x627: {  	v12 =	vld [tilespmem:s0+$0xFFFFFEC0];
	_ =	sdelay $0x1  }
0x628: {  	[tilespmem:s31+$0xC0] =	vst v7  }
0x629: {  	v7 =	vld.idx.msk [tilespmem:v5+s13+$0x0], $0xffff;
	[tilespmem:s31+$0xFFFFFCC0] =	vst v13  }
0x62a: {  	v13 =	vld.idx.msk [tilespmem:v8+s13+$0x0], $0xffff;
	[tilespmem:s15+$0xC0] =	vst v11  }
0x62b: {  	v11 =	vld.idx.msk [tilespmem:v9+s13+$0x0], $0xffff;
	[tilespmem:s15+$0xFFFFFCC0] =	vst v12  }
0x62c: {  	v12 =	vld.idx.msk [tilespmem:v10+s13+$0x0], $0xffff;
	_ =	sdelay $0x1  }
0x62d: {  	[tilespmem:s31+$0x240] =	vst v7  }
0x62e: {  	v7 =	vld [tilespmem:s30+$0x140];
	[tilespmem:s31+$0xFFFFFE40] =	vst v13  }
0x62f: {  	v13 =	vld [tilespmem:s30+$0xFFFFFF40];
	[tilespmem:s15+$0x240] =	vst v11  }
0x630: {  	v11 =	vld [tilespmem:s0+$0x140];
	[tilespmem:s15+$0xFFFFFE40] =	vst v12  }
0x631: {  	v12 =	vld [tilespmem:s0+$0xFFFFFF40];
	_ =	sdelay $0x1  }
0x632: {  	[tilespmem:s31+$0x140] =	vst v7  }
0x633: {  	v16 =	vld.idx.msk [tilespmem:v5+s14+$0x0], $0xffff;
	[tilespmem:s31+$0xFFFFFD40] =	vst v13  }
0x634: {  	v8 =	vld.idx.msk [tilespmem:v8+s14+$0x0], $0xffff;
	[tilespmem:s15+$0x140] =	vst v11  }
0x635: {  	v17 =	vld.idx.msk [tilespmem:v9+s14+$0x0], $0xffff;
	[tilespmem:s15+$0xFFFFFD40] =	vst v12  }
0x636: {  	v18 =	vld.idx.msk [tilespmem:v10+s14+$0x0], $0xffff;
	_ =	sdelay $0x1  }
0x637: {  	[tilespmem:s31+$0x2C0] =	vst v16  }
0x638: {  	v5 =	vld [tilespmem:s30+$0x1D0];
	[tilespmem:s31+$0xFFFFFEC0] =	vst v8  }
0x639: {  	v8 =	vld [tilespmem:s30+$0xFFFFFFD0];
	[tilespmem:s15+$0x2C0] =	vst v17  }
0x63a: {  	v7 =	vld [tilespmem:s0+$0x1D0];
	[tilespmem:s15+$0xFFFFFEC0] =	vst v18  }
0x63b: {  	v9 =	vld [tilespmem:s0+$0xFFFFFFD0];
	_ =	sdelay $0x1  }
0x63c: {  	v5 =	vtrunc.f32 v5  }
0x63d: {  	v5 =	vcvt.f32.s32 v5;
	v8 =	vtrunc.f32 v8  }
0x63e: {  	v8 =	vcvt.f32.s32 v8;
	v7 =	vtrunc.f32 v7  }
0x63f: {  	vm14 =	vgt.s32 v5, $0x0;
	v7 =	vcvt.f32.s32 v7;
	v9 =	vtrunc.f32 v9  }
0x640: {  	v19 =	vld [tilespmem:s30+$0x50];
	v5 =	vnsel vm14, $0x0, v5;
	vm4 =	vgt.s32 v8, $0x0;
	v9 =	vcvt.f32.s32 v9  }
0x641: {  	v5 =	vmin.u32 v5, $0xFF;
	v20 =	vld [tilespmem:s30+$0xFFFFFE50];
	v8 =	vnsel vm4, $0x0, v8;
	vm15 =	vgt.s32 v7, $0x0  }
0x642: {  	v8 =	vmin.u32 v8, $0xFF;
	v11 =	vld [tilespmem:s0+$0x50];
	v7 =	vnsel vm15, $0x0, v7;
	vm5 =	vgt.s32 v9, $0x0  }
0x643: {  	v21 =	vld [tilespmem:s0+$0xFFFFFE50];
	v7 =	vmin.u32 v7, $0xFF;
	v9 =	vnsel vm5, $0x0, v9  }
0x644: {  	v9 =	vmin.u32 v9, $0xFF  }
0x645: {  	[tilespmem:s31+$0x50] =	vst v19  }
0x646: {  	[tilespmem:s31+$0xFFFFFC50] =	vst v20;
	v10 =	vld.idx.msk [tilespmem:v5+s3+$0x0], $0xffff  }
0x647: {  	v12 =	vld.idx.msk [tilespmem:v8+s3+$0x0], $0xffff;
	[tilespmem:s15+$0x50] =	vst v11  }
0x648: {  	[tilespmem:s15+$0xFFFFFC50] =	vst v21;
	v11 =	vld.idx.msk [tilespmem:v7+s3+$0x0], $0xffff  }
0x649: {  	v13 =	vld.idx.msk [tilespmem:v9+s3+$0x0], $0xffff;
	_ =	sdelay $0x1  }
0x64a: {  	[tilespmem:s31+$0x1D0] =	vst v10  }
0x64b: {  	[tilespmem:s31+$0xFFFFFDD0] =	vst v12;
	v10 =	vld [tilespmem:s30+$0xD0]  }
0x64c: {  	v12 =	vld [tilespmem:s30+$0xFFFFFED0];
	[tilespmem:s15+$0x1D0] =	vst v11  }
0x64d: {  	v11 =	vld [tilespmem:s0+$0xD0];
	[tilespmem:s15+$0xFFFFFDD0] =	vst v13  }
0x64e: {  	v13 =	vld [tilespmem:s0+$0xFFFFFED0];
	_ =	sdelay $0x1  }
0x64f: {  	[tilespmem:s31+$0xD0] =	vst v10  }
0x650: {  	[tilespmem:s31+$0xFFFFFCD0] =	vst v12;
	v10 =	vld.idx.msk [tilespmem:v5+s13+$0x0], $0xffff  }
0x651: {  	v12 =	vld.idx.msk [tilespmem:v8+s13+$0x0], $0xffff;
	[tilespmem:s15+$0xD0] =	vst v11  }
0x652: {  	v11 =	vld.idx.msk [tilespmem:v7+s13+$0x0], $0xffff;
	[tilespmem:s15+$0xFFFFFCD0] =	vst v13  }
0x653: {  	v13 =	vld.idx.msk [tilespmem:v9+s13+$0x0], $0xffff;
	_ =	sdelay $0x1  }
0x654: {  	[tilespmem:s31+$0x250] =	vst v10  }
0x655: {  	[tilespmem:s31+$0xFFFFFE50] =	vst v12;
	v10 =	vld [tilespmem:s30+$0x150]  }
0x656: {  	v12 =	vld [tilespmem:s30+$0xFFFFFF50];
	[tilespmem:s15+$0x250] =	vst v11  }
0x657: {  	v11 =	vld [tilespmem:s0+$0x150];
	[tilespmem:s15+$0xFFFFFE50] =	vst v13  }
0x658: {  	v13 =	vld [tilespmem:s0+$0xFFFFFF50];
	_ =	sdelay $0x1  }
0x659: {  	[tilespmem:s31+$0x150] =	vst v10  }
0x65a: {  	[tilespmem:s31+$0xFFFFFD50] =	vst v12;
	v5 =	vld.idx.msk [tilespmem:v5+s14+$0x0], $0xffff  }
0x65b: {  	v8 =	vld.idx.msk [tilespmem:v8+s14+$0x0], $0xffff;
	[tilespmem:s15+$0x150] =	vst v11  }
0x65c: {  	v7 =	vld.idx.msk [tilespmem:v7+s14+$0x0], $0xffff;
	[tilespmem:s15+$0xFFFFFD50] =	vst v13  }
0x65d: {  	v9 =	vld.idx.msk [tilespmem:v9+s14+$0x0], $0xffff;
	_ =	sdelay $0x1  }
0x65e: {  	[tilespmem:s31+$0x2D0] =	vst v5  }
0x65f: {  	[tilespmem:s31+$0xFFFFFED0] =	vst v8;
	v5 =	vld [tilespmem:s30+$0x1E0]  }
0x660: {  	v8 =	vld [tilespmem:s30+$0xFFFFFFE0];
	[tilespmem:s15+$0x2D0] =	vst v7  }
0x661: {  	v7 =	vld [tilespmem:s0+$0x1E0];
	[tilespmem:s15+$0xFFFFFED0] =	vst v9  }
0x662: {  	v9 =	vld [tilespmem:s0+$0xFFFFFFE0];
	_ =	sdelay $0x1  }
0x663: {  	v5 =	vtrunc.f32 v5  }
0x664: {  	v23 =	vtrunc.f32 v8;
	v5 =	vcvt.f32.s32 v5  }
0x665: {  	v22 =	vtrunc.f32 v7;
	v7 =	vcvt.f32.s32 v23  }
0x666: {  	[tilespmem:s29+$0x160] =	vst v6;
	v25 =	vld.idx.msk [tilespmem:v1+s3+$0x0], $0xffff;
	vm6 =	vgt.s32 v5, $0x0;
	v6 =	vcvt.f32.s32 v22;
	v9 =	vtrunc.f32 v9  }
0x667: {  	v24 =	vld [tilespmem:s30+$0x60];
	v5 =	vnsel vm6, $0x0, v5;
	vm8 =	vgt.s32 v7, $0x0;
	v9 =	vcvt.f32.s32 v9  }
0x668: {  	v12 =	vld [tilespmem:s30+$0xFFFFFE60];
	v5 =	vmin.u32 v5, $0xFF;
	vm7 =	vgt.s32 v6, $0x0;
	v7 =	vnsel vm8, $0x0, v7  }
0x669: {  	v11 =	vld [tilespmem:s0+$0x60];
	v6 =	vnsel vm7, $0x0, v6;
	v26 =	vmin.u32 v7, $0xFF;
	vm9 =	vgt.s32 v9, $0x0  }
0x66a: {  	v27 =	vld [tilespmem:s0+$0xFFFFFE60];
	v6 =	vmin.u32 v6, $0xFF;
	v9 =	vnsel vm9, $0x0, v9  }
0x66b: {  	v2 =	vld.idx.msk [tilespmem:v2+s14+$0x0], $0xffff;
	[tilespmem:s29+$0xFFFFFDE0] =	vst v25;
	v29 =	vmin.u32 v9, $0xFF  }
0x66c: {  	v10 =	vld [tilespmem:s28+$0xFFFFFEE0];
	[tilespmem:s31+$0x60] =	vst v24  }
0x66d: {  	[tilespmem:s31+$0xFFFFFC60] =	vst v12;
	v30 =	vld.idx.msk [tilespmem:v5+s3+$0x0], $0xffff  }
0x66e: {  	[tilespmem:s15+$0x60] =	vst v11;
	v12 =	vld.idx.msk [tilespmem:v26+s3+$0x0], $0xffff  }
0x66f: {  	[tilespmem:s15+$0xFFFFFC60] =	vst v27;
	v11 =	vld.idx.msk [tilespmem:v6+s3+$0x0], $0xffff  }
0x670: {  	[tilespmem:s29+$0x2E0] =	vst v2;
	v7 =	vld.idx.msk [tilespmem:v29+s3+$0x0], $0xffff  }
0x671: {  	v28 =	vld [tilespmem:s28+$0x1F0];
	[tilespmem:s29+$0xFFFFFCE0] =	vst v10  }
0x672: {  	v32 =	vld.idx.msk [tilespmem:v1+s13+$0x0], $0xffff;
	[tilespmem:s31+$0x1E0] =	vst v30  }
0x673: {  	v9 =	vld [tilespmem:s30+$0xE0];
	[tilespmem:s31+$0xFFFFFDE0] =	vst v12  }
0x674: {  	[tilespmem:s15+$0x1E0] =	vst v11;
	v12 =	vld [tilespmem:s30+$0xFFFFFEE0]  }
0x675: {  	v11 =	vld [tilespmem:s0+$0xE0];
	[tilespmem:s15+$0xFFFFFDE0] =	vst v7  }
0x676: {  	v7 =	vld [tilespmem:s0+$0xFFFFFEE0]  }
0x677: {  	[tilespmem:s29+$0xFFFFFE60] =	vst v32  }
0x678: {  	v35 =	vld [tilespmem:s28+$0xFFFFFF60];
	[tilespmem:s31+$0xE0] =	vst v9  }
0x679: {  	v31 =	vtrunc.f32 v28;
	v34 =	vld.idx.msk [tilespmem:v5+s13+$0x0], $0xffff;
	[tilespmem:s31+$0xFFFFFCE0] =	vst v12  }
0x67a: {  	v10 =	vcvt.f32.s32 v31;
	[tilespmem:s15+$0xE0] =	vst v11;
	v37 =	vld.idx.msk [tilespmem:v26+s13+$0x0], $0xffff  }
0x67b: {  	v36 =	vld.idx.msk [tilespmem:v6+s13+$0x0], $0xffff;
	[tilespmem:s15+$0xFFFFFCE0] =	vst v7  }
0x67c: {  	vm10 =	vgt.s32 v10, $0x0;
	v38 =	vld.idx.msk [tilespmem:v29+s13+$0x0], $0xffff  }
0x67d: {  	v33 =	vld [tilespmem:s28+$0x70];
	v10 =	vnsel vm10, $0x0, v10;
	[tilespmem:s29+$0xFFFFFD60] =	vst v35  }
0x67e: {  	v10 =	vmin.u32 v10, $0xFF;
	v41 =	vld.idx.msk [tilespmem:v1+s14+$0x0], $0xffff;
	[tilespmem:s31+$0x260] =	vst v34  }
0x67f: {  	v40 =	vld [tilespmem:s30+$0x160];
	[tilespmem:s31+$0xFFFFFE60] =	vst v37  }
0x680: {  	[tilespmem:s15+$0x260] =	vst v36;
	v43 =	vld [tilespmem:s30+$0xFFFFFF60]  }
0x681: {  	v42 =	vld [tilespmem:s0+$0x160];
	[tilespmem:s15+$0xFFFFFE60] =	vst v38  }
0x682: {  	[tilespmem:s29+$0x70] =	vst v33;
	v44 =	vld [tilespmem:s0+$0xFFFFFF60]  }
0x683: {  	v39 =	vld.idx.msk [tilespmem:v10+s3+$0x0], $0xffff;
	[tilespmem:s29+$0xFFFFFEE0] =	vst v41  }
0x684: {  	v47 =	vld [tilespmem:s28+$0xFFFFFFF0];
	[tilespmem:s31+$0x160] =	vst v40  }
0x685: {  	v46 =	vld.idx.msk [tilespmem:v5+s14+$0x0], $0xffff;
	[tilespmem:s31+$0xFFFFFD60] =	vst v43  }
0x686: {  	[tilespmem:s15+$0x160] =	vst v42;
	v2 =	vld.idx.msk [tilespmem:v26+s14+$0x0], $0xffff  }
0x687: {  	v6 =	vld.idx.msk [tilespmem:v6+s14+$0x0], $0xffff;
	[tilespmem:s15+$0xFFFFFD60] =	vst v44  }
0x688: {  	v48 =	vld.idx.msk [tilespmem:v29+s14+$0x0], $0xffff  }
0x689: {  	[tilespmem:s29+$0x1F0] =	vst v39  }
0x68a: {  	v45 =	vld [tilespmem:s28+$0xF0];
	[tilespmem:s31+$0x2E0] =	vst v46  }
0x68b: {  	v1 =	vld [tilespmem:s30+$0x1F0];
	[tilespmem:s31+$0xFFFFFEE0] =	vst v2  }
0x68c: {  	[tilespmem:s15+$0x2E0] =	vst v6;
	v51 =	vld [tilespmem:s30+$0xFFFFFFF0]  }
0x68d: {  	v5 =	vtrunc.f32 v47;
	v50 =	vld [tilespmem:s0+$0x1F0];
	[tilespmem:s15+$0xFFFFFEE0] =	vst v48  }
0x68e: {  	v5 =	vcvt.f32.s32 v5;
	v7 =	vld [tilespmem:s0+$0xFFFFFFF0];
	_ =	sdelay $0x1  }
0x68f: {  	[tilespmem:s25+$0xFFFFFDF0] =	vst v3;
	vm11 =	vgt.s32 v5, $0x0;
	v1 =	vtrunc.f32 v1  }
0x690: {  	v60 =	vld [tilespmem:s26+$0xFFFFFEF0];
	[tilespmem:s29+$0xF0] =	vst v45;
	v5 =	vnsel vm11, $0x0, v5;
	v1 =	vcvt.f32.s32 v1;
	v6 =	vtrunc.f32 v51  }
0x691: {  	v49 =	vld.idx.msk [tilespmem:v10+s13+$0x0], $0xffff;
	v54 =	vmin.u32 v5, $0xFF;
	v2 =	vtrunc.f32 v50;
	v6 =	vcvt.f32.s32 v6  }
0x692: {  	v53 =	vld [tilespmem:s28+$0xFFFFFE70];
	vm12 =	vgt.s32 v1, $0x0;
	v2 =	vcvt.f32.s32 v2;
	v7 =	vtrunc.f32 v7  }
0x693: {  	v52 =	vld [tilespmem:s30+$0x70];
	v1 =	vnsel vm12, $0x0, v1;
	vm14 =	vgt.s32 v6, $0x0;
	v7 =	vcvt.f32.s32 v7  }
0x694: {  	[tilespmem:s24+$0xFFFFFEF0] =	vst v4;
	v56 =	vld [tilespmem:s30+$0xFFFFFE70];
	v1 =	vmin.u32 v1, $0xFF;
	vm13 =	vgt.s32 v2, $0x0;
	v6 =	vnsel vm14, $0x0, v6  }
0x695: {  	[tilespmem:s25+$0xFFFFFCF0] =	vst v60;
	v55 =	vld [tilespmem:s0+$0x70];
	v2 =	vnsel vm13, $0x0, v2;
	v6 =	vmin.u32 v6, $0xFF;
	vm15 =	vgt.s32 v7, $0x0  }
0x696: {  	[tilespmem:s29+$0x270] =	vst v49;
	v57 =	vld [tilespmem:s0+$0xFFFFFE70];
	v2 =	vmin.u32 v2, $0xFF;
	v7 =	vnsel vm15, $0x0, v7  }
0x697: {  	[tilespmem:s29+$0xFFFFFC70] =	vst v53;
	v8 =	vld [tilespmem:s28+$0x170];
	v7 =	vmin.u32 v7, $0xFF  }
0x698: {  	v11 =	vld.idx.msk [tilespmem:v54+s3+$0x0], $0xffff;
	[tilespmem:s31+$0x70] =	vst v52  }
0x699: {  	[tilespmem:s31+$0xFFFFFC70] =	vst v56;
	v9 =	vld.idx.msk [tilespmem:v1+s3+$0x0], $0xffff  }
0x69a: {  	[tilespmem:s15+$0x70] =	vst v55;
	v59 =	vld.idx.msk [tilespmem:v6+s3+$0x0], $0xffff  }
0x69b: {  	[tilespmem:s15+$0xFFFFFC70] =	vst v57;
	v58 =	vld.idx.msk [tilespmem:v2+s3+$0x0], $0xffff  }
0x69c: {  	[tilespmem:s29+$0x170] =	vst v8;
	v8 =	vld.idx.msk [tilespmem:v7+s3+$0x0], $0xffff  }
0x69d: {  	v10 =	vld.idx.msk [tilespmem:v10+s14+$0x0], $0xffff;
	[tilespmem:s29+$0xFFFFFDF0] =	vst v11  }
0x69e: {  	v11 =	vld [tilespmem:s28+$0xFFFFFEF0];
	[tilespmem:s31+$0x1F0] =	vst v9  }
0x69f: {  	v9 =	vld [tilespmem:s30+$0xF0];
	[tilespmem:s31+$0xFFFFFDF0] =	vst v59  }
0x6a0: {  	[tilespmem:s15+$0x1F0] =	vst v58;
	v5 =	vld [tilespmem:s30+$0xFFFFFEF0]  }
0x6a1: {  	v4 =	vld [tilespmem:s0+$0xF0];
	[tilespmem:s15+$0xFFFFFDF0] =	vst v8  }
0x6a2: {  	[tilespmem:s29+$0x2F0] =	vst v10;
	v8 =	vld [tilespmem:s0+$0xFFFFFEF0]  }
0x6a3: {  	v10 =	vld.idx.msk [tilespmem:v0+s13+$0x0], $0xffff;
	[tilespmem:s29+$0xFFFFFCF0] =	vst v11  }
0x6a4: {  	v11 =	vld.idx.msk [tilespmem:v54+s13+$0x0], $0xffff;
	[tilespmem:s31+$0xF0] =	vst v9  }
0x6a5: {  	v9 =	vld.idx.msk [tilespmem:v1+s13+$0x0], $0xffff;
	[tilespmem:s31+$0xFFFFFCF0] =	vst v5  }
0x6a6: {  	[tilespmem:s15+$0xF0] =	vst v4;
	v5 =	vld.idx.msk [tilespmem:v6+s13+$0x0], $0xffff  }
0x6a7: {  	v4 =	vld.idx.msk [tilespmem:v2+s13+$0x0], $0xffff;
	[tilespmem:s15+$0xFFFFFCF0] =	vst v8  }
0x6a8: {  	[tilespmem:s25+$0xFFFFFE70] =	vst v10;
	v8 =	vld.idx.msk [tilespmem:v7+s13+$0x0], $0xffff  }
0x6a9: {  	v10 =	vld [tilespmem:s26+$0xFFFFFF70];
	[tilespmem:s29+$0xFFFFFE70] =	vst v11  }
0x6aa: {  	v11 =	vld [tilespmem:s28+$0xFFFFFF70];
	[tilespmem:s31+$0x270] =	vst v9  }
0x6ab: {  	v9 =	vld [tilespmem:s30+$0x170];
	[tilespmem:s31+$0xFFFFFE70] =	vst v5  }
0x6ac: {  	[tilespmem:s15+$0x270] =	vst v4;
	v5 =	vld [tilespmem:s30+$0xFFFFFF70]  }
0x6ad: {  	v4 =	vld [tilespmem:s0+$0x170];
	[tilespmem:s15+$0xFFFFFE70] =	vst v8  }
0x6ae: {  	[tilespmem:s25+$0xFFFFFD70] =	vst v10;
	v8 =	vld [tilespmem:s0+$0xFFFFFF70]  }
0x6af: {  	v61 =	vld.idx.msk [tilespmem:v0+s14+$0x0], $0xffff;
	[tilespmem:s29+$0xFFFFFD70] =	vst v11  }
0x6b0: {  	v3 =	vld.idx.msk [tilespmem:v54+s14+$0x0], $0xffff;
	[tilespmem:s31+$0x170] =	vst v9  }
0x6b1: {  	v1 =	vld.idx.msk [tilespmem:v1+s14+$0x0], $0xffff;
	[tilespmem:s31+$0xFFFFFD70] =	vst v5  }
0x6b2: {  	[tilespmem:s15+$0x170] =	vst v4;
	v62 =	vld.idx.msk [tilespmem:v6+s14+$0x0], $0xffff  }
0x6b3: {  	v2 =	vld.idx.msk [tilespmem:v2+s14+$0x0], $0xffff;
	[tilespmem:s15+$0xFFFFFD70] =	vst v8  }
0x6b4: {  	[tilespmem:s25+$0xFFFFFEF0] =	vst v61;
	v63 =	vld.idx.msk [tilespmem:v7+s14+$0x0], $0xffff  }
0x6b5: {  	[tilespmem:s29+$0xFFFFFEF0] =	vst v3  }
0x6b6: {  	[tilespmem:s31+$0x2F0] =	vst v1  }
0x6b7: {  	[tilespmem:s31+$0xFFFFFEF0] =	vst v62  }
0x6b8: {  	s2 =	simm.s32 $0x80;
	s0 =	sadd.s32 s1, s8;
	[tilespmem:s15+$0x2F0] =	vst v2  }
0x6b9: {  	s4 =	simm.s32 $0x10700;
	s1 =	simm.s32 $0x10300;
	[tilespmem:s15+$0xFFFFFEF0] =	vst v63;
	s15 =	sadd.s32 $0x0, s0  }
.LBB2_9:
0x6ba: {  	[hbm4b:s15+s3] =	stream.linear.scatter [tilespmem:s1], [sflag:$0x4], $0x300, $0x38;
	[tilespmem:$0x18300] =	vst v63  }
0x6bb: {  	s15 =	smov.u32 s2;
	s1 =	smov.u32 s4;
	p0 =	sne.s32 s2, $0xF80  }
.Ltmp5:
0x6bc: {  	s2 =	sadd.s32 $0x80, s2;
	(pc) =	sbr.rel @p0 .LBB2_9-.Ltmp5, $2  }
0x6bd: {  	_ =	sdelay $0x2  }
0x6be: {  	s4 =	sadd.s32 $0x400, s4;
	s15 =	sadd.s32 s15, s0  }
.Ltmp6:
0x6bf: {  	(pc) =	sbr.rel @p1 .LBB2_12-.Ltmp6, $2  }
0x6c0: {  	_ =	sdelay $0x2  }
0x6c1: {  	[hbm4b:s15+s3] =	stream.linear.scatter [tilespmem:s1], [sflag:$0x4], $0x300, $0x38;
	[tilespmem:$0x18300] =	vst v63  }
.Ltmp7:
0x6c2: {  	(pc) =	sbr.rel .LBB2_2-.Ltmp7, $3  }
0x6c3: {  	_ =	sdelay $0x1  }
0x6c4: {  	s0 =	sadd.s32 s23, s10;
	s22 =	sadd.s32 $0x1, s22  }
0x6c5: {  	[tilespmem:s16], [sflag:$0x2] =	stream.linear.gather [hbm4b:s0+s3], $0x4000, $0x38;
	[tilespmem:$0x18300] =	vst v63  }
.LBB2_13:
0x6c6: {  	_ =	sfence.sel $0x180000  }
0x6c7: {  	[bflag:$0x0] =	sbarrier.arrive $0xFFFF  }
0x6c8: {  	_ =	strace $0x90000047  }
0x6c9: {  	s0 =	stileid.u32;
	[bflag:$0x2] =	sbarrier.arrive $0xFFFF  }
0x6ca: {  	p0 =	sne.s32 s0, $0x0;
	s0 =	rddreg [dreg:$0x3]  }
0x6cb: {  	s0 =	sadd.s32 @!p0 $0x100000, s0  }
0x6cc: {  	[sflag:s0] =	ssyncadd.tile.s32 @!p0 $0x1;
	_ =	shalt  }
.Lfunc_end2:
_tile_overlayer_lowered:
.L_overlay_start_2:
0x6cd: {  	(tag) =	ssettag $0x2  }
0x6ce: {  	s0 =	rddreg [dreg:$0x0];
	s2 =	stileid.u32  }
0x6cf: {  	s1 =	rddreg [dreg:$0x1];
	p0 =	sne.s32 s2, $0x0  }
0x6d0: {  	s3 =	rddreg [dreg:$0x2];
	[bflag:$0x3] =	sbarrier.arrive $0xFFFF;
	s2 =	simm.s32 @!p0 $0x1C05  }
0x6d1: {  	[timem:s3], [sflag:s2] =	dma.local @!p0 [hbm:s0], s1  }
0x6d2: {  	s0 =	simm.s32 @!p0 $0x5  }
0x6d3: {  	_ =	swait.ge @!p0 [sflag:s0], s1  }
0x6d4: {  	s1 =	ssub.s32 @!p0 $0x0, s1;
	[sflag:s0] =	ssyncset.done @!p0 $0x0  }
0x6d5: {  	[sflag:s0] =	ssyncadd.s32 @!p0 s1  }
0x6d6: {  	[bflag:$0x3] =	sbarrier.arrive $0xFFFF  }
0x6d7: {  	_ =	shalt  }

</sc_bundles>
